<compile_context>
chip_gen: v7x
topology: tpu7x:2x2x1
jax: 0.10.2.dev20260603
libtpu: 0.0.44.dev20260713+nightly
codegen_flags: <defaults>
</compile_context>

<pallas_src>
import functools

import jax
import jax.numpy as jnp
from jax import lax
from jax.experimental import pallas as pl
from jax.experimental.pallas import tpu as pltpu
from jax.experimental.pallas import tpu_sc as plsc

N = 50000
E = 800000
NGRAPH = 16

NC = 2
NS = 16
NW = NC * NS
BATCH = 128
KB = 8
NB = 200
EPWP = NB * BATCH
PADE = EPWP * NW - E
NACC = 50176
RPT = NACC // NS
ZROWS = 56
CPR = RPT // ZROWS
CPO = 3128
NOUT = CPO * NS
DC = 32

R = 512
GRID = (N + R - 1) // R


def _sc_mesh():
    return plsc.VectorSubcoreMesh(core_axis_name="c", subcore_axis_name="s")


def _fill_zero(zbuf, ncols):
    zv = jnp.zeros((16,), jnp.float32)

    def zrow(i, _):
        for c0 in range(0, ncols, 16):
            zbuf[i, pl.ds(c0, 16)] = zv
        return 0

    lax.fori_loop(0, ZROWS, zrow, 0, unroll=2)


def _make_deg_kernel():

    @functools.partial(
        pl.kernel,
        out_type=jax.ShapeDtypeStruct((NC, NOUT, 16), jnp.float32),
        mesh=_sc_mesh(),
        compiler_params=pltpu.CompilerParams(use_tc_tiling_on_sc=False),
        scratch_types=[
            pltpu.VMEM((KB, BATCH), jnp.int32),
            pltpu.VMEM((BATCH, 16), jnp.float32),
            pltpu.VMEM((ZROWS, 16), jnp.float32),
            pltpu.VMEM_SHARED((NACC, 16), jnp.float32),
        ],
    )
    def deg_kernel(dst_hbm, out_hbm, dst_v, ones_v, zbuf, acc):
        c = lax.axis_index("c")
        s = lax.axis_index("s")
        u = c * NS + s

        ov = jnp.ones((16,), jnp.float32)

        def orow(i, _):
            ones_v[i, pl.ds(0, 16)] = ov
            return 0

        lax.fori_loop(0, BATCH, orow, 0, unroll=2)
        _fill_zero(zbuf, 16)

        def zcp(k, _):
            pltpu.sync_copy(zbuf, acc.at[pl.ds(s * RPT + k * ZROWS, ZROWS)])
            return 0

        lax.fori_loop(0, CPR, zcp, 0)
        plsc.subcore_barrier()

        def kblk(k, _):
            pltpu.sync_copy(dst_hbm.at[u, pl.ds(k * KB, KB)], dst_v)

            def estep(j, _):
                pltpu.sync_copy(ones_v, acc.at[dst_v.at[j]], add=True)
                return 0

            lax.fori_loop(0, KB, estep, 0)
            return 0

        lax.fori_loop(0, NB // KB, kblk, 0)
        plsc.subcore_barrier()
        pltpu.sync_copy(
            acc.at[pl.ds(s * CPO, CPO)],
            out_hbm.at[c, pl.ds(s * CPO, CPO)],
        )

    return deg_kernel


def _make_agg_kernel(nchunks):

    @functools.partial(
        pl.kernel,
        out_type=tuple(
            jax.ShapeDtypeStruct((NC, NOUT, DC), jnp.float32) for _ in range(nchunks)
        ),
        mesh=_sc_mesh(),
        compiler_params=pltpu.CompilerParams(use_tc_tiling_on_sc=False),
        scratch_types=[
            pltpu.VMEM((KB, BATCH), jnp.int32),
            pltpu.VMEM((KB, BATCH), jnp.int32),
            pltpu.VMEM((BATCH, DC), jnp.float32),
            pltpu.VMEM((BATCH, DC), jnp.float32),
            pltpu.VMEM((ZROWS, DC), jnp.float32),
            pltpu.VMEM_SHARED((NACC, DC), jnp.float32),
            pltpu.SemaphoreType.DMA,
            pltpu.SemaphoreType.DMA,
        ],
    )
    def agg_kernel(*refs):
        tables = refs[:nchunks]
        src_hbm = refs[nchunks]
        dst_hbm = refs[nchunks + 1]
        outs = refs[nchunks + 2 : 2 * nchunks + 2]
        src_v, dst_v, buf0, buf1, zbuf, acc, sem0, sem1 = refs[2 * nchunks + 2 :]

        c = lax.axis_index("c")
        s = lax.axis_index("s")
        u = c * NS + s
        _fill_zero(zbuf, DC)

        for ch in range(nchunks):
            def zcp(k, _):
                pltpu.sync_copy(zbuf, acc.at[pl.ds(s * RPT + k * ZROWS, ZROWS)])
                return 0

            lax.fori_loop(0, CPR, zcp, 0)
            plsc.subcore_barrier()

            table = tables[ch]

            def kblk(k, _):
                pltpu.sync_copy(src_hbm.at[u, pl.ds(k * KB, KB)], src_v)
                pltpu.sync_copy(dst_hbm.at[u, pl.ds(k * KB, KB)], dst_v)

                def estep(j2, _):
                    j0 = j2 * 2
                    cp0 = pltpu.make_async_copy(table.at[src_v.at[j0]], buf0, sem0)
                    cp0.start()
                    cp1 = pltpu.make_async_copy(
                        table.at[src_v.at[j0 + 1]], buf1, sem1)
                    cp1.start()
                    cp0.wait()
                    pltpu.sync_copy(buf0, acc.at[dst_v.at[j0]], add=True)
                    cp1.wait()
                    pltpu.sync_copy(buf1, acc.at[dst_v.at[j0 + 1]], add=True)
                    return 0

                lax.fori_loop(0, KB // 2, estep, 0)
                return 0

            lax.fori_loop(0, NB // KB, kblk, 0)
            plsc.subcore_barrier()
            pltpu.sync_copy(
                acc.at[pl.ds(s * CPO, CPO)],
                outs[ch].at[c, pl.ds(s * CPO, CPO)],
            )
            if ch + 1 < nchunks:
                plsc.subcore_barrier()

    return agg_kernel


_deg_kernel = _make_deg_kernel()
_agg2 = _make_agg_kernel(2)
_agg4 = _make_agg_kernel(4)



def _prep_body(dega_ref, degb_ref, x_ref, xs0_ref, xs1_ref, dinv_ref):
    deg = dega_ref[:, 0:1] + degb_ref[:, 0:1] + 1.0
    dinv = lax.rsqrt(deg)
    xs = x_ref[...] * dinv
    xs0_ref[...] = xs[:, :DC]
    xs1_ref[...] = xs[:, DC:]
    dinv_ref[...] = jnp.broadcast_to(dinv, (R, 8))


def _tc_prep(dega, degb, xpad):
    return pl.pallas_call(
        _prep_body,
        grid=(GRID,),
        in_specs=[
            pl.BlockSpec((R, 16), lambda i: (i, 0)),
            pl.BlockSpec((R, 16), lambda i: (i, 0)),
            pl.BlockSpec((R, 2 * DC), lambda i: (i, 0)),
        ],
        out_specs=[
            pl.BlockSpec((R, DC), lambda i: (i, 0)),
            pl.BlockSpec((R, DC), lambda i: (i, 0)),
            pl.BlockSpec((R, 8), lambda i: (i, 0)),
        ],
        out_shape=[
            jax.ShapeDtypeStruct((N, DC), jnp.float32),
            jax.ShapeDtypeStruct((N, DC), jnp.float32),
            jax.ShapeDtypeStruct((N, 8), jnp.float32),
        ],
    )(dega, degb, xpad)


def _mm1_body(e0_ref, e1_ref, xs0_ref, xs1_ref, dinv_ref, w_ref, b_ref,
              h0_ref, h1_ref, h2_ref, h3_ref):
    dinv = dinv_ref[:, 0:1]
    s0 = (e0_ref[0] + e0_ref[1] + xs0_ref[...])
    s1 = (e1_ref[0] + e1_ref[1] + xs1_ref[...])
    sfull = jnp.concatenate([s0, s1], axis=1) * dinv
    h = jnp.maximum(jnp.dot(sfull, w_ref[...],
                            preferred_element_type=jnp.float32)
                    + b_ref[...], 0.0)
    hs = h * dinv
    h0_ref[...] = hs[:, 0 * DC:1 * DC]
    h1_ref[...] = hs[:, 1 * DC:2 * DC]
    h2_ref[...] = hs[:, 2 * DC:3 * DC]
    h3_ref[...] = hs[:, 3 * DC:4 * DC]


def _tc_mm1(e0, e1, xs0, xs1, dinv, w1p, b1):
    es_spec = pl.BlockSpec((NC, R, DC), lambda i: (0, i, 0))
    row_spec = pl.BlockSpec((R, DC), lambda i: (i, 0))
    return pl.pallas_call(
        _mm1_body,
        grid=(GRID,),
        in_specs=[
            es_spec, es_spec, row_spec, row_spec,
            pl.BlockSpec((R, 8), lambda i: (i, 0)),
            pl.BlockSpec((2 * DC, 128), lambda i: (0, 0)),
            pl.BlockSpec((1, 128), lambda i: (0, 0)),
        ],
        out_specs=[row_spec, row_spec, row_spec, row_spec],
        out_shape=[jax.ShapeDtypeStruct((N, DC), jnp.float32) for _ in range(4)],
    )(e0, e1, xs0, xs1, dinv, w1p, b1)


def _mm2_body(e0_ref, e1_ref, e2_ref, e3_ref,
              h0_ref, h1_ref, h2_ref, h3_ref,
              dinv_ref, w2_ref, b2_ref, lo_ref, hi_ref,
              wl_ref, bl_ref, out_ref, pooled):
    i = pl.program_id(0)
    dinv = dinv_ref[:, 0:1]
    parts = []
    for e_ref, h_ref in ((e0_ref, h0_ref), (e1_ref, h1_ref),
                         (e2_ref, h2_ref), (e3_ref, h3_ref)):
        parts.append(e_ref[0] + e_ref[1] + h_ref[...])
    sfull = jnp.concatenate(parts, axis=1) * dinv
    h = jnp.maximum(jnp.dot(sfull, w2_ref[...],
                            preferred_element_type=jnp.float32)
                    + b2_ref[...], 0.0)
    rows = i * R + lax.broadcasted_iota(jnp.int32, (R, 1), 0)
    member = ((rows >= lo_ref[...]) & (rows < hi_ref[...])).astype(jnp.float32)
    contrib = lax.dot_general(member, h, (((0,), (0,)), ((), ())),
                              preferred_element_type=jnp.float32)

    @pl.when(i == 0)
    def _():
        pooled[...] = contrib

    @pl.when(i > 0)
    def _():
        pooled[...] = pooled[...] + contrib

    @pl.when(i == GRID - 1)
    def _():
        logits = jnp.dot(pooled[...], wl_ref[...],
                         preferred_element_type=jnp.float32) + bl_ref[...]
        mask = lax.broadcasted_iota(jnp.int32, (1, 128), 1) < 10
        neg = jnp.float32(-1e30)
        lm = jnp.where(mask, logits, neg)
        m = jnp.max(lm, axis=1, keepdims=True)
        ex = jnp.where(mask, jnp.exp(lm - m), 0.0)
        lse = jnp.log(jnp.sum(ex, axis=1, keepdims=True))
        out_ref[...] = lm - m - lse


def _tc_mm2(es2, h1s, dinv, w2, b2, lo, hi, wlp, blp):
    es_spec = pl.BlockSpec((NC, R, DC), lambda i: (0, i, 0))
    row_spec = pl.BlockSpec((R, DC), lambda i: (i, 0))
    full = lambda a, b: pl.BlockSpec((a, b), lambda i: (0, 0))
    return pl.pallas_call(
        _mm2_body,
        grid=(GRID,),
        in_specs=[
            es_spec, es_spec, es_spec, es_spec,
            row_spec, row_spec, row_spec, row_spec,
            pl.BlockSpec((R, 8), lambda i: (i, 0)),
            full(128, 256), full(1, 256),
            full(1, NGRAPH), full(1, NGRAPH),
            full(256, 128), full(1, 128),
        ],
        out_specs=pl.BlockSpec((NGRAPH, 128), lambda i: (0, 0)),
        out_shape=jax.ShapeDtypeStruct((NGRAPH, 128), jnp.float32),
        scratch_shapes=[pltpu.VMEM((NGRAPH, 256), jnp.float32)],
    )(*es2, *h1s, dinv, w2, b2, lo, hi, wlp, blp)


def kernel(x, edge_index, ptr, W1, b1, W2, b2, Wl, bl):
    src = edge_index[0]
    dst = edge_index[1]
    srcp = jnp.concatenate(
        [src, jnp.zeros((PADE,), jnp.int32)]).reshape(NW, NB, BATCH)
    dstp = jnp.concatenate(
        [dst, jnp.full((PADE,), N, jnp.int32)]).reshape(NW, NB, BATCH)

    deg = _deg_kernel(dstp)

    xpad = jnp.pad(x, ((0, 0), (0, 2 * DC - x.shape[1])))
    xs0, xs1, dinv = _tc_prep(deg[0], deg[1], xpad)

    es1 = _agg2(xs0, xs1, srcp, dstp)

    w1p = jnp.pad(W1, ((0, 2 * DC - W1.shape[0]), (0, 0)))
    h1s = _tc_mm1(es1[0], es1[1], xs0, xs1, dinv, w1p, b1.reshape(1, 128))

    es2 = _agg4(*h1s, srcp, dstp)

    lo = ptr[:NGRAPH].reshape(1, NGRAPH)
    hi = ptr[1:NGRAPH + 1].reshape(1, NGRAPH)
    wlp = jnp.pad(Wl, ((0, 0), (0, 128 - Wl.shape[1])))
    blp = jnp.pad(bl, (0, 128 - bl.shape[0])).reshape(1, 128)
    out = _tc_mm2(es2, h1s, dinv, W2, b2.reshape(1, 256), lo, hi, wlp, blp)
    return out[:, :10]

# --- scband reference (transcript-rebuilt; emitter-appended) ---
"""Pipeline reference for scband-gcn-51118700757211 (READ-ONLY COPY).

The authoritative reference and input builder live on the scoring server;
editing this copy changes nothing except your own understanding.
"""

import jax, jax.numpy as jnp
import numpy as np

N = 50000
E = 800000
B = 16

def gcn_conv(x, edge_index, W, b):
    h = x @ W
    n = h.shape[0]
    loop = jnp.arange(n, dtype=edge_index.dtype)
    src = jnp.concatenate([edge_index[0], loop])
    dst = jnp.concatenate([edge_index[1], loop])
    deg = jnp.zeros((n,), h.dtype).at[dst].add(1.0)
    dinv = jnp.where(deg > 0.0, jax.lax.rsqrt(deg), 0.0)
    norm = dinv[src] * dinv[dst]
    msg = h[src] * norm[:, None]
    out = jnp.zeros_like(h).at[dst].add(msg)
    return out + b

def setup_inputs(seed: int = 0):
    key = jax.random.key(seed)
    ks = jax.random.split(key, 9)
    x = jax.random.normal(ks[0], (N, 33), dtype=jnp.float32)
    edge_index = jax.random.randint(ks[1], (2, E), 0, N, dtype=jnp.int32)
    inner = jnp.sort(jax.random.randint(ks[2], (B - 1,), 0, N, dtype=jnp.int32))
    ptr = jnp.concatenate([jnp.zeros((1,), jnp.int32), inner, jnp.full((1,), N, jnp.int32)])
    W1 = jax.random.normal(ks[3], (33, 128), dtype=jnp.float32) * (1.0 / np.sqrt(33.0))
    b1 = jnp.zeros((128,), jnp.float32)
    W2 = jax.random.normal(ks[4], (128, 256), dtype=jnp.float32) * (1.0 / np.sqrt(128.0))
    b2 = jnp.zeros((256,), jnp.float32)
    Wl = jax.random.normal(ks[5], (256, 10), dtype=jnp.float32) * (1.0 / np.sqrt(256.0))
    bl = jnp.zeros((10,), jnp.float32)
    return {"x": x, "edge_index": edge_index, "ptr": ptr, "W1": W1, "b1": b1, "W2": W2, "b2": b2, "Wl": Wl, "bl": bl}

def reference(x, edge_index, ptr, W1, b1, W2, b2, Wl, bl):
    h = jax.nn.relu(gcn_conv(x, edge_index, W1, b1))
    # F.dropout(training=self.training) is identity in eval mode
    h = jax.nn.relu(gcn_conv(h, edge_index, W2, b2))
    n = h.shape[0]
    seg = jnp.searchsorted(ptr, jnp.arange(n, dtype=ptr.dtype), side='right') - 1
    seg = jnp.clip(seg, 0, ptr.shape[0] - 2)
    hG = jax.ops.segment_sum(h, seg, num_segments=ptr.shape[0] - 1)
    logits = hG @ Wl + bl
    return jax.nn.log_softmax(logits, axis=-1)

if __name__ == "__main__":
    import jax
    _d = setup_inputs()
    print(jax.jit(kernel)(*tuple(_d.values())))

</pallas_src>

<mosaic_0001>
#map = affine_map<(d0, d1) -> (0, 0)>
#map1 = affine_map<(d0, d1) -> (0, 0, 0)>
module attributes {stable_mosaic.version = 14 : i64} {
  func.func @agg_kernel(%arg0: i32, %arg1: i32, %arg2: memref<50000x32xf32, #tpu.memory_space<hbm>>, %arg3: memref<50000x32xf32, #tpu.memory_space<hbm>>, %arg4: memref<32x200x128xi32, #tpu.memory_space<hbm>>, %arg5: memref<32x200x128xi32, #tpu.memory_space<hbm>>, %arg6: memref<2x50048x32xf32, #tpu.memory_space<hbm>>, %arg7: memref<2x50048x32xf32, #tpu.memory_space<hbm>>, %arg8: memref<8x128xi32, #tpu.memory_space<vmem>>, %arg9: memref<8x128xi32, #tpu.memory_space<vmem>>, %arg10: memref<128x32xf32, #tpu.memory_space<vmem>>, %arg11: memref<128x32xf32, #tpu.memory_space<vmem>>, %arg12: memref<56x32xf32, #tpu.memory_space<vmem>>, %arg13: memref<50176x32xf32, #tpu.memory_space<vmem_shared>>, %arg14: memref<!tpu.dma_semaphore, #tpu.memory_space<semaphore_mem>>, %arg15: memref<!tpu.dma_semaphore, #tpu.memory_space<semaphore_mem>>) attributes {dimension_semantics = [#tpu.dimension_semantics<core_parallel>, #tpu.dimension_semantics<subcore_parallel>], iteration_bounds = array<i64: 2, 16>, scalar_prefetch = 0 : i64, scratch_operands = 8 : i64, tpu.core_type = #tpu.core_type<sc_vector_subcore>, window_params = [{transform_indices = #map}, {transform_indices = #map}, {transform_indices = #map1}, {transform_indices = #map1}, {transform_indices = #map1}, {transform_indices = #map1}]} {
    %mul3A = arith.constant 16 : i32
    %mul3A_0 = arith.muli %arg0, %mul3A : i32
    %add3A = arith.addi %mul3A_0, %arg1 : i32
    %broadcast_in_dim3A = arith.constant 0.000000e+00 : f32
    %broadcast_in_dim3A_1 = vector.broadcast %broadcast_in_dim3A : f32 to vector<16xf32>
    %scan3A = arith.constant 0 : i32
    %scan3A_2 = arith.constant 0 : i32
    %scan3A_3 = arith.constant 56 : i32
    %scan3A_4 = arith.addi %scan3A_2, %scan3A_3 : i32
    %scan3A_5 = arith.constant 2 : i32
    %scan3A_6 = scf.for %scan3A_48 = %scan3A_2 to %scan3A_4 step %scan3A_5 iter_args(%scan3A_49 = %scan3A) -> (i32)  : i32 {
      %swap3A = arith.index_cast %scan3A_48 : i32 to index
      %swap3A_50 = arith.constant 0 : index
      %swap3A_51 = tpu.vector_load %arg12[%swap3A, %swap3A_50] {strides = array<i32>} : memref<56x32xf32, #tpu.memory_space<vmem>>, vector<1x16xf32>,
      %swap3A_52 = vector.shape_cast %swap3A_51 : vector<1x16xf32> to vector<16xf32>
      %swap3A_53 = vector.shape_cast %broadcast_in_dim3A_1 : vector<16xf32> to vector<1x16xf32>
      tpu.vector_store %arg12[%swap3A, %swap3A_50], %swap3A_53 {strides = array<i32>} : memref<56x32xf32, #tpu.memory_space<vmem>>, vector<1x16xf32>,
      %swap3A_54 = arith.index_cast %scan3A_48 : i32 to index
      %swap3A_55 = arith.constant 16 : index
      %swap3A_56 = tpu.vector_load %arg12[%swap3A_54, %swap3A_55] {strides = array<i32>} : memref<56x32xf32, #tpu.memory_space<vmem>>, vector<1x16xf32>,
      %swap3A_57 = vector.shape_cast %swap3A_56 : vector<1x16xf32> to vector<16xf32>
      %swap3A_58 = vector.shape_cast %broadcast_in_dim3A_1 : vector<16xf32> to vector<1x16xf32>
      tpu.vector_store %arg12[%swap3A_54, %swap3A_55], %swap3A_58 {strides = array<i32>} : memref<56x32xf32, #tpu.memory_space<vmem>>, vector<1x16xf32>,
      %scan3A_59 = arith.constant 0 : i32
      %scan3A_60 = arith.constant 1 : i32
      %scan3A_61 = arith.addi %scan3A_48, %scan3A_60 : i32
      %swap3A_62 = arith.index_cast %scan3A_61 : i32 to index
      %swap3A_63 = arith.constant 0 : index
      %swap3A_64 = tpu.vector_load %arg12[%swap3A_62, %swap3A_63] {strides = array<i32>} : memref<56x32xf32, #tpu.memory_space<vmem>>, vector<1x16xf32>,
      %swap3A_65 = vector.shape_cast %swap3A_64 : vector<1x16xf32> to vector<16xf32>
      %swap3A_66 = vector.shape_cast %broadcast_in_dim3A_1 : vector<16xf32> to vector<1x16xf32>
      tpu.vector_store %arg12[%swap3A_62, %swap3A_63], %swap3A_66 {strides = array<i32>} : memref<56x32xf32, #tpu.memory_space<vmem>>, vector<1x16xf32>,
      %swap3A_67 = arith.index_cast %scan3A_61 : i32 to index
      %swap3A_68 = arith.constant 16 : index
      %swap3A_69 = tpu.vector_load %arg12[%swap3A_67, %swap3A_68] {strides = array<i32>} : memref<56x32xf32, #tpu.memory_space<vmem>>, vector<1x16xf32>,
      %swap3A_70 = vector.shape_cast %swap3A_69 : vector<1x16xf32> to vector<16xf32>
      %swap3A_71 = vector.shape_cast %broadcast_in_dim3A_1 : vector<16xf32> to vector<1x16xf32>
      tpu.vector_store %arg12[%swap3A_67, %swap3A_68], %swap3A_71 {strides = array<i32>} : memref<56x32xf32, #tpu.memory_space<vmem>>, vector<1x16xf32>,
      %scan3A_72 = arith.constant 0 : i32
      scf.yield %scan3A_72 : i32
    }
    %scan3A_7 = arith.constant 56 : i32
    %scan3A_8 = arith.constant 0 : i32
    %scan3A_9 = arith.constant 0 : i32
    %scan3A_10 = arith.constant 56 : i32
    %scan3A_11 = arith.addi %scan3A_9, %scan3A_10 : i32
    %scan3A_12 = arith.constant 1 : i32
    %scan3A_13 = scf.for %scan3A_48 = %scan3A_9 to %scan3A_11 step %scan3A_12 iter_args(%scan3A_49 = %scan3A_8) -> (i32)  : i32 {
      %mul3A_50 = arith.constant 3136 : i32
      %mul3A_51 = arith.muli %arg1, %mul3A_50 : i32
      %mul3A_52 = arith.constant 56 : i32
      %mul3A_53 = arith.muli %scan3A_48, %mul3A_52 : i32
      %add3A_54 = arith.addi %mul3A_51, %mul3A_53 : i32
      "tpu.region"() ({
        %run_scoped3A = tpu.sem_alloc : memref<!tpu.dma_semaphore, #tpu.memory_space<semaphore_mem>>
        %dma_start3A = arith.constant 0 : i32
        %dma_start3A_56 = tpu.memref_slice %arg13[%add3A_54, %dma_start3A] : memref<50176x32xf32, #tpu.memory_space<vmem_shared>> -> memref<56x32xf32, #tpu.memory_space<vmem_shared>>
        %dma_start3A_57 = arith.constant 0 : i32
        %dma_start3A_58 = tpu.memref_slice %arg13[%add3A_54, %dma_start3A_57] : memref<50176x32xf32, #tpu.memory_space<vmem_shared>> -> memref<56x32xf32, #tpu.memory_space<vmem_shared>>
        tpu.enqueue_dma source(%arg12 : memref<56x32xf32, #tpu.memory_space<vmem>>) target(%dma_start3A_58 : memref<56x32xf32, #tpu.memory_space<vmem_shared>>) target_semaphore(%run_scoped3A : memref<!tpu.dma_semaphore, #tpu.memory_space<semaphore_mem>>)
        %dma_wait3A = arith.constant 0 : i32
        %dma_wait3A_59 = tpu.memref_slice %arg13[%add3A_54, %dma_wait3A] : memref<50176x32xf32, #tpu.memory_space<vmem_shared>> -> memref<56x32xf32, #tpu.memory_space<vmem_shared>>
        %dma_wait3A_60 = arith.constant 0 : i32
        %dma_wait3A_61 = tpu.memref_slice %arg13[%add3A_54, %dma_wait3A_60] : memref<50176x32xf32, #tpu.memory_space<vmem_shared>> -> memref<56x32xf32, #tpu.memory_space<vmem_shared>>
        tpu.wait_dma2 semaphore(%run_scoped3A : memref<!tpu.dma_semaphore, #tpu.memory_space<semaphore_mem>>) src(%arg12 : memref<56x32xf32, #tpu.memory_space<vmem>>) dst(%dma_wait3A_61 : memref<56x32xf32, #tpu.memory_space<vmem_shared>>)
        tpu.yield
      }) : () -> ()
      %scan3A_55 = arith.constant 0 : i32
      scf.yield %scan3A_55 : i32
    }
    %scan3A_14 = arith.constant 56 : i32
    %barrier3A = arith.constant 0 : index
    tpu.barrier barrier_id(%barrier3A)
    %scan3A_15 = arith.constant 0 : i32
    %scan3A_16 = arith.constant 0 : i32
    %scan3A_17 = arith.constant 25 : i32
    %scan3A_18 = arith.addi %scan3A_16, %scan3A_17 : i32
    %scan3A_19 = arith.constant 1 : i32
    %scan3A_20 = scf.for %scan3A_48 = %scan3A_16 to %scan3A_18 step %scan3A_19 iter_args(%scan3A_49 = %scan3A_15) -> (i32)  : i32 {
      %mul3A_50 = arith.constant 8 : i32
      %mul3A_51 = arith.muli %scan3A_48, %mul3A_50 : i32
      "tpu.region"() ({
        %run_scoped3A = tpu.sem_alloc : memref<!tpu.dma_semaphore, #tpu.memory_space<semaphore_mem>>
        %dma_start3A = arith.constant 0 : i32
        %dma_start3A_62 = tpu.memref_slice %arg4[%add3A, %mul3A_51, %dma_start3A] : memref<32x200x128xi32, #tpu.memory_space<hbm>> -> memref<1x8x128xi32, #tpu.memory_space<hbm>>
        %dma_start3A_63 = tpu.memref_squeeze %dma_start3A_62 : memref<1x8x128xi32, #tpu.memory_space<hbm>> -> memref<8x128xi32, #tpu.memory_space<hbm>>
        %dma_start3A_64 = arith.constant 0 : i32
        %dma_start3A_65 = tpu.memref_slice %arg4[%add3A, %mul3A_51, %dma_start3A_64] : memref<32x200x128xi32, #tpu.memory_space<hbm>> -> memref<1x8x128xi32, #tpu.memory_space<hbm>>
        %dma_start3A_66 = tpu.memref_squeeze %dma_start3A_65 : memref<1x8x128xi32, #tpu.memory_space<hbm>> -> memref<8x128xi32, #tpu.memory_space<hbm>>
        tpu.enqueue_dma source(%dma_start3A_66 : memref<8x128xi32, #tpu.memory_space<hbm>>) target(%arg8 : memref<8x128xi32, #tpu.memory_space<vmem>>) target_semaphore(%run_scoped3A : memref<!tpu.dma_semaphore, #tpu.memory_space<semaphore_mem>>)
        %dma_wait3A = arith.constant 0 : i32
        %dma_wait3A_67 = tpu.memref_slice %arg4[%add3A, %mul3A_51, %dma_wait3A] : memref<32x200x128xi32, #tpu.memory_space<hbm>> -> memref<1x8x128xi32, #tpu.memory_space<hbm>>
        %dma_wait3A_68 = tpu.memref_squeeze %dma_wait3A_67 : memref<1x8x128xi32, #tpu.memory_space<hbm>> -> memref<8x128xi32, #tpu.memory_space<hbm>>
        %dma_wait3A_69 = arith.constant 0 : i32
        %dma_wait3A_70 = tpu.memref_slice %arg4[%add3A, %mul3A_51, %dma_wait3A_69] : memref<32x200x128xi32, #tpu.memory_space<hbm>> -> memref<1x8x128xi32, #tpu.memory_space<hbm>>
        %dma_wait3A_71 = tpu.memref_squeeze %dma_wait3A_70 : memref<1x8x128xi32, #tpu.memory_space<hbm>> -> memref<8x128xi32, #tpu.memory_space<hbm>>
        tpu.wait_dma2 semaphore(%run_scoped3A : memref<!tpu.dma_semaphore, #tpu.memory_space<semaphore_mem>>) src(%dma_wait3A_71 : memref<8x128xi32, #tpu.memory_space<hbm>>) dst(%arg8 : memref<8x128xi32, #tpu.memory_space<vmem>>)
        tpu.yield
      }) : () -> ()
      %mul3A_52 = arith.constant 8 : i32
      %mul3A_53 = arith.muli %scan3A_48, %mul3A_52 : i32
      "tpu.region"() ({
        %run_scoped3A = tpu.sem_alloc : memref<!tpu.dma_semaphore, #tpu.memory_space<semaphore_mem>>
        %dma_start3A = arith.constant 0 : i32
        %dma_start3A_62 = tpu.memref_slice %arg5[%add3A, %mul3A_53, %dma_start3A] : memref<32x200x128xi32, #tpu.memory_space<hbm>> -> memref<1x8x128xi32, #tpu.memory_space<hbm>>
        %dma_start3A_63 = tpu.memref_squeeze %dma_start3A_62 : memref<1x8x128xi32, #tpu.memory_space<hbm>> -> memref<8x128xi32, #tpu.memory_space<hbm>>
        %dma_start3A_64 = arith.constant 0 : i32
        %dma_start3A_65 = tpu.memref_slice %arg5[%add3A, %mul3A_53, %dma_start3A_64] : memref<32x200x128xi32, #tpu.memory_space<hbm>> -> memref<1x8x128xi32, #tpu.memory_space<hbm>>
        %dma_start3A_66 = tpu.memref_squeeze %dma_start3A_65 : memref<1x8x128xi32, #tpu.memory_space<hbm>> -> memref<8x128xi32, #tpu.memory_space<hbm>>
        tpu.enqueue_dma source(%dma_start3A_66 : memref<8x128xi32, #tpu.memory_space<hbm>>) target(%arg9 : memref<8x128xi32, #tpu.memory_space<vmem>>) target_semaphore(%run_scoped3A : memref<!tpu.dma_semaphore, #tpu.memory_space<semaphore_mem>>)
        %dma_wait3A = arith.constant 0 : i32
        %dma_wait3A_67 = tpu.memref_slice %arg5[%add3A, %mul3A_53, %dma_wait3A] : memref<32x200x128xi32, #tpu.memory_space<hbm>> -> memref<1x8x128xi32, #tpu.memory_space<hbm>>
        %dma_wait3A_68 = tpu.memref_squeeze %dma_wait3A_67 : memref<1x8x128xi32, #tpu.memory_space<hbm>> -> memref<8x128xi32, #tpu.memory_space<hbm>>
        %dma_wait3A_69 = arith.constant 0 : i32
        %dma_wait3A_70 = tpu.memref_slice %arg5[%add3A, %mul3A_53, %dma_wait3A_69] : memref<32x200x128xi32, #tpu.memory_space<hbm>> -> memref<1x8x128xi32, #tpu.memory_space<hbm>>
        %dma_wait3A_71 = tpu.memref_squeeze %dma_wait3A_70 : memref<1x8x128xi32, #tpu.memory_space<hbm>> -> memref<8x128xi32, #tpu.memory_space<hbm>>
        tpu.wait_dma2 semaphore(%run_scoped3A : memref<!tpu.dma_semaphore, #tpu.memory_space<semaphore_mem>>) src(%dma_wait3A_71 : memref<8x128xi32, #tpu.memory_space<hbm>>) dst(%arg9 : memref<8x128xi32, #tpu.memory_space<vmem>>)
        tpu.yield
      }) : () -> ()
      %scan3A_54 = arith.constant 0 : i32
      %scan3A_55 = arith.constant 0 : i32
      %scan3A_56 = arith.constant 4 : i32
      %scan3A_57 = arith.addi %scan3A_55, %scan3A_56 : i32
      %scan3A_58 = arith.constant 1 : i32
      %scan3A_59 = scf.for %scan3A_62 = %scan3A_55 to %scan3A_57 step %scan3A_58 iter_args(%scan3A_63 = %scan3A_54) -> (i32)  : i32 {
        %mul3A_64 = arith.constant 2 : i32
        %mul3A_65 = arith.muli %scan3A_62, %mul3A_64 : i32
        %dma_start3A = arith.constant 0 : i32
        %dma_start3A_66 = tpu.memref_slice %arg8[%mul3A_65, %dma_start3A] : memref<8x128xi32, #tpu.memory_space<vmem>> -> memref<1x128xi32, #tpu.memory_space<vmem>>
        %dma_start3A_67 = tpu.memref_squeeze %dma_start3A_66 : memref<1x128xi32, #tpu.memory_space<vmem>> -> memref<128xi32, #tpu.memory_space<vmem>>
        %dma_start3A_68 = arith.constant 0 : i32
        %dma_start3A_69 = arith.constant 0 : i32
        %dma_start3A_70 = tpu.memref_slice %arg2[%dma_start3A_68, %dma_start3A_69] : memref<50000x32xf32, #tpu.memory_space<hbm>> -> memref<50000x32xf32, #tpu.memory_space<hbm>>
        tpu.enqueue_indirect_dma source(%dma_start3A_70 : memref<50000x32xf32, #tpu.memory_space<hbm>>) target(%arg10 : memref<128x32xf32, #tpu.memory_space<vmem>>) offsets(%dma_start3A_67 : memref<128xi32, #tpu.memory_space<vmem>>) semaphore(%arg14 : memref<!tpu.dma_semaphore, #tpu.memory_space<semaphore_mem>>)
        %add3A_71 = arith.constant 1 : i32
        %add3A_72 = arith.addi %mul3A_65, %add3A_71 : i32
        %dma_start3A_73 = arith.constant 0 : i32
        %dma_start3A_74 = tpu.memref_slice %arg8[%add3A_72, %dma_start3A_73] : memref<8x128xi32, #tpu.memory_space<vmem>> -> memref<1x128xi32, #tpu.memory_space<vmem>>
        %dma_start3A_75 = tpu.memref_squeeze %dma_start3A_74 : memref<1x128xi32, #tpu.memory_space<vmem>> -> memref<128xi32, #tpu.memory_space<vmem>>
        %dma_start3A_76 = arith.constant 0 : i32
        %dma_start3A_77 = arith.constant 0 : i32
        %dma_start3A_78 = tpu.memref_slice %arg2[%dma_start3A_76, %dma_start3A_77] : memref<50000x32xf32, #tpu.memory_space<hbm>> -> memref<50000x32xf32, #tpu.memory_space<hbm>>
        tpu.enqueue_indirect_dma source(%dma_start3A_78 : memref<50000x32xf32, #tpu.memory_space<hbm>>) target(%arg11 : memref<128x32xf32, #tpu.memory_space<vmem>>) offsets(%dma_start3A_75 : memref<128xi32, #tpu.memory_space<vmem>>) semaphore(%arg15 : memref<!tpu.dma_semaphore, #tpu.memory_space<semaphore_mem>>)
        %dma_wait3A = arith.constant 0 : i32
        %dma_wait3A_79 = tpu.memref_slice %arg8[%mul3A_65, %dma_wait3A] : memref<8x128xi32, #tpu.memory_space<vmem>> -> memref<1x128xi32, #tpu.memory_space<vmem>>
        %dma_wait3A_80 = tpu.memref_squeeze %dma_wait3A_79 : memref<1x128xi32, #tpu.memory_space<vmem>> -> memref<128xi32, #tpu.memory_space<vmem>>
        %dma_wait3A_81 = arith.constant 0 : i32
        %dma_wait3A_82 = arith.constant 0 : i32
        %dma_wait3A_83 = tpu.memref_slice %arg2[%dma_wait3A_81, %dma_wait3A_82] : memref<50000x32xf32, #tpu.memory_space<hbm>> -> memref<50000x32xf32, #tpu.memory_space<hbm>>
        tpu.wait_indirect_dma semaphore(%arg14 : memref<!tpu.dma_semaphore, #tpu.memory_space<semaphore_mem>>) src(%dma_wait3A_83 : memref<50000x32xf32, #tpu.memory_space<hbm>>) dst(%arg10 : memref<128x32xf32, #tpu.memory_space<vmem>>)
        "tpu.region"() ({
          %run_scoped3A = tpu.sem_alloc : memref<!tpu.dma_semaphore, #tpu.memory_space<semaphore_mem>>
          %dma_start3A_93 = arith.constant 0 : i32
          %dma_start3A_94 = tpu.memref_slice %arg9[%mul3A_65, %dma_start3A_93] : memref<8x128xi32, #tpu.memory_space<vmem>> -> memref<1x128xi32, #tpu.memory_space<vmem>>
          %dma_start3A_95 = tpu.memref_squeeze %dma_start3A_94 : memref<1x128xi32, #tpu.memory_space<vmem>> -> memref<128xi32, #tpu.memory_space<vmem>>
          %dma_start3A_96 = arith.constant 0 : i32
          %dma_start3A_97 = arith.constant 0 : i32
          %dma_start3A_98 = tpu.memref_slice %arg13[%dma_start3A_96, %dma_start3A_97] : memref<50176x32xf32, #tpu.memory_space<vmem_shared>> -> memref<50176x32xf32, #tpu.memory_space<vmem_shared>>
          tpu.enqueue_indirect_dma source(%arg10 : memref<128x32xf32, #tpu.memory_space<vmem>>) target(%dma_start3A_98 : memref<50176x32xf32, #tpu.memory_space<vmem_shared>>) offsets(%dma_start3A_95 : memref<128xi32, #tpu.memory_space<vmem>>) semaphore(%run_scoped3A : memref<!tpu.dma_semaphore, #tpu.memory_space<semaphore_mem>>) {add = true}
          %dma_wait3A_99 = arith.constant 0 : i32
          %dma_wait3A_100 = tpu.memref_slice %arg9[%mul3A_65, %dma_wait3A_99] : memref<8x128xi32, #tpu.memory_space<vmem>> -> memref<1x128xi32, #tpu.memory_space<vmem>>
          %dma_wait3A_101 = tpu.memref_squeeze %dma_wait3A_100 : memref<1x128xi32, #tpu.memory_space<vmem>> -> memref<128xi32, #tpu.memory_space<vmem>>
          %dma_wait3A_102 = arith.constant 0 : i32
          %dma_wait3A_103 = arith.constant 0 : i32
          %dma_wait3A_104 = tpu.memref_slice %arg13[%dma_wait3A_102, %dma_wait3A_103] : memref<50176x32xf32, #tpu.memory_space<vmem_shared>> -> memref<50176x32xf32, #tpu.memory_space<vmem_shared>>
          tpu.wait_indirect_dma semaphore(%run_scoped3A : memref<!tpu.dma_semaphore, #tpu.memory_space<semaphore_mem>>) src(%arg10 : memref<128x32xf32, #tpu.memory_space<vmem>>) dst(%dma_wait3A_104 : memref<50176x32xf32, #tpu.memory_space<vmem_shared>>)
          tpu.yield
        }) : () -> ()
        %dma_wait3A_84 = arith.constant 0 : i32
        %dma_wait3A_85 = tpu.memref_slice %arg8[%add3A_72, %dma_wait3A_84] : memref<8x128xi32, #tpu.memory_space<vmem>> -> memref<1x128xi32, #tpu.memory_space<vmem>>
        %dma_wait3A_86 = tpu.memref_squeeze %dma_wait3A_85 : memref<1x128xi32, #tpu.memory_space<vmem>> -> memref<128xi32, #tpu.memory_space<vmem>>
        %dma_wait3A_87 = arith.constant 0 : i32
        %dma_wait3A_88 = arith.constant 0 : i32
        %dma_wait3A_89 = tpu.memref_slice %arg2[%dma_wait3A_87, %dma_wait3A_88] : memref<50000x32xf32, #tpu.memory_space<hbm>> -> memref<50000x32xf32, #tpu.memory_space<hbm>>
        tpu.wait_indirect_dma semaphore(%arg15 : memref<!tpu.dma_semaphore, #tpu.memory_space<semaphore_mem>>) src(%dma_wait3A_89 : memref<50000x32xf32, #tpu.memory_space<hbm>>) dst(%arg11 : memref<128x32xf32, #tpu.memory_space<vmem>>)
        %add3A_90 = arith.constant 1 : i32
        %add3A_91 = arith.addi %mul3A_65, %add3A_90 : i32
        "tpu.region"() ({
          %run_scoped3A = tpu.sem_alloc : memref<!tpu.dma_semaphore, #tpu.memory_space<semaphore_mem>>
          %dma_start3A_93 = arith.constant 0 : i32
          %dma_start3A_94 = tpu.memref_slice %arg9[%add3A_91, %dma_start3A_93] : memref<8x128xi32, #tpu.memory_space<vmem>> -> memref<1x128xi32, #tpu.memory_space<vmem>>
          %dma_start3A_95 = tpu.memref_squeeze %dma_start3A_94 : memref<1x128xi32, #tpu.memory_space<vmem>> -> memref<128xi32, #tpu.memory_space<vmem>>
          %dma_start3A_96 = arith.constant 0 : i32
          %dma_start3A_97 = arith.constant 0 : i32
          %dma_start3A_98 = tpu.memref_slice %arg13[%dma_start3A_96, %dma_start3A_97] : memref<50176x32xf32, #tpu.memory_space<vmem_shared>> -> memref<50176x32xf32, #tpu.memory_space<vmem_shared>>
          tpu.enqueue_indirect_dma source(%arg11 : memref<128x32xf32, #tpu.memory_space<vmem>>) target(%dma_start3A_98 : memref<50176x32xf32, #tpu.memory_space<vmem_shared>>) offsets(%dma_start3A_95 : memref<128xi32, #tpu.memory_space<vmem>>) semaphore(%run_scoped3A : memref<!tpu.dma_semaphore, #tpu.memory_space<semaphore_mem>>) {add = true}
          %dma_wait3A_99 = arith.constant 0 : i32
          %dma_wait3A_100 = tpu.memref_slice %arg9[%add3A_91, %dma_wait3A_99] : memref<8x128xi32, #tpu.memory_space<vmem>> -> memref<1x128xi32, #tpu.memory_space<vmem>>
          %dma_wait3A_101 = tpu.memref_squeeze %dma_wait3A_100 : memref<1x128xi32, #tpu.memory_space<vmem>> -> memref<128xi32, #tpu.memory_space<vmem>>
          %dma_wait3A_102 = arith.constant 0 : i32
          %dma_wait3A_103 = arith.constant 0 : i32
          %dma_wait3A_104 = tpu.memref_slice %arg13[%dma_wait3A_102, %dma_wait3A_103] : memref<50176x32xf32, #tpu.memory_space<vmem_shared>> -> memref<50176x32xf32, #tpu.memory_space<vmem_shared>>
          tpu.wait_indirect_dma semaphore(%run_scoped3A : memref<!tpu.dma_semaphore, #tpu.memory_space<semaphore_mem>>) src(%arg11 : memref<128x32xf32, #tpu.memory_space<vmem>>) dst(%dma_wait3A_104 : memref<50176x32xf32, #tpu.memory_space<vmem_shared>>)
          tpu.yield
        }) : () -> ()
        %scan3A_92 = arith.constant 0 : i32
        scf.yield %scan3A_92 : i32
      }
      %scan3A_60 = arith.constant 4 : i32
      %scan3A_61 = arith.constant 0 : i32
      scf.yield %scan3A_61 : i32
    }
    %scan3A_21 = arith.constant 25 : i32
    %barrier3A_22 = arith.constant 0 : index
    tpu.barrier barrier_id(%barrier3A_22)
    %mul3A_23 = arith.constant 3128 : i32
    %mul3A_24 = arith.muli %arg1, %mul3A_23 : i32
    %mul3A_25 = arith.constant 3128 : i32
    %mul3A_26 = arith.muli %arg1, %mul3A_25 : i32
    "tpu.region"() ({
      %run_scoped3A = tpu.sem_alloc : memref<!tpu.dma_semaphore, #tpu.memory_space<semaphore_mem>>
      %dma_start3A = arith.constant 0 : i32
      %dma_start3A_48 = tpu.memref_slice %arg6[%arg0, %mul3A_26, %dma_start3A] : memref<2x50048x32xf32, #tpu.memory_space<hbm>> -> memref<1x3128x32xf32, #tpu.memory_space<hbm>>
      %dma_start3A_49 = tpu.memref_squeeze %dma_start3A_48 : memref<1x3128x32xf32, #tpu.memory_space<hbm>> -> memref<3128x32xf32, #tpu.memory_space<hbm>>
      %dma_start3A_50 = arith.constant 0 : i32
      %dma_start3A_51 = tpu.memref_slice %arg13[%mul3A_24, %dma_start3A_50] : memref<50176x32xf32, #tpu.memory_space<vmem_shared>> -> memref<3128x32xf32, #tpu.memory_space<vmem_shared>>
      tpu.enqueue_dma source(%dma_start3A_51 : memref<3128x32xf32, #tpu.memory_space<vmem_shared>>) target(%dma_start3A_49 : memref<3128x32xf32, #tpu.memory_space<hbm>>) target_semaphore(%run_scoped3A : memref<!tpu.dma_semaphore, #tpu.memory_space<semaphore_mem>>)
      %dma_wait3A = arith.constant 0 : i32
      %dma_wait3A_52 = tpu.memref_slice %arg6[%arg0, %mul3A_26, %dma_wait3A] : memref<2x50048x32xf32, #tpu.memory_space<hbm>> -> memref<1x3128x32xf32, #tpu.memory_space<hbm>>
      %dma_wait3A_53 = tpu.memref_squeeze %dma_wait3A_52 : memref<1x3128x32xf32, #tpu.memory_space<hbm>> -> memref<3128x32xf32, #tpu.memory_space<hbm>>
      %dma_wait3A_54 = arith.constant 0 : i32
      %dma_wait3A_55 = tpu.memref_slice %arg13[%mul3A_24, %dma_wait3A_54] : memref<50176x32xf32, #tpu.memory_space<vmem_shared>> -> memref<3128x32xf32, #tpu.memory_space<vmem_shared>>
      tpu.wait_dma2 semaphore(%run_scoped3A : memref<!tpu.dma_semaphore, #tpu.memory_space<semaphore_mem>>) src(%dma_wait3A_55 : memref<3128x32xf32, #tpu.memory_space<vmem_shared>>) dst(%dma_wait3A_53 : memref<3128x32xf32, #tpu.memory_space<hbm>>)
      tpu.yield
    }) : () -> ()
    %barrier3A_27 = arith.constant 0 : index
    tpu.barrier barrier_id(%barrier3A_27)
    %scan3A_28 = arith.constant 0 : i32
    %scan3A_29 = arith.constant 0 : i32
    %scan3A_30 = arith.constant 56 : i32
    %scan3A_31 = arith.addi %scan3A_29, %scan3A_30 : i32
    %scan3A_32 = arith.constant 1 : i32
    %scan3A_33 = scf.for %scan3A_48 = %scan3A_29 to %scan3A_31 step %scan3A_32 iter_args(%scan3A_49 = %scan3A_28) -> (i32)  : i32 {
      %mul3A_50 = arith.constant 3136 : i32
      %mul3A_51 = arith.muli %arg1, %mul3A_50 : i32
      %mul3A_52 = arith.constant 56 : i32
      %mul3A_53 = arith.muli %scan3A_48, %mul3A_52 : i32
      %add3A_54 = arith.addi %mul3A_51, %mul3A_53 : i32
      "tpu.region"() ({
        %run_scoped3A = tpu.sem_alloc : memref<!tpu.dma_semaphore, #tpu.memory_space<semaphore_mem>>
        %dma_start3A = arith.constant 0 : i32
        %dma_start3A_56 = tpu.memref_slice %arg13[%add3A_54, %dma_start3A] : memref<50176x32xf32, #tpu.memory_space<vmem_shared>> -> memref<56x32xf32, #tpu.memory_space<vmem_shared>>
        %dma_start3A_57 = arith.constant 0 : i32
        %dma_start3A_58 = tpu.memref_slice %arg13[%add3A_54, %dma_start3A_57] : memref<50176x32xf32, #tpu.memory_space<vmem_shared>> -> memref<56x32xf32, #tpu.memory_space<vmem_shared>>
        tpu.enqueue_dma source(%arg12 : memref<56x32xf32, #tpu.memory_space<vmem>>) target(%dma_start3A_58 : memref<56x32xf32, #tpu.memory_space<vmem_shared>>) target_semaphore(%run_scoped3A : memref<!tpu.dma_semaphore, #tpu.memory_space<semaphore_mem>>)
        %dma_wait3A = arith.constant 0 : i32
        %dma_wait3A_59 = tpu.memref_slice %arg13[%add3A_54, %dma_wait3A] : memref<50176x32xf32, #tpu.memory_space<vmem_shared>> -> memref<56x32xf32, #tpu.memory_space<vmem_shared>>
        %dma_wait3A_60 = arith.constant 0 : i32
        %dma_wait3A_61 = tpu.memref_slice %arg13[%add3A_54, %dma_wait3A_60] : memref<50176x32xf32, #tpu.memory_space<vmem_shared>> -> memref<56x32xf32, #tpu.memory_space<vmem_shared>>
        tpu.wait_dma2 semaphore(%run_scoped3A : memref<!tpu.dma_semaphore, #tpu.memory_space<semaphore_mem>>) src(%arg12 : memref<56x32xf32, #tpu.memory_space<vmem>>) dst(%dma_wait3A_61 : memref<56x32xf32, #tpu.memory_space<vmem_shared>>)
        tpu.yield
      }) : () -> ()
      %scan3A_55 = arith.constant 0 : i32
      scf.yield %scan3A_55 : i32
    }
    %scan3A_34 = arith.constant 56 : i32
    %barrier3A_35 = arith.constant 0 : index
    tpu.barrier barrier_id(%barrier3A_35)
    %scan3A_36 = arith.constant 0 : i32
    %scan3A_37 = arith.constant 0 : i32
    %scan3A_38 = arith.constant 25 : i32
    %scan3A_39 = arith.addi %scan3A_37, %scan3A_38 : i32
    %scan3A_40 = arith.constant 1 : i32
    %scan3A_41 = scf.for %scan3A_48 = %scan3A_37 to %scan3A_39 step %scan3A_40 iter_args(%scan3A_49 = %scan3A_36) -> (i32)  : i32 {
      %mul3A_50 = arith.constant 8 : i32
      %mul3A_51 = arith.muli %scan3A_48, %mul3A_50 : i32
      "tpu.region"() ({
        %run_scoped3A = tpu.sem_alloc : memref<!tpu.dma_semaphore, #tpu.memory_space<semaphore_mem>>
        %dma_start3A = arith.constant 0 : i32
        %dma_start3A_62 = tpu.memref_slice %arg4[%add3A, %mul3A_51, %dma_start3A] : memref<32x200x128xi32, #tpu.memory_space<hbm>> -> memref<1x8x128xi32, #tpu.memory_space<hbm>>
        %dma_start3A_63 = tpu.memref_squeeze %dma_start3A_62 : memref<1x8x128xi32, #tpu.memory_space<hbm>> -> memref<8x128xi32, #tpu.memory_space<hbm>>
        %dma_start3A_64 = arith.constant 0 : i32
        %dma_start3A_65 = tpu.memref_slice %arg4[%add3A, %mul3A_51, %dma_start3A_64] : memref<32x200x128xi32, #tpu.memory_space<hbm>> -> memref<1x8x128xi32, #tpu.memory_space<hbm>>
        %dma_start3A_66 = tpu.memref_squeeze %dma_start3A_65 : memref<1x8x128xi32, #tpu.memory_space<hbm>> -> memref<8x128xi32, #tpu.memory_space<hbm>>
        tpu.enqueue_dma source(%dma_start3A_66 : memref<8x128xi32, #tpu.memory_space<hbm>>) target(%arg8 : memref<8x128xi32, #tpu.memory_space<vmem>>) target_semaphore(%run_scoped3A : memref<!tpu.dma_semaphore, #tpu.memory_space<semaphore_mem>>)
        %dma_wait3A = arith.constant 0 : i32
        %dma_wait3A_67 = tpu.memref_slice %arg4[%add3A, %mul3A_51, %dma_wait3A] : memref<32x200x128xi32, #tpu.memory_space<hbm>> -> memref<1x8x128xi32, #tpu.memory_space<hbm>>
        %dma_wait3A_68 = tpu.memref_squeeze %dma_wait3A_67 : memref<1x8x128xi32, #tpu.memory_space<hbm>> -> memref<8x128xi32, #tpu.memory_space<hbm>>
        %dma_wait3A_69 = arith.constant 0 : i32
        %dma_wait3A_70 = tpu.memref_slice %arg4[%add3A, %mul3A_51, %dma_wait3A_69] : memref<32x200x128xi32, #tpu.memory_space<hbm>> -> memref<1x8x128xi32, #tpu.memory_space<hbm>>
        %dma_wait3A_71 = tpu.memref_squeeze %dma_wait3A_70 : memref<1x8x128xi32, #tpu.memory_space<hbm>> -> memref<8x128xi32, #tpu.memory_space<hbm>>
        tpu.wait_dma2 semaphore(%run_scoped3A : memref<!tpu.dma_semaphore, #tpu.memory_space<semaphore_mem>>) src(%dma_wait3A_71 : memref<8x128xi32, #tpu.memory_space<hbm>>) dst(%arg8 : memref<8x128xi32, #tpu.memory_space<vmem>>)
        tpu.yield
      }) : () -> ()
      %mul3A_52 = arith.constant 8 : i32
      %mul3A_53 = arith.muli %scan3A_48, %mul3A_52 : i32
      "tpu.region"() ({
        %run_scoped3A = tpu.sem_alloc : memref<!tpu.dma_semaphore, #tpu.memory_space<semaphore_mem>>
        %dma_start3A = arith.constant 0 : i32
        %dma_start3A_62 = tpu.memref_slice %arg5[%add3A, %mul3A_53, %dma_start3A] : memref<32x200x128xi32, #tpu.memory_space<hbm>> -> memref<1x8x128xi32, #tpu.memory_space<hbm>>
        %dma_start3A_63 = tpu.memref_squeeze %dma_start3A_62 : memref<1x8x128xi32, #tpu.memory_space<hbm>> -> memref<8x128xi32, #tpu.memory_space<hbm>>
        %dma_start3A_64 = arith.constant 0 : i32
        %dma_start3A_65 = tpu.memref_slice %arg5[%add3A, %mul3A_53, %dma_start3A_64] : memref<32x200x128xi32, #tpu.memory_space<hbm>> -> memref<1x8x128xi32, #tpu.memory_space<hbm>>
        %dma_start3A_66 = tpu.memref_squeeze %dma_start3A_65 : memref<1x8x128xi32, #tpu.memory_space<hbm>> -> memref<8x128xi32, #tpu.memory_space<hbm>>
        tpu.enqueue_dma source(%dma_start3A_66 : memref<8x128xi32, #tpu.memory_space<hbm>>) target(%arg9 : memref<8x128xi32, #tpu.memory_space<vmem>>) target_semaphore(%run_scoped3A : memref<!tpu.dma_semaphore, #tpu.memory_space<semaphore_mem>>)
        %dma_wait3A = arith.constant 0 : i32
        %dma_wait3A_67 = tpu.memref_slice %arg5[%add3A, %mul3A_53, %dma_wait3A] : memref<32x200x128xi32, #tpu.memory_space<hbm>> -> memref<1x8x128xi32, #tpu.memory_space<hbm>>
        %dma_wait3A_68 = tpu.memref_squeeze %dma_wait3A_67 : memref<1x8x128xi32, #tpu.memory_space<hbm>> -> memref<8x128xi32, #tpu.memory_space<hbm>>
        %dma_wait3A_69 = arith.constant 0 : i32
        %dma_wait3A_70 = tpu.memref_slice %arg5[%add3A, %mul3A_53, %dma_wait3A_69] : memref<32x200x128xi32, #tpu.memory_space<hbm>> -> memref<1x8x128xi32, #tpu.memory_space<hbm>>
        %dma_wait3A_71 = tpu.memref_squeeze %dma_wait3A_70 : memref<1x8x128xi32, #tpu.memory_space<hbm>> -> memref<8x128xi32, #tpu.memory_space<hbm>>
        tpu.wait_dma2 semaphore(%run_scoped3A : memref<!tpu.dma_semaphore, #tpu.memory_space<semaphore_mem>>) src(%dma_wait3A_71 : memref<8x128xi32, #tpu.memory_space<hbm>>) dst(%arg9 : memref<8x128xi32, #tpu.memory_space<vmem>>)
        tpu.yield
      }) : () -> ()
      %scan3A_54 = arith.constant 0 : i32
      %scan3A_55 = arith.constant 0 : i32
      %scan3A_56 = arith.constant 4 : i32
      %scan3A_57 = arith.addi %scan3A_55, %scan3A_56 : i32
      %scan3A_58 = arith.constant 1 : i32
      %scan3A_59 = scf.for %scan3A_62 = %scan3A_55 to %scan3A_57 step %scan3A_58 iter_args(%scan3A_63 = %scan3A_54) -> (i32)  : i32 {
        %mul3A_64 = arith.constant 2 : i32
        %mul3A_65 = arith.muli %scan3A_62, %mul3A_64 : i32
        %dma_start3A = arith.constant 0 : i32
        %dma_start3A_66 = tpu.memref_slice %arg8[%mul3A_65, %dma_start3A] : memref<8x128xi32, #tpu.memory_space<vmem>> -> memref<1x128xi32, #tpu.memory_space<vmem>>
        %dma_start3A_67 = tpu.memref_squeeze %dma_start3A_66 : memref<1x128xi32, #tpu.memory_space<vmem>> -> memref<128xi32, #tpu.memory_space<vmem>>
        %dma_start3A_68 = arith.constant 0 : i32
        %dma_start3A_69 = arith.constant 0 : i32
        %dma_start3A_70 = tpu.memref_slice %arg3[%dma_start3A_68, %dma_start3A_69] : memref<50000x32xf32, #tpu.memory_space<hbm>> -> memref<50000x32xf32, #tpu.memory_space<hbm>>
        tpu.enqueue_indirect_dma source(%dma_start3A_70 : memref<50000x32xf32, #tpu.memory_space<hbm>>) target(%arg10 : memref<128x32xf32, #tpu.memory_space<vmem>>) offsets(%dma_start3A_67 : memref<128xi32, #tpu.memory_space<vmem>>) semaphore(%arg14 : memref<!tpu.dma_semaphore, #tpu.memory_space<semaphore_mem>>)
        %add3A_71 = arith.constant 1 : i32
        %add3A_72 = arith.addi %mul3A_65, %add3A_71 : i32
        %dma_start3A_73 = arith.constant 0 : i32
        %dma_start3A_74 = tpu.memref_slice %arg8[%add3A_72, %dma_start3A_73] : memref<8x128xi32, #tpu.memory_space<vmem>> -> memref<1x128xi32, #tpu.memory_space<vmem>>
        %dma_start3A_75 = tpu.memref_squeeze %dma_start3A_74 : memref<1x128xi32, #tpu.memory_space<vmem>> -> memref<128xi32, #tpu.memory_space<vmem>>
        %dma_start3A_76 = arith.constant 0 : i32
        %dma_start3A_77 = arith.constant 0 : i32
        %dma_start3A_78 = tpu.memref_slice %arg3[%dma_start3A_76, %dma_start3A_77] : memref<50000x32xf32, #tpu.memory_space<hbm>> -> memref<50000x32xf32, #tpu.memory_space<hbm>>
        tpu.enqueue_indirect_dma source(%dma_start3A_78 : memref<50000x32xf32, #tpu.memory_space<hbm>>) target(%arg11 : memref<128x32xf32, #tpu.memory_space<vmem>>) offsets(%dma_start3A_75 : memref<128xi32, #tpu.memory_space<vmem>>) semaphore(%arg15 : memref<!tpu.dma_semaphore, #tpu.memory_space<semaphore_mem>>)
        %dma_wait3A = arith.constant 0 : i32
        %dma_wait3A_79 = tpu.memref_slice %arg8[%mul3A_65, %dma_wait3A] : memref<8x128xi32, #tpu.memory_space<vmem>> -> memref<1x128xi32, #tpu.memory_space<vmem>>
        %dma_wait3A_80 = tpu.memref_squeeze %dma_wait3A_79 : memref<1x128xi32, #tpu.memory_space<vmem>> -> memref<128xi32, #tpu.memory_space<vmem>>
        %dma_wait3A_81 = arith.constant 0 : i32
        %dma_wait3A_82 = arith.constant 0 : i32
        %dma_wait3A_83 = tpu.memref_slice %arg3[%dma_wait3A_81, %dma_wait3A_82] : memref<50000x32xf32, #tpu.memory_space<hbm>> -> memref<50000x32xf32, #tpu.memory_space<hbm>>
        tpu.wait_indirect_dma semaphore(%arg14 : memref<!tpu.dma_semaphore, #tpu.memory_space<semaphore_mem>>) src(%dma_wait3A_83 : memref<50000x32xf32, #tpu.memory_space<hbm>>) dst(%arg10 : memref<128x32xf32, #tpu.memory_space<vmem>>)
        "tpu.region"() ({
          %run_scoped3A = tpu.sem_alloc : memref<!tpu.dma_semaphore, #tpu.memory_space<semaphore_mem>>
          %dma_start3A_93 = arith.constant 0 : i32
          %dma_start3A_94 = tpu.memref_slice %arg9[%mul3A_65, %dma_start3A_93] : memref<8x128xi32, #tpu.memory_space<vmem>> -> memref<1x128xi32, #tpu.memory_space<vmem>>
          %dma_start3A_95 = tpu.memref_squeeze %dma_start3A_94 : memref<1x128xi32, #tpu.memory_space<vmem>> -> memref<128xi32, #tpu.memory_space<vmem>>
          %dma_start3A_96 = arith.constant 0 : i32
          %dma_start3A_97 = arith.constant 0 : i32
          %dma_start3A_98 = tpu.memref_slice %arg13[%dma_start3A_96, %dma_start3A_97] : memref<50176x32xf32, #tpu.memory_space<vmem_shared>> -> memref<50176x32xf32, #tpu.memory_space<vmem_shared>>
          tpu.enqueue_indirect_dma source(%arg10 : memref<128x32xf32, #tpu.memory_space<vmem>>) target(%dma_start3A_98 : memref<50176x32xf32, #tpu.memory_space<vmem_shared>>) offsets(%dma_start3A_95 : memref<128xi32, #tpu.memory_space<vmem>>) semaphore(%run_scoped3A : memref<!tpu.dma_semaphore, #tpu.memory_space<semaphore_mem>>) {add = true}
          %dma_wait3A_99 = arith.constant 0 : i32
          %dma_wait3A_100 = tpu.memref_slice %arg9[%mul3A_65, %dma_wait3A_99] : memref<8x128xi32, #tpu.memory_space<vmem>> -> memref<1x128xi32, #tpu.memory_space<vmem>>
          %dma_wait3A_101 = tpu.memref_squeeze %dma_wait3A_100 : memref<1x128xi32, #tpu.memory_space<vmem>> -> memref<128xi32, #tpu.memory_space<vmem>>
          %dma_wait3A_102 = arith.constant 0 : i32
          %dma_wait3A_103 = arith.constant 0 : i32
          %dma_wait3A_104 = tpu.memref_slice %arg13[%dma_wait3A_102, %dma_wait3A_103] : memref<50176x32xf32, #tpu.memory_space<vmem_shared>> -> memref<50176x32xf32, #tpu.memory_space<vmem_shared>>
          tpu.wait_indirect_dma semaphore(%run_scoped3A : memref<!tpu.dma_semaphore, #tpu.memory_space<semaphore_mem>>) src(%arg10 : memref<128x32xf32, #tpu.memory_space<vmem>>) dst(%dma_wait3A_104 : memref<50176x32xf32, #tpu.memory_space<vmem_shared>>)
          tpu.yield
        }) : () -> ()
        %dma_wait3A_84 = arith.constant 0 : i32
        %dma_wait3A_85 = tpu.memref_slice %arg8[%add3A_72, %dma_wait3A_84] : memref<8x128xi32, #tpu.memory_space<vmem>> -> memref<1x128xi32, #tpu.memory_space<vmem>>
        %dma_wait3A_86 = tpu.memref_squeeze %dma_wait3A_85 : memref<1x128xi32, #tpu.memory_space<vmem>> -> memref<128xi32, #tpu.memory_space<vmem>>
        %dma_wait3A_87 = arith.constant 0 : i32
        %dma_wait3A_88 = arith.constant 0 : i32
        %dma_wait3A_89 = tpu.memref_slice %arg3[%dma_wait3A_87, %dma_wait3A_88] : memref<50000x32xf32, #tpu.memory_space<hbm>> -> memref<50000x32xf32, #tpu.memory_space<hbm>>
        tpu.wait_indirect_dma semaphore(%arg15 : memref<!tpu.dma_semaphore, #tpu.memory_space<semaphore_mem>>) src(%dma_wait3A_89 : memref<50000x32xf32, #tpu.memory_space<hbm>>) dst(%arg11 : memref<128x32xf32, #tpu.memory_space<vmem>>)
        %add3A_90 = arith.constant 1 : i32
        %add3A_91 = arith.addi %mul3A_65, %add3A_90 : i32
        "tpu.region"() ({
          %run_scoped3A = tpu.sem_alloc : memref<!tpu.dma_semaphore, #tpu.memory_space<semaphore_mem>>
          %dma_start3A_93 = arith.constant 0 : i32
          %dma_start3A_94 = tpu.memref_slice %arg9[%add3A_91, %dma_start3A_93] : memref<8x128xi32, #tpu.memory_space<vmem>> -> memref<1x128xi32, #tpu.memory_space<vmem>>
          %dma_start3A_95 = tpu.memref_squeeze %dma_start3A_94 : memref<1x128xi32, #tpu.memory_space<vmem>> -> memref<128xi32, #tpu.memory_space<vmem>>
          %dma_start3A_96 = arith.constant 0 : i32
          %dma_start3A_97 = arith.constant 0 : i32
          %dma_start3A_98 = tpu.memref_slice %arg13[%dma_start3A_96, %dma_start3A_97] : memref<50176x32xf32, #tpu.memory_space<vmem_shared>> -> memref<50176x32xf32, #tpu.memory_space<vmem_shared>>
          tpu.enqueue_indirect_dma source(%arg11 : memref<128x32xf32, #tpu.memory_space<vmem>>) target(%dma_start3A_98 : memref<50176x32xf32, #tpu.memory_space<vmem_shared>>) offsets(%dma_start3A_95 : memref<128xi32, #tpu.memory_space<vmem>>) semaphore(%run_scoped3A : memref<!tpu.dma_semaphore, #tpu.memory_space<semaphore_mem>>) {add = true}
          %dma_wait3A_99 = arith.constant 0 : i32
          %dma_wait3A_100 = tpu.memref_slice %arg9[%add3A_91, %dma_wait3A_99] : memref<8x128xi32, #tpu.memory_space<vmem>> -> memref<1x128xi32, #tpu.memory_space<vmem>>
          %dma_wait3A_101 = tpu.memref_squeeze %dma_wait3A_100 : memref<1x128xi32, #tpu.memory_space<vmem>> -> memref<128xi32, #tpu.memory_space<vmem>>
          %dma_wait3A_102 = arith.constant 0 : i32
          %dma_wait3A_103 = arith.constant 0 : i32
          %dma_wait3A_104 = tpu.memref_slice %arg13[%dma_wait3A_102, %dma_wait3A_103] : memref<50176x32xf32, #tpu.memory_space<vmem_shared>> -> memref<50176x32xf32, #tpu.memory_space<vmem_shared>>
          tpu.wait_indirect_dma semaphore(%run_scoped3A : memref<!tpu.dma_semaphore, #tpu.memory_space<semaphore_mem>>) src(%arg11 : memref<128x32xf32, #tpu.memory_space<vmem>>) dst(%dma_wait3A_104 : memref<50176x32xf32, #tpu.memory_space<vmem_shared>>)
          tpu.yield
        }) : () -> ()
        %scan3A_92 = arith.constant 0 : i32
        scf.yield %scan3A_92 : i32
      }
      %scan3A_60 = arith.constant 4 : i32
      %scan3A_61 = arith.constant 0 : i32
      scf.yield %scan3A_61 : i32
    }
    %scan3A_42 = arith.constant 25 : i32
    %barrier3A_43 = arith.constant 0 : index
    tpu.barrier barrier_id(%barrier3A_43)
    %mul3A_44 = arith.constant 3128 : i32
    %mul3A_45 = arith.muli %arg1, %mul3A_44 : i32
    %mul3A_46 = arith.constant 3128 : i32
    %mul3A_47 = arith.muli %arg1, %mul3A_46 : i32
    "tpu.region"() ({
      %run_scoped3A = tpu.sem_alloc : memref<!tpu.dma_semaphore, #tpu.memory_space<semaphore_mem>>
      %dma_start3A = arith.constant 0 : i32
      %dma_start3A_48 = tpu.memref_slice %arg7[%arg0, %mul3A_47, %dma_start3A] : memref<2x50048x32xf32, #tpu.memory_space<hbm>> -> memref<1x3128x32xf32, #tpu.memory_space<hbm>>
      %dma_start3A_49 = tpu.memref_squeeze %dma_start3A_48 : memref<1x3128x32xf32, #tpu.memory_space<hbm>> -> memref<3128x32xf32, #tpu.memory_space<hbm>>
      %dma_start3A_50 = arith.constant 0 : i32
      %dma_start3A_51 = tpu.memref_slice %arg13[%mul3A_45, %dma_start3A_50] : memref<50176x32xf32, #tpu.memory_space<vmem_shared>> -> memref<3128x32xf32, #tpu.memory_space<vmem_shared>>
      tpu.enqueue_dma source(%dma_start3A_51 : memref<3128x32xf32, #tpu.memory_space<vmem_shared>>) target(%dma_start3A_49 : memref<3128x32xf32, #tpu.memory_space<hbm>>) target_semaphore(%run_scoped3A : memref<!tpu.dma_semaphore, #tpu.memory_space<semaphore_mem>>)
      %dma_wait3A = arith.constant 0 : i32
      %dma_wait3A_52 = tpu.memref_slice %arg7[%arg0, %mul3A_47, %dma_wait3A] : memref<2x50048x32xf32, #tpu.memory_space<hbm>> -> memref<1x3128x32xf32, #tpu.memory_space<hbm>>
      %dma_wait3A_53 = tpu.memref_squeeze %dma_wait3A_52 : memref<1x3128x32xf32, #tpu.memory_space<hbm>> -> memref<3128x32xf32, #tpu.memory_space<hbm>>
      %dma_wait3A_54 = arith.constant 0 : i32
      %dma_wait3A_55 = tpu.memref_slice %arg13[%mul3A_45, %dma_wait3A_54] : memref<50176x32xf32, #tpu.memory_space<vmem_shared>> -> memref<3128x32xf32, #tpu.memory_space<vmem_shared>>
      tpu.wait_dma2 semaphore(%run_scoped3A : memref<!tpu.dma_semaphore, #tpu.memory_space<semaphore_mem>>) src(%dma_wait3A_55 : memref<3128x32xf32, #tpu.memory_space<vmem_shared>>) dst(%dma_wait3A_53 : memref<3128x32xf32, #tpu.memory_space<hbm>>)
      tpu.yield
    }) : () -> ()
    return
  }
}

#map = affine_map<(d0, d1) -> (0, 0, 0)>
module attributes {stable_mosaic.version = 14 : i64} {
  func.func @deg_kernel(%arg0: i32, %arg1: i32, %arg2: memref<32x200x128xi32, #tpu.memory_space<hbm>>, %arg3: memref<2x50048x16xf32, #tpu.memory_space<hbm>>, %arg4: memref<8x128xi32, #tpu.memory_space<vmem>>, %arg5: memref<128x16xf32, #tpu.memory_space<vmem>>, %arg6: memref<56x16xf32, #tpu.memory_space<vmem>>, %arg7: memref<50176x16xf32, #tpu.memory_space<vmem_shared>>) attributes {dimension_semantics = [#tpu.dimension_semantics<core_parallel>, #tpu.dimension_semantics<subcore_parallel>], iteration_bounds = array<i64: 2, 16>, scalar_prefetch = 0 : i64, scratch_operands = 4 : i64, tpu.core_type = #tpu.core_type<sc_vector_subcore>, window_params = [{transform_indices = #map}, {transform_indices = #map}]} {
    %mul3A = arith.constant 16 : i32
    %mul3A_0 = arith.muli %arg0, %mul3A : i32
    %add3A = arith.addi %mul3A_0, %arg1 : i32
    %broadcast_in_dim3A = arith.constant 1.000000e+00 : f32
    %broadcast_in_dim3A_1 = vector.broadcast %broadcast_in_dim3A : f32 to vector<16xf32>
    %scan3A = arith.constant 0 : i32
    %scan3A_2 = arith.constant 0 : i32
    %scan3A_3 = arith.constant 128 : i32
    %scan3A_4 = arith.addi %scan3A_2, %scan3A_3 : i32
    %scan3A_5 = arith.constant 2 : i32
    %scan3A_6 = scf.for %scan3A_36 = %scan3A_2 to %scan3A_4 step %scan3A_5 iter_args(%scan3A_37 = %scan3A) -> (i32)  : i32 {
      %swap3A = arith.index_cast %scan3A_36 : i32 to index
      %swap3A_38 = arith.constant 0 : index
      %swap3A_39 = tpu.vector_load %arg5[%swap3A, %swap3A_38] {strides = array<i32>} : memref<128x16xf32, #tpu.memory_space<vmem>>, vector<1x16xf32>,
      %swap3A_40 = vector.shape_cast %swap3A_39 : vector<1x16xf32> to vector<16xf32>
      %swap3A_41 = vector.shape_cast %broadcast_in_dim3A_1 : vector<16xf32> to vector<1x16xf32>
      tpu.vector_store %arg5[%swap3A, %swap3A_38], %swap3A_41 {strides = array<i32>} : memref<128x16xf32, #tpu.memory_space<vmem>>, vector<1x16xf32>,
      %scan3A_42 = arith.constant 0 : i32
      %scan3A_43 = arith.constant 1 : i32
      %scan3A_44 = arith.addi %scan3A_36, %scan3A_43 : i32
      %swap3A_45 = arith.index_cast %scan3A_44 : i32 to index
      %swap3A_46 = arith.constant 0 : index
      %swap3A_47 = tpu.vector_load %arg5[%swap3A_45, %swap3A_46] {strides = array<i32>} : memref<128x16xf32, #tpu.memory_space<vmem>>, vector<1x16xf32>,
      %swap3A_48 = vector.shape_cast %swap3A_47 : vector<1x16xf32> to vector<16xf32>
      %swap3A_49 = vector.shape_cast %broadcast_in_dim3A_1 : vector<16xf32> to vector<1x16xf32>
      tpu.vector_store %arg5[%swap3A_45, %swap3A_46], %swap3A_49 {strides = array<i32>} : memref<128x16xf32, #tpu.memory_space<vmem>>, vector<1x16xf32>,
      %scan3A_50 = arith.constant 0 : i32
      scf.yield %scan3A_50 : i32
    }
    %scan3A_7 = arith.constant 128 : i32
    %broadcast_in_dim3A_8 = arith.constant 0.000000e+00 : f32
    %broadcast_in_dim3A_9 = vector.broadcast %broadcast_in_dim3A_8 : f32 to vector<16xf32>
    %scan3A_10 = arith.constant 0 : i32
    %scan3A_11 = arith.constant 0 : i32
    %scan3A_12 = arith.constant 56 : i32
    %scan3A_13 = arith.addi %scan3A_11, %scan3A_12 : i32
    %scan3A_14 = arith.constant 2 : i32
    %scan3A_15 = scf.for %scan3A_36 = %scan3A_11 to %scan3A_13 step %scan3A_14 iter_args(%scan3A_37 = %scan3A_10) -> (i32)  : i32 {
      %swap3A = arith.index_cast %scan3A_36 : i32 to index
      %swap3A_38 = arith.constant 0 : index
      %swap3A_39 = tpu.vector_load %arg6[%swap3A, %swap3A_38] {strides = array<i32>} : memref<56x16xf32, #tpu.memory_space<vmem>>, vector<1x16xf32>,
      %swap3A_40 = vector.shape_cast %swap3A_39 : vector<1x16xf32> to vector<16xf32>
      %swap3A_41 = vector.shape_cast %broadcast_in_dim3A_9 : vector<16xf32> to vector<1x16xf32>
      tpu.vector_store %arg6[%swap3A, %swap3A_38], %swap3A_41 {strides = array<i32>} : memref<56x16xf32, #tpu.memory_space<vmem>>, vector<1x16xf32>,
      %scan3A_42 = arith.constant 0 : i32
      %scan3A_43 = arith.constant 1 : i32
      %scan3A_44 = arith.addi %scan3A_36, %scan3A_43 : i32
      %swap3A_45 = arith.index_cast %scan3A_44 : i32 to index
      %swap3A_46 = arith.constant 0 : index
      %swap3A_47 = tpu.vector_load %arg6[%swap3A_45, %swap3A_46] {strides = array<i32>} : memref<56x16xf32, #tpu.memory_space<vmem>>, vector<1x16xf32>,
      %swap3A_48 = vector.shape_cast %swap3A_47 : vector<1x16xf32> to vector<16xf32>
      %swap3A_49 = vector.shape_cast %broadcast_in_dim3A_9 : vector<16xf32> to vector<1x16xf32>
      tpu.vector_store %arg6[%swap3A_45, %swap3A_46], %swap3A_49 {strides = array<i32>} : memref<56x16xf32, #tpu.memory_space<vmem>>, vector<1x16xf32>,
      %scan3A_50 = arith.constant 0 : i32
      scf.yield %scan3A_50 : i32
    }
    %scan3A_16 = arith.constant 56 : i32
    %scan3A_17 = arith.constant 0 : i32
    %scan3A_18 = arith.constant 0 : i32
    %scan3A_19 = arith.constant 56 : i32
    %scan3A_20 = arith.addi %scan3A_18, %scan3A_19 : i32
    %scan3A_21 = arith.constant 1 : i32
    %scan3A_22 = scf.for %scan3A_36 = %scan3A_18 to %scan3A_20 step %scan3A_21 iter_args(%scan3A_37 = %scan3A_17) -> (i32)  : i32 {
      %mul3A_38 = arith.constant 3136 : i32
      %mul3A_39 = arith.muli %arg1, %mul3A_38 : i32
      %mul3A_40 = arith.constant 56 : i32
      %mul3A_41 = arith.muli %scan3A_36, %mul3A_40 : i32
      %add3A_42 = arith.addi %mul3A_39, %mul3A_41 : i32
      "tpu.region"() ({
        %run_scoped3A = tpu.sem_alloc : memref<!tpu.dma_semaphore, #tpu.memory_space<semaphore_mem>>
        %dma_start3A = arith.constant 0 : i32
        %dma_start3A_44 = tpu.memref_slice %arg7[%add3A_42, %dma_start3A] : memref<50176x16xf32, #tpu.memory_space<vmem_shared>> -> memref<56x16xf32, #tpu.memory_space<vmem_shared>>
        %dma_start3A_45 = arith.constant 0 : i32
        %dma_start3A_46 = tpu.memref_slice %arg7[%add3A_42, %dma_start3A_45] : memref<50176x16xf32, #tpu.memory_space<vmem_shared>> -> memref<56x16xf32, #tpu.memory_space<vmem_shared>>
        tpu.enqueue_dma source(%arg6 : memref<56x16xf32, #tpu.memory_space<vmem>>) target(%dma_start3A_46 : memref<56x16xf32, #tpu.memory_space<vmem_shared>>) target_semaphore(%run_scoped3A : memref<!tpu.dma_semaphore, #tpu.memory_space<semaphore_mem>>)
        %dma_wait3A = arith.constant 0 : i32
        %dma_wait3A_47 = tpu.memref_slice %arg7[%add3A_42, %dma_wait3A] : memref<50176x16xf32, #tpu.memory_space<vmem_shared>> -> memref<56x16xf32, #tpu.memory_space<vmem_shared>>
        %dma_wait3A_48 = arith.constant 0 : i32
        %dma_wait3A_49 = tpu.memref_slice %arg7[%add3A_42, %dma_wait3A_48] : memref<50176x16xf32, #tpu.memory_space<vmem_shared>> -> memref<56x16xf32, #tpu.memory_space<vmem_shared>>
        tpu.wait_dma2 semaphore(%run_scoped3A : memref<!tpu.dma_semaphore, #tpu.memory_space<semaphore_mem>>) src(%arg6 : memref<56x16xf32, #tpu.memory_space<vmem>>) dst(%dma_wait3A_49 : memref<56x16xf32, #tpu.memory_space<vmem_shared>>)
        tpu.yield
      }) : () -> ()
      %scan3A_43 = arith.constant 0 : i32
      scf.yield %scan3A_43 : i32
    }
    %scan3A_23 = arith.constant 56 : i32
    %barrier3A = arith.constant 0 : index
    tpu.barrier barrier_id(%barrier3A)
    %scan3A_24 = arith.constant 0 : i32
    %scan3A_25 = arith.constant 0 : i32
    %scan3A_26 = arith.constant 25 : i32
    %scan3A_27 = arith.addi %scan3A_25, %scan3A_26 : i32
    %scan3A_28 = arith.constant 1 : i32
    %scan3A_29 = scf.for %scan3A_36 = %scan3A_25 to %scan3A_27 step %scan3A_28 iter_args(%scan3A_37 = %scan3A_24) -> (i32)  : i32 {
      %mul3A_38 = arith.constant 8 : i32
      %mul3A_39 = arith.muli %scan3A_36, %mul3A_38 : i32
      "tpu.region"() ({
        %run_scoped3A = tpu.sem_alloc : memref<!tpu.dma_semaphore, #tpu.memory_space<semaphore_mem>>
        %dma_start3A = arith.constant 0 : i32
        %dma_start3A_48 = tpu.memref_slice %arg2[%add3A, %mul3A_39, %dma_start3A] : memref<32x200x128xi32, #tpu.memory_space<hbm>> -> memref<1x8x128xi32, #tpu.memory_space<hbm>>
        %dma_start3A_49 = tpu.memref_squeeze %dma_start3A_48 : memref<1x8x128xi32, #tpu.memory_space<hbm>> -> memref<8x128xi32, #tpu.memory_space<hbm>>
        %dma_start3A_50 = arith.constant 0 : i32
        %dma_start3A_51 = tpu.memref_slice %arg2[%add3A, %mul3A_39, %dma_start3A_50] : memref<32x200x128xi32, #tpu.memory_space<hbm>> -> memref<1x8x128xi32, #tpu.memory_space<hbm>>
        %dma_start3A_52 = tpu.memref_squeeze %dma_start3A_51 : memref<1x8x128xi32, #tpu.memory_space<hbm>> -> memref<8x128xi32, #tpu.memory_space<hbm>>
        tpu.enqueue_dma source(%dma_start3A_52 : memref<8x128xi32, #tpu.memory_space<hbm>>) target(%arg4 : memref<8x128xi32, #tpu.memory_space<vmem>>) target_semaphore(%run_scoped3A : memref<!tpu.dma_semaphore, #tpu.memory_space<semaphore_mem>>)
        %dma_wait3A = arith.constant 0 : i32
        %dma_wait3A_53 = tpu.memref_slice %arg2[%add3A, %mul3A_39, %dma_wait3A] : memref<32x200x128xi32, #tpu.memory_space<hbm>> -> memref<1x8x128xi32, #tpu.memory_space<hbm>>
        %dma_wait3A_54 = tpu.memref_squeeze %dma_wait3A_53 : memref<1x8x128xi32, #tpu.memory_space<hbm>> -> memref<8x128xi32, #tpu.memory_space<hbm>>
        %dma_wait3A_55 = arith.constant 0 : i32
        %dma_wait3A_56 = tpu.memref_slice %arg2[%add3A, %mul3A_39, %dma_wait3A_55] : memref<32x200x128xi32, #tpu.memory_space<hbm>> -> memref<1x8x128xi32, #tpu.memory_space<hbm>>
        %dma_wait3A_57 = tpu.memref_squeeze %dma_wait3A_56 : memref<1x8x128xi32, #tpu.memory_space<hbm>> -> memref<8x128xi32, #tpu.memory_space<hbm>>
        tpu.wait_dma2 semaphore(%run_scoped3A : memref<!tpu.dma_semaphore, #tpu.memory_space<semaphore_mem>>) src(%dma_wait3A_57 : memref<8x128xi32, #tpu.memory_space<hbm>>) dst(%arg4 : memref<8x128xi32, #tpu.memory_space<vmem>>)
        tpu.yield
      }) : () -> ()
      %scan3A_40 = arith.constant 0 : i32
      %scan3A_41 = arith.constant 0 : i32
      %scan3A_42 = arith.constant 8 : i32
      %scan3A_43 = arith.addi %scan3A_41, %scan3A_42 : i32
      %scan3A_44 = arith.constant 1 : i32
      %scan3A_45 = scf.for %scan3A_48 = %scan3A_41 to %scan3A_43 step %scan3A_44 iter_args(%scan3A_49 = %scan3A_40) -> (i32)  : i32 {
        "tpu.region"() ({
          %run_scoped3A = tpu.sem_alloc : memref<!tpu.dma_semaphore, #tpu.memory_space<semaphore_mem>>
          %dma_start3A = arith.constant 0 : i32
          %dma_start3A_51 = tpu.memref_slice %arg4[%scan3A_48, %dma_start3A] : memref<8x128xi32, #tpu.memory_space<vmem>> -> memref<1x128xi32, #tpu.memory_space<vmem>>
          %dma_start3A_52 = tpu.memref_squeeze %dma_start3A_51 : memref<1x128xi32, #tpu.memory_space<vmem>> -> memref<128xi32, #tpu.memory_space<vmem>>
          %dma_start3A_53 = arith.constant 0 : i32
          %dma_start3A_54 = arith.constant 0 : i32
          %dma_start3A_55 = tpu.memref_slice %arg7[%dma_start3A_53, %dma_start3A_54] : memref<50176x16xf32, #tpu.memory_space<vmem_shared>> -> memref<50176x16xf32, #tpu.memory_space<vmem_shared>>
          tpu.enqueue_indirect_dma source(%arg5 : memref<128x16xf32, #tpu.memory_space<vmem>>) target(%dma_start3A_55 : memref<50176x16xf32, #tpu.memory_space<vmem_shared>>) offsets(%dma_start3A_52 : memref<128xi32, #tpu.memory_space<vmem>>) semaphore(%run_scoped3A : memref<!tpu.dma_semaphore, #tpu.memory_space<semaphore_mem>>) {add = true}
          %dma_wait3A = arith.constant 0 : i32
          %dma_wait3A_56 = tpu.memref_slice %arg4[%scan3A_48, %dma_wait3A] : memref<8x128xi32, #tpu.memory_space<vmem>> -> memref<1x128xi32, #tpu.memory_space<vmem>>
          %dma_wait3A_57 = tpu.memref_squeeze %dma_wait3A_56 : memref<1x128xi32, #tpu.memory_space<vmem>> -> memref<128xi32, #tpu.memory_space<vmem>>
          %dma_wait3A_58 = arith.constant 0 : i32
          %dma_wait3A_59 = arith.constant 0 : i32
          %dma_wait3A_60 = tpu.memref_slice %arg7[%dma_wait3A_58, %dma_wait3A_59] : memref<50176x16xf32, #tpu.memory_space<vmem_shared>> -> memref<50176x16xf32, #tpu.memory_space<vmem_shared>>
          tpu.wait_indirect_dma semaphore(%run_scoped3A : memref<!tpu.dma_semaphore, #tpu.memory_space<semaphore_mem>>) src(%arg5 : memref<128x16xf32, #tpu.memory_space<vmem>>) dst(%dma_wait3A_60 : memref<50176x16xf32, #tpu.memory_space<vmem_shared>>)
          tpu.yield
        }) : () -> ()
        %scan3A_50 = arith.constant 0 : i32
        scf.yield %scan3A_50 : i32
      }
      %scan3A_46 = arith.constant 8 : i32
      %scan3A_47 = arith.constant 0 : i32
      scf.yield %scan3A_47 : i32
    }
    %scan3A_30 = arith.constant 25 : i32
    %barrier3A_31 = arith.constant 0 : index
    tpu.barrier barrier_id(%barrier3A_31)
    %mul3A_32 = arith.constant 3128 : i32
    %mul3A_33 = arith.muli %arg1, %mul3A_32 : i32
    %mul3A_34 = arith.constant 3128 : i32
    %mul3A_35 = arith.muli %arg1, %mul3A_34 : i32
    "tpu.region"() ({
      %run_scoped3A = tpu.sem_alloc : memref<!tpu.dma_semaphore, #tpu.memory_space<semaphore_mem>>
      %dma_start3A = arith.constant 0 : i32
      %dma_start3A_36 = tpu.memref_slice %arg3[%arg0, %mul3A_35, %dma_start3A] : memref<2x50048x16xf32, #tpu.memory_space<hbm>> -> memref<1x3128x16xf32, #tpu.memory_space<hbm>>
      %dma_start3A_37 = tpu.memref_squeeze %dma_start3A_36 : memref<1x3128x16xf32, #tpu.memory_space<hbm>> -> memref<3128x16xf32, #tpu.memory_space<hbm>>
      %dma_start3A_38 = arith.constant 0 : i32
      %dma_start3A_39 = tpu.memref_slice %arg7[%mul3A_33, %dma_start3A_38] : memref<50176x16xf32, #tpu.memory_space<vmem_shared>> -> memref<3128x16xf32, #tpu.memory_space<vmem_shared>>
      tpu.enqueue_dma source(%dma_start3A_39 : memref<3128x16xf32, #tpu.memory_space<vmem_shared>>) target(%dma_start3A_37 : memref<3128x16xf32, #tpu.memory_space<hbm>>) target_semaphore(%run_scoped3A : memref<!tpu.dma_semaphore, #tpu.memory_space<semaphore_mem>>)
      %dma_wait3A = arith.constant 0 : i32
      %dma_wait3A_40 = tpu.memref_slice %arg3[%arg0, %mul3A_35, %dma_wait3A] : memref<2x50048x16xf32, #tpu.memory_space<hbm>> -> memref<1x3128x16xf32, #tpu.memory_space<hbm>>
      %dma_wait3A_41 = tpu.memref_squeeze %dma_wait3A_40 : memref<1x3128x16xf32, #tpu.memory_space<hbm>> -> memref<3128x16xf32, #tpu.memory_space<hbm>>
      %dma_wait3A_42 = arith.constant 0 : i32
      %dma_wait3A_43 = tpu.memref_slice %arg7[%mul3A_33, %dma_wait3A_42] : memref<50176x16xf32, #tpu.memory_space<vmem_shared>> -> memref<3128x16xf32, #tpu.memory_space<vmem_shared>>
      tpu.wait_dma2 semaphore(%run_scoped3A : memref<!tpu.dma_semaphore, #tpu.memory_space<semaphore_mem>>) src(%dma_wait3A_43 : memref<3128x16xf32, #tpu.memory_space<vmem_shared>>) dst(%dma_wait3A_41 : memref<3128x16xf32, #tpu.memory_space<hbm>>)
      tpu.yield
    }) : () -> ()
    return
  }
}

#map = affine_map<(d0, d1) -> (0, 0)>
#map1 = affine_map<(d0, d1) -> (0, 0, 0)>
module attributes {stable_mosaic.version = 14 : i64} {
  func.func @agg_kernel(%arg0: i32, %arg1: i32, %arg2: memref<50000x32xf32, #tpu.memory_space<hbm>>, %arg3: memref<50000x32xf32, #tpu.memory_space<hbm>>, %arg4: memref<50000x32xf32, #tpu.memory_space<hbm>>, %arg5: memref<50000x32xf32, #tpu.memory_space<hbm>>, %arg6: memref<32x200x128xi32, #tpu.memory_space<hbm>>, %arg7: memref<32x200x128xi32, #tpu.memory_space<hbm>>, %arg8: memref<2x50048x32xf32, #tpu.memory_space<hbm>>, %arg9: memref<2x50048x32xf32, #tpu.memory_space<hbm>>, %arg10: memref<2x50048x32xf32, #tpu.memory_space<hbm>>, %arg11: memref<2x50048x32xf32, #tpu.memory_space<hbm>>, %arg12: memref<8x128xi32, #tpu.memory_space<vmem>>, %arg13: memref<8x128xi32, #tpu.memory_space<vmem>>, %arg14: memref<128x32xf32, #tpu.memory_space<vmem>>, %arg15: memref<128x32xf32, #tpu.memory_space<vmem>>, %arg16: memref<56x32xf32, #tpu.memory_space<vmem>>, %arg17: memref<50176x32xf32, #tpu.memory_space<vmem_shared>>, %arg18: memref<!tpu.dma_semaphore, #tpu.memory_space<semaphore_mem>>, %arg19: memref<!tpu.dma_semaphore, #tpu.memory_space<semaphore_mem>>) attributes {dimension_semantics = [#tpu.dimension_semantics<core_parallel>, #tpu.dimension_semantics<subcore_parallel>], iteration_bounds = array<i64: 2, 16>, scalar_prefetch = 0 : i64, scratch_operands = 8 : i64, tpu.core_type = #tpu.core_type<sc_vector_subcore>, window_params = [{transform_indices = #map}, {transform_indices = #map}, {transform_indices = #map}, {transform_indices = #map}, {transform_indices = #map1}, {transform_indices = #map1}, {transform_indices = #map1}, {transform_indices = #map1}, {transform_indices = #map1}, {transform_indices = #map1}]} {
    %mul3A = arith.constant 16 : i32
    %mul3A_0 = arith.muli %arg0, %mul3A : i32
    %add3A = arith.addi %mul3A_0, %arg1 : i32
    %broadcast_in_dim3A = arith.constant 0.000000e+00 : f32
    %broadcast_in_dim3A_1 = vector.broadcast %broadcast_in_dim3A : f32 to vector<16xf32>
    %scan3A = arith.constant 0 : i32
    %scan3A_2 = arith.constant 0 : i32
    %scan3A_3 = arith.constant 56 : i32
    %scan3A_4 = arith.addi %scan3A_2, %scan3A_3 : i32
    %scan3A_5 = arith.constant 2 : i32
    %scan3A_6 = scf.for %scan3A_90 = %scan3A_2 to %scan3A_4 step %scan3A_5 iter_args(%scan3A_91 = %scan3A) -> (i32)  : i32 {
      %swap3A = arith.index_cast %scan3A_90 : i32 to index
      %swap3A_92 = arith.constant 0 : index
      %swap3A_93 = tpu.vector_load %arg16[%swap3A, %swap3A_92] {strides = array<i32>} : memref<56x32xf32, #tpu.memory_space<vmem>>, vector<1x16xf32>,
      %swap3A_94 = vector.shape_cast %swap3A_93 : vector<1x16xf32> to vector<16xf32>
      %swap3A_95 = vector.shape_cast %broadcast_in_dim3A_1 : vector<16xf32> to vector<1x16xf32>
      tpu.vector_store %arg16[%swap3A, %swap3A_92], %swap3A_95 {strides = array<i32>} : memref<56x32xf32, #tpu.memory_space<vmem>>, vector<1x16xf32>,
      %swap3A_96 = arith.index_cast %scan3A_90 : i32 to index
      %swap3A_97 = arith.constant 16 : index
      %swap3A_98 = tpu.vector_load %arg16[%swap3A_96, %swap3A_97] {strides = array<i32>} : memref<56x32xf32, #tpu.memory_space<vmem>>, vector<1x16xf32>,
      %swap3A_99 = vector.shape_cast %swap3A_98 : vector<1x16xf32> to vector<16xf32>
      %swap3A_100 = vector.shape_cast %broadcast_in_dim3A_1 : vector<16xf32> to vector<1x16xf32>
      tpu.vector_store %arg16[%swap3A_96, %swap3A_97], %swap3A_100 {strides = array<i32>} : memref<56x32xf32, #tpu.memory_space<vmem>>, vector<1x16xf32>,
      %scan3A_101 = arith.constant 0 : i32
      %scan3A_102 = arith.constant 1 : i32
      %scan3A_103 = arith.addi %scan3A_90, %scan3A_102 : i32
      %swap3A_104 = arith.index_cast %scan3A_103 : i32 to index
      %swap3A_105 = arith.constant 0 : index
      %swap3A_106 = tpu.vector_load %arg16[%swap3A_104, %swap3A_105] {strides = array<i32>} : memref<56x32xf32, #tpu.memory_space<vmem>>, vector<1x16xf32>,
      %swap3A_107 = vector.shape_cast %swap3A_106 : vector<1x16xf32> to vector<16xf32>
      %swap3A_108 = vector.shape_cast %broadcast_in_dim3A_1 : vector<16xf32> to vector<1x16xf32>
      tpu.vector_store %arg16[%swap3A_104, %swap3A_105], %swap3A_108 {strides = array<i32>} : memref<56x32xf32, #tpu.memory_space<vmem>>, vector<1x16xf32>,
      %swap3A_109 = arith.index_cast %scan3A_103 : i32 to index
      %swap3A_110 = arith.constant 16 : index
      %swap3A_111 = tpu.vector_load %arg16[%swap3A_109, %swap3A_110] {strides = array<i32>} : memref<56x32xf32, #tpu.memory_space<vmem>>, vector<1x16xf32>,
      %swap3A_112 = vector.shape_cast %swap3A_111 : vector<1x16xf32> to vector<16xf32>
      %swap3A_113 = vector.shape_cast %broadcast_in_dim3A_1 : vector<16xf32> to vector<1x16xf32>
      tpu.vector_store %arg16[%swap3A_109, %swap3A_110], %swap3A_113 {strides = array<i32>} : memref<56x32xf32, #tpu.memory_space<vmem>>, vector<1x16xf32>,
      %scan3A_114 = arith.constant 0 : i32
      scf.yield %scan3A_114 : i32
    }
    %scan3A_7 = arith.constant 56 : i32
    %scan3A_8 = arith.constant 0 : i32
    %scan3A_9 = arith.constant 0 : i32
    %scan3A_10 = arith.constant 56 : i32
    %scan3A_11 = arith.addi %scan3A_9, %scan3A_10 : i32
    %scan3A_12 = arith.constant 1 : i32
    %scan3A_13 = scf.for %scan3A_90 = %scan3A_9 to %scan3A_11 step %scan3A_12 iter_args(%scan3A_91 = %scan3A_8) -> (i32)  : i32 {
      %mul3A_92 = arith.constant 3136 : i32
      %mul3A_93 = arith.muli %arg1, %mul3A_92 : i32
      %mul3A_94 = arith.constant 56 : i32
      %mul3A_95 = arith.muli %scan3A_90, %mul3A_94 : i32
      %add3A_96 = arith.addi %mul3A_93, %mul3A_95 : i32
      "tpu.region"() ({
        %run_scoped3A = tpu.sem_alloc : memref<!tpu.dma_semaphore, #tpu.memory_space<semaphore_mem>>
        %dma_start3A = arith.constant 0 : i32
        %dma_start3A_98 = tpu.memref_slice %arg17[%add3A_96, %dma_start3A] : memref<50176x32xf32, #tpu.memory_space<vmem_shared>> -> memref<56x32xf32, #tpu.memory_space<vmem_shared>>
        %dma_start3A_99 = arith.constant 0 : i32
        %dma_start3A_100 = tpu.memref_slice %arg17[%add3A_96, %dma_start3A_99] : memref<50176x32xf32, #tpu.memory_space<vmem_shared>> -> memref<56x32xf32, #tpu.memory_space<vmem_shared>>
        tpu.enqueue_dma source(%arg16 : memref<56x32xf32, #tpu.memory_space<vmem>>) target(%dma_start3A_100 : memref<56x32xf32, #tpu.memory_space<vmem_shared>>) target_semaphore(%run_scoped3A : memref<!tpu.dma_semaphore, #tpu.memory_space<semaphore_mem>>)
        %dma_wait3A = arith.constant 0 : i32
        %dma_wait3A_101 = tpu.memref_slice %arg17[%add3A_96, %dma_wait3A] : memref<50176x32xf32, #tpu.memory_space<vmem_shared>> -> memref<56x32xf32, #tpu.memory_space<vmem_shared>>
        %dma_wait3A_102 = arith.constant 0 : i32
        %dma_wait3A_103 = tpu.memref_slice %arg17[%add3A_96, %dma_wait3A_102] : memref<50176x32xf32, #tpu.memory_space<vmem_shared>> -> memref<56x32xf32, #tpu.memory_space<vmem_shared>>
        tpu.wait_dma2 semaphore(%run_scoped3A : memref<!tpu.dma_semaphore, #tpu.memory_space<semaphore_mem>>) src(%arg16 : memref<56x32xf32, #tpu.memory_space<vmem>>) dst(%dma_wait3A_103 : memref<56x32xf32, #tpu.memory_space<vmem_shared>>)
        tpu.yield
      }) : () -> ()
      %scan3A_97 = arith.constant 0 : i32
      scf.yield %scan3A_97 : i32
    }
    %scan3A_14 = arith.constant 56 : i32
    %barrier3A = arith.constant 0 : index
    tpu.barrier barrier_id(%barrier3A)
    %scan3A_15 = arith.constant 0 : i32
    %scan3A_16 = arith.constant 0 : i32
    %scan3A_17 = arith.constant 25 : i32
    %scan3A_18 = arith.addi %scan3A_16, %scan3A_17 : i32
    %scan3A_19 = arith.constant 1 : i32
    %scan3A_20 = scf.for %scan3A_90 = %scan3A_16 to %scan3A_18 step %scan3A_19 iter_args(%scan3A_91 = %scan3A_15) -> (i32)  : i32 {
      %mul3A_92 = arith.constant 8 : i32
      %mul3A_93 = arith.muli %scan3A_90, %mul3A_92 : i32
      "tpu.region"() ({
        %run_scoped3A = tpu.sem_alloc : memref<!tpu.dma_semaphore, #tpu.memory_space<semaphore_mem>>
        %dma_start3A = arith.constant 0 : i32
        %dma_start3A_104 = tpu.memref_slice %arg6[%add3A, %mul3A_93, %dma_start3A] : memref<32x200x128xi32, #tpu.memory_space<hbm>> -> memref<1x8x128xi32, #tpu.memory_space<hbm>>
        %dma_start3A_105 = tpu.memref_squeeze %dma_start3A_104 : memref<1x8x128xi32, #tpu.memory_space<hbm>> -> memref<8x128xi32, #tpu.memory_space<hbm>>
        %dma_start3A_106 = arith.constant 0 : i32
        %dma_start3A_107 = tpu.memref_slice %arg6[%add3A, %mul3A_93, %dma_start3A_106] : memref<32x200x128xi32, #tpu.memory_space<hbm>> -> memref<1x8x128xi32, #tpu.memory_space<hbm>>
        %dma_start3A_108 = tpu.memref_squeeze %dma_start3A_107 : memref<1x8x128xi32, #tpu.memory_space<hbm>> -> memref<8x128xi32, #tpu.memory_space<hbm>>
        tpu.enqueue_dma source(%dma_start3A_108 : memref<8x128xi32, #tpu.memory_space<hbm>>) target(%arg12 : memref<8x128xi32, #tpu.memory_space<vmem>>) target_semaphore(%run_scoped3A : memref<!tpu.dma_semaphore, #tpu.memory_space<semaphore_mem>>)
        %dma_wait3A = arith.constant 0 : i32
        %dma_wait3A_109 = tpu.memref_slice %arg6[%add3A, %mul3A_93, %dma_wait3A] : memref<32x200x128xi32, #tpu.memory_space<hbm>> -> memref<1x8x128xi32, #tpu.memory_space<hbm>>
        %dma_wait3A_110 = tpu.memref_squeeze %dma_wait3A_109 : memref<1x8x128xi32, #tpu.memory_space<hbm>> -> memref<8x128xi32, #tpu.memory_space<hbm>>
        %dma_wait3A_111 = arith.constant 0 : i32
        %dma_wait3A_112 = tpu.memref_slice %arg6[%add3A, %mul3A_93, %dma_wait3A_111] : memref<32x200x128xi32, #tpu.memory_space<hbm>> -> memref<1x8x128xi32, #tpu.memory_space<hbm>>
        %dma_wait3A_113 = tpu.memref_squeeze %dma_wait3A_112 : memref<1x8x128xi32, #tpu.memory_space<hbm>> -> memref<8x128xi32, #tpu.memory_space<hbm>>
        tpu.wait_dma2 semaphore(%run_scoped3A : memref<!tpu.dma_semaphore, #tpu.memory_space<semaphore_mem>>) src(%dma_wait3A_113 : memref<8x128xi32, #tpu.memory_space<hbm>>) dst(%arg12 : memref<8x128xi32, #tpu.memory_space<vmem>>)
        tpu.yield
      }) : () -> ()
      %mul3A_94 = arith.constant 8 : i32
      %mul3A_95 = arith.muli %scan3A_90, %mul3A_94 : i32
      "tpu.region"() ({
        %run_scoped3A = tpu.sem_alloc : memref<!tpu.dma_semaphore, #tpu.memory_space<semaphore_mem>>
        %dma_start3A = arith.constant 0 : i32
        %dma_start3A_104 = tpu.memref_slice %arg7[%add3A, %mul3A_95, %dma_start3A] : memref<32x200x128xi32, #tpu.memory_space<hbm>> -> memref<1x8x128xi32, #tpu.memory_space<hbm>>
        %dma_start3A_105 = tpu.memref_squeeze %dma_start3A_104 : memref<1x8x128xi32, #tpu.memory_space<hbm>> -> memref<8x128xi32, #tpu.memory_space<hbm>>
        %dma_start3A_106 = arith.constant 0 : i32
        %dma_start3A_107 = tpu.memref_slice %arg7[%add3A, %mul3A_95, %dma_start3A_106] : memref<32x200x128xi32, #tpu.memory_space<hbm>> -> memref<1x8x128xi32, #tpu.memory_space<hbm>>
        %dma_start3A_108 = tpu.memref_squeeze %dma_start3A_107 : memref<1x8x128xi32, #tpu.memory_space<hbm>> -> memref<8x128xi32, #tpu.memory_space<hbm>>
        tpu.enqueue_dma source(%dma_start3A_108 : memref<8x128xi32, #tpu.memory_space<hbm>>) target(%arg13 : memref<8x128xi32, #tpu.memory_space<vmem>>) target_semaphore(%run_scoped3A : memref<!tpu.dma_semaphore, #tpu.memory_space<semaphore_mem>>)
        %dma_wait3A = arith.constant 0 : i32
        %dma_wait3A_109 = tpu.memref_slice %arg7[%add3A, %mul3A_95, %dma_wait3A] : memref<32x200x128xi32, #tpu.memory_space<hbm>> -> memref<1x8x128xi32, #tpu.memory_space<hbm>>
        %dma_wait3A_110 = tpu.memref_squeeze %dma_wait3A_109 : memref<1x8x128xi32, #tpu.memory_space<hbm>> -> memref<8x128xi32, #tpu.memory_space<hbm>>
        %dma_wait3A_111 = arith.constant 0 : i32
        %dma_wait3A_112 = tpu.memref_slice %arg7[%add3A, %mul3A_95, %dma_wait3A_111] : memref<32x200x128xi32, #tpu.memory_space<hbm>> -> memref<1x8x128xi32, #tpu.memory_space<hbm>>
        %dma_wait3A_113 = tpu.memref_squeeze %dma_wait3A_112 : memref<1x8x128xi32, #tpu.memory_space<hbm>> -> memref<8x128xi32, #tpu.memory_space<hbm>>
        tpu.wait_dma2 semaphore(%run_scoped3A : memref<!tpu.dma_semaphore, #tpu.memory_space<semaphore_mem>>) src(%dma_wait3A_113 : memref<8x128xi32, #tpu.memory_space<hbm>>) dst(%arg13 : memref<8x128xi32, #tpu.memory_space<vmem>>)
        tpu.yield
      }) : () -> ()
      %scan3A_96 = arith.constant 0 : i32
      %scan3A_97 = arith.constant 0 : i32
      %scan3A_98 = arith.constant 4 : i32
      %scan3A_99 = arith.addi %scan3A_97, %scan3A_98 : i32
      %scan3A_100 = arith.constant 1 : i32
      %scan3A_101 = scf.for %scan3A_104 = %scan3A_97 to %scan3A_99 step %scan3A_100 iter_args(%scan3A_105 = %scan3A_96) -> (i32)  : i32 {
        %mul3A_106 = arith.constant 2 : i32
        %mul3A_107 = arith.muli %scan3A_104, %mul3A_106 : i32
        %dma_start3A = arith.constant 0 : i32
        %dma_start3A_108 = tpu.memref_slice %arg12[%mul3A_107, %dma_start3A] : memref<8x128xi32, #tpu.memory_space<vmem>> -> memref<1x128xi32, #tpu.memory_space<vmem>>
        %dma_start3A_109 = tpu.memref_squeeze %dma_start3A_108 : memref<1x128xi32, #tpu.memory_space<vmem>> -> memref<128xi32, #tpu.memory_space<vmem>>
        %dma_start3A_110 = arith.constant 0 : i32
        %dma_start3A_111 = arith.constant 0 : i32
        %dma_start3A_112 = tpu.memref_slice %arg2[%dma_start3A_110, %dma_start3A_111] : memref<50000x32xf32, #tpu.memory_space<hbm>> -> memref<50000x32xf32, #tpu.memory_space<hbm>>
        tpu.enqueue_indirect_dma source(%dma_start3A_112 : memref<50000x32xf32, #tpu.memory_space<hbm>>) target(%arg14 : memref<128x32xf32, #tpu.memory_space<vmem>>) offsets(%dma_start3A_109 : memref<128xi32, #tpu.memory_space<vmem>>) semaphore(%arg18 : memref<!tpu.dma_semaphore, #tpu.memory_space<semaphore_mem>>)
        %add3A_113 = arith.constant 1 : i32
        %add3A_114 = arith.addi %mul3A_107, %add3A_113 : i32
        %dma_start3A_115 = arith.constant 0 : i32
        %dma_start3A_116 = tpu.memref_slice %arg12[%add3A_114, %dma_start3A_115] : memref<8x128xi32, #tpu.memory_space<vmem>> -> memref<1x128xi32, #tpu.memory_space<vmem>>
        %dma_start3A_117 = tpu.memref_squeeze %dma_start3A_116 : memref<1x128xi32, #tpu.memory_space<vmem>> -> memref<128xi32, #tpu.memory_space<vmem>>
        %dma_start3A_118 = arith.constant 0 : i32
        %dma_start3A_119 = arith.constant 0 : i32
        %dma_start3A_120 = tpu.memref_slice %arg2[%dma_start3A_118, %dma_start3A_119] : memref<50000x32xf32, #tpu.memory_space<hbm>> -> memref<50000x32xf32, #tpu.memory_space<hbm>>
        tpu.enqueue_indirect_dma source(%dma_start3A_120 : memref<50000x32xf32, #tpu.memory_space<hbm>>) target(%arg15 : memref<128x32xf32, #tpu.memory_space<vmem>>) offsets(%dma_start3A_117 : memref<128xi32, #tpu.memory_space<vmem>>) semaphore(%arg19 : memref<!tpu.dma_semaphore, #tpu.memory_space<semaphore_mem>>)
        %dma_wait3A = arith.constant 0 : i32
        %dma_wait3A_121 = tpu.memref_slice %arg12[%mul3A_107, %dma_wait3A] : memref<8x128xi32, #tpu.memory_space<vmem>> -> memref<1x128xi32, #tpu.memory_space<vmem>>
        %dma_wait3A_122 = tpu.memref_squeeze %dma_wait3A_121 : memref<1x128xi32, #tpu.memory_space<vmem>> -> memref<128xi32, #tpu.memory_space<vmem>>
        %dma_wait3A_123 = arith.constant 0 : i32
        %dma_wait3A_124 = arith.constant 0 : i32
        %dma_wait3A_125 = tpu.memref_slice %arg2[%dma_wait3A_123, %dma_wait3A_124] : memref<50000x32xf32, #tpu.memory_space<hbm>> -> memref<50000x32xf32, #tpu.memory_space<hbm>>
        tpu.wait_indirect_dma semaphore(%arg18 : memref<!tpu.dma_semaphore, #tpu.memory_space<semaphore_mem>>) src(%dma_wait3A_125 : memref<50000x32xf32, #tpu.memory_space<hbm>>) dst(%arg14 : memref<128x32xf32, #tpu.memory_space<vmem>>)
        "tpu.region"() ({
          %run_scoped3A = tpu.sem_alloc : memref<!tpu.dma_semaphore, #tpu.memory_space<semaphore_mem>>
          %dma_start3A_135 = arith.constant 0 : i32
          %dma_start3A_136 = tpu.memref_slice %arg13[%mul3A_107, %dma_start3A_135] : memref<8x128xi32, #tpu.memory_space<vmem>> -> memref<1x128xi32, #tpu.memory_space<vmem>>
          %dma_start3A_137 = tpu.memref_squeeze %dma_start3A_136 : memref<1x128xi32, #tpu.memory_space<vmem>> -> memref<128xi32, #tpu.memory_space<vmem>>
          %dma_start3A_138 = arith.constant 0 : i32
          %dma_start3A_139 = arith.constant 0 : i32
          %dma_start3A_140 = tpu.memref_slice %arg17[%dma_start3A_138, %dma_start3A_139] : memref<50176x32xf32, #tpu.memory_space<vmem_shared>> -> memref<50176x32xf32, #tpu.memory_space<vmem_shared>>
          tpu.enqueue_indirect_dma source(%arg14 : memref<128x32xf32, #tpu.memory_space<vmem>>) target(%dma_start3A_140 : memref<50176x32xf32, #tpu.memory_space<vmem_shared>>) offsets(%dma_start3A_137 : memref<128xi32, #tpu.memory_space<vmem>>) semaphore(%run_scoped3A : memref<!tpu.dma_semaphore, #tpu.memory_space<semaphore_mem>>) {add = true}
          %dma_wait3A_141 = arith.constant 0 : i32
          %dma_wait3A_142 = tpu.memref_slice %arg13[%mul3A_107, %dma_wait3A_141] : memref<8x128xi32, #tpu.memory_space<vmem>> -> memref<1x128xi32, #tpu.memory_space<vmem>>
          %dma_wait3A_143 = tpu.memref_squeeze %dma_wait3A_142 : memref<1x128xi32, #tpu.memory_space<vmem>> -> memref<128xi32, #tpu.memory_space<vmem>>
          %dma_wait3A_144 = arith.constant 0 : i32
          %dma_wait3A_145 = arith.constant 0 : i32
          %dma_wait3A_146 = tpu.memref_slice %arg17[%dma_wait3A_144, %dma_wait3A_145] : memref<50176x32xf32, #tpu.memory_space<vmem_shared>> -> memref<50176x32xf32, #tpu.memory_space<vmem_shared>>
          tpu.wait_indirect_dma semaphore(%run_scoped3A : memref<!tpu.dma_semaphore, #tpu.memory_space<semaphore_mem>>) src(%arg14 : memref<128x32xf32, #tpu.memory_space<vmem>>) dst(%dma_wait3A_146 : memref<50176x32xf32, #tpu.memory_space<vmem_shared>>)
          tpu.yield
        }) : () -> ()
        %dma_wait3A_126 = arith.constant 0 : i32
        %dma_wait3A_127 = tpu.memref_slice %arg12[%add3A_114, %dma_wait3A_126] : memref<8x128xi32, #tpu.memory_space<vmem>> -> memref<1x128xi32, #tpu.memory_space<vmem>>
        %dma_wait3A_128 = tpu.memref_squeeze %dma_wait3A_127 : memref<1x128xi32, #tpu.memory_space<vmem>> -> memref<128xi32, #tpu.memory_space<vmem>>
        %dma_wait3A_129 = arith.constant 0 : i32
        %dma_wait3A_130 = arith.constant 0 : i32
        %dma_wait3A_131 = tpu.memref_slice %arg2[%dma_wait3A_129, %dma_wait3A_130] : memref<50000x32xf32, #tpu.memory_space<hbm>> -> memref<50000x32xf32, #tpu.memory_space<hbm>>
        tpu.wait_indirect_dma semaphore(%arg19 : memref<!tpu.dma_semaphore, #tpu.memory_space<semaphore_mem>>) src(%dma_wait3A_131 : memref<50000x32xf32, #tpu.memory_space<hbm>>) dst(%arg15 : memref<128x32xf32, #tpu.memory_space<vmem>>)
        %add3A_132 = arith.constant 1 : i32
        %add3A_133 = arith.addi %mul3A_107, %add3A_132 : i32
        "tpu.region"() ({
          %run_scoped3A = tpu.sem_alloc : memref<!tpu.dma_semaphore, #tpu.memory_space<semaphore_mem>>
          %dma_start3A_135 = arith.constant 0 : i32
          %dma_start3A_136 = tpu.memref_slice %arg13[%add3A_133, %dma_start3A_135] : memref<8x128xi32, #tpu.memory_space<vmem>> -> memref<1x128xi32, #tpu.memory_space<vmem>>
          %dma_start3A_137 = tpu.memref_squeeze %dma_start3A_136 : memref<1x128xi32, #tpu.memory_space<vmem>> -> memref<128xi32, #tpu.memory_space<vmem>>
          %dma_start3A_138 = arith.constant 0 : i32
          %dma_start3A_139 = arith.constant 0 : i32
          %dma_start3A_140 = tpu.memref_slice %arg17[%dma_start3A_138, %dma_start3A_139] : memref<50176x32xf32, #tpu.memory_space<vmem_shared>> -> memref<50176x32xf32, #tpu.memory_space<vmem_shared>>
          tpu.enqueue_indirect_dma source(%arg15 : memref<128x32xf32, #tpu.memory_space<vmem>>) target(%dma_start3A_140 : memref<50176x32xf32, #tpu.memory_space<vmem_shared>>) offsets(%dma_start3A_137 : memref<128xi32, #tpu.memory_space<vmem>>) semaphore(%run_scoped3A : memref<!tpu.dma_semaphore, #tpu.memory_space<semaphore_mem>>) {add = true}
          %dma_wait3A_141 = arith.constant 0 : i32
          %dma_wait3A_142 = tpu.memref_slice %arg13[%add3A_133, %dma_wait3A_141] : memref<8x128xi32, #tpu.memory_space<vmem>> -> memref<1x128xi32, #tpu.memory_space<vmem>>
          %dma_wait3A_143 = tpu.memref_squeeze %dma_wait3A_142 : memref<1x128xi32, #tpu.memory_space<vmem>> -> memref<128xi32, #tpu.memory_space<vmem>>
          %dma_wait3A_144 = arith.constant 0 : i32
          %dma_wait3A_145 = arith.constant 0 : i32
          %dma_wait3A_146 = tpu.memref_slice %arg17[%dma_wait3A_144, %dma_wait3A_145] : memref<50176x32xf32, #tpu.memory_space<vmem_shared>> -> memref<50176x32xf32, #tpu.memory_space<vmem_shared>>
          tpu.wait_indirect_dma semaphore(%run_scoped3A : memref<!tpu.dma_semaphore, #tpu.memory_space<semaphore_mem>>) src(%arg15 : memref<128x32xf32, #tpu.memory_space<vmem>>) dst(%dma_wait3A_146 : memref<50176x32xf32, #tpu.memory_space<vmem_shared>>)
          tpu.yield
        }) : () -> ()
        %scan3A_134 = arith.constant 0 : i32
        scf.yield %scan3A_134 : i32
      }
      %scan3A_102 = arith.constant 4 : i32
      %scan3A_103 = arith.constant 0 : i32
      scf.yield %scan3A_103 : i32
    }
    %scan3A_21 = arith.constant 25 : i32
    %barrier3A_22 = arith.constant 0 : index
    tpu.barrier barrier_id(%barrier3A_22)
    %mul3A_23 = arith.constant 3128 : i32
    %mul3A_24 = arith.muli %arg1, %mul3A_23 : i32
    %mul3A_25 = arith.constant 3128 : i32
    %mul3A_26 = arith.muli %arg1, %mul3A_25 : i32
    "tpu.region"() ({
      %run_scoped3A = tpu.sem_alloc : memref<!tpu.dma_semaphore, #tpu.memory_space<semaphore_mem>>
      %dma_start3A = arith.constant 0 : i32
      %dma_start3A_90 = tpu.memref_slice %arg8[%arg0, %mul3A_26, %dma_start3A] : memref<2x50048x32xf32, #tpu.memory_space<hbm>> -> memref<1x3128x32xf32, #tpu.memory_space<hbm>>
      %dma_start3A_91 = tpu.memref_squeeze %dma_start3A_90 : memref<1x3128x32xf32, #tpu.memory_space<hbm>> -> memref<3128x32xf32, #tpu.memory_space<hbm>>
      %dma_start3A_92 = arith.constant 0 : i32
      %dma_start3A_93 = tpu.memref_slice %arg17[%mul3A_24, %dma_start3A_92] : memref<50176x32xf32, #tpu.memory_space<vmem_shared>> -> memref<3128x32xf32, #tpu.memory_space<vmem_shared>>
      tpu.enqueue_dma source(%dma_start3A_93 : memref<3128x32xf32, #tpu.memory_space<vmem_shared>>) target(%dma_start3A_91 : memref<3128x32xf32, #tpu.memory_space<hbm>>) target_semaphore(%run_scoped3A : memref<!tpu.dma_semaphore, #tpu.memory_space<semaphore_mem>>)
      %dma_wait3A = arith.constant 0 : i32
      %dma_wait3A_94 = tpu.memref_slice %arg8[%arg0, %mul3A_26, %dma_wait3A] : memref<2x50048x32xf32, #tpu.memory_space<hbm>> -> memref<1x3128x32xf32, #tpu.memory_space<hbm>>
      %dma_wait3A_95 = tpu.memref_squeeze %dma_wait3A_94 : memref<1x3128x32xf32, #tpu.memory_space<hbm>> -> memref<3128x32xf32, #tpu.memory_space<hbm>>
      %dma_wait3A_96 = arith.constant 0 : i32
      %dma_wait3A_97 = tpu.memref_slice %arg17[%mul3A_24, %dma_wait3A_96] : memref<50176x32xf32, #tpu.memory_space<vmem_shared>> -> memref<3128x32xf32, #tpu.memory_space<vmem_shared>>
      tpu.wait_dma2 semaphore(%run_scoped3A : memref<!tpu.dma_semaphore, #tpu.memory_space<semaphore_mem>>) src(%dma_wait3A_97 : memref<3128x32xf32, #tpu.memory_space<vmem_shared>>) dst(%dma_wait3A_95 : memref<3128x32xf32, #tpu.memory_space<hbm>>)
      tpu.yield
    }) : () -> ()
    %barrier3A_27 = arith.constant 0 : index
    tpu.barrier barrier_id(%barrier3A_27)
    %scan3A_28 = arith.constant 0 : i32
    %scan3A_29 = arith.constant 0 : i32
    %scan3A_30 = arith.constant 56 : i32
    %scan3A_31 = arith.addi %scan3A_29, %scan3A_30 : i32
    %scan3A_32 = arith.constant 1 : i32
    %scan3A_33 = scf.for %scan3A_90 = %scan3A_29 to %scan3A_31 step %scan3A_32 iter_args(%scan3A_91 = %scan3A_28) -> (i32)  : i32 {
      %mul3A_92 = arith.constant 3136 : i32
      %mul3A_93 = arith.muli %arg1, %mul3A_92 : i32
      %mul3A_94 = arith.constant 56 : i32
      %mul3A_95 = arith.muli %scan3A_90, %mul3A_94 : i32
      %add3A_96 = arith.addi %mul3A_93, %mul3A_95 : i32
      "tpu.region"() ({
        %run_scoped3A = tpu.sem_alloc : memref<!tpu.dma_semaphore, #tpu.memory_space<semaphore_mem>>
        %dma_start3A = arith.constant 0 : i32
        %dma_start3A_98 = tpu.memref_slice %arg17[%add3A_96, %dma_start3A] : memref<50176x32xf32, #tpu.memory_space<vmem_shared>> -> memref<56x32xf32, #tpu.memory_space<vmem_shared>>
        %dma_start3A_99 = arith.constant 0 : i32
        %dma_start3A_100 = tpu.memref_slice %arg17[%add3A_96, %dma_start3A_99] : memref<50176x32xf32, #tpu.memory_space<vmem_shared>> -> memref<56x32xf32, #tpu.memory_space<vmem_shared>>
        tpu.enqueue_dma source(%arg16 : memref<56x32xf32, #tpu.memory_space<vmem>>) target(%dma_start3A_100 : memref<56x32xf32, #tpu.memory_space<vmem_shared>>) target_semaphore(%run_scoped3A : memref<!tpu.dma_semaphore, #tpu.memory_space<semaphore_mem>>)
        %dma_wait3A = arith.constant 0 : i32
        %dma_wait3A_101 = tpu.memref_slice %arg17[%add3A_96, %dma_wait3A] : memref<50176x32xf32, #tpu.memory_space<vmem_shared>> -> memref<56x32xf32, #tpu.memory_space<vmem_shared>>
        %dma_wait3A_102 = arith.constant 0 : i32
        %dma_wait3A_103 = tpu.memref_slice %arg17[%add3A_96, %dma_wait3A_102] : memref<50176x32xf32, #tpu.memory_space<vmem_shared>> -> memref<56x32xf32, #tpu.memory_space<vmem_shared>>
        tpu.wait_dma2 semaphore(%run_scoped3A : memref<!tpu.dma_semaphore, #tpu.memory_space<semaphore_mem>>) src(%arg16 : memref<56x32xf32, #tpu.memory_space<vmem>>) dst(%dma_wait3A_103 : memref<56x32xf32, #tpu.memory_space<vmem_shared>>)
        tpu.yield
      }) : () -> ()
      %scan3A_97 = arith.constant 0 : i32
      scf.yield %scan3A_97 : i32
    }
    %scan3A_34 = arith.constant 56 : i32
    %barrier3A_35 = arith.constant 0 : index
    tpu.barrier barrier_id(%barrier3A_35)
    %scan3A_36 = arith.constant 0 : i32
    %scan3A_37 = arith.constant 0 : i32
    %scan3A_38 = arith.constant 25 : i32
    %scan3A_39 = arith.addi %scan3A_37, %scan3A_38 : i32
    %scan3A_40 = arith.constant 1 : i32
    %scan3A_41 = scf.for %scan3A_90 = %scan3A_37 to %scan3A_39 step %scan3A_40 iter_args(%scan3A_91 = %scan3A_36) -> (i32)  : i32 {
      %mul3A_92 = arith.constant 8 : i32
      %mul3A_93 = arith.muli %scan3A_90, %mul3A_92 : i32
      "tpu.region"() ({
        %run_scoped3A = tpu.sem_alloc : memref<!tpu.dma_semaphore, #tpu.memory_space<semaphore_mem>>
        %dma_start3A = arith.constant 0 : i32
        %dma_start3A_104 = tpu.memref_slice %arg6[%add3A, %mul3A_93, %dma_start3A] : memref<32x200x128xi32, #tpu.memory_space<hbm>> -> memref<1x8x128xi32, #tpu.memory_space<hbm>>
        %dma_start3A_105 = tpu.memref_squeeze %dma_start3A_104 : memref<1x8x128xi32, #tpu.memory_space<hbm>> -> memref<8x128xi32, #tpu.memory_space<hbm>>
        %dma_start3A_106 = arith.constant 0 : i32
        %dma_start3A_107 = tpu.memref_slice %arg6[%add3A, %mul3A_93, %dma_start3A_106] : memref<32x200x128xi32, #tpu.memory_space<hbm>> -> memref<1x8x128xi32, #tpu.memory_space<hbm>>
        %dma_start3A_108 = tpu.memref_squeeze %dma_start3A_107 : memref<1x8x128xi32, #tpu.memory_space<hbm>> -> memref<8x128xi32, #tpu.memory_space<hbm>>
        tpu.enqueue_dma source(%dma_start3A_108 : memref<8x128xi32, #tpu.memory_space<hbm>>) target(%arg12 : memref<8x128xi32, #tpu.memory_space<vmem>>) target_semaphore(%run_scoped3A : memref<!tpu.dma_semaphore, #tpu.memory_space<semaphore_mem>>)
        %dma_wait3A = arith.constant 0 : i32
        %dma_wait3A_109 = tpu.memref_slice %arg6[%add3A, %mul3A_93, %dma_wait3A] : memref<32x200x128xi32, #tpu.memory_space<hbm>> -> memref<1x8x128xi32, #tpu.memory_space<hbm>>
        %dma_wait3A_110 = tpu.memref_squeeze %dma_wait3A_109 : memref<1x8x128xi32, #tpu.memory_space<hbm>> -> memref<8x128xi32, #tpu.memory_space<hbm>>
        %dma_wait3A_111 = arith.constant 0 : i32
        %dma_wait3A_112 = tpu.memref_slice %arg6[%add3A, %mul3A_93, %dma_wait3A_111] : memref<32x200x128xi32, #tpu.memory_space<hbm>> -> memref<1x8x128xi32, #tpu.memory_space<hbm>>
        %dma_wait3A_113 = tpu.memref_squeeze %dma_wait3A_112 : memref<1x8x128xi32, #tpu.memory_space<hbm>> -> memref<8x128xi32, #tpu.memory_space<hbm>>
        tpu.wait_dma2 semaphore(%run_scoped3A : memref<!tpu.dma_semaphore, #tpu.memory_space<semaphore_mem>>) src(%dma_wait3A_113 : memref<8x128xi32, #tpu.memory_space<hbm>>) dst(%arg12 : memref<8x128xi32, #tpu.memory_space<vmem>>)
        tpu.yield
      }) : () -> ()
      %mul3A_94 = arith.constant 8 : i32
      %mul3A_95 = arith.muli %scan3A_90, %mul3A_94 : i32
      "tpu.region"() ({
        %run_scoped3A = tpu.sem_alloc : memref<!tpu.dma_semaphore, #tpu.memory_space<semaphore_mem>>
        %dma_start3A = arith.constant 0 : i32
        %dma_start3A_104 = tpu.memref_slice %arg7[%add3A, %mul3A_95, %dma_start3A] : memref<32x200x128xi32, #tpu.memory_space<hbm>> -> memref<1x8x128xi32, #tpu.memory_space<hbm>>
        %dma_start3A_105 = tpu.memref_squeeze %dma_start3A_104 : memref<1x8x128xi32, #tpu.memory_space<hbm>> -> memref<8x128xi32, #tpu.memory_space<hbm>>
        %dma_start3A_106 = arith.constant 0 : i32
        %dma_start3A_107 = tpu.memref_slice %arg7[%add3A, %mul3A_95, %dma_start3A_106] : memref<32x200x128xi32, #tpu.memory_space<hbm>> -> memref<1x8x128xi32, #tpu.memory_space<hbm>>
        %dma_start3A_108 = tpu.memref_squeeze %dma_start3A_107 : memref<1x8x128xi32, #tpu.memory_space<hbm>> -> memref<8x128xi32, #tpu.memory_space<hbm>>
        tpu.enqueue_dma source(%dma_start3A_108 : memref<8x128xi32, #tpu.memory_space<hbm>>) target(%arg13 : memref<8x128xi32, #tpu.memory_space<vmem>>) target_semaphore(%run_scoped3A : memref<!tpu.dma_semaphore, #tpu.memory_space<semaphore_mem>>)
        %dma_wait3A = arith.constant 0 : i32
        %dma_wait3A_109 = tpu.memref_slice %arg7[%add3A, %mul3A_95, %dma_wait3A] : memref<32x200x128xi32, #tpu.memory_space<hbm>> -> memref<1x8x128xi32, #tpu.memory_space<hbm>>
        %dma_wait3A_110 = tpu.memref_squeeze %dma_wait3A_109 : memref<1x8x128xi32, #tpu.memory_space<hbm>> -> memref<8x128xi32, #tpu.memory_space<hbm>>
        %dma_wait3A_111 = arith.constant 0 : i32
        %dma_wait3A_112 = tpu.memref_slice %arg7[%add3A, %mul3A_95, %dma_wait3A_111] : memref<32x200x128xi32, #tpu.memory_space<hbm>> -> memref<1x8x128xi32, #tpu.memory_space<hbm>>
        %dma_wait3A_113 = tpu.memref_squeeze %dma_wait3A_112 : memref<1x8x128xi32, #tpu.memory_space<hbm>> -> memref<8x128xi32, #tpu.memory_space<hbm>>
        tpu.wait_dma2 semaphore(%run_scoped3A : memref<!tpu.dma_semaphore, #tpu.memory_space<semaphore_mem>>) src(%dma_wait3A_113 : memref<8x128xi32, #tpu.memory_space<hbm>>) dst(%arg13 : memref<8x128xi32, #tpu.memory_space<vmem>>)
        tpu.yield
      }) : () -> ()
      %scan3A_96 = arith.constant 0 : i32
      %scan3A_97 = arith.constant 0 : i32
      %scan3A_98 = arith.constant 4 : i32
      %scan3A_99 = arith.addi %scan3A_97, %scan3A_98 : i32
      %scan3A_100 = arith.constant 1 : i32
      %scan3A_101 = scf.for %scan3A_104 = %scan3A_97 to %scan3A_99 step %scan3A_100 iter_args(%scan3A_105 = %scan3A_96) -> (i32)  : i32 {
        %mul3A_106 = arith.constant 2 : i32
        %mul3A_107 = arith.muli %scan3A_104, %mul3A_106 : i32
        %dma_start3A = arith.constant 0 : i32
        %dma_start3A_108 = tpu.memref_slice %arg12[%mul3A_107, %dma_start3A] : memref<8x128xi32, #tpu.memory_space<vmem>> -> memref<1x128xi32, #tpu.memory_space<vmem>>
        %dma_start3A_109 = tpu.memref_squeeze %dma_start3A_108 : memref<1x128xi32, #tpu.memory_space<vmem>> -> memref<128xi32, #tpu.memory_space<vmem>>
        %dma_start3A_110 = arith.constant 0 : i32
        %dma_start3A_111 = arith.constant 0 : i32
        %dma_start3A_112 = tpu.memref_slice %arg3[%dma_start3A_110, %dma_start3A_111] : memref<50000x32xf32, #tpu.memory_space<hbm>> -> memref<50000x32xf32, #tpu.memory_space<hbm>>
        tpu.enqueue_indirect_dma source(%dma_start3A_112 : memref<50000x32xf32, #tpu.memory_space<hbm>>) target(%arg14 : memref<128x32xf32, #tpu.memory_space<vmem>>) offsets(%dma_start3A_109 : memref<128xi32, #tpu.memory_space<vmem>>) semaphore(%arg18 : memref<!tpu.dma_semaphore, #tpu.memory_space<semaphore_mem>>)
        %add3A_113 = arith.constant 1 : i32
        %add3A_114 = arith.addi %mul3A_107, %add3A_113 : i32
        %dma_start3A_115 = arith.constant 0 : i32
        %dma_start3A_116 = tpu.memref_slice %arg12[%add3A_114, %dma_start3A_115] : memref<8x128xi32, #tpu.memory_space<vmem>> -> memref<1x128xi32, #tpu.memory_space<vmem>>
        %dma_start3A_117 = tpu.memref_squeeze %dma_start3A_116 : memref<1x128xi32, #tpu.memory_space<vmem>> -> memref<128xi32, #tpu.memory_space<vmem>>
        %dma_start3A_118 = arith.constant 0 : i32
        %dma_start3A_119 = arith.constant 0 : i32
        %dma_start3A_120 = tpu.memref_slice %arg3[%dma_start3A_118, %dma_start3A_119] : memref<50000x32xf32, #tpu.memory_space<hbm>> -> memref<50000x32xf32, #tpu.memory_space<hbm>>
        tpu.enqueue_indirect_dma source(%dma_start3A_120 : memref<50000x32xf32, #tpu.memory_space<hbm>>) target(%arg15 : memref<128x32xf32, #tpu.memory_space<vmem>>) offsets(%dma_start3A_117 : memref<128xi32, #tpu.memory_space<vmem>>) semaphore(%arg19 : memref<!tpu.dma_semaphore, #tpu.memory_space<semaphore_mem>>)
        %dma_wait3A = arith.constant 0 : i32
        %dma_wait3A_121 = tpu.memref_slice %arg12[%mul3A_107, %dma_wait3A] : memref<8x128xi32, #tpu.memory_space<vmem>> -> memref<1x128xi32, #tpu.memory_space<vmem>>
        %dma_wait3A_122 = tpu.memref_squeeze %dma_wait3A_121 : memref<1x128xi32, #tpu.memory_space<vmem>> -> memref<128xi32, #tpu.memory_space<vmem>>
        %dma_wait3A_123 = arith.constant 0 : i32
        %dma_wait3A_124 = arith.constant 0 : i32
        %dma_wait3A_125 = tpu.memref_slice %arg3[%dma_wait3A_123, %dma_wait3A_124] : memref<50000x32xf32, #tpu.memory_space<hbm>> -> memref<50000x32xf32, #tpu.memory_space<hbm>>
        tpu.wait_indirect_dma semaphore(%arg18 : memref<!tpu.dma_semaphore, #tpu.memory_space<semaphore_mem>>) src(%dma_wait3A_125 : memref<50000x32xf32, #tpu.memory_space<hbm>>) dst(%arg14 : memref<128x32xf32, #tpu.memory_space<vmem>>)
        "tpu.region"() ({
          %run_scoped3A = tpu.sem_alloc : memref<!tpu.dma_semaphore, #tpu.memory_space<semaphore_mem>>
          %dma_start3A_135 = arith.constant 0 : i32
          %dma_start3A_136 = tpu.memref_slice %arg13[%mul3A_107, %dma_start3A_135] : memref<8x128xi32, #tpu.memory_space<vmem>> -> memref<1x128xi32, #tpu.memory_space<vmem>>
          %dma_start3A_137 = tpu.memref_squeeze %dma_start3A_136 : memref<1x128xi32, #tpu.memory_space<vmem>> -> memref<128xi32, #tpu.memory_space<vmem>>
          %dma_start3A_138 = arith.constant 0 : i32
          %dma_start3A_139 = arith.constant 0 : i32
          %dma_start3A_140 = tpu.memref_slice %arg17[%dma_start3A_138, %dma_start3A_139] : memref<50176x32xf32, #tpu.memory_space<vmem_shared>> -> memref<50176x32xf32, #tpu.memory_space<vmem_shared>>
          tpu.enqueue_indirect_dma source(%arg14 : memref<128x32xf32, #tpu.memory_space<vmem>>) target(%dma_start3A_140 : memref<50176x32xf32, #tpu.memory_space<vmem_shared>>) offsets(%dma_start3A_137 : memref<128xi32, #tpu.memory_space<vmem>>) semaphore(%run_scoped3A : memref<!tpu.dma_semaphore, #tpu.memory_space<semaphore_mem>>) {add = true}
          %dma_wait3A_141 = arith.constant 0 : i32
          %dma_wait3A_142 = tpu.memref_slice %arg13[%mul3A_107, %dma_wait3A_141] : memref<8x128xi32, #tpu.memory_space<vmem>> -> memref<1x128xi32, #tpu.memory_space<vmem>>
          %dma_wait3A_143 = tpu.memref_squeeze %dma_wait3A_142 : memref<1x128xi32, #tpu.memory_space<vmem>> -> memref<128xi32, #tpu.memory_space<vmem>>
          %dma_wait3A_144 = arith.constant 0 : i32
          %dma_wait3A_145 = arith.constant 0 : i32
          %dma_wait3A_146 = tpu.memref_slice %arg17[%dma_wait3A_144, %dma_wait3A_145] : memref<50176x32xf32, #tpu.memory_space<vmem_shared>> -> memref<50176x32xf32, #tpu.memory_space<vmem_shared>>
          tpu.wait_indirect_dma semaphore(%run_scoped3A : memref<!tpu.dma_semaphore, #tpu.memory_space<semaphore_mem>>) src(%arg14 : memref<128x32xf32, #tpu.memory_space<vmem>>) dst(%dma_wait3A_146 : memref<50176x32xf32, #tpu.memory_space<vmem_shared>>)
          tpu.yield
        }) : () -> ()
        %dma_wait3A_126 = arith.constant 0 : i32
        %dma_wait3A_127 = tpu.memref_slice %arg12[%add3A_114, %dma_wait3A_126] : memref<8x128xi32, #tpu.memory_space<vmem>> -> memref<1x128xi32, #tpu.memory_space<vmem>>
        %dma_wait3A_128 = tpu.memref_squeeze %dma_wait3A_127 : memref<1x128xi32, #tpu.memory_space<vmem>> -> memref<128xi32, #tpu.memory_space<vmem>>
        %dma_wait3A_129 = arith.constant 0 : i32
        %dma_wait3A_130 = arith.constant 0 : i32
        %dma_wait3A_131 = tpu.memref_slice %arg3[%dma_wait3A_129, %dma_wait3A_130] : memref<50000x32xf32, #tpu.memory_space<hbm>> -> memref<50000x32xf32, #tpu.memory_space<hbm>>
        tpu.wait_indirect_dma semaphore(%arg19 : memref<!tpu.dma_semaphore, #tpu.memory_space<semaphore_mem>>) src(%dma_wait3A_131 : memref<50000x32xf32, #tpu.memory_space<hbm>>) dst(%arg15 : memref<128x32xf32, #tpu.memory_space<vmem>>)
        %add3A_132 = arith.constant 1 : i32
        %add3A_133 = arith.addi %mul3A_107, %add3A_132 : i32
        "tpu.region"() ({
          %run_scoped3A = tpu.sem_alloc : memref<!tpu.dma_semaphore, #tpu.memory_space<semaphore_mem>>
          %dma_start3A_135 = arith.constant 0 : i32
          %dma_start3A_136 = tpu.memref_slice %arg13[%add3A_133, %dma_start3A_135] : memref<8x128xi32, #tpu.memory_space<vmem>> -> memref<1x128xi32, #tpu.memory_space<vmem>>
          %dma_start3A_137 = tpu.memref_squeeze %dma_start3A_136 : memref<1x128xi32, #tpu.memory_space<vmem>> -> memref<128xi32, #tpu.memory_space<vmem>>
          %dma_start3A_138 = arith.constant 0 : i32
          %dma_start3A_139 = arith.constant 0 : i32
          %dma_start3A_140 = tpu.memref_slice %arg17[%dma_start3A_138, %dma_start3A_139] : memref<50176x32xf32, #tpu.memory_space<vmem_shared>> -> memref<50176x32xf32, #tpu.memory_space<vmem_shared>>
          tpu.enqueue_indirect_dma source(%arg15 : memref<128x32xf32, #tpu.memory_space<vmem>>) target(%dma_start3A_140 : memref<50176x32xf32, #tpu.memory_space<vmem_shared>>) offsets(%dma_start3A_137 : memref<128xi32, #tpu.memory_space<vmem>>) semaphore(%run_scoped3A : memref<!tpu.dma_semaphore, #tpu.memory_space<semaphore_mem>>) {add = true}
          %dma_wait3A_141 = arith.constant 0 : i32
          %dma_wait3A_142 = tpu.memref_slice %arg13[%add3A_133, %dma_wait3A_141] : memref<8x128xi32, #tpu.memory_space<vmem>> -> memref<1x128xi32, #tpu.memory_space<vmem>>
          %dma_wait3A_143 = tpu.memref_squeeze %dma_wait3A_142 : memref<1x128xi32, #tpu.memory_space<vmem>> -> memref<128xi32, #tpu.memory_space<vmem>>
          %dma_wait3A_144 = arith.constant 0 : i32
          %dma_wait3A_145 = arith.constant 0 : i32
          %dma_wait3A_146 = tpu.memref_slice %arg17[%dma_wait3A_144, %dma_wait3A_145] : memref<50176x32xf32, #tpu.memory_space<vmem_shared>> -> memref<50176x32xf32, #tpu.memory_space<vmem_shared>>
          tpu.wait_indirect_dma semaphore(%run_scoped3A : memref<!tpu.dma_semaphore, #tpu.memory_space<semaphore_mem>>) src(%arg15 : memref<128x32xf32, #tpu.memory_space<vmem>>) dst(%dma_wait3A_146 : memref<50176x32xf32, #tpu.memory_space<vmem_shared>>)
          tpu.yield
        }) : () -> ()
        %scan3A_134 = arith.constant 0 : i32
        scf.yield %scan3A_134 : i32
      }
      %scan3A_102 = arith.constant 4 : i32
      %scan3A_103 = arith.constant 0 : i32
      scf.yield %scan3A_103 : i32
    }
    %scan3A_42 = arith.constant 25 : i32
    %barrier3A_43 = arith.constant 0 : index
    tpu.barrier barrier_id(%barrier3A_43)
    %mul3A_44 = arith.constant 3128 : i32
    %mul3A_45 = arith.muli %arg1, %mul3A_44 : i32
    %mul3A_46 = arith.constant 3128 : i32
    %mul3A_47 = arith.muli %arg1, %mul3A_46 : i32
    "tpu.region"() ({
      %run_scoped3A = tpu.sem_alloc : memref<!tpu.dma_semaphore, #tpu.memory_space<semaphore_mem>>
      %dma_start3A = arith.constant 0 : i32
      %dma_start3A_90 = tpu.memref_slice %arg9[%arg0, %mul3A_47, %dma_start3A] : memref<2x50048x32xf32, #tpu.memory_space<hbm>> -> memref<1x3128x32xf32, #tpu.memory_space<hbm>>
      %dma_start3A_91 = tpu.memref_squeeze %dma_start3A_90 : memref<1x3128x32xf32, #tpu.memory_space<hbm>> -> memref<3128x32xf32, #tpu.memory_space<hbm>>
      %dma_start3A_92 = arith.constant 0 : i32
      %dma_start3A_93 = tpu.memref_slice %arg17[%mul3A_45, %dma_start3A_92] : memref<50176x32xf32, #tpu.memory_space<vmem_shared>> -> memref<3128x32xf32, #tpu.memory_space<vmem_shared>>
      tpu.enqueue_dma source(%dma_start3A_93 : memref<3128x32xf32, #tpu.memory_space<vmem_shared>>) target(%dma_start3A_91 : memref<3128x32xf32, #tpu.memory_space<hbm>>) target_semaphore(%run_scoped3A : memref<!tpu.dma_semaphore, #tpu.memory_space<semaphore_mem>>)
      %dma_wait3A = arith.constant 0 : i32
      %dma_wait3A_94 = tpu.memref_slice %arg9[%arg0, %mul3A_47, %dma_wait3A] : memref<2x50048x32xf32, #tpu.memory_space<hbm>> -> memref<1x3128x32xf32, #tpu.memory_space<hbm>>
      %dma_wait3A_95 = tpu.memref_squeeze %dma_wait3A_94 : memref<1x3128x32xf32, #tpu.memory_space<hbm>> -> memref<3128x32xf32, #tpu.memory_space<hbm>>
      %dma_wait3A_96 = arith.constant 0 : i32
      %dma_wait3A_97 = tpu.memref_slice %arg17[%mul3A_45, %dma_wait3A_96] : memref<50176x32xf32, #tpu.memory_space<vmem_shared>> -> memref<3128x32xf32, #tpu.memory_space<vmem_shared>>
      tpu.wait_dma2 semaphore(%run_scoped3A : memref<!tpu.dma_semaphore, #tpu.memory_space<semaphore_mem>>) src(%dma_wait3A_97 : memref<3128x32xf32, #tpu.memory_space<vmem_shared>>) dst(%dma_wait3A_95 : memref<3128x32xf32, #tpu.memory_space<hbm>>)
      tpu.yield
    }) : () -> ()
    %barrier3A_48 = arith.constant 0 : index
    tpu.barrier barrier_id(%barrier3A_48)
    %scan3A_49 = arith.constant 0 : i32
    %scan3A_50 = arith.constant 0 : i32
    %scan3A_51 = arith.constant 56 : i32
    %scan3A_52 = arith.addi %scan3A_50, %scan3A_51 : i32
    %scan3A_53 = arith.constant 1 : i32
    %scan3A_54 = scf.for %scan3A_90 = %scan3A_50 to %scan3A_52 step %scan3A_53 iter_args(%scan3A_91 = %scan3A_49) -> (i32)  : i32 {
      %mul3A_92 = arith.constant 3136 : i32
      %mul3A_93 = arith.muli %arg1, %mul3A_92 : i32
      %mul3A_94 = arith.constant 56 : i32
      %mul3A_95 = arith.muli %scan3A_90, %mul3A_94 : i32
      %add3A_96 = arith.addi %mul3A_93, %mul3A_95 : i32
      "tpu.region"() ({
        %run_scoped3A = tpu.sem_alloc : memref<!tpu.dma_semaphore, #tpu.memory_space<semaphore_mem>>
        %dma_start3A = arith.constant 0 : i32
        %dma_start3A_98 = tpu.memref_slice %arg17[%add3A_96, %dma_start3A] : memref<50176x32xf32, #tpu.memory_space<vmem_shared>> -> memref<56x32xf32, #tpu.memory_space<vmem_shared>>
        %dma_start3A_99 = arith.constant 0 : i32
        %dma_start3A_100 = tpu.memref_slice %arg17[%add3A_96, %dma_start3A_99] : memref<50176x32xf32, #tpu.memory_space<vmem_shared>> -> memref<56x32xf32, #tpu.memory_space<vmem_shared>>
        tpu.enqueue_dma source(%arg16 : memref<56x32xf32, #tpu.memory_space<vmem>>) target(%dma_start3A_100 : memref<56x32xf32, #tpu.memory_space<vmem_shared>>) target_semaphore(%run_scoped3A : memref<!tpu.dma_semaphore, #tpu.memory_space<semaphore_mem>>)
        %dma_wait3A = arith.constant 0 : i32
        %dma_wait3A_101 = tpu.memref_slice %arg17[%add3A_96, %dma_wait3A] : memref<50176x32xf32, #tpu.memory_space<vmem_shared>> -> memref<56x32xf32, #tpu.memory_space<vmem_shared>>
        %dma_wait3A_102 = arith.constant 0 : i32
        %dma_wait3A_103 = tpu.memref_slice %arg17[%add3A_96, %dma_wait3A_102] : memref<50176x32xf32, #tpu.memory_space<vmem_shared>> -> memref<56x32xf32, #tpu.memory_space<vmem_shared>>
        tpu.wait_dma2 semaphore(%run_scoped3A : memref<!tpu.dma_semaphore, #tpu.memory_space<semaphore_mem>>) src(%arg16 : memref<56x32xf32, #tpu.memory_space<vmem>>) dst(%dma_wait3A_103 : memref<56x32xf32, #tpu.memory_space<vmem_shared>>)
        tpu.yield
      }) : () -> ()
      %scan3A_97 = arith.constant 0 : i32
      scf.yield %scan3A_97 : i32
    }
    %scan3A_55 = arith.constant 56 : i32
    %barrier3A_56 = arith.constant 0 : index
    tpu.barrier barrier_id(%barrier3A_56)
    %scan3A_57 = arith.constant 0 : i32
    %scan3A_58 = arith.constant 0 : i32
    %scan3A_59 = arith.constant 25 : i32
    %scan3A_60 = arith.addi %scan3A_58, %scan3A_59 : i32
    %scan3A_61 = arith.constant 1 : i32
    %scan3A_62 = scf.for %scan3A_90 = %scan3A_58 to %scan3A_60 step %scan3A_61 iter_args(%scan3A_91 = %scan3A_57) -> (i32)  : i32 {
      %mul3A_92 = arith.constant 8 : i32
      %mul3A_93 = arith.muli %scan3A_90, %mul3A_92 : i32
      "tpu.region"() ({
        %run_scoped3A = tpu.sem_alloc : memref<!tpu.dma_semaphore, #tpu.memory_space<semaphore_mem>>
        %dma_start3A = arith.constant 0 : i32
        %dma_start3A_104 = tpu.memref_slice %arg6[%add3A, %mul3A_93, %dma_start3A] : memref<32x200x128xi32, #tpu.memory_space<hbm>> -> memref<1x8x128xi32, #tpu.memory_space<hbm>>
        %dma_start3A_105 = tpu.memref_squeeze %dma_start3A_104 : memref<1x8x128xi32, #tpu.memory_space<hbm>> -> memref<8x128xi32, #tpu.memory_space<hbm>>
        %dma_start3A_106 = arith.constant 0 : i32
        %dma_start3A_107 = tpu.memref_slice %arg6[%add3A, %mul3A_93, %dma_start3A_106] : memref<32x200x128xi32, #tpu.memory_space<hbm>> -> memref<1x8x128xi32, #tpu.memory_space<hbm>>
        %dma_start3A_108 = tpu.memref_squeeze %dma_start3A_107 : memref<1x8x128xi32, #tpu.memory_space<hbm>> -> memref<8x128xi32, #tpu.memory_space<hbm>>
        tpu.enqueue_dma source(%dma_start3A_108 : memref<8x128xi32, #tpu.memory_space<hbm>>) target(%arg12 : memref<8x128xi32, #tpu.memory_space<vmem>>) target_semaphore(%run_scoped3A : memref<!tpu.dma_semaphore, #tpu.memory_space<semaphore_mem>>)
        %dma_wait3A = arith.constant 0 : i32
        %dma_wait3A_109 = tpu.memref_slice %arg6[%add3A, %mul3A_93, %dma_wait3A] : memref<32x200x128xi32, #tpu.memory_space<hbm>> -> memref<1x8x128xi32, #tpu.memory_space<hbm>>
        %dma_wait3A_110 = tpu.memref_squeeze %dma_wait3A_109 : memref<1x8x128xi32, #tpu.memory_space<hbm>> -> memref<8x128xi32, #tpu.memory_space<hbm>>
        %dma_wait3A_111 = arith.constant 0 : i32
        %dma_wait3A_112 = tpu.memref_slice %arg6[%add3A, %mul3A_93, %dma_wait3A_111] : memref<32x200x128xi32, #tpu.memory_space<hbm>> -> memref<1x8x128xi32, #tpu.memory_space<hbm>>
        %dma_wait3A_113 = tpu.memref_squeeze %dma_wait3A_112 : memref<1x8x128xi32, #tpu.memory_space<hbm>> -> memref<8x128xi32, #tpu.memory_space<hbm>>
        tpu.wait_dma2 semaphore(%run_scoped3A : memref<!tpu.dma_semaphore, #tpu.memory_space<semaphore_mem>>) src(%dma_wait3A_113 : memref<8x128xi32, #tpu.memory_space<hbm>>) dst(%arg12 : memref<8x128xi32, #tpu.memory_space<vmem>>)
        tpu.yield
      }) : () -> ()
      %mul3A_94 = arith.constant 8 : i32
      %mul3A_95 = arith.muli %scan3A_90, %mul3A_94 : i32
      "tpu.region"() ({
        %run_scoped3A = tpu.sem_alloc : memref<!tpu.dma_semaphore, #tpu.memory_space<semaphore_mem>>
        %dma_start3A = arith.constant 0 : i32
        %dma_start3A_104 = tpu.memref_slice %arg7[%add3A, %mul3A_95, %dma_start3A] : memref<32x200x128xi32, #tpu.memory_space<hbm>> -> memref<1x8x128xi32, #tpu.memory_space<hbm>>
        %dma_start3A_105 = tpu.memref_squeeze %dma_start3A_104 : memref<1x8x128xi32, #tpu.memory_space<hbm>> -> memref<8x128xi32, #tpu.memory_space<hbm>>
        %dma_start3A_106 = arith.constant 0 : i32
        %dma_start3A_107 = tpu.memref_slice %arg7[%add3A, %mul3A_95, %dma_start3A_106] : memref<32x200x128xi32, #tpu.memory_space<hbm>> -> memref<1x8x128xi32, #tpu.memory_space<hbm>>
        %dma_start3A_108 = tpu.memref_squeeze %dma_start3A_107 : memref<1x8x128xi32, #tpu.memory_space<hbm>> -> memref<8x128xi32, #tpu.memory_space<hbm>>
        tpu.enqueue_dma source(%dma_start3A_108 : memref<8x128xi32, #tpu.memory_space<hbm>>) target(%arg13 : memref<8x128xi32, #tpu.memory_space<vmem>>) target_semaphore(%run_scoped3A : memref<!tpu.dma_semaphore, #tpu.memory_space<semaphore_mem>>)
        %dma_wait3A = arith.constant 0 : i32
        %dma_wait3A_109 = tpu.memref_slice %arg7[%add3A, %mul3A_95, %dma_wait3A] : memref<32x200x128xi32, #tpu.memory_space<hbm>> -> memref<1x8x128xi32, #tpu.memory_space<hbm>>
        %dma_wait3A_110 = tpu.memref_squeeze %dma_wait3A_109 : memref<1x8x128xi32, #tpu.memory_space<hbm>> -> memref<8x128xi32, #tpu.memory_space<hbm>>
        %dma_wait3A_111 = arith.constant 0 : i32
        %dma_wait3A_112 = tpu.memref_slice %arg7[%add3A, %mul3A_95, %dma_wait3A_111] : memref<32x200x128xi32, #tpu.memory_space<hbm>> -> memref<1x8x128xi32, #tpu.memory_space<hbm>>
        %dma_wait3A_113 = tpu.memref_squeeze %dma_wait3A_112 : memref<1x8x128xi32, #tpu.memory_space<hbm>> -> memref<8x128xi32, #tpu.memory_space<hbm>>
        tpu.wait_dma2 semaphore(%run_scoped3A : memref<!tpu.dma_semaphore, #tpu.memory_space<semaphore_mem>>) src(%dma_wait3A_113 : memref<8x128xi32, #tpu.memory_space<hbm>>) dst(%arg13 : memref<8x128xi32, #tpu.memory_space<vmem>>)
        tpu.yield
      }) : () -> ()
      %scan3A_96 = arith.constant 0 : i32
      %scan3A_97 = arith.constant 0 : i32
      %scan3A_98 = arith.constant 4 : i32
      %scan3A_99 = arith.addi %scan3A_97, %scan3A_98 : i32
      %scan3A_100 = arith.constant 1 : i32
      %scan3A_101 = scf.for %scan3A_104 = %scan3A_97 to %scan3A_99 step %scan3A_100 iter_args(%scan3A_105 = %scan3A_96) -> (i32)  : i32 {
        %mul3A_106 = arith.constant 2 : i32
        %mul3A_107 = arith.muli %scan3A_104, %mul3A_106 : i32
        %dma_start3A = arith.constant 0 : i32
        %dma_start3A_108 = tpu.memref_slice %arg12[%mul3A_107, %dma_start3A] : memref<8x128xi32, #tpu.memory_space<vmem>> -> memref<1x128xi32, #tpu.memory_space<vmem>>
        %dma_start3A_109 = tpu.memref_squeeze %dma_start3A_108 : memref<1x128xi32, #tpu.memory_space<vmem>> -> memref<128xi32, #tpu.memory_space<vmem>>
        %dma_start3A_110 = arith.constant 0 : i32
        %dma_start3A_111 = arith.constant 0 : i32
        %dma_start3A_112 = tpu.memref_slice %arg4[%dma_start3A_110, %dma_start3A_111] : memref<50000x32xf32, #tpu.memory_space<hbm>> -> memref<50000x32xf32, #tpu.memory_space<hbm>>
        tpu.enqueue_indirect_dma source(%dma_start3A_112 : memref<50000x32xf32, #tpu.memory_space<hbm>>) target(%arg14 : memref<128x32xf32, #tpu.memory_space<vmem>>) offsets(%dma_start3A_109 : memref<128xi32, #tpu.memory_space<vmem>>) semaphore(%arg18 : memref<!tpu.dma_semaphore, #tpu.memory_space<semaphore_mem>>)
        %add3A_113 = arith.constant 1 : i32
        %add3A_114 = arith.addi %mul3A_107, %add3A_113 : i32
        %dma_start3A_115 = arith.constant 0 : i32
        %dma_start3A_116 = tpu.memref_slice %arg12[%add3A_114, %dma_start3A_115] : memref<8x128xi32, #tpu.memory_space<vmem>> -> memref<1x128xi32, #tpu.memory_space<vmem>>
        %dma_start3A_117 = tpu.memref_squeeze %dma_start3A_116 : memref<1x128xi32, #tpu.memory_space<vmem>> -> memref<128xi32, #tpu.memory_space<vmem>>
        %dma_start3A_118 = arith.constant 0 : i32
        %dma_start3A_119 = arith.constant 0 : i32
        %dma_start3A_120 = tpu.memref_slice %arg4[%dma_start3A_118, %dma_start3A_119] : memref<50000x32xf32, #tpu.memory_space<hbm>> -> memref<50000x32xf32, #tpu.memory_space<hbm>>
        tpu.enqueue_indirect_dma source(%dma_start3A_120 : memref<50000x32xf32, #tpu.memory_space<hbm>>) target(%arg15 : memref<128x32xf32, #tpu.memory_space<vmem>>) offsets(%dma_start3A_117 : memref<128xi32, #tpu.memory_space<vmem>>) semaphore(%arg19 : memref<!tpu.dma_semaphore, #tpu.memory_space<semaphore_mem>>)
        %dma_wait3A = arith.constant 0 : i32
        %dma_wait3A_121 = tpu.memref_slice %arg12[%mul3A_107, %dma_wait3A] : memref<8x128xi32, #tpu.memory_space<vmem>> -> memref<1x128xi32, #tpu.memory_space<vmem>>
        %dma_wait3A_122 = tpu.memref_squeeze %dma_wait3A_121 : memref<1x128xi32, #tpu.memory_space<vmem>> -> memref<128xi32, #tpu.memory_space<vmem>>
        %dma_wait3A_123 = arith.constant 0 : i32
        %dma_wait3A_124 = arith.constant 0 : i32
        %dma_wait3A_125 = tpu.memref_slice %arg4[%dma_wait3A_123, %dma_wait3A_124] : memref<50000x32xf32, #tpu.memory_space<hbm>> -> memref<50000x32xf32, #tpu.memory_space<hbm>>
        tpu.wait_indirect_dma semaphore(%arg18 : memref<!tpu.dma_semaphore, #tpu.memory_space<semaphore_mem>>) src(%dma_wait3A_125 : memref<50000x32xf32, #tpu.memory_space<hbm>>) dst(%arg14 : memref<128x32xf32, #tpu.memory_space<vmem>>)
        "tpu.region"() ({
          %run_scoped3A = tpu.sem_alloc : memref<!tpu.dma_semaphore, #tpu.memory_space<semaphore_mem>>
          %dma_start3A_135 = arith.constant 0 : i32
          %dma_start3A_136 = tpu.memref_slice %arg13[%mul3A_107, %dma_start3A_135] : memref<8x128xi32, #tpu.memory_space<vmem>> -> memref<1x128xi32, #tpu.memory_space<vmem>>
          %dma_start3A_137 = tpu.memref_squeeze %dma_start3A_136 : memref<1x128xi32, #tpu.memory_space<vmem>> -> memref<128xi32, #tpu.memory_space<vmem>>
          %dma_start3A_138 = arith.constant 0 : i32
          %dma_start3A_139 = arith.constant 0 : i32
          %dma_start3A_140 = tpu.memref_slice %arg17[%dma_start3A_138, %dma_start3A_139] : memref<50176x32xf32, #tpu.memory_space<vmem_shared>> -> memref<50176x32xf32, #tpu.memory_space<vmem_shared>>
          tpu.enqueue_indirect_dma source(%arg14 : memref<128x32xf32, #tpu.memory_space<vmem>>) target(%dma_start3A_140 : memref<50176x32xf32, #tpu.memory_space<vmem_shared>>) offsets(%dma_start3A_137 : memref<128xi32, #tpu.memory_space<vmem>>) semaphore(%run_scoped3A : memref<!tpu.dma_semaphore, #tpu.memory_space<semaphore_mem>>) {add = true}
          %dma_wait3A_141 = arith.constant 0 : i32
          %dma_wait3A_142 = tpu.memref_slice %arg13[%mul3A_107, %dma_wait3A_141] : memref<8x128xi32, #tpu.memory_space<vmem>> -> memref<1x128xi32, #tpu.memory_space<vmem>>
          %dma_wait3A_143 = tpu.memref_squeeze %dma_wait3A_142 : memref<1x128xi32, #tpu.memory_space<vmem>> -> memref<128xi32, #tpu.memory_space<vmem>>
          %dma_wait3A_144 = arith.constant 0 : i32
          %dma_wait3A_145 = arith.constant 0 : i32
          %dma_wait3A_146 = tpu.memref_slice %arg17[%dma_wait3A_144, %dma_wait3A_145] : memref<50176x32xf32, #tpu.memory_space<vmem_shared>> -> memref<50176x32xf32, #tpu.memory_space<vmem_shared>>
          tpu.wait_indirect_dma semaphore(%run_scoped3A : memref<!tpu.dma_semaphore, #tpu.memory_space<semaphore_mem>>) src(%arg14 : memref<128x32xf32, #tpu.memory_space<vmem>>) dst(%dma_wait3A_146 : memref<50176x32xf32, #tpu.memory_space<vmem_shared>>)
          tpu.yield
        }) : () -> ()
        %dma_wait3A_126 = arith.constant 0 : i32
        %dma_wait3A_127 = tpu.memref_slice %arg12[%add3A_114, %dma_wait3A_126] : memref<8x128xi32, #tpu.memory_space<vmem>> -> memref<1x128xi32, #tpu.memory_space<vmem>>
        %dma_wait3A_128 = tpu.memref_squeeze %dma_wait3A_127 : memref<1x128xi32, #tpu.memory_space<vmem>> -> memref<128xi32, #tpu.memory_space<vmem>>
        %dma_wait3A_129 = arith.constant 0 : i32
        %dma_wait3A_130 = arith.constant 0 : i32
        %dma_wait3A_131 = tpu.memref_slice %arg4[%dma_wait3A_129, %dma_wait3A_130] : memref<50000x32xf32, #tpu.memory_space<hbm>> -> memref<50000x32xf32, #tpu.memory_space<hbm>>
        tpu.wait_indirect_dma semaphore(%arg19 : memref<!tpu.dma_semaphore, #tpu.memory_space<semaphore_mem>>) src(%dma_wait3A_131 : memref<50000x32xf32, #tpu.memory_space<hbm>>) dst(%arg15 : memref<128x32xf32, #tpu.memory_space<vmem>>)
        %add3A_132 = arith.constant 1 : i32
        %add3A_133 = arith.addi %mul3A_107, %add3A_132 : i32
        "tpu.region"() ({
          %run_scoped3A = tpu.sem_alloc : memref<!tpu.dma_semaphore, #tpu.memory_space<semaphore_mem>>
          %dma_start3A_135 = arith.constant 0 : i32
          %dma_start3A_136 = tpu.memref_slice %arg13[%add3A_133, %dma_start3A_135] : memref<8x128xi32, #tpu.memory_space<vmem>> -> memref<1x128xi32, #tpu.memory_space<vmem>>
          %dma_start3A_137 = tpu.memref_squeeze %dma_start3A_136 : memref<1x128xi32, #tpu.memory_space<vmem>> -> memref<128xi32, #tpu.memory_space<vmem>>
          %dma_start3A_138 = arith.constant 0 : i32
          %dma_start3A_139 = arith.constant 0 : i32
          %dma_start3A_140 = tpu.memref_slice %arg17[%dma_start3A_138, %dma_start3A_139] : memref<50176x32xf32, #tpu.memory_space<vmem_shared>> -> memref<50176x32xf32, #tpu.memory_space<vmem_shared>>
          tpu.enqueue_indirect_dma source(%arg15 : memref<128x32xf32, #tpu.memory_space<vmem>>) target(%dma_start3A_140 : memref<50176x32xf32, #tpu.memory_space<vmem_shared>>) offsets(%dma_start3A_137 : memref<128xi32, #tpu.memory_space<vmem>>) semaphore(%run_scoped3A : memref<!tpu.dma_semaphore, #tpu.memory_space<semaphore_mem>>) {add = true}
          %dma_wait3A_141 = arith.constant 0 : i32
          %dma_wait3A_142 = tpu.memref_slice %arg13[%add3A_133, %dma_wait3A_141] : memref<8x128xi32, #tpu.memory_space<vmem>> -> memref<1x128xi32, #tpu.memory_space<vmem>>
          %dma_wait3A_143 = tpu.memref_squeeze %dma_wait3A_142 : memref<1x128xi32, #tpu.memory_space<vmem>> -> memref<128xi32, #tpu.memory_space<vmem>>
          %dma_wait3A_144 = arith.constant 0 : i32
          %dma_wait3A_145 = arith.constant 0 : i32
          %dma_wait3A_146 = tpu.memref_slice %arg17[%dma_wait3A_144, %dma_wait3A_145] : memref<50176x32xf32, #tpu.memory_space<vmem_shared>> -> memref<50176x32xf32, #tpu.memory_space<vmem_shared>>
          tpu.wait_indirect_dma semaphore(%run_scoped3A : memref<!tpu.dma_semaphore, #tpu.memory_space<semaphore_mem>>) src(%arg15 : memref<128x32xf32, #tpu.memory_space<vmem>>) dst(%dma_wait3A_146 : memref<50176x32xf32, #tpu.memory_space<vmem_shared>>)
          tpu.yield
        }) : () -> ()
        %scan3A_134 = arith.constant 0 : i32
        scf.yield %scan3A_134 : i32
      }
      %scan3A_102 = arith.constant 4 : i32
      %scan3A_103 = arith.constant 0 : i32
      scf.yield %scan3A_103 : i32
    }
    %scan3A_63 = arith.constant 25 : i32
    %barrier3A_64 = arith.constant 0 : index
    tpu.barrier barrier_id(%barrier3A_64)
    %mul3A_65 = arith.constant 3128 : i32
    %mul3A_66 = arith.muli %arg1, %mul3A_65 : i32
    %mul3A_67 = arith.constant 3128 : i32
    %mul3A_68 = arith.muli %arg1, %mul3A_67 : i32
    "tpu.region"() ({
      %run_scoped3A = tpu.sem_alloc : memref<!tpu.dma_semaphore, #tpu.memory_space<semaphore_mem>>
      %dma_start3A = arith.constant 0 : i32
      %dma_start3A_90 = tpu.memref_slice %arg10[%arg0, %mul3A_68, %dma_start3A] : memref<2x50048x32xf32, #tpu.memory_space<hbm>> -> memref<1x3128x32xf32, #tpu.memory_space<hbm>>
      %dma_start3A_91 = tpu.memref_squeeze %dma_start3A_90 : memref<1x3128x32xf32, #tpu.memory_space<hbm>> -> memref<3128x32xf32, #tpu.memory_space<hbm>>
      %dma_start3A_92 = arith.constant 0 : i32
      %dma_start3A_93 = tpu.memref_slice %arg17[%mul3A_66, %dma_start3A_92] : memref<50176x32xf32, #tpu.memory_space<vmem_shared>> -> memref<3128x32xf32, #tpu.memory_space<vmem_shared>>
      tpu.enqueue_dma source(%dma_start3A_93 : memref<3128x32xf32, #tpu.memory_space<vmem_shared>>) target(%dma_start3A_91 : memref<3128x32xf32, #tpu.memory_space<hbm>>) target_semaphore(%run_scoped3A : memref<!tpu.dma_semaphore, #tpu.memory_space<semaphore_mem>>)
      %dma_wait3A = arith.constant 0 : i32
      %dma_wait3A_94 = tpu.memref_slice %arg10[%arg0, %mul3A_68, %dma_wait3A] : memref<2x50048x32xf32, #tpu.memory_space<hbm>> -> memref<1x3128x32xf32, #tpu.memory_space<hbm>>
      %dma_wait3A_95 = tpu.memref_squeeze %dma_wait3A_94 : memref<1x3128x32xf32, #tpu.memory_space<hbm>> -> memref<3128x32xf32, #tpu.memory_space<hbm>>
      %dma_wait3A_96 = arith.constant 0 : i32
      %dma_wait3A_97 = tpu.memref_slice %arg17[%mul3A_66, %dma_wait3A_96] : memref<50176x32xf32, #tpu.memory_space<vmem_shared>> -> memref<3128x32xf32, #tpu.memory_space<vmem_shared>>
      tpu.wait_dma2 semaphore(%run_scoped3A : memref<!tpu.dma_semaphore, #tpu.memory_space<semaphore_mem>>) src(%dma_wait3A_97 : memref<3128x32xf32, #tpu.memory_space<vmem_shared>>) dst(%dma_wait3A_95 : memref<3128x32xf32, #tpu.memory_space<hbm>>)
      tpu.yield
    }) : () -> ()
    %barrier3A_69 = arith.constant 0 : index
    tpu.barrier barrier_id(%barrier3A_69)
    %scan3A_70 = arith.constant 0 : i32
    %scan3A_71 = arith.constant 0 : i32
    %scan3A_72 = arith.constant 56 : i32
    %scan3A_73 = arith.addi %scan3A_71, %scan3A_72 : i32
    %scan3A_74 = arith.constant 1 : i32
    %scan3A_75 = scf.for %scan3A_90 = %scan3A_71 to %scan3A_73 step %scan3A_74 iter_args(%scan3A_91 = %scan3A_70) -> (i32)  : i32 {
      %mul3A_92 = arith.constant 3136 : i32
      %mul3A_93 = arith.muli %arg1, %mul3A_92 : i32
      %mul3A_94 = arith.constant 56 : i32
      %mul3A_95 = arith.muli %scan3A_90, %mul3A_94 : i32
      %add3A_96 = arith.addi %mul3A_93, %mul3A_95 : i32
      "tpu.region"() ({
        %run_scoped3A = tpu.sem_alloc : memref<!tpu.dma_semaphore, #tpu.memory_space<semaphore_mem>>
        %dma_start3A = arith.constant 0 : i32
        %dma_start3A_98 = tpu.memref_slice %arg17[%add3A_96, %dma_start3A] : memref<50176x32xf32, #tpu.memory_space<vmem_shared>> -> memref<56x32xf32, #tpu.memory_space<vmem_shared>>
        %dma_start3A_99 = arith.constant 0 : i32
        %dma_start3A_100 = tpu.memref_slice %arg17[%add3A_96, %dma_start3A_99] : memref<50176x32xf32, #tpu.memory_space<vmem_shared>> -> memref<56x32xf32, #tpu.memory_space<vmem_shared>>
        tpu.enqueue_dma source(%arg16 : memref<56x32xf32, #tpu.memory_space<vmem>>) target(%dma_start3A_100 : memref<56x32xf32, #tpu.memory_space<vmem_shared>>) target_semaphore(%run_scoped3A : memref<!tpu.dma_semaphore, #tpu.memory_space<semaphore_mem>>)
        %dma_wait3A = arith.constant 0 : i32
        %dma_wait3A_101 = tpu.memref_slice %arg17[%add3A_96, %dma_wait3A] : memref<50176x32xf32, #tpu.memory_space<vmem_shared>> -> memref<56x32xf32, #tpu.memory_space<vmem_shared>>
        %dma_wait3A_102 = arith.constant 0 : i32
        %dma_wait3A_103 = tpu.memref_slice %arg17[%add3A_96, %dma_wait3A_102] : memref<50176x32xf32, #tpu.memory_space<vmem_shared>> -> memref<56x32xf32, #tpu.memory_space<vmem_shared>>
        tpu.wait_dma2 semaphore(%run_scoped3A : memref<!tpu.dma_semaphore, #tpu.memory_space<semaphore_mem>>) src(%arg16 : memref<56x32xf32, #tpu.memory_space<vmem>>) dst(%dma_wait3A_103 : memref<56x32xf32, #tpu.memory_space<vmem_shared>>)
        tpu.yield
      }) : () -> ()
      %scan3A_97 = arith.constant 0 : i32
      scf.yield %scan3A_97 : i32
    }
    %scan3A_76 = arith.constant 56 : i32
    %barrier3A_77 = arith.constant 0 : index
    tpu.barrier barrier_id(%barrier3A_77)
    %scan3A_78 = arith.constant 0 : i32
    %scan3A_79 = arith.constant 0 : i32
    %scan3A_80 = arith.constant 25 : i32
    %scan3A_81 = arith.addi %scan3A_79, %scan3A_80 : i32
    %scan3A_82 = arith.constant 1 : i32
    %scan3A_83 = scf.for %scan3A_90 = %scan3A_79 to %scan3A_81 step %scan3A_82 iter_args(%scan3A_91 = %scan3A_78) -> (i32)  : i32 {
      %mul3A_92 = arith.constant 8 : i32
      %mul3A_93 = arith.muli %scan3A_90, %mul3A_92 : i32
      "tpu.region"() ({
        %run_scoped3A = tpu.sem_alloc : memref<!tpu.dma_semaphore, #tpu.memory_space<semaphore_mem>>
        %dma_start3A = arith.constant 0 : i32
        %dma_start3A_104 = tpu.memref_slice %arg6[%add3A, %mul3A_93, %dma_start3A] : memref<32x200x128xi32, #tpu.memory_space<hbm>> -> memref<1x8x128xi32, #tpu.memory_space<hbm>>
        %dma_start3A_105 = tpu.memref_squeeze %dma_start3A_104 : memref<1x8x128xi32, #tpu.memory_space<hbm>> -> memref<8x128xi32, #tpu.memory_space<hbm>>
        %dma_start3A_106 = arith.constant 0 : i32
        %dma_start3A_107 = tpu.memref_slice %arg6[%add3A, %mul3A_93, %dma_start3A_106] : memref<32x200x128xi32, #tpu.memory_space<hbm>> -> memref<1x8x128xi32, #tpu.memory_space<hbm>>
        %dma_start3A_108 = tpu.memref_squeeze %dma_start3A_107 : memref<1x8x128xi32, #tpu.memory_space<hbm>> -> memref<8x128xi32, #tpu.memory_space<hbm>>
        tpu.enqueue_dma source(%dma_start3A_108 : memref<8x128xi32, #tpu.memory_space<hbm>>) target(%arg12 : memref<8x128xi32, #tpu.memory_space<vmem>>) target_semaphore(%run_scoped3A : memref<!tpu.dma_semaphore, #tpu.memory_space<semaphore_mem>>)
        %dma_wait3A = arith.constant 0 : i32
        %dma_wait3A_109 = tpu.memref_slice %arg6[%add3A, %mul3A_93, %dma_wait3A] : memref<32x200x128xi32, #tpu.memory_space<hbm>> -> memref<1x8x128xi32, #tpu.memory_space<hbm>>
        %dma_wait3A_110 = tpu.memref_squeeze %dma_wait3A_109 : memref<1x8x128xi32, #tpu.memory_space<hbm>> -> memref<8x128xi32, #tpu.memory_space<hbm>>
        %dma_wait3A_111 = arith.constant 0 : i32
        %dma_wait3A_112 = tpu.memref_slice %arg6[%add3A, %mul3A_93, %dma_wait3A_111] : memref<32x200x128xi32, #tpu.memory_space<hbm>> -> memref<1x8x128xi32, #tpu.memory_space<hbm>>
        %dma_wait3A_113 = tpu.memref_squeeze %dma_wait3A_112 : memref<1x8x128xi32, #tpu.memory_space<hbm>> -> memref<8x128xi32, #tpu.memory_space<hbm>>
        tpu.wait_dma2 semaphore(%run_scoped3A : memref<!tpu.dma_semaphore, #tpu.memory_space<semaphore_mem>>) src(%dma_wait3A_113 : memref<8x128xi32, #tpu.memory_space<hbm>>) dst(%arg12 : memref<8x128xi32, #tpu.memory_space<vmem>>)
        tpu.yield
      }) : () -> ()
      %mul3A_94 = arith.constant 8 : i32
      %mul3A_95 = arith.muli %scan3A_90, %mul3A_94 : i32
      "tpu.region"() ({
        %run_scoped3A = tpu.sem_alloc : memref<!tpu.dma_semaphore, #tpu.memory_space<semaphore_mem>>
        %dma_start3A = arith.constant 0 : i32
        %dma_start3A_104 = tpu.memref_slice %arg7[%add3A, %mul3A_95, %dma_start3A] : memref<32x200x128xi32, #tpu.memory_space<hbm>> -> memref<1x8x128xi32, #tpu.memory_space<hbm>>
        %dma_start3A_105 = tpu.memref_squeeze %dma_start3A_104 : memref<1x8x128xi32, #tpu.memory_space<hbm>> -> memref<8x128xi32, #tpu.memory_space<hbm>>
        %dma_start3A_106 = arith.constant 0 : i32
        %dma_start3A_107 = tpu.memref_slice %arg7[%add3A, %mul3A_95, %dma_start3A_106] : memref<32x200x128xi32, #tpu.memory_space<hbm>> -> memref<1x8x128xi32, #tpu.memory_space<hbm>>
        %dma_start3A_108 = tpu.memref_squeeze %dma_start3A_107 : memref<1x8x128xi32, #tpu.memory_space<hbm>> -> memref<8x128xi32, #tpu.memory_space<hbm>>
        tpu.enqueue_dma source(%dma_start3A_108 : memref<8x128xi32, #tpu.memory_space<hbm>>) target(%arg13 : memref<8x128xi32, #tpu.memory_space<vmem>>) target_semaphore(%run_scoped3A : memref<!tpu.dma_semaphore, #tpu.memory_space<semaphore_mem>>)
        %dma_wait3A = arith.constant 0 : i32
        %dma_wait3A_109 = tpu.memref_slice %arg7[%add3A, %mul3A_95, %dma_wait3A] : memref<32x200x128xi32, #tpu.memory_space<hbm>> -> memref<1x8x128xi32, #tpu.memory_space<hbm>>
        %dma_wait3A_110 = tpu.memref_squeeze %dma_wait3A_109 : memref<1x8x128xi32, #tpu.memory_space<hbm>> -> memref<8x128xi32, #tpu.memory_space<hbm>>
        %dma_wait3A_111 = arith.constant 0 : i32
        %dma_wait3A_112 = tpu.memref_slice %arg7[%add3A, %mul3A_95, %dma_wait3A_111] : memref<32x200x128xi32, #tpu.memory_space<hbm>> -> memref<1x8x128xi32, #tpu.memory_space<hbm>>
        %dma_wait3A_113 = tpu.memref_squeeze %dma_wait3A_112 : memref<1x8x128xi32, #tpu.memory_space<hbm>> -> memref<8x128xi32, #tpu.memory_space<hbm>>
        tpu.wait_dma2 semaphore(%run_scoped3A : memref<!tpu.dma_semaphore, #tpu.memory_space<semaphore_mem>>) src(%dma_wait3A_113 : memref<8x128xi32, #tpu.memory_space<hbm>>) dst(%arg13 : memref<8x128xi32, #tpu.memory_space<vmem>>)
        tpu.yield
      }) : () -> ()
      %scan3A_96 = arith.constant 0 : i32
      %scan3A_97 = arith.constant 0 : i32
      %scan3A_98 = arith.constant 4 : i32
      %scan3A_99 = arith.addi %scan3A_97, %scan3A_98 : i32
      %scan3A_100 = arith.constant 1 : i32
      %scan3A_101 = scf.for %scan3A_104 = %scan3A_97 to %scan3A_99 step %scan3A_100 iter_args(%scan3A_105 = %scan3A_96) -> (i32)  : i32 {
        %mul3A_106 = arith.constant 2 : i32
        %mul3A_107 = arith.muli %scan3A_104, %mul3A_106 : i32
        %dma_start3A = arith.constant 0 : i32
        %dma_start3A_108 = tpu.memref_slice %arg12[%mul3A_107, %dma_start3A] : memref<8x128xi32, #tpu.memory_space<vmem>> -> memref<1x128xi32, #tpu.memory_space<vmem>>
        %dma_start3A_109 = tpu.memref_squeeze %dma_start3A_108 : memref<1x128xi32, #tpu.memory_space<vmem>> -> memref<128xi32, #tpu.memory_space<vmem>>
        %dma_start3A_110 = arith.constant 0 : i32
        %dma_start3A_111 = arith.constant 0 : i32
        %dma_start3A_112 = tpu.memref_slice %arg5[%dma_start3A_110, %dma_start3A_111] : memref<50000x32xf32, #tpu.memory_space<hbm>> -> memref<50000x32xf32, #tpu.memory_space<hbm>>
        tpu.enqueue_indirect_dma source(%dma_start3A_112 : memref<50000x32xf32, #tpu.memory_space<hbm>>) target(%arg14 : memref<128x32xf32, #tpu.memory_space<vmem>>) offsets(%dma_start3A_109 : memref<128xi32, #tpu.memory_space<vmem>>) semaphore(%arg18 : memref<!tpu.dma_semaphore, #tpu.memory_space<semaphore_mem>>)
        %add3A_113 = arith.constant 1 : i32
        %add3A_114 = arith.addi %mul3A_107, %add3A_113 : i32
        %dma_start3A_115 = arith.constant 0 : i32
        %dma_start3A_116 = tpu.memref_slice %arg12[%add3A_114, %dma_start3A_115] : memref<8x128xi32, #tpu.memory_space<vmem>> -> memref<1x128xi32, #tpu.memory_space<vmem>>
        %dma_start3A_117 = tpu.memref_squeeze %dma_start3A_116 : memref<1x128xi32, #tpu.memory_space<vmem>> -> memref<128xi32, #tpu.memory_space<vmem>>
        %dma_start3A_118 = arith.constant 0 : i32
        %dma_start3A_119 = arith.constant 0 : i32
        %dma_start3A_120 = tpu.memref_slice %arg5[%dma_start3A_118, %dma_start3A_119] : memref<50000x32xf32, #tpu.memory_space<hbm>> -> memref<50000x32xf32, #tpu.memory_space<hbm>>
        tpu.enqueue_indirect_dma source(%dma_start3A_120 : memref<50000x32xf32, #tpu.memory_space<hbm>>) target(%arg15 : memref<128x32xf32, #tpu.memory_space<vmem>>) offsets(%dma_start3A_117 : memref<128xi32, #tpu.memory_space<vmem>>) semaphore(%arg19 : memref<!tpu.dma_semaphore, #tpu.memory_space<semaphore_mem>>)
        %dma_wait3A = arith.constant 0 : i32
        %dma_wait3A_121 = tpu.memref_slice %arg12[%mul3A_107, %dma_wait3A] : memref<8x128xi32, #tpu.memory_space<vmem>> -> memref<1x128xi32, #tpu.memory_space<vmem>>
        %dma_wait3A_122 = tpu.memref_squeeze %dma_wait3A_121 : memref<1x128xi32, #tpu.memory_space<vmem>> -> memref<128xi32, #tpu.memory_space<vmem>>
        %dma_wait3A_123 = arith.constant 0 : i32
        %dma_wait3A_124 = arith.constant 0 : i32
        %dma_wait3A_125 = tpu.memref_slice %arg5[%dma_wait3A_123, %dma_wait3A_124] : memref<50000x32xf32, #tpu.memory_space<hbm>> -> memref<50000x32xf32, #tpu.memory_space<hbm>>
        tpu.wait_indirect_dma semaphore(%arg18 : memref<!tpu.dma_semaphore, #tpu.memory_space<semaphore_mem>>) src(%dma_wait3A_125 : memref<50000x32xf32, #tpu.memory_space<hbm>>) dst(%arg14 : memref<128x32xf32, #tpu.memory_space<vmem>>)
        "tpu.region"() ({
          %run_scoped3A = tpu.sem_alloc : memref<!tpu.dma_semaphore, #tpu.memory_space<semaphore_mem>>
          %dma_start3A_135 = arith.constant 0 : i32
          %dma_start3A_136 = tpu.memref_slice %arg13[%mul3A_107, %dma_start3A_135] : memref<8x128xi32, #tpu.memory_space<vmem>> -> memref<1x128xi32, #tpu.memory_space<vmem>>
          %dma_start3A_137 = tpu.memref_squeeze %dma_start3A_136 : memref<1x128xi32, #tpu.memory_space<vmem>> -> memref<128xi32, #tpu.memory_space<vmem>>
          %dma_start3A_138 = arith.constant 0 : i32
          %dma_start3A_139 = arith.constant 0 : i32
          %dma_start3A_140 = tpu.memref_slice %arg17[%dma_start3A_138, %dma_start3A_139] : memref<50176x32xf32, #tpu.memory_space<vmem_shared>> -> memref<50176x32xf32, #tpu.memory_space<vmem_shared>>
          tpu.enqueue_indirect_dma source(%arg14 : memref<128x32xf32, #tpu.memory_space<vmem>>) target(%dma_start3A_140 : memref<50176x32xf32, #tpu.memory_space<vmem_shared>>) offsets(%dma_start3A_137 : memref<128xi32, #tpu.memory_space<vmem>>) semaphore(%run_scoped3A : memref<!tpu.dma_semaphore, #tpu.memory_space<semaphore_mem>>) {add = true}
          %dma_wait3A_141 = arith.constant 0 : i32
          %dma_wait3A_142 = tpu.memref_slice %arg13[%mul3A_107, %dma_wait3A_141] : memref<8x128xi32, #tpu.memory_space<vmem>> -> memref<1x128xi32, #tpu.memory_space<vmem>>
          %dma_wait3A_143 = tpu.memref_squeeze %dma_wait3A_142 : memref<1x128xi32, #tpu.memory_space<vmem>> -> memref<128xi32, #tpu.memory_space<vmem>>
          %dma_wait3A_144 = arith.constant 0 : i32
          %dma_wait3A_145 = arith.constant 0 : i32
          %dma_wait3A_146 = tpu.memref_slice %arg17[%dma_wait3A_144, %dma_wait3A_145] : memref<50176x32xf32, #tpu.memory_space<vmem_shared>> -> memref<50176x32xf32, #tpu.memory_space<vmem_shared>>
          tpu.wait_indirect_dma semaphore(%run_scoped3A : memref<!tpu.dma_semaphore, #tpu.memory_space<semaphore_mem>>) src(%arg14 : memref<128x32xf32, #tpu.memory_space<vmem>>) dst(%dma_wait3A_146 : memref<50176x32xf32, #tpu.memory_space<vmem_shared>>)
          tpu.yield
        }) : () -> ()
        %dma_wait3A_126 = arith.constant 0 : i32
        %dma_wait3A_127 = tpu.memref_slice %arg12[%add3A_114, %dma_wait3A_126] : memref<8x128xi32, #tpu.memory_space<vmem>> -> memref<1x128xi32, #tpu.memory_space<vmem>>
        %dma_wait3A_128 = tpu.memref_squeeze %dma_wait3A_127 : memref<1x128xi32, #tpu.memory_space<vmem>> -> memref<128xi32, #tpu.memory_space<vmem>>
        %dma_wait3A_129 = arith.constant 0 : i32
        %dma_wait3A_130 = arith.constant 0 : i32
        %dma_wait3A_131 = tpu.memref_slice %arg5[%dma_wait3A_129, %dma_wait3A_130] : memref<50000x32xf32, #tpu.memory_space<hbm>> -> memref<50000x32xf32, #tpu.memory_space<hbm>>
        tpu.wait_indirect_dma semaphore(%arg19 : memref<!tpu.dma_semaphore, #tpu.memory_space<semaphore_mem>>) src(%dma_wait3A_131 : memref<50000x32xf32, #tpu.memory_space<hbm>>) dst(%arg15 : memref<128x32xf32, #tpu.memory_space<vmem>>)
        %add3A_132 = arith.constant 1 : i32
        %add3A_133 = arith.addi %mul3A_107, %add3A_132 : i32
        "tpu.region"() ({
          %run_scoped3A = tpu.sem_alloc : memref<!tpu.dma_semaphore, #tpu.memory_space<semaphore_mem>>
          %dma_start3A_135 = arith.constant 0 : i32
          %dma_start3A_136 = tpu.memref_slice %arg13[%add3A_133, %dma_start3A_135] : memref<8x128xi32, #tpu.memory_space<vmem>> -> memref<1x128xi32, #tpu.memory_space<vmem>>
          %dma_start3A_137 = tpu.memref_squeeze %dma_start3A_136 : memref<1x128xi32, #tpu.memory_space<vmem>> -> memref<128xi32, #tpu.memory_space<vmem>>
          %dma_start3A_138 = arith.constant 0 : i32
          %dma_start3A_139 = arith.constant 0 : i32
          %dma_start3A_140 = tpu.memref_slice %arg17[%dma_start3A_138, %dma_start3A_139] : memref<50176x32xf32, #tpu.memory_space<vmem_shared>> -> memref<50176x32xf32, #tpu.memory_space<vmem_shared>>
          tpu.enqueue_indirect_dma source(%arg15 : memref<128x32xf32, #tpu.memory_space<vmem>>) target(%dma_start3A_140 : memref<50176x32xf32, #tpu.memory_space<vmem_shared>>) offsets(%dma_start3A_137 : memref<128xi32, #tpu.memory_space<vmem>>) semaphore(%run_scoped3A : memref<!tpu.dma_semaphore, #tpu.memory_space<semaphore_mem>>) {add = true}
          %dma_wait3A_141 = arith.constant 0 : i32
          %dma_wait3A_142 = tpu.memref_slice %arg13[%add3A_133, %dma_wait3A_141] : memref<8x128xi32, #tpu.memory_space<vmem>> -> memref<1x128xi32, #tpu.memory_space<vmem>>
          %dma_wait3A_143 = tpu.memref_squeeze %dma_wait3A_142 : memref<1x128xi32, #tpu.memory_space<vmem>> -> memref<128xi32, #tpu.memory_space<vmem>>
          %dma_wait3A_144 = arith.constant 0 : i32
          %dma_wait3A_145 = arith.constant 0 : i32
          %dma_wait3A_146 = tpu.memref_slice %arg17[%dma_wait3A_144, %dma_wait3A_145] : memref<50176x32xf32, #tpu.memory_space<vmem_shared>> -> memref<50176x32xf32, #tpu.memory_space<vmem_shared>>
          tpu.wait_indirect_dma semaphore(%run_scoped3A : memref<!tpu.dma_semaphore, #tpu.memory_space<semaphore_mem>>) src(%arg15 : memref<128x32xf32, #tpu.memory_space<vmem>>) dst(%dma_wait3A_146 : memref<50176x32xf32, #tpu.memory_space<vmem_shared>>)
          tpu.yield
        }) : () -> ()
        %scan3A_134 = arith.constant 0 : i32
        scf.yield %scan3A_134 : i32
      }
      %scan3A_102 = arith.constant 4 : i32
      %scan3A_103 = arith.constant 0 : i32
      scf.yield %scan3A_103 : i32
    }
    %scan3A_84 = arith.constant 25 : i32
    %barrier3A_85 = arith.constant 0 : index
    tpu.barrier barrier_id(%barrier3A_85)
    %mul3A_86 = arith.constant 3128 : i32
    %mul3A_87 = arith.muli %arg1, %mul3A_86 : i32
    %mul3A_88 = arith.constant 3128 : i32
    %mul3A_89 = arith.muli %arg1, %mul3A_88 : i32
    "tpu.region"() ({
      %run_scoped3A = tpu.sem_alloc : memref<!tpu.dma_semaphore, #tpu.memory_space<semaphore_mem>>
      %dma_start3A = arith.constant 0 : i32
      %dma_start3A_90 = tpu.memref_slice %arg11[%arg0, %mul3A_89, %dma_start3A] : memref<2x50048x32xf32, #tpu.memory_space<hbm>> -> memref<1x3128x32xf32, #tpu.memory_space<hbm>>
      %dma_start3A_91 = tpu.memref_squeeze %dma_start3A_90 : memref<1x3128x32xf32, #tpu.memory_space<hbm>> -> memref<3128x32xf32, #tpu.memory_space<hbm>>
      %dma_start3A_92 = arith.constant 0 : i32
      %dma_start3A_93 = tpu.memref_slice %arg17[%mul3A_87, %dma_start3A_92] : memref<50176x32xf32, #tpu.memory_space<vmem_shared>> -> memref<3128x32xf32, #tpu.memory_space<vmem_shared>>
      tpu.enqueue_dma source(%dma_start3A_93 : memref<3128x32xf32, #tpu.memory_space<vmem_shared>>) target(%dma_start3A_91 : memref<3128x32xf32, #tpu.memory_space<hbm>>) target_semaphore(%run_scoped3A : memref<!tpu.dma_semaphore, #tpu.memory_space<semaphore_mem>>)
      %dma_wait3A = arith.constant 0 : i32
      %dma_wait3A_94 = tpu.memref_slice %arg11[%arg0, %mul3A_89, %dma_wait3A] : memref<2x50048x32xf32, #tpu.memory_space<hbm>> -> memref<1x3128x32xf32, #tpu.memory_space<hbm>>
      %dma_wait3A_95 = tpu.memref_squeeze %dma_wait3A_94 : memref<1x3128x32xf32, #tpu.memory_space<hbm>> -> memref<3128x32xf32, #tpu.memory_space<hbm>>
      %dma_wait3A_96 = arith.constant 0 : i32
      %dma_wait3A_97 = tpu.memref_slice %arg17[%mul3A_87, %dma_wait3A_96] : memref<50176x32xf32, #tpu.memory_space<vmem_shared>> -> memref<3128x32xf32, #tpu.memory_space<vmem_shared>>
      tpu.wait_dma2 semaphore(%run_scoped3A : memref<!tpu.dma_semaphore, #tpu.memory_space<semaphore_mem>>) src(%dma_wait3A_97 : memref<3128x32xf32, #tpu.memory_space<vmem_shared>>) dst(%dma_wait3A_95 : memref<3128x32xf32, #tpu.memory_space<hbm>>)
      tpu.yield
    }) : () -> ()
    return
  }
}

module attributes {stable_mosaic.version = 14 : i64} {
  func.func @_prep_body(%arg0: i32, %arg1: memref<512x16xf32, #tpu.memory_space<vmem>>, %arg2: memref<512x16xf32, #tpu.memory_space<vmem>>, %arg3: memref<512x64xf32, #tpu.memory_space<vmem>>, %arg4: memref<512x32xf32, #tpu.memory_space<vmem>>, %arg5: memref<512x32xf32, #tpu.memory_space<vmem>>, %arg6: memref<512x8xf32, #tpu.memory_space<vmem>>) attributes {dimension_semantics = [#tpu.dimension_semantics<arbitrary>], iteration_bounds = array<i64: 98>, scalar_prefetch = 0 : i64, scratch_operands = 0 : i64, tpu.core_type = #tpu.core_type<tc>, window_params = [{transform_indices = @transform_0, window_bounds = array<i64: 512, 16>}, {transform_indices = @transform_1, window_bounds = array<i64: 512, 16>}, {transform_indices = @transform_2, window_bounds = array<i64: 512, 64>}, {transform_indices = @transform_3, window_bounds = array<i64: 512, 32>}, {transform_indices = @transform_4, window_bounds = array<i64: 512, 32>}, {transform_indices = @transform_5, window_bounds = array<i64: 512, 8>}]} {
    %get3A = arith.constant 0 : index
    %get3A_0 = arith.constant 0 : index
    %get3A_1 = vector.load %arg1[%get3A, %get3A_0] : memref<512x16xf32, #tpu.memory_space<vmem>>, vector<512x1xf32>
    %get3A_2 = arith.constant 0 : index
    %get3A_3 = arith.constant 0 : index
    %get3A_4 = vector.load %arg2[%get3A_2, %get3A_3] : memref<512x16xf32, #tpu.memory_space<vmem>>, vector<512x1xf32>
    %add3A = arith.addf %get3A_1, %get3A_4 : vector<512x1xf32>
    %add3A_5 = arith.constant 1.000000e+00 : f32
    %add3A_6 = vector.broadcast %add3A_5 : f32 to vector<512x1xf32>
    %add3A_7 = arith.addf %add3A, %add3A_6 : vector<512x1xf32>
    %rsqrt3A = math.rsqrt %add3A_7 : vector<512x1xf32>
    %get3A_8 = arith.constant 0 : index
    %get3A_9 = arith.constant 0 : index
    %get3A_10 = vector.load %arg3[%get3A_8, %get3A_9] : memref<512x64xf32, #tpu.memory_space<vmem>>, vector<512x64xf32>
    %mul3A = vector.broadcast %rsqrt3A : vector<512x1xf32> to vector<512x64xf32>
    %mul3A_11 = arith.mulf %get3A_10, %mul3A : vector<512x64xf32>
    %slice3A = vector.extract_strided_slice %mul3A_11 {offsets = [0, 0], sizes = [512, 32], strides = [1, 1]} : vector<512x64xf32> to vector<512x32xf32>
    %swap3A = arith.constant 0 : index
    %swap3A_12 = arith.constant 0 : index
    %swap3A_13 = vector.load %arg4[%swap3A, %swap3A_12] : memref<512x32xf32, #tpu.memory_space<vmem>>, vector<512x32xf32>
    tpu.vector_store %arg4[%swap3A, %swap3A_12], %slice3A {strides = array<i32>} : memref<512x32xf32, #tpu.memory_space<vmem>>, vector<512x32xf32>,
    %slice3A_14 = vector.extract_strided_slice %mul3A_11 {offsets = [0, 32], sizes = [512, 32], strides = [1, 1]} : vector<512x64xf32> to vector<512x32xf32>
    %swap3A_15 = arith.constant 0 : index
    %swap3A_16 = arith.constant 0 : index
    %swap3A_17 = vector.load %arg5[%swap3A_15, %swap3A_16] : memref<512x32xf32, #tpu.memory_space<vmem>>, vector<512x32xf32>
    tpu.vector_store %arg5[%swap3A_15, %swap3A_16], %slice3A_14 {strides = array<i32>} : memref<512x32xf32, #tpu.memory_space<vmem>>, vector<512x32xf32>,
    %broadcast_in_dim3A = vector.shape_cast %rsqrt3A : vector<512x1xf32> to vector<512x1xf32>
    %broadcast_in_dim3A_18 = vector.broadcast %broadcast_in_dim3A : vector<512x1xf32> to vector<512x8xf32>
    %swap3A_19 = arith.constant 0 : index
    %swap3A_20 = arith.constant 0 : index
    %swap3A_21 = vector.load %arg6[%swap3A_19, %swap3A_20] : memref<512x8xf32, #tpu.memory_space<vmem>>, vector<512x8xf32>
    tpu.vector_store %arg6[%swap3A_19, %swap3A_20], %broadcast_in_dim3A_18 {strides = array<i32>} : memref<512x8xf32, #tpu.memory_space<vmem>>, vector<512x8xf32>,
    return
  }
  func.func @transform_0(%arg0: i32) -> (i32, i32) {
    %c0_i32 = arith.constant 0 : i32
    %c0_i32_0 = arith.constant 0 : i32
    return %arg0, %c0_i32 : i32, i32
  }
  func.func @transform_1(%arg0: i32) -> (i32, i32) {
    %c0_i32 = arith.constant 0 : i32
    %c0_i32_0 = arith.constant 0 : i32
    return %arg0, %c0_i32 : i32, i32
  }
  func.func @transform_2(%arg0: i32) -> (i32, i32) {
    %c0_i32 = arith.constant 0 : i32
    %c0_i32_0 = arith.constant 0 : i32
    return %arg0, %c0_i32 : i32, i32
  }
  func.func @transform_3(%arg0: i32) -> (i32, i32) {
    %c0_i32 = arith.constant 0 : i32
    %c0_i32_0 = arith.constant 0 : i32
    return %arg0, %c0_i32 : i32, i32
  }
  func.func @transform_4(%arg0: i32) -> (i32, i32) {
    %c0_i32 = arith.constant 0 : i32
    %c0_i32_0 = arith.constant 0 : i32
    return %arg0, %c0_i32 : i32, i32
  }
  func.func @transform_5(%arg0: i32) -> (i32, i32) {
    %c0_i32 = arith.constant 0 : i32
    %c0_i32_0 = arith.constant 0 : i32
    return %arg0, %c0_i32 : i32, i32
  }
}

module attributes {stable_mosaic.version = 14 : i64} {
  func.func @_mm1_body(%arg0: i32, %arg1: memref<2x512x32xf32, #tpu.memory_space<vmem>>, %arg2: memref<2x512x32xf32, #tpu.memory_space<vmem>>, %arg3: memref<512x32xf32, #tpu.memory_space<vmem>>, %arg4: memref<512x32xf32, #tpu.memory_space<vmem>>, %arg5: memref<512x8xf32, #tpu.memory_space<vmem>>, %arg6: memref<64x128xf32, #tpu.memory_space<vmem>>, %arg7: memref<1x128xf32, #tpu.memory_space<vmem>>, %arg8: memref<512x32xf32, #tpu.memory_space<vmem>>, %arg9: memref<512x32xf32, #tpu.memory_space<vmem>>, %arg10: memref<512x32xf32, #tpu.memory_space<vmem>>, %arg11: memref<512x32xf32, #tpu.memory_space<vmem>>) attributes {dimension_semantics = [#tpu.dimension_semantics<arbitrary>], iteration_bounds = array<i64: 98>, scalar_prefetch = 0 : i64, scratch_operands = 0 : i64, tpu.core_type = #tpu.core_type<tc>, window_params = [{transform_indices = @transform_0, window_bounds = array<i64: 2, 512, 32>}, {transform_indices = @transform_1, window_bounds = array<i64: 2, 512, 32>}, {transform_indices = @transform_2, window_bounds = array<i64: 512, 32>}, {transform_indices = @transform_3, window_bounds = array<i64: 512, 32>}, {transform_indices = @transform_4, window_bounds = array<i64: 512, 8>}, {pipeline_mode = #tpu.pipeline_mode<synchronous>, transform_indices = @transform_5, window_bounds = array<i64: 64, 128>}, {pipeline_mode = #tpu.pipeline_mode<synchronous>, transform_indices = @transform_6, window_bounds = array<i64: 1, 128>}, {transform_indices = @transform_7, window_bounds = array<i64: 512, 32>}, {transform_indices = @transform_8, window_bounds = array<i64: 512, 32>}, {transform_indices = @transform_9, window_bounds = array<i64: 512, 32>}, {transform_indices = @transform_10, window_bounds = array<i64: 512, 32>}]} {
    %get3A = arith.constant 0 : index
    %get3A_0 = arith.constant 0 : index
    %get3A_1 = vector.load %arg5[%get3A, %get3A_0] : memref<512x8xf32, #tpu.memory_space<vmem>>, vector<512x1xf32>
    %get3A_2 = arith.constant 0 : index
    %get3A_3 = arith.constant 0 : index
    %get3A_4 = arith.constant 0 : index
    %get3A_5 = vector.load %arg1[%get3A_2, %get3A_3, %get3A_4] : memref<2x512x32xf32, #tpu.memory_space<vmem>>, vector<1x512x32xf32>
    %get3A_6 = vector.shape_cast %get3A_5 : vector<1x512x32xf32> to vector<512x32xf32>
    %get3A_7 = arith.constant 1 : index
    %get3A_8 = arith.constant 0 : index
    %get3A_9 = arith.constant 0 : index
    %get3A_10 = vector.load %arg1[%get3A_7, %get3A_8, %get3A_9] : memref<2x512x32xf32, #tpu.memory_space<vmem>>, vector<1x512x32xf32>
    %get3A_11 = vector.shape_cast %get3A_10 : vector<1x512x32xf32> to vector<512x32xf32>
    %add3A = arith.addf %get3A_6, %get3A_11 : vector<512x32xf32>
    %get3A_12 = arith.constant 0 : index
    %get3A_13 = arith.constant 0 : index
    %get3A_14 = vector.load %arg3[%get3A_12, %get3A_13] : memref<512x32xf32, #tpu.memory_space<vmem>>, vector<512x32xf32>
    %add3A_15 = arith.addf %add3A, %get3A_14 : vector<512x32xf32>
    %get3A_16 = arith.constant 0 : index
    %get3A_17 = arith.constant 0 : index
    %get3A_18 = arith.constant 0 : index
    %get3A_19 = vector.load %arg2[%get3A_16, %get3A_17, %get3A_18] : memref<2x512x32xf32, #tpu.memory_space<vmem>>, vector<1x512x32xf32>
    %get3A_20 = vector.shape_cast %get3A_19 : vector<1x512x32xf32> to vector<512x32xf32>
    %get3A_21 = arith.constant 1 : index
    %get3A_22 = arith.constant 0 : index
    %get3A_23 = arith.constant 0 : index
    %get3A_24 = vector.load %arg2[%get3A_21, %get3A_22, %get3A_23] : memref<2x512x32xf32, #tpu.memory_space<vmem>>, vector<1x512x32xf32>
    %get3A_25 = vector.shape_cast %get3A_24 : vector<1x512x32xf32> to vector<512x32xf32>
    %add3A_26 = arith.addf %get3A_20, %get3A_25 : vector<512x32xf32>
    %get3A_27 = arith.constant 0 : index
    %get3A_28 = arith.constant 0 : index
    %get3A_29 = vector.load %arg4[%get3A_27, %get3A_28] : memref<512x32xf32, #tpu.memory_space<vmem>>, vector<512x32xf32>
    %add3A_30 = arith.addf %add3A_26, %get3A_29 : vector<512x32xf32>
    %concatenate3A = tpu.concatenate %add3A_15, %add3A_30 in 1 : vector<512x32xf32>, vector<512x32xf32> -> vector<512x64xf32>
    %mul3A = vector.broadcast %get3A_1 : vector<512x1xf32> to vector<512x64xf32>
    %mul3A_31 = arith.mulf %concatenate3A, %mul3A : vector<512x64xf32>
    %get3A_32 = arith.constant 0 : index
    %get3A_33 = arith.constant 0 : index
    %get3A_34 = vector.load %arg6[%get3A_32, %get3A_33] : memref<64x128xf32, #tpu.memory_space<vmem>>, vector<64x128xf32>
    %dot_general3A = arith.constant dense<0.000000e+00> : vector<512x128xf32>
    %dot_general3A_35 = tpu.matmul %mul3A_31, %get3A_34, %dot_general3A {dimension_numbers = #tpu.dot_dimension_numbers<[1], [0], [0], [1], [0, 0, 1, 1], [], []>, transpose_lhs_hint = false} : vector<512x64xf32>, vector<64x128xf32>, vector<512x128xf32> -> vector<512x128xf32>
    %get3A_36 = arith.constant 0 : index
    %get3A_37 = arith.constant 0 : index
    %get3A_38 = vector.load %arg7[%get3A_36, %get3A_37] : memref<1x128xf32, #tpu.memory_space<vmem>>, vector<1x128xf32>
    %add3A_39 = vector.broadcast %get3A_38 : vector<1x128xf32> to vector<512x128xf32>
    %add3A_40 = arith.addf %dot_general3A_35, %add3A_39 : vector<512x128xf32>
    %max3A = arith.constant 0.000000e+00 : f32
    %max3A_41 = vector.broadcast %max3A : f32 to vector<512x128xf32>
    %max3A_42 = arith.maximumf %add3A_40, %max3A_41 : vector<512x128xf32>
    %mul3A_43 = vector.broadcast %get3A_1 : vector<512x1xf32> to vector<512x128xf32>
    %mul3A_44 = arith.mulf %max3A_42, %mul3A_43 : vector<512x128xf32>
    %slice3A = vector.extract_strided_slice %mul3A_44 {offsets = [0, 0], sizes = [512, 32], strides = [1, 1]} : vector<512x128xf32> to vector<512x32xf32>
    %swap3A = arith.constant 0 : index
    %swap3A_45 = arith.constant 0 : index
    %swap3A_46 = vector.load %arg8[%swap3A, %swap3A_45] : memref<512x32xf32, #tpu.memory_space<vmem>>, vector<512x32xf32>
    tpu.vector_store %arg8[%swap3A, %swap3A_45], %slice3A {strides = array<i32>} : memref<512x32xf32, #tpu.memory_space<vmem>>, vector<512x32xf32>,
    %slice3A_47 = vector.extract_strided_slice %mul3A_44 {offsets = [0, 32], sizes = [512, 32], strides = [1, 1]} : vector<512x128xf32> to vector<512x32xf32>
    %swap3A_48 = arith.constant 0 : index
    %swap3A_49 = arith.constant 0 : index
    %swap3A_50 = vector.load %arg9[%swap3A_48, %swap3A_49] : memref<512x32xf32, #tpu.memory_space<vmem>>, vector<512x32xf32>
    tpu.vector_store %arg9[%swap3A_48, %swap3A_49], %slice3A_47 {strides = array<i32>} : memref<512x32xf32, #tpu.memory_space<vmem>>, vector<512x32xf32>,
    %slice3A_51 = vector.extract_strided_slice %mul3A_44 {offsets = [0, 64], sizes = [512, 32], strides = [1, 1]} : vector<512x128xf32> to vector<512x32xf32>
    %swap3A_52 = arith.constant 0 : index
    %swap3A_53 = arith.constant 0 : index
    %swap3A_54 = vector.load %arg10[%swap3A_52, %swap3A_53] : memref<512x32xf32, #tpu.memory_space<vmem>>, vector<512x32xf32>
    tpu.vector_store %arg10[%swap3A_52, %swap3A_53], %slice3A_51 {strides = array<i32>} : memref<512x32xf32, #tpu.memory_space<vmem>>, vector<512x32xf32>,
    %slice3A_55 = vector.extract_strided_slice %mul3A_44 {offsets = [0, 96], sizes = [512, 32], strides = [1, 1]} : vector<512x128xf32> to vector<512x32xf32>
    %swap3A_56 = arith.constant 0 : index
    %swap3A_57 = arith.constant 0 : index
    %swap3A_58 = vector.load %arg11[%swap3A_56, %swap3A_57] : memref<512x32xf32, #tpu.memory_space<vmem>>, vector<512x32xf32>
    tpu.vector_store %arg11[%swap3A_56, %swap3A_57], %slice3A_55 {strides = array<i32>} : memref<512x32xf32, #tpu.memory_space<vmem>>, vector<512x32xf32>,
    return
  }
  func.func @transform_0(%arg0: i32) -> (i32, i32, i32) {
    %c0_i32 = arith.constant 0 : i32
    %c0_i32_0 = arith.constant 0 : i32
    %c0_i32_1 = arith.constant 0 : i32
    return %c0_i32, %arg0, %c0_i32_0 : i32, i32, i32
  }
  func.func @transform_1(%arg0: i32) -> (i32, i32, i32) {
    %c0_i32 = arith.constant 0 : i32
    %c0_i32_0 = arith.constant 0 : i32
    %c0_i32_1 = arith.constant 0 : i32
    return %c0_i32, %arg0, %c0_i32_0 : i32, i32, i32
  }
  func.func @transform_2(%arg0: i32) -> (i32, i32) {
    %c0_i32 = arith.constant 0 : i32
    %c0_i32_0 = arith.constant 0 : i32
    return %arg0, %c0_i32 : i32, i32
  }
  func.func @transform_3(%arg0: i32) -> (i32, i32) {
    %c0_i32 = arith.constant 0 : i32
    %c0_i32_0 = arith.constant 0 : i32
    return %arg0, %c0_i32 : i32, i32
  }
  func.func @transform_4(%arg0: i32) -> (i32, i32) {
    %c0_i32 = arith.constant 0 : i32
    %c0_i32_0 = arith.constant 0 : i32
    return %arg0, %c0_i32 : i32, i32
  }
  func.func @transform_5(%arg0: i32) -> (i32, i32) {
    %c0_i32 = arith.constant 0 : i32
    %c0_i32_0 = arith.constant 0 : i32
    %c0_i32_1 = arith.constant 0 : i32
    return %c0_i32, %c0_i32_0 : i32, i32
  }
  func.func @transform_6(%arg0: i32) -> (i32, i32) {
    %c0_i32 = arith.constant 0 : i32
    %c0_i32_0 = arith.constant 0 : i32
    %c0_i32_1 = arith.constant 0 : i32
    return %c0_i32, %c0_i32_0 : i32, i32
  }
  func.func @transform_7(%arg0: i32) -> (i32, i32) {
    %c0_i32 = arith.constant 0 : i32
    %c0_i32_0 = arith.constant 0 : i32
    return %arg0, %c0_i32 : i32, i32
  }
  func.func @transform_8(%arg0: i32) -> (i32, i32) {
    %c0_i32 = arith.constant 0 : i32
    %c0_i32_0 = arith.constant 0 : i32
    return %arg0, %c0_i32 : i32, i32
  }
  func.func @transform_9(%arg0: i32) -> (i32, i32) {
    %c0_i32 = arith.constant 0 : i32
    %c0_i32_0 = arith.constant 0 : i32
    return %arg0, %c0_i32 : i32, i32
  }
  func.func @transform_10(%arg0: i32) -> (i32, i32) {
    %c0_i32 = arith.constant 0 : i32
    %c0_i32_0 = arith.constant 0 : i32
    return %arg0, %c0_i32 : i32, i32
  }
}

module attributes {stable_mosaic.version = 14 : i64} {
  func.func @_mm2_body(%arg0: i32, %arg1: memref<2x512x32xf32, #tpu.memory_space<vmem>>, %arg2: memref<2x512x32xf32, #tpu.memory_space<vmem>>, %arg3: memref<2x512x32xf32, #tpu.memory_space<vmem>>, %arg4: memref<2x512x32xf32, #tpu.memory_space<vmem>>, %arg5: memref<512x32xf32, #tpu.memory_space<vmem>>, %arg6: memref<512x32xf32, #tpu.memory_space<vmem>>, %arg7: memref<512x32xf32, #tpu.memory_space<vmem>>, %arg8: memref<512x32xf32, #tpu.memory_space<vmem>>, %arg9: memref<512x8xf32, #tpu.memory_space<vmem>>, %arg10: memref<128x256xf32, #tpu.memory_space<vmem>>, %arg11: memref<1x256xf32, #tpu.memory_space<vmem>>, %arg12: memref<1x16xi32, #tpu.memory_space<vmem>>, %arg13: memref<1x16xi32, #tpu.memory_space<vmem>>, %arg14: memref<256x128xf32, #tpu.memory_space<vmem>>, %arg15: memref<1x128xf32, #tpu.memory_space<vmem>>, %arg16: memref<16x128xf32, #tpu.memory_space<vmem>>, %arg17: memref<16x256xf32, #tpu.memory_space<vmem>>) attributes {dimension_semantics = [#tpu.dimension_semantics<arbitrary>], iteration_bounds = array<i64: 98>, scalar_prefetch = 0 : i64, scratch_operands = 1 : i64, tpu.core_type = #tpu.core_type<tc>, window_params = [{transform_indices = @transform_0, window_bounds = array<i64: 2, 512, 32>}, {transform_indices = @transform_1, window_bounds = array<i64: 2, 512, 32>}, {transform_indices = @transform_2, window_bounds = array<i64: 2, 512, 32>}, {transform_indices = @transform_3, window_bounds = array<i64: 2, 512, 32>}, {transform_indices = @transform_4, window_bounds = array<i64: 512, 32>}, {transform_indices = @transform_5, window_bounds = array<i64: 512, 32>}, {transform_indices = @transform_6, window_bounds = array<i64: 512, 32>}, {transform_indices = @transform_7, window_bounds = array<i64: 512, 32>}, {transform_indices = @transform_8, window_bounds = array<i64: 512, 8>}, {pipeline_mode = #tpu.pipeline_mode<synchronous>, transform_indices = @transform_9, window_bounds = array<i64: 128, 256>}, {pipeline_mode = #tpu.pipeline_mode<synchronous>, transform_indices = @transform_10, window_bounds = array<i64: 1, 256>}, {pipeline_mode = #tpu.pipeline_mode<synchronous>, transform_indices = @transform_11, window_bounds = array<i64: 1, 16>}, {pipeline_mode = #tpu.pipeline_mode<synchronous>, transform_indices = @transform_12, window_bounds = array<i64: 1, 16>}, {pipeline_mode = #tpu.pipeline_mode<synchronous>, transform_indices = @transform_13, window_bounds = array<i64: 256, 128>}, {pipeline_mode = #tpu.pipeline_mode<synchronous>, transform_indices = @transform_14, window_bounds = array<i64: 1, 128>}, {pipeline_mode = #tpu.pipeline_mode<synchronous>, transform_indices = @transform_15, window_bounds = array<i64: 16, 128>}]} {
    %get3A = arith.constant 0 : index
    %get3A_0 = arith.constant 0 : index
    %get3A_1 = vector.load %arg9[%get3A, %get3A_0] : memref<512x8xf32, #tpu.memory_space<vmem>>, vector<512x1xf32>
    %get3A_2 = arith.constant 0 : index
    %get3A_3 = arith.constant 0 : index
    %get3A_4 = arith.constant 0 : index
    %get3A_5 = vector.load %arg1[%get3A_2, %get3A_3, %get3A_4] : memref<2x512x32xf32, #tpu.memory_space<vmem>>, vector<1x512x32xf32>
    %get3A_6 = vector.shape_cast %get3A_5 : vector<1x512x32xf32> to vector<512x32xf32>
    %get3A_7 = arith.constant 1 : index
    %get3A_8 = arith.constant 0 : index
    %get3A_9 = arith.constant 0 : index
    %get3A_10 = vector.load %arg1[%get3A_7, %get3A_8, %get3A_9] : memref<2x512x32xf32, #tpu.memory_space<vmem>>, vector<1x512x32xf32>
    %get3A_11 = vector.shape_cast %get3A_10 : vector<1x512x32xf32> to vector<512x32xf32>
    %add3A = arith.addf %get3A_6, %get3A_11 : vector<512x32xf32>
    %get3A_12 = arith.constant 0 : index
    %get3A_13 = arith.constant 0 : index
    %get3A_14 = vector.load %arg5[%get3A_12, %get3A_13] : memref<512x32xf32, #tpu.memory_space<vmem>>, vector<512x32xf32>
    %add3A_15 = arith.addf %add3A, %get3A_14 : vector<512x32xf32>
    %get3A_16 = arith.constant 0 : index
    %get3A_17 = arith.constant 0 : index
    %get3A_18 = arith.constant 0 : index
    %get3A_19 = vector.load %arg2[%get3A_16, %get3A_17, %get3A_18] : memref<2x512x32xf32, #tpu.memory_space<vmem>>, vector<1x512x32xf32>
    %get3A_20 = vector.shape_cast %get3A_19 : vector<1x512x32xf32> to vector<512x32xf32>
    %get3A_21 = arith.constant 1 : index
    %get3A_22 = arith.constant 0 : index
    %get3A_23 = arith.constant 0 : index
    %get3A_24 = vector.load %arg2[%get3A_21, %get3A_22, %get3A_23] : memref<2x512x32xf32, #tpu.memory_space<vmem>>, vector<1x512x32xf32>
    %get3A_25 = vector.shape_cast %get3A_24 : vector<1x512x32xf32> to vector<512x32xf32>
    %add3A_26 = arith.addf %get3A_20, %get3A_25 : vector<512x32xf32>
    %get3A_27 = arith.constant 0 : index
    %get3A_28 = arith.constant 0 : index
    %get3A_29 = vector.load %arg6[%get3A_27, %get3A_28] : memref<512x32xf32, #tpu.memory_space<vmem>>, vector<512x32xf32>
    %add3A_30 = arith.addf %add3A_26, %get3A_29 : vector<512x32xf32>
    %get3A_31 = arith.constant 0 : index
    %get3A_32 = arith.constant 0 : index
    %get3A_33 = arith.constant 0 : index
    %get3A_34 = vector.load %arg3[%get3A_31, %get3A_32, %get3A_33] : memref<2x512x32xf32, #tpu.memory_space<vmem>>, vector<1x512x32xf32>
    %get3A_35 = vector.shape_cast %get3A_34 : vector<1x512x32xf32> to vector<512x32xf32>
    %get3A_36 = arith.constant 1 : index
    %get3A_37 = arith.constant 0 : index
    %get3A_38 = arith.constant 0 : index
    %get3A_39 = vector.load %arg3[%get3A_36, %get3A_37, %get3A_38] : memref<2x512x32xf32, #tpu.memory_space<vmem>>, vector<1x512x32xf32>
    %get3A_40 = vector.shape_cast %get3A_39 : vector<1x512x32xf32> to vector<512x32xf32>
    %add3A_41 = arith.addf %get3A_35, %get3A_40 : vector<512x32xf32>
    %get3A_42 = arith.constant 0 : index
    %get3A_43 = arith.constant 0 : index
    %get3A_44 = vector.load %arg7[%get3A_42, %get3A_43] : memref<512x32xf32, #tpu.memory_space<vmem>>, vector<512x32xf32>
    %add3A_45 = arith.addf %add3A_41, %get3A_44 : vector<512x32xf32>
    %get3A_46 = arith.constant 0 : index
    %get3A_47 = arith.constant 0 : index
    %get3A_48 = arith.constant 0 : index
    %get3A_49 = vector.load %arg4[%get3A_46, %get3A_47, %get3A_48] : memref<2x512x32xf32, #tpu.memory_space<vmem>>, vector<1x512x32xf32>
    %get3A_50 = vector.shape_cast %get3A_49 : vector<1x512x32xf32> to vector<512x32xf32>
    %get3A_51 = arith.constant 1 : index
    %get3A_52 = arith.constant 0 : index
    %get3A_53 = arith.constant 0 : index
    %get3A_54 = vector.load %arg4[%get3A_51, %get3A_52, %get3A_53] : memref<2x512x32xf32, #tpu.memory_space<vmem>>, vector<1x512x32xf32>
    %get3A_55 = vector.shape_cast %get3A_54 : vector<1x512x32xf32> to vector<512x32xf32>
    %add3A_56 = arith.addf %get3A_50, %get3A_55 : vector<512x32xf32>
    %get3A_57 = arith.constant 0 : index
    %get3A_58 = arith.constant 0 : index
    %get3A_59 = vector.load %arg8[%get3A_57, %get3A_58] : memref<512x32xf32, #tpu.memory_space<vmem>>, vector<512x32xf32>
    %add3A_60 = arith.addf %add3A_56, %get3A_59 : vector<512x32xf32>
    %concatenate3A = tpu.concatenate %add3A_15, %add3A_30, %add3A_45, %add3A_60 in 1 : vector<512x32xf32>, vector<512x32xf32>, vector<512x32xf32>, vector<512x32xf32> -> vector<512x128xf32>
    %mul3A = vector.broadcast %get3A_1 : vector<512x1xf32> to vector<512x128xf32>
    %mul3A_61 = arith.mulf %concatenate3A, %mul3A : vector<512x128xf32>
    %get3A_62 = arith.constant 0 : index
    %get3A_63 = arith.constant 0 : index
    %get3A_64 = vector.load %arg10[%get3A_62, %get3A_63] : memref<128x256xf32, #tpu.memory_space<vmem>>, vector<128x256xf32>
    %dot_general3A = arith.constant dense<0.000000e+00> : vector<512x256xf32>
    %dot_general3A_65 = tpu.matmul %mul3A_61, %get3A_64, %dot_general3A {dimension_numbers = #tpu.dot_dimension_numbers<[1], [0], [0], [1], [0, 0, 1, 1], [], []>, transpose_lhs_hint = false} : vector<512x128xf32>, vector<128x256xf32>, vector<512x256xf32> -> vector<512x256xf32>
    %get3A_66 = arith.constant 0 : index
    %get3A_67 = arith.constant 0 : index
    %get3A_68 = vector.load %arg11[%get3A_66, %get3A_67] : memref<1x256xf32, #tpu.memory_space<vmem>>, vector<1x256xf32>
    %add3A_69 = vector.broadcast %get3A_68 : vector<1x256xf32> to vector<512x256xf32>
    %add3A_70 = arith.addf %dot_general3A_65, %add3A_69 : vector<512x256xf32>
    %max3A = arith.constant 0.000000e+00 : f32
    %max3A_71 = vector.broadcast %max3A : f32 to vector<512x256xf32>
    %max3A_72 = arith.maximumf %add3A_70, %max3A_71 : vector<512x256xf32>
    %mul3A_73 = arith.constant 512 : i32
    %mul3A_74 = arith.muli %arg0, %mul3A_73 : i32
    %iota3A = tpu.iota {dimensions = array<i32: 0>} : vector<512x1xi32>
    %add3A_75 = vector.broadcast %mul3A_74 : i32 to vector<512x1xi32>
    %add3A_76 = arith.addi %add3A_75, %iota3A : vector<512x1xi32>
    %get3A_77 = arith.constant 0 : index
    %get3A_78 = arith.constant 0 : index
    %get3A_79 = vector.load %arg12[%get3A_77, %get3A_78] : memref<1x16xi32, #tpu.memory_space<vmem>>, vector<1x16xi32>
    %ge3A = vector.broadcast %add3A_76 : vector<512x1xi32> to vector<512x16xi32>
    %ge3A_80 = vector.broadcast %get3A_79 : vector<1x16xi32> to vector<512x16xi32>
    %ge3A_81 = arith.cmpi sge, %ge3A, %ge3A_80 : vector<512x16xi32>
    %get3A_82 = arith.constant 0 : index
    %get3A_83 = arith.constant 0 : index
    %get3A_84 = vector.load %arg13[%get3A_82, %get3A_83] : memref<1x16xi32, #tpu.memory_space<vmem>>, vector<1x16xi32>
    %lt3A = vector.broadcast %add3A_76 : vector<512x1xi32> to vector<512x16xi32>
    %lt3A_85 = vector.broadcast %get3A_84 : vector<1x16xi32> to vector<512x16xi32>
    %lt3A_86 = arith.cmpi slt, %lt3A, %lt3A_85 : vector<512x16xi32>
    %and3A = arith.andi %ge3A_81, %lt3A_86 : vector<512x16xi1>
    %convert_element_type3A = arith.extui %and3A : vector<512x16xi1> to vector<512x16xi32>
    %convert_element_type3A_87 = arith.sitofp %convert_element_type3A : vector<512x16xi32> to vector<512x16xf32>
    %dot_general3A_88 = arith.constant dense<0.000000e+00> : vector<16x256xf32>
    %dot_general3A_89 = tpu.matmul %convert_element_type3A_87, %max3A_72, %dot_general3A_88 {dimension_numbers = #tpu.dot_dimension_numbers<[0], [0], [1], [1], [0, 1, 1, 1], [], []>, transpose_lhs_hint = false} : vector<512x16xf32>, vector<512x256xf32>, vector<16x256xf32> -> vector<16x256xf32>
    %eq3A = arith.constant 0 : i32
    %eq3A_90 = arith.cmpi eq, %arg0, %eq3A : i32
    %convert_element_type3A_91 = arith.extui %eq3A_90 : i1 to i32
    %cond3A = arith.constant 0 : i32
    %cond3A_92 = arith.cmpi ne, %convert_element_type3A_91, %cond3A : i32
    scf.if %cond3A_92 {
      %swap3A = arith.constant 0 : index
      %swap3A_102 = arith.constant 0 : index
      %swap3A_103 = vector.load %arg17[%swap3A, %swap3A_102] : memref<16x256xf32, #tpu.memory_space<vmem>>, vector<16x256xf32>
      tpu.vector_store %arg17[%swap3A, %swap3A_102], %dot_general3A_89 {strides = array<i32>} : memref<16x256xf32, #tpu.memory_space<vmem>>, vector<16x256xf32>,
    } else {
    }
    %gt3A = arith.constant 0 : i32
    %gt3A_93 = arith.cmpi sgt, %arg0, %gt3A : i32
    %convert_element_type3A_94 = arith.extui %gt3A_93 : i1 to i32
    %cond3A_95 = arith.constant 0 : i32
    %cond3A_96 = arith.cmpi ne, %convert_element_type3A_94, %cond3A_95 : i32
    scf.if %cond3A_96 {
      %get3A_102 = arith.constant 0 : index
      %get3A_103 = arith.constant 0 : index
      %get3A_104 = vector.load %arg17[%get3A_102, %get3A_103] : memref<16x256xf32, #tpu.memory_space<vmem>>, vector<16x256xf32>
      %add3A_105 = arith.addf %get3A_104, %dot_general3A_89 : vector<16x256xf32>
      %swap3A = arith.constant 0 : index
      %swap3A_106 = arith.constant 0 : index
      %swap3A_107 = vector.load %arg17[%swap3A, %swap3A_106] : memref<16x256xf32, #tpu.memory_space<vmem>>, vector<16x256xf32>
      tpu.vector_store %arg17[%swap3A, %swap3A_106], %add3A_105 {strides = array<i32>} : memref<16x256xf32, #tpu.memory_space<vmem>>, vector<16x256xf32>,
    } else {
    }
    %eq3A_97 = arith.constant 97 : i32
    %eq3A_98 = arith.cmpi eq, %arg0, %eq3A_97 : i32
    %convert_element_type3A_99 = arith.extui %eq3A_98 : i1 to i32
    %cond3A_100 = arith.constant 0 : i32
    %cond3A_101 = arith.cmpi ne, %convert_element_type3A_99, %cond3A_100 : i32
    scf.if %cond3A_101 {
      %get3A_102 = arith.constant 0 : index
      %get3A_103 = arith.constant 0 : index
      %get3A_104 = vector.load %arg17[%get3A_102, %get3A_103] : memref<16x256xf32, #tpu.memory_space<vmem>>, vector<16x256xf32>
      %get3A_105 = arith.constant 0 : index
      %get3A_106 = arith.constant 0 : index
      %get3A_107 = vector.load %arg14[%get3A_105, %get3A_106] : memref<256x128xf32, #tpu.memory_space<vmem>>, vector<256x128xf32>
      %dot_general3A_108 = arith.constant dense<0.000000e+00> : vector<16x128xf32>
      %dot_general3A_109 = tpu.matmul %get3A_104, %get3A_107, %dot_general3A_108 {dimension_numbers = #tpu.dot_dimension_numbers<[1], [0], [0], [1], [0, 0, 1, 1], [], []>, transpose_lhs_hint = false} : vector<16x256xf32>, vector<256x128xf32>, vector<16x128xf32> -> vector<16x128xf32>
      %get3A_110 = arith.constant 0 : index
      %get3A_111 = arith.constant 0 : index
      %get3A_112 = vector.load %arg15[%get3A_110, %get3A_111] : memref<1x128xf32, #tpu.memory_space<vmem>>, vector<1x128xf32>
      %add3A_113 = vector.broadcast %get3A_112 : vector<1x128xf32> to vector<16x128xf32>
      %add3A_114 = arith.addf %dot_general3A_109, %add3A_113 : vector<16x128xf32>
      %iota3A_115 = tpu.iota {dimensions = array<i32: 1>} : vector<1x128xi32>
      %lt3A_116 = arith.constant 10 : i32
      %lt3A_117 = vector.broadcast %lt3A_116 : i32 to vector<1x128xi32>
      %lt3A_118 = arith.cmpi slt, %iota3A_115, %lt3A_117 : vector<1x128xi32>
      %jit3A = arith.constant -1.000000e+30 : f32
      %broadcast_in_dim3A = vector.shape_cast %lt3A_118 : vector<1x128xi1> to vector<1x128xi1>
      %broadcast_in_dim3A_119 = vector.broadcast %broadcast_in_dim3A : vector<1x128xi1> to vector<16x128xi1>
      %broadcast_in_dim3A_120 = vector.broadcast %jit3A : f32 to vector<16x128xf32>
      %select_n3A = arith.select %broadcast_in_dim3A_119, %add3A_114, %broadcast_in_dim3A_120 : vector<16x128xi1>, vector<16x128xf32>
      %reduce_max3A = arith.constant dense<0xFF800000> : vector<16xf32>
      %reduce_max3A_121 = vector.multi_reduction <maximumf>, %select_n3A, %reduce_max3A [1] : vector<16x128xf32> to vector<16xf32>
      %broadcast_in_dim3A_122 = vector.shape_cast %reduce_max3A_121 : vector<16xf32> to vector<16x1xf32>
      %sub3A = vector.broadcast %broadcast_in_dim3A_122 : vector<16x1xf32> to vector<16x128xf32>
      %sub3A_123 = arith.subf %select_n3A, %sub3A : vector<16x128xf32>
      %exp3A = math.exp %sub3A_123 : vector<16x128xf32>
      %jit3A_124 = arith.constant 0.000000e+00 : f32
      %broadcast_in_dim3A_125 = vector.shape_cast %lt3A_118 : vector<1x128xi1> to vector<1x128xi1>
      %broadcast_in_dim3A_126 = vector.broadcast %broadcast_in_dim3A_125 : vector<1x128xi1> to vector<16x128xi1>
      %broadcast_in_dim3A_127 = vector.broadcast %jit3A_124 : f32 to vector<16x128xf32>
      %select_n3A_128 = arith.select %broadcast_in_dim3A_126, %exp3A, %broadcast_in_dim3A_127 : vector<16x128xi1>, vector<16x128xf32>
      %reduce_sum3A = arith.constant dense<0.000000e+00> : vector<16xf32>
      %reduce_sum3A_129 = vector.multi_reduction <add>, %select_n3A_128, %reduce_sum3A [1] : vector<16x128xf32> to vector<16xf32>
      %broadcast_in_dim3A_130 = vector.shape_cast %reduce_sum3A_129 : vector<16xf32> to vector<16x1xf32>
      %log3A = math.log %broadcast_in_dim3A_130 : vector<16x1xf32>
      %sub3A_131 = vector.broadcast %broadcast_in_dim3A_122 : vector<16x1xf32> to vector<16x128xf32>
      %sub3A_132 = arith.subf %select_n3A, %sub3A_131 : vector<16x128xf32>
      %sub3A_133 = vector.broadcast %log3A : vector<16x1xf32> to vector<16x128xf32>
      %sub3A_134 = arith.subf %sub3A_132, %sub3A_133 : vector<16x128xf32>
      %swap3A = arith.constant 0 : index
      %swap3A_135 = arith.constant 0 : index
      %swap3A_136 = vector.load %arg16[%swap3A, %swap3A_135] : memref<16x128xf32, #tpu.memory_space<vmem>>, vector<16x128xf32>
      tpu.vector_store %arg16[%swap3A, %swap3A_135], %sub3A_134 {strides = array<i32>} : memref<16x128xf32, #tpu.memory_space<vmem>>, vector<16x128xf32>,
    } else {
    }
    return
  }
  func.func @transform_0(%arg0: i32) -> (i32, i32, i32) {
    %c0_i32 = arith.constant 0 : i32
    %c0_i32_0 = arith.constant 0 : i32
    %c0_i32_1 = arith.constant 0 : i32
    return %c0_i32, %arg0, %c0_i32_0 : i32, i32, i32
  }
  func.func @transform_1(%arg0: i32) -> (i32, i32, i32) {
    %c0_i32 = arith.constant 0 : i32
    %c0_i32_0 = arith.constant 0 : i32
    %c0_i32_1 = arith.constant 0 : i32
    return %c0_i32, %arg0, %c0_i32_0 : i32, i32, i32
  }
  func.func @transform_2(%arg0: i32) -> (i32, i32, i32) {
    %c0_i32 = arith.constant 0 : i32
    %c0_i32_0 = arith.constant 0 : i32
    %c0_i32_1 = arith.constant 0 : i32
    return %c0_i32, %arg0, %c0_i32_0 : i32, i32, i32
  }
  func.func @transform_3(%arg0: i32) -> (i32, i32, i32) {
    %c0_i32 = arith.constant 0 : i32
    %c0_i32_0 = arith.constant 0 : i32
    %c0_i32_1 = arith.constant 0 : i32
    return %c0_i32, %arg0, %c0_i32_0 : i32, i32, i32
  }
  func.func @transform_4(%arg0: i32) -> (i32, i32) {
    %c0_i32 = arith.constant 0 : i32
    %c0_i32_0 = arith.constant 0 : i32
    return %arg0, %c0_i32 : i32, i32
  }
  func.func @transform_5(%arg0: i32) -> (i32, i32) {
    %c0_i32 = arith.constant 0 : i32
    %c0_i32_0 = arith.constant 0 : i32
    return %arg0, %c0_i32 : i32, i32
  }
  func.func @transform_6(%arg0: i32) -> (i32, i32) {
    %c0_i32 = arith.constant 0 : i32
    %c0_i32_0 = arith.constant 0 : i32
    return %arg0, %c0_i32 : i32, i32
  }
  func.func @transform_7(%arg0: i32) -> (i32, i32) {
    %c0_i32 = arith.constant 0 : i32
    %c0_i32_0 = arith.constant 0 : i32
    return %arg0, %c0_i32 : i32, i32
  }
  func.func @transform_8(%arg0: i32) -> (i32, i32) {
    %c0_i32 = arith.constant 0 : i32
    %c0_i32_0 = arith.constant 0 : i32
    return %arg0, %c0_i32 : i32, i32
  }
  func.func @transform_9(%arg0: i32) -> (i32, i32) {
    %c0_i32 = arith.constant 0 : i32
    %c0_i32_0 = arith.constant 0 : i32
    %c0_i32_1 = arith.constant 0 : i32
    return %c0_i32, %c0_i32_0 : i32, i32
  }
  func.func @transform_10(%arg0: i32) -> (i32, i32) {
    %c0_i32 = arith.constant 0 : i32
    %c0_i32_0 = arith.constant 0 : i32
    %c0_i32_1 = arith.constant 0 : i32
    return %c0_i32, %c0_i32_0 : i32, i32
  }
  func.func @transform_11(%arg0: i32) -> (i32, i32) {
    %c0_i32 = arith.constant 0 : i32
    %c0_i32_0 = arith.constant 0 : i32
    %c0_i32_1 = arith.constant 0 : i32
    return %c0_i32, %c0_i32_0 : i32, i32
  }
  func.func @transform_12(%arg0: i32) -> (i32, i32) {
    %c0_i32 = arith.constant 0 : i32
    %c0_i32_0 = arith.constant 0 : i32
    %c0_i32_1 = arith.constant 0 : i32
    return %c0_i32, %c0_i32_0 : i32, i32
  }
  func.func @transform_13(%arg0: i32) -> (i32, i32) {
    %c0_i32 = arith.constant 0 : i32
    %c0_i32_0 = arith.constant 0 : i32
    %c0_i32_1 = arith.constant 0 : i32
    return %c0_i32, %c0_i32_0 : i32, i32
  }
  func.func @transform_14(%arg0: i32) -> (i32, i32) {
    %c0_i32 = arith.constant 0 : i32
    %c0_i32_0 = arith.constant 0 : i32
    %c0_i32_1 = arith.constant 0 : i32
    return %c0_i32, %c0_i32_0 : i32, i32
  }
  func.func @transform_15(%arg0: i32) -> (i32, i32) {
    %c0_i32 = arith.constant 0 : i32
    %c0_i32_0 = arith.constant 0 : i32
    %c0_i32_1 = arith.constant 0 : i32
    return %c0_i32, %c0_i32_0 : i32, i32
  }
}

</mosaic_0001>

<sc_bundles>
// kernel: kernel.11.cloned.1.call-start
scs
__scs_entry_jumppad:
0x0: {  	(pc) =	sbr.rel $0x88, $3  }
0x1: {  	(tag) =	ssettag $0x0;
	lr =	simm.s32 $0x1  }
0x2: {  	[smem:$0x3F98] =	sst lr;
	_ =	strace $0xD0000000  }
0x3: {  	_ = 	snop  }
0x4: {  	_ = 	snop  }
0x5: {  	_ = 	snop  }
0x6: {  	_ = 	snop  }
0x7: {  	_ = 	snop  }
__scs_overlays_trampoline_lowered:
0x8: {  	[smem:$0x3FA7] =	sst s0  }
0x9: {  	[smem:$0x3FA8] =	sst s1  }
0xa: {  	[smem:$0x3FA9] =	sst s2  }
0xb: {  	[smem:$0x3FAA] =	sst s3  }
0xc: {  	[smem:$0x3FAB] =	sst s4  }
0xd: {  	[smem:$0x3FAC] =	sst s5  }
0xe: {  	[smem:$0x3FAD] =	sst s6  }
0xf: {  	[smem:$0x3FAE] =	sst s7  }
0x10: {  	[smem:$0x3FAF] =	sst s8  }
0x11: {  	[smem:$0x3FB0] =	sst s9;
	s0 =	simm.s32 @!p0 $0x0  }
0x12: {  	s1 =	sld [smem:$0x3F96];
	s0 =	simm.s32 @p0 $0x1  }
0x13: {  	[smem:$0x3FB1] =	sst s0;
	s0 =	simm.s32 @!p1 $0x0  }
0x14: {  	s2 =	sld [smem:$0x3F95];
	s0 =	simm.s32 @p1 $0x1  }
0x15: {  	[smem:$0x3FB2] =	sst s0;
	s0 =	simm.s32 @!p2 $0x0  }
0x16: {  	s3 =	sld [smem:$0x3FDB];
	s0 =	simm.s32 @p2 $0x1  }
0x17: {  	s4 =	simm.s32 $0x1BF5;
	[smem:$0x3FB4] =	sst s0  }
0x18: {  	s0 =	sld [smem:$0x3F97];
	_ =	swait.ge [sflag:s4], $0x0  }
0x19: {  	s7 =	sld [smem:$0x3F98]  }
0x1a: {  	s8 =	sadd.s32 $0xFFFFE003, lr  }
0x1b: {  	s9 =	sadd.s32 $0xFFFFFEF7, lr;
	s5 =	simm.s32 $0xFFFFFFFF;
	p2 =	slt.u32 s8, $0xFFFFF086  }
0x1c: {  	p1 =	slt.u32 s9, $0xF7A;
	s5 =	simm.s32 @!p2 $0x0  }
0x1d: {  	s5 =	simm.s32 @p1 $0x1;
	p0 =	seq.s32 s7, s2  }
0x1e: {  	s7 =	smul.u32 @!p0 $0xF7A, s2;
	p2 =	seq.s32 @!p0 s5, $0x0  }
0x1f: {  	s9 =	smul.u32 $0xF7A, s1;
	s8 =	simm.s32 @!p0 $0x1BF5;
	p2 =	por !p2, p0  }
0x20: {  	[sflag:s8] =	ssyncset.s32 @!p0 $0xFFFFF086;
	s6 =	sadd.s32 @!p0 s3, s7;
	s7 =	simm.s32 @!p0 $0x108  }
0x21: {  	s3 =	sadd.s32 s3, s9;
	s6 =	sadd.s32 @!p0 $0x88, s6;
	s7 =	simm.s32 @p2 $0x1082  }
0x22: {  	[simem:s7], [sflag:s8] =	dma.local @!p0 [hbm:s6], $0xF7A  }
0x23: {  	s9 =	sor.u32 $0xD0000000, s2;
	s6 =	simm.s32 $0x108;
	_ =	swait.ge @!p0 [sflag:s8], $0x0  }
0x24: {  	s3 =	sadd.s32 $0x88, s3;
	s6 =	simm.s32 @!p1 $0x1082;
	[sflag:s4] =	ssyncset.s32 $0xFFFFF086  }
0x25: {  	[simem:s6], [sflag:s4] =	dma.local [hbm:s3], $0xF7A  }
0x26: {  	[smem:$0x3F98] =	sst s1;
	(tag) =	ssettag s2;
	_ =	strace s9  }
0x27: {  	s1 =	sld [smem:$0x3FA8]  }
0x28: {  	s2 =	sld [smem:$0x3FA9]  }
0x29: {  	s4 =	sld [smem:$0x3FAB]  }
0x2a: {  	p0 =	seq.s32 s5, $0x0;
	s5 =	sld [smem:$0x3FAC]  }
0x2b: {  	s6 =	sld [smem:$0x3FAD]  }
0x2c: {  	s7 =	sld [smem:$0x3FAE]  }
0x2d: {  	s3 =	simm.s32 $0x108;
	s8 =	sld [smem:$0x3FAF]  }
0x2e: {  	s3 =	simm.s32 @!p0 $0x1082;
	s9 =	sld [smem:$0x3FB0]  }
0x2f: {  	lr =	sadd.s32 s0, s3;
	s0 =	sld [smem:$0x3FA7]  }
0x30: {  	s3 =	sld [smem:$0x3FAA]  }
0x31: {  	[smem:$0x3FB3] =	sst s10  }
0x32: {  	s10 =	sld [smem:$0x3FB1];
	_ =	sdelay $0x3  }
0x33: {  	p0 =	seq.s32 s10, $0x1;
	s10 =	sld [smem:$0x3FB3];
	_ =	sdelay $0x3  }
0x34: {  	[smem:$0x3FB3] =	sst s10  }
0x35: {  	s10 =	sld [smem:$0x3FB2];
	_ =	sdelay $0x3  }
0x36: {  	p1 =	seq.s32 s10, $0x1;
	s10 =	sld [smem:$0x3FB3];
	_ =	sdelay $0x3  }
0x37: {  	[smem:$0x3FB3] =	sst s10  }
0x38: {  	s10 =	sld [smem:$0x3FB4]  }
0x39: {  	_ = 	snop;
	(pc) =	sbr.ind lr, $3  }
0x3a: {  	_ = 	snop  }
0x3b: {  	_ = 	snop  }
0x3c: {  	p2 =	seq.s32 s10, $0x1;
	s10 =	sld [smem:$0x3FB3]  }
0x3d: {  	_ =	shalt  }
0x3e: {  	_ =	shalt  }
0x3f: {  	_ =	shalt  }
0x40: {  	_ =	shalt  }
0x41: {  	_ =	shalt  }
0x42: {  	_ =	shalt  }
0x43: {  	_ =	shalt  }
0x44: {  	_ =	shalt  }
0x45: {  	_ =	shalt  }
0x46: {  	_ =	shalt  }
0x47: {  	_ =	shalt  }
0x48: {  	_ =	shalt  }
0x49: {  	_ =	shalt  }
0x4a: {  	_ =	shalt  }
0x4b: {  	_ =	shalt  }
0x4c: {  	_ =	shalt  }
0x4d: {  	_ =	shalt  }
0x4e: {  	_ =	shalt  }
0x4f: {  	_ =	shalt  }
0x50: {  	_ =	shalt  }
0x51: {  	_ =	shalt  }
0x52: {  	_ =	shalt  }
0x53: {  	_ =	shalt  }
0x54: {  	_ =	shalt  }
0x55: {  	_ =	shalt  }
0x56: {  	_ =	shalt  }
0x57: {  	_ =	shalt  }
0x58: {  	_ =	shalt  }
0x59: {  	_ =	shalt  }
0x5a: {  	_ =	shalt  }
0x5b: {  	_ =	shalt  }
0x5c: {  	_ =	shalt  }
0x5d: {  	_ =	shalt  }
0x5e: {  	_ =	shalt  }
0x5f: {  	_ =	shalt  }
0x60: {  	_ =	shalt  }
0x61: {  	_ =	shalt  }
0x62: {  	_ =	shalt  }
0x63: {  	_ =	shalt  }
0x64: {  	_ =	shalt  }
0x65: {  	_ =	shalt  }
0x66: {  	_ =	shalt  }
0x67: {  	_ =	shalt  }
0x68: {  	_ =	shalt  }
0x69: {  	_ =	shalt  }
0x6a: {  	_ =	shalt  }
0x6b: {  	_ =	shalt  }
0x6c: {  	_ =	shalt  }
0x6d: {  	_ =	shalt  }
0x6e: {  	_ =	shalt  }
0x6f: {  	_ =	shalt  }
0x70: {  	_ =	shalt  }
0x71: {  	_ =	shalt  }
0x72: {  	_ =	shalt  }
0x73: {  	_ =	shalt  }
0x74: {  	_ =	shalt  }
0x75: {  	_ =	shalt  }
0x76: {  	_ =	shalt  }
0x77: {  	_ =	shalt  }
0x78: {  	_ =	shalt  }
0x79: {  	_ =	shalt  }
0x7a: {  	_ =	shalt  }
0x7b: {  	_ =	shalt  }
0x7c: {  	_ =	shalt  }
0x7d: {  	_ =	shalt  }
0x7e: {  	_ =	shalt  }
0x7f: {  	_ =	shalt  }
0x80: {  	_ =	shalt  }
0x81: {  	_ =	shalt  }
0x82: {  	_ =	shalt  }
0x83: {  	_ =	shalt  }
0x84: {  	_ =	shalt  }
0x85: {  	_ =	shalt  }
0x86: {  	_ =	shalt  }
0x87: {  	_ =	shalt  }
.Lfunc_end0:
.L_simem_size_0:
called_computation.1_lowered:
.L_overlay_start_0:
0x88: {  	s2 =	sld [smem:$0x3FD9]  }
0x89: {  	s3 =	sld [smem:$0x3FFE];
	_ =	sdelay $0x1  }
0x8a: {  	s1 =	srdreg.scid  }
0x8b: {  	s0 =	sand.u32 $0x1, s1  }
0x8c: {  	s16 =	sshll.u32 s0, $0xA;
	s2 =	sadd.s32 s3, s2  }
0x8d: {  	s2 =	sadd.s32 s2, s16  }
0x8e: {  	[smem:$0x3FBF] =	sst s2  }
0x8f: {  	_ = 	snop  }
0x90: {  	(tm) =	ssettm $0x1  }
0x91: {  	s17 =	sld [smem:$0x3FFB];
	_ =	sdelay $0x3  }
0x92: {  	_ =	strace s17  }
0x93: {  	s2 =	sld [smem:$0x3FFC];
	_ =	sdelay $0x3  }
0x94: {  	_ =	strace s2  }
0x95: {  	s2 =	sld [smem:$0x3FFD];
	_ =	sdelay $0x3  }
0x96: {  	_ =	strace s2  }
0x97: {  	_ =	strace $0x8FFFFFFF  }
0x98: {  	s18 =	sld [smem:$0x3FDB];
	_ =	sdelay $0x1  }
0x99: {  	s19 =	simm.s32 $_scs_section_size  }
0x9a: {  	s4 =	simm.s32 $_size__tile_overlayer_lowered;
	s5 =	simm.s32 $_tile_overlayer_lowered  }
0x9b: {  	s22 =	simm.s32 $0x1BFF;
	s21 =	sshll.u32 s5, $0x1;
	s2 =	sadd.s32 s19, s18  }
0x9c: {  	s6 =	simm.s32 $0x0;
	s20 =	sshll.u32 s4, $0x1;
	s4 =	sadd.s32 s21, s2  }
0x9d: {  	[timem:s6], [sflag:s22] =	dma.local [hbm:s4], s20  }
0x9e: {  	_ =	swait.ge [sflag:s22], s20  }
0x9f: {  	s3 =	ssub.s32 $0x0, s20;
	[sflag:s22] =	ssyncset.done $0x0  }
0xa0: {  	[sflag:s22] =	ssyncadd.s32 s3;
	_ =	sdelay $0x1  }
0xa1: {  	s23 =	simm.s32 $0x1B8B  }
0xa2: {  	_ =	swait.ge [sflag:s23], $0x1  }
0xa3: {  	[sflag:s23] =	ssyncset.done $0x0  }
0xa4: {  	s25 =	simm.s32 $0x1B8E;
	s24 =	sld [smem:$0x3FFE];
	[sflag:s23] =	ssyncadd.s32 $0xFFFFFFFF  }
0xa5: {  	s26 =	simm.s32 $execute0_lowered;
	[smem:$0x3FD2] =	sst s25  }
0xa6: {  	s4 =	sshll.u32 s26, $0x1;
	_ =	strace $0x80000049;
	[dreg:$0x1] =	wrdreg $0xFFFFFFFF  }
0xa7: {  	s28 =	simm.s32 $_size_execute0_lowered;
	s2 =	sadd.s32 s2, s4;
	[dreg:$0x0] =	wrdreg $0x0  }
0xa8: {  	s4 =	sshll.u32 s28, $0x1;
	[dreg:$0x2] =	wrdreg s2  }
0xa9: {  	[dreg:$0x3] =	wrdreg s4  }
0xaa: {  	[dreg:$0x4] =	wrdreg $0xC0  }
0xab: {  	_ =	task [dreg:s6], $0x5FFFF  }
0xac: {  	[dreg:$0x1] =	wrdreg $0xFFFFFFFF  }
0xad: {  	[dreg:$0x0] =	wrdreg $0x60  }
0xae: {  	[dreg:$0x2] =	wrdreg s24  }
0xaf: {  	[dreg:$0x3] =	wrdreg $0x2F000  }
0xb0: {  	[dreg:$0x4] =	wrdreg $0x9  }
0xb1: {  	_ =	task.clear_ibuf [dreg:s6], $0x5FFFF;
	_ =	strace $0x90000049  }
0xb2: {  	s29 =	simm.s32 $0x9;
	_ =	strace $0x8000004B  }
0xb3: {  	_ =	swait.ge [sflag:s29], $0x1  }
0xb4: {  	[sflag:s29] =	ssyncadd.s32 $0xFFFFFFFF  }
0xb5: {  	_ =	strace $0x9000004B  }
0xb6: {  	_ =	sfence  }
0xb7: {  	s30 =	sld [smem:$0x0];
	_ =	sdelay $0x2  }
0xb8: {  	s31 =	sshll.u32 s1, $0xD;
	s1 =	sshrl.u32 s1, $0x2  }
0xb9: {  	s3 =	sand.u32 $0x4000, s31;
	s1 =	sadd.s32 s1, s30  }
0xba: {  	s0 =	sor.u32 s3, s0;
	s1 =	sshll.u32 s1, $0x11  }
0xbb: {  	s0 =	sor.u32 s1, s0  }
0xbc: {  	s0 =	sadd.s32 $0x8F2B, s0  }
0xbd: {  	[sflag:s0] =	ssyncadd.remote.s32 $0x1  }
0xbe: {  	_ =	sfence.sel $0xFFFF  }
0xbf: {  	[dreg:$0x0] =	wrdreg $0xFFFFFFFF;
	(pc) =	sbr.abs _section_cstart, $3  }
0xc0: {  	[dreg:$0x1] =	wrdreg $0xFFFFFFFF  }
0xc1: {  	_ =	task.clear_ibuf [dreg:s6], $0x2FFFF;
	_ =	strace $0x9FFFFFFF  }
0xc2: {  	(tm) =	ssettm $0x7FFFFFFF  }
0xc3: {  	_ =	shalt  }
tec
execute0_lowered:
.L_overlay_start_1:
0x0: {  	(tag) =	ssettag $0x1  }
0x1: {  	s0 =	rddreg [dreg:$0x0];
	s1 =	srdreg.scid  }
0x2: {  	s2 =	rddreg [dreg:$0x1];
	s10 =	stileid.u32  }
0x3: {  	s3 =	simm.s32 $0x0;
	s13 =	simm.s32 $0x2800;
	s14 =	simm.s32 $0x3  }
0x4: {  	s15 =	simm.s32 $0x400;
	s16 =	simm.s32 $0x80;
	s17 =	simm.s32 $0x800  }
0x5: {  	s18 =	simm.s32 $0x1800;
	s19 =	simm.s32 $0x1;
	s20 =	simm.s32 $0x2  }
0x6: {  	s21 =	simm.s32 $0x480;
	s28 =	simm.s32 $0x280;
	s7 =	smul.u32 $0x6400, s10  }
0x7: {  	s29 =	simm.s32 $0x600;
	s30 =	simm.s32 $0x680;
	s9 =	smul.u32 $0x18700, s10  }
0x8: {  	s31 =	simm.s32 $0x300;
	s1 =	sand.u32 $0x1, s1;
	s10 =	smul.u32 $0x62000, s10  }
0x9: {  	[smem:$0x7FF] =	sst s3;
	s4 =	sadd.s32 $0x4E600, s0;
	s6 =	smul.u32 $0x64000, s1  }
0xa: {  	s5 =	sadd.s32 $0x1D800, s0;
	s8 =	smul.u32 $0x187000, s1;
	s1 =	ssub.s32 $0x2, s1  }
0xb: {  	_ =	strace $0x8000004A;
	s23 =	sshrl.u32 s1, $0x1;
	s24 =	sadd.s32 s9, s2  }
0xc: {  	s25 =	sshrl.u32 s10, $0x2;
	s6 =	sadd.s32 s7, s6;
	s22 =	sadd.s32 s9, s8  }
0xd: {  	s1 =	ssub.s32 s1, s23;
	[dreg:$0x4] =	wrdreg s24;
	s10 =	sadd.s32 s25, s2  }
0xe: {  	s23 =	simm.s32 $0x180;
	s24 =	simm.s32 $0x500;
	s25 =	simm.s32 $0x580  }
0xf: {  	s8 =	simm.s32 $0x0;
	s6 =	sshrl.u32 s6, $0x3;
	s7 =	sshrl.u32 s22, $0x3  }
0x10: {  	s26 =	smax.u32 s1, $0x1;
	s22 =	simm.s32 $0x100;
	s1 =	simm.s32 $0x700  }
0x11: {  	s6 =	sadd.s32 s6, s0;
	s0 =	sadd.s32 s7, s0;
	[dreg:$0x6] =	wrdreg s26  }
0x12: {  	s26 =	simm.s32 $0x200;
	s7 =	sadd.s32 $0x2B1800, s0;
	s0 =	sadd.s32 $0x7F400, s0  }
0x13: {  	s11 =	sadd.s32 $0x4800, s6;
	s12 =	sadd.s32 $0x111C00, s6;
	[dreg:$0x3] =	wrdreg s7  }
0x14: {  	v0 =	vimm.f32 $0.0e+00;
	s6 =	simm.s32 $0x780;
	[dreg:$0x5] =	wrdreg s0;
	s0 =	simm.s32 $0x380  }
.LBB2_1:
0x15: {  	[dreg:$0x7] =	wrdreg s8;
	s8 =	simm.s32 $0x2820  }
0x16: {  	[tilespmem:s8+$0xFFFFFFE0] =	vst v0  }
0x17: {  	[tilespmem:s8+$0x10] =	vst v0  }
0x18: {  	s9 =	simm.s32 $0x0;
	[tilespmem:s8+$0x0] =	vst v0  }
.LBB2_2:
0x19: {  	s9 =	sadd.s32 $0x2, s9  }
0x1a: {  	[tilespmem:s8+$0xFFFFFFF0] =	vst v0;
	s8 =	sadd.s32 $0x40, s8;
	p0 =	slt.u32 s9, $0x36  }
.Ltmp0:
0x1b: {  	[tilespmem:s8+$0xFFFFFFE0] =	vst v0;
	(pc) =	sbr.rel @p0 .LBB2_2-.Ltmp0, $3  }
0x1c: {  	_ =	sdelay $0x1  }
0x1d: {  	[tilespmem:s8+$0x10] =	vst v0  }
0x1e: {  	[tilespmem:s8+$0x0] =	vst v0  }
0x1f: {  	[tilespmem:s8+$0xFFFFFFF0] =	vst v0;
	s7 =	sadd.s32 $0x0, s10  }
0x20: {  	[spmem:s7] =	stream.linear.scatter [tilespmem:s13], [sflag:$0x3], $0x700, $0x38;
	[tilespmem:$0x1B700] =	vst v63  }
0x21: {  	s8 =	simm.s32 $0x1C00;
	_ =	swait.ge [sflag:s14], $0x700  }
.LBB2_4:
0x22: {  	s7 =	sshra.s32 s8, $0x2;
	[sflag:s14] =	ssyncset.done $0x0;
	p0 =	sne.s32 s8, $0x60400  }
.Ltmp1:
0x23: {  	s7 =	sadd.s32 s7, s10;
	[sflag:s14] =	ssyncadd.s32 $0xFFFFF900;
	(pc) =	sbr.rel @p0 .LBB2_4-.Ltmp1, $3  }
0x24: {  	[spmem:s7] =	stream.linear.scatter [tilespmem:s13], [sflag:$0x3], $0x700, $0x38;
	[tilespmem:$0x1B700] =	vst v63  }
0x25: {  	s8 =	sadd.s32 $0x1C00, s8;
	_ =	sdelay $0x1  }
0x26: {  	_ =	swait.ge [sflag:s14], $0x700  }
0x27: {  	[sflag:s14] =	ssyncset.done $0x0  }
0x28: {  	[sflag:s14] =	ssyncadd.s32 $0xFFFFF900  }
0x29: {  	s7 =	sadd.s32 $0x0, s12;
	[bflag:$0x0] =	sbarrier.arrive $0xFFFF  }
0x2a: {  	[tilespmem:s3], [sflag:$0x3] =	stream.linear.gather [hbm4b:s7+s3], $0x400, $0x38;
	[tilespmem:$0x1B700] =	vst v63  }
0x2b: {  	_ =	swait.ge [sflag:s14], $0x400  }
0x2c: {  	[sflag:s14] =	ssyncset.done $0x0  }
0x2d: {  	s13 =	sadd.s32 $0x0, s11;
	[sflag:s14] =	ssyncadd.s32 $0xFFFFFC00  }
0x2e: {  	[tilespmem:s15], [sflag:$0x3] =	stream.linear.gather [hbm4b:s13+s3], $0x400, $0x38;
	[tilespmem:$0x1B700] =	vst v63  }
0x2f: {  	_ =	swait.ge [sflag:s14], $0x400  }
0x30: {  	[sflag:s14] =	ssyncset.done $0x0  }
0x31: {  	[sflag:s14] =	ssyncadd.s32 $0xFFFFFC00  }
0x32: {  	[tilespmem:s17], [sflag:$0x1] =	stream.indirect.gather [hbm4b:s4+s16], $0x20, s3, s16, $0xb8;
	[tilespmem:$0x1B700] =	vst v63  }
0x33: {  	_ = 	snop  }
0x34: {  	[tilespmem:s18], [sflag:$0x2] =	stream.indirect.gather [hbm4b:s4+s16], $0x20, s16, s16, $0xb8;
	[tilespmem:$0x1B700] =	vst v63  }
0x35: {  	_ =	swait.ge [sflag:s19], $0x1000  }
0x36: {  	[sflag:s19] =	ssyncset.done $0x0  }
0x37: {  	[sflag:s19] =	ssyncadd.s32 $0xFFFFF000  }
0x38: {  	[spmem:s2] =	stream.indirect.scatter.add.f32 [tilespmem:s17], [sflag:$0x3], $0x20, s15, s16, $0xb8;
	[tilespmem:$0x1B700] =	vst v63  }
0x39: {  	_ =	swait.ge [sflag:s14], $0x1000  }
0x3a: {  	[sflag:s14] =	ssyncset.done $0x0  }
0x3b: {  	[sflag:s14] =	ssyncadd.s32 $0xFFFFF000  }
0x3c: {  	_ =	swait.ge [sflag:s20], $0x1000  }
0x3d: {  	[sflag:s20] =	ssyncset.done $0x0  }
0x3e: {  	[sflag:s20] =	ssyncadd.s32 $0xFFFFF000  }
0x3f: {  	[spmem:s2] =	stream.indirect.scatter.add.f32 [tilespmem:s18], [sflag:$0x3], $0x20, s21, s16, $0xb8;
	[tilespmem:$0x1B700] =	vst v63  }
0x40: {  	_ =	swait.ge [sflag:s14], $0x1000  }
0x41: {  	[sflag:s14] =	ssyncset.done $0x0  }
0x42: {  	[sflag:s14] =	ssyncadd.s32 $0xFFFFF000  }
0x43: {  	[tilespmem:s17], [sflag:$0x1] =	stream.indirect.gather [hbm4b:s4+s16], $0x20, s22, s16, $0xb8;
	[tilespmem:$0x1B700] =	vst v63  }
0x44: {  	_ = 	snop  }
0x45: {  	[tilespmem:s18], [sflag:$0x2] =	stream.indirect.gather [hbm4b:s4+s16], $0x20, s23, s16, $0xb8;
	[tilespmem:$0x1B700] =	vst v63  }
0x46: {  	_ =	swait.ge [sflag:s19], $0x1000  }
0x47: {  	[sflag:s19] =	ssyncset.done $0x0  }
0x48: {  	[sflag:s19] =	ssyncadd.s32 $0xFFFFF000  }
0x49: {  	[spmem:s2] =	stream.indirect.scatter.add.f32 [tilespmem:s17], [sflag:$0x3], $0x20, s24, s16, $0xb8;
	[tilespmem:$0x1B700] =	vst v63  }
0x4a: {  	_ =	swait.ge [sflag:s14], $0x1000  }
0x4b: {  	[sflag:s14] =	ssyncset.done $0x0  }
0x4c: {  	[sflag:s14] =	ssyncadd.s32 $0xFFFFF000  }
0x4d: {  	_ =	swait.ge [sflag:s20], $0x1000  }
0x4e: {  	[sflag:s20] =	ssyncset.done $0x0  }
0x4f: {  	[sflag:s20] =	ssyncadd.s32 $0xFFFFF000  }
0x50: {  	[spmem:s2] =	stream.indirect.scatter.add.f32 [tilespmem:s18], [sflag:$0x3], $0x20, s25, s16, $0xb8;
	[tilespmem:$0x1B700] =	vst v63  }
0x51: {  	_ =	swait.ge [sflag:s14], $0x1000  }
0x52: {  	[sflag:s14] =	ssyncset.done $0x0  }
0x53: {  	[sflag:s14] =	ssyncadd.s32 $0xFFFFF000  }
0x54: {  	[tilespmem:s17], [sflag:$0x1] =	stream.indirect.gather [hbm4b:s4+s16], $0x20, s26, s16, $0xb8;
	[tilespmem:$0x1B700] =	vst v63  }
0x55: {  	_ = 	snop  }
0x56: {  	[tilespmem:s18], [sflag:$0x2] =	stream.indirect.gather [hbm4b:s4+s16], $0x20, s28, s16, $0xb8;
	[tilespmem:$0x1B700] =	vst v63  }
0x57: {  	_ =	swait.ge [sflag:s19], $0x1000  }
0x58: {  	[sflag:s19] =	ssyncset.done $0x0  }
0x59: {  	[sflag:s19] =	ssyncadd.s32 $0xFFFFF000  }
0x5a: {  	[spmem:s2] =	stream.indirect.scatter.add.f32 [tilespmem:s17], [sflag:$0x3], $0x20, s29, s16, $0xb8;
	[tilespmem:$0x1B700] =	vst v63  }
0x5b: {  	_ =	swait.ge [sflag:s14], $0x1000  }
0x5c: {  	[sflag:s14] =	ssyncset.done $0x0  }
0x5d: {  	[sflag:s14] =	ssyncadd.s32 $0xFFFFF000  }
0x5e: {  	_ =	swait.ge [sflag:s20], $0x1000  }
0x5f: {  	[sflag:s20] =	ssyncset.done $0x0  }
0x60: {  	[sflag:s20] =	ssyncadd.s32 $0xFFFFF000  }
0x61: {  	[spmem:s2] =	stream.indirect.scatter.add.f32 [tilespmem:s18], [sflag:$0x3], $0x20, s30, s16, $0xb8;
	[tilespmem:$0x1B700] =	vst v63  }
0x62: {  	_ =	swait.ge [sflag:s14], $0x1000  }
0x63: {  	[sflag:s14] =	ssyncset.done $0x0  }
0x64: {  	[sflag:s14] =	ssyncadd.s32 $0xFFFFF000  }
0x65: {  	[tilespmem:s17], [sflag:$0x1] =	stream.indirect.gather [hbm4b:s4+s16], $0x20, s31, s16, $0xb8;
	[tilespmem:$0x1B700] =	vst v63  }
0x66: {  	_ = 	snop  }
0x67: {  	[tilespmem:s18], [sflag:$0x2] =	stream.indirect.gather [hbm4b:s4+s16], $0x20, s0, s16, $0xb8;
	[tilespmem:$0x1B700] =	vst v63  }
0x68: {  	_ =	swait.ge [sflag:s19], $0x1000  }
0x69: {  	[sflag:s19] =	ssyncset.done $0x0  }
0x6a: {  	[sflag:s19] =	ssyncadd.s32 $0xFFFFF000  }
0x6b: {  	[spmem:s2] =	stream.indirect.scatter.add.f32 [tilespmem:s17], [sflag:$0x3], $0x20, s1, s16, $0xb8;
	[tilespmem:$0x1B700] =	vst v63  }
0x6c: {  	_ =	swait.ge [sflag:s14], $0x1000  }
0x6d: {  	[sflag:s14] =	ssyncset.done $0x0  }
0x6e: {  	[sflag:s14] =	ssyncadd.s32 $0xFFFFF000  }
0x6f: {  	_ =	swait.ge [sflag:s20], $0x1000  }
0x70: {  	[sflag:s20] =	ssyncset.done $0x0  }
0x71: {  	[sflag:s20] =	ssyncadd.s32 $0xFFFFF000  }
0x72: {  	[spmem:s2] =	stream.indirect.scatter.add.f32 [tilespmem:s18], [sflag:$0x3], $0x20, s6, s16, $0xb8;
	[tilespmem:$0x1B700] =	vst v63  }
0x73: {  	_ =	swait.ge [sflag:s14], $0x1000  }
0x74: {  	s8 =	simm.s32 $0x80;
	s9 =	simm.s32 $0x100;
	[sflag:s14] =	ssyncset.done $0x0  }
.LBB2_6:
0x75: {  	s13 =	sadd.s32 s8, s12  }
0x76: {  	[sflag:s14] =	ssyncadd.s32 $0xFFFFF000;
	s21 =	smov.u32 s9;
	s7 =	sadd.s32 $0x80, s9  }
0x77: {  	[tilespmem:s3], [sflag:$0x3] =	stream.linear.gather [hbm4b:s13+s3], $0x400, $0x38;
	[tilespmem:$0x1B700] =	vst v63  }
0x78: {  	p0 =	sne.s32 s9, $0xC00;
	_ =	swait.ge [sflag:s14], $0x400  }
0x79: {  	s9 =	sadd.s32 s8, s11;
	[sflag:s14] =	ssyncset.done $0x0  }
0x7a: {  	s8 =	smov.u32 s21;
	s13 =	simm.s32 $0x480;
	[sflag:s14] =	ssyncadd.s32 $0xFFFFFC00  }
0x7b: {  	[tilespmem:s15], [sflag:$0x3] =	stream.linear.gather [hbm4b:s9+s3], $0x400, $0x38;
	[tilespmem:$0x1B700] =	vst v63  }
0x7c: {  	_ =	swait.ge [sflag:s14], $0x400  }
0x7d: {  	[sflag:s14] =	ssyncset.done $0x0  }
0x7e: {  	[sflag:s14] =	ssyncadd.s32 $0xFFFFFC00  }
0x7f: {  	[tilespmem:s17], [sflag:$0x1] =	stream.indirect.gather [hbm4b:s4+s16], $0x20, s3, s16, $0xb8;
	[tilespmem:$0x1B700] =	vst v63  }
0x80: {  	_ = 	snop  }
0x81: {  	[tilespmem:s18], [sflag:$0x2] =	stream.indirect.gather [hbm4b:s4+s16], $0x20, s16, s16, $0xb8;
	[tilespmem:$0x1B700] =	vst v63  }
0x82: {  	_ =	swait.ge [sflag:s19], $0x1000  }
0x83: {  	[sflag:s19] =	ssyncset.done $0x0  }
0x84: {  	[sflag:s19] =	ssyncadd.s32 $0xFFFFF000  }
0x85: {  	[spmem:s2] =	stream.indirect.scatter.add.f32 [tilespmem:s17], [sflag:$0x3], $0x20, s15, s16, $0xb8;
	[tilespmem:$0x1B700] =	vst v63  }
0x86: {  	_ =	swait.ge [sflag:s14], $0x1000  }
0x87: {  	[sflag:s14] =	ssyncset.done $0x0  }
0x88: {  	[sflag:s14] =	ssyncadd.s32 $0xFFFFF000  }
0x89: {  	_ =	swait.ge [sflag:s20], $0x1000  }
0x8a: {  	[sflag:s20] =	ssyncset.done $0x0  }
0x8b: {  	[sflag:s20] =	ssyncadd.s32 $0xFFFFF000  }
0x8c: {  	[spmem:s2] =	stream.indirect.scatter.add.f32 [tilespmem:s18], [sflag:$0x3], $0x20, s13, s16, $0xb8;
	[tilespmem:$0x1B700] =	vst v63  }
0x8d: {  	_ =	swait.ge [sflag:s14], $0x1000  }
0x8e: {  	[sflag:s14] =	ssyncset.done $0x0  }
0x8f: {  	[sflag:s14] =	ssyncadd.s32 $0xFFFFF000  }
0x90: {  	[tilespmem:s17], [sflag:$0x1] =	stream.indirect.gather [hbm4b:s4+s16], $0x20, s22, s16, $0xb8;
	[tilespmem:$0x1B700] =	vst v63  }
0x91: {  	_ = 	snop  }
0x92: {  	[tilespmem:s18], [sflag:$0x2] =	stream.indirect.gather [hbm4b:s4+s16], $0x20, s23, s16, $0xb8;
	[tilespmem:$0x1B700] =	vst v63  }
0x93: {  	_ =	swait.ge [sflag:s19], $0x1000  }
0x94: {  	[sflag:s19] =	ssyncset.done $0x0  }
0x95: {  	[sflag:s19] =	ssyncadd.s32 $0xFFFFF000  }
0x96: {  	[spmem:s2] =	stream.indirect.scatter.add.f32 [tilespmem:s17], [sflag:$0x3], $0x20, s24, s16, $0xb8;
	[tilespmem:$0x1B700] =	vst v63  }
0x97: {  	_ =	swait.ge [sflag:s14], $0x1000  }
0x98: {  	[sflag:s14] =	ssyncset.done $0x0  }
0x99: {  	[sflag:s14] =	ssyncadd.s32 $0xFFFFF000  }
0x9a: {  	_ =	swait.ge [sflag:s20], $0x1000  }
0x9b: {  	[sflag:s20] =	ssyncset.done $0x0  }
0x9c: {  	[sflag:s20] =	ssyncadd.s32 $0xFFFFF000  }
0x9d: {  	[spmem:s2] =	stream.indirect.scatter.add.f32 [tilespmem:s18], [sflag:$0x3], $0x20, s25, s16, $0xb8;
	[tilespmem:$0x1B700] =	vst v63  }
0x9e: {  	_ =	swait.ge [sflag:s14], $0x1000  }
0x9f: {  	[sflag:s14] =	ssyncset.done $0x0  }
0xa0: {  	[sflag:s14] =	ssyncadd.s32 $0xFFFFF000  }
0xa1: {  	[tilespmem:s17], [sflag:$0x1] =	stream.indirect.gather [hbm4b:s4+s16], $0x20, s26, s16, $0xb8;
	[tilespmem:$0x1B700] =	vst v63  }
0xa2: {  	_ = 	snop  }
0xa3: {  	[tilespmem:s18], [sflag:$0x2] =	stream.indirect.gather [hbm4b:s4+s16], $0x20, s28, s16, $0xb8;
	[tilespmem:$0x1B700] =	vst v63  }
0xa4: {  	_ =	swait.ge [sflag:s19], $0x1000  }
0xa5: {  	[sflag:s19] =	ssyncset.done $0x0  }
0xa6: {  	[sflag:s19] =	ssyncadd.s32 $0xFFFFF000  }
0xa7: {  	[spmem:s2] =	stream.indirect.scatter.add.f32 [tilespmem:s17], [sflag:$0x3], $0x20, s29, s16, $0xb8;
	[tilespmem:$0x1B700] =	vst v63  }
0xa8: {  	_ =	swait.ge [sflag:s14], $0x1000  }
0xa9: {  	[sflag:s14] =	ssyncset.done $0x0  }
0xaa: {  	[sflag:s14] =	ssyncadd.s32 $0xFFFFF000  }
0xab: {  	_ =	swait.ge [sflag:s20], $0x1000  }
0xac: {  	[sflag:s20] =	ssyncset.done $0x0  }
0xad: {  	[sflag:s20] =	ssyncadd.s32 $0xFFFFF000  }
0xae: {  	[spmem:s2] =	stream.indirect.scatter.add.f32 [tilespmem:s18], [sflag:$0x3], $0x20, s30, s16, $0xb8;
	[tilespmem:$0x1B700] =	vst v63  }
0xaf: {  	_ =	swait.ge [sflag:s14], $0x1000  }
0xb0: {  	[sflag:s14] =	ssyncset.done $0x0  }
0xb1: {  	[sflag:s14] =	ssyncadd.s32 $0xFFFFF000  }
0xb2: {  	[tilespmem:s17], [sflag:$0x1] =	stream.indirect.gather [hbm4b:s4+s16], $0x20, s31, s16, $0xb8;
	[tilespmem:$0x1B700] =	vst v63  }
0xb3: {  	_ = 	snop  }
0xb4: {  	[tilespmem:s18], [sflag:$0x2] =	stream.indirect.gather [hbm4b:s4+s16], $0x20, s0, s16, $0xb8;
	[tilespmem:$0x1B700] =	vst v63  }
0xb5: {  	_ =	swait.ge [sflag:s19], $0x1000  }
0xb6: {  	[sflag:s19] =	ssyncset.done $0x0  }
0xb7: {  	[sflag:s19] =	ssyncadd.s32 $0xFFFFF000  }
0xb8: {  	[spmem:s2] =	stream.indirect.scatter.add.f32 [tilespmem:s17], [sflag:$0x3], $0x20, s1, s16, $0xb8;
	[tilespmem:$0x1B700] =	vst v63  }
0xb9: {  	_ =	swait.ge [sflag:s14], $0x1000  }
0xba: {  	[sflag:s14] =	ssyncset.done $0x0  }
0xbb: {  	[sflag:s14] =	ssyncadd.s32 $0xFFFFF000  }
0xbc: {  	_ =	swait.ge [sflag:s20], $0x1000  }
.Ltmp2:
0xbd: {  	[sflag:s20] =	ssyncset.done $0x0;
	(pc) =	sbr.rel @p0 .LBB2_6-.Ltmp2, $4  }
0xbe: {  	[sflag:s20] =	ssyncadd.s32 $0xFFFFF000  }
0xbf: {  	[spmem:s2] =	stream.indirect.scatter.add.f32 [tilespmem:s18], [sflag:$0x3], $0x20, s6, s16, $0xb8;
	[tilespmem:$0x1B700] =	vst v63  }
0xc0: {  	_ =	swait.ge [sflag:s14], $0x1000  }
0xc1: {  	s9 =	smov.u32 s7;
	[sflag:s14] =	ssyncset.done $0x0  }
0xc2: {  	s7 =	sadd.s32 s8, s12;
	[sflag:s14] =	ssyncadd.s32 $0xFFFFF000  }
0xc3: {  	[tilespmem:s3], [sflag:$0x3] =	stream.linear.gather [hbm4b:s7+s3], $0x400, $0x38;
	[tilespmem:$0x1B700] =	vst v63  }
0xc4: {  	_ =	swait.ge [sflag:s14], $0x400  }
0xc5: {  	[sflag:s14] =	ssyncset.done $0x0  }
0xc6: {  	s21 =	sadd.s32 s8, s11;
	[sflag:s14] =	ssyncadd.s32 $0xFFFFFC00  }
0xc7: {  	[tilespmem:s15], [sflag:$0x3] =	stream.linear.gather [hbm4b:s21+s3], $0x400, $0x38;
	[tilespmem:$0x1B700] =	vst v63  }
0xc8: {  	_ =	swait.ge [sflag:s14], $0x400  }
0xc9: {  	[sflag:s14] =	ssyncset.done $0x0  }
0xca: {  	[sflag:s14] =	ssyncadd.s32 $0xFFFFFC00  }
0xcb: {  	[tilespmem:s17], [sflag:$0x1] =	stream.indirect.gather [hbm4b:s4+s16], $0x20, s3, s16, $0xb8;
	[tilespmem:$0x1B700] =	vst v63  }
0xcc: {  	_ = 	snop  }
0xcd: {  	[tilespmem:s18], [sflag:$0x2] =	stream.indirect.gather [hbm4b:s4+s16], $0x20, s16, s16, $0xb8;
	[tilespmem:$0x1B700] =	vst v63  }
0xce: {  	_ =	swait.ge [sflag:s19], $0x1000  }
0xcf: {  	[sflag:s19] =	ssyncset.done $0x0  }
0xd0: {  	[sflag:s19] =	ssyncadd.s32 $0xFFFFF000  }
0xd1: {  	[spmem:s2] =	stream.indirect.scatter.add.f32 [tilespmem:s17], [sflag:$0x3], $0x20, s15, s16, $0xb8;
	[tilespmem:$0x1B700] =	vst v63  }
0xd2: {  	_ =	swait.ge [sflag:s14], $0x1000  }
0xd3: {  	[sflag:s14] =	ssyncset.done $0x0  }
0xd4: {  	[sflag:s14] =	ssyncadd.s32 $0xFFFFF000  }
0xd5: {  	_ =	swait.ge [sflag:s20], $0x1000  }
0xd6: {  	[sflag:s20] =	ssyncset.done $0x0  }
0xd7: {  	[sflag:s20] =	ssyncadd.s32 $0xFFFFF000  }
0xd8: {  	[spmem:s2] =	stream.indirect.scatter.add.f32 [tilespmem:s18], [sflag:$0x3], $0x20, s13, s16, $0xb8;
	[tilespmem:$0x1B700] =	vst v63  }
0xd9: {  	_ =	swait.ge [sflag:s14], $0x1000  }
0xda: {  	[sflag:s14] =	ssyncset.done $0x0  }
0xdb: {  	[sflag:s14] =	ssyncadd.s32 $0xFFFFF000  }
0xdc: {  	[tilespmem:s17], [sflag:$0x1] =	stream.indirect.gather [hbm4b:s4+s16], $0x20, s22, s16, $0xb8;
	[tilespmem:$0x1B700] =	vst v63  }
0xdd: {  	_ = 	snop  }
0xde: {  	[tilespmem:s18], [sflag:$0x2] =	stream.indirect.gather [hbm4b:s4+s16], $0x20, s23, s16, $0xb8;
	[tilespmem:$0x1B700] =	vst v63  }
0xdf: {  	_ =	swait.ge [sflag:s19], $0x1000  }
0xe0: {  	[sflag:s19] =	ssyncset.done $0x0  }
0xe1: {  	[sflag:s19] =	ssyncadd.s32 $0xFFFFF000  }
0xe2: {  	[spmem:s2] =	stream.indirect.scatter.add.f32 [tilespmem:s17], [sflag:$0x3], $0x20, s24, s16, $0xb8;
	[tilespmem:$0x1B700] =	vst v63  }
0xe3: {  	_ =	swait.ge [sflag:s14], $0x1000  }
0xe4: {  	[sflag:s14] =	ssyncset.done $0x0  }
0xe5: {  	[sflag:s14] =	ssyncadd.s32 $0xFFFFF000  }
0xe6: {  	_ =	swait.ge [sflag:s20], $0x1000  }
0xe7: {  	[sflag:s20] =	ssyncset.done $0x0  }
0xe8: {  	[sflag:s20] =	ssyncadd.s32 $0xFFFFF000  }
0xe9: {  	[spmem:s2] =	stream.indirect.scatter.add.f32 [tilespmem:s18], [sflag:$0x3], $0x20, s25, s16, $0xb8;
	[tilespmem:$0x1B700] =	vst v63  }
0xea: {  	_ =	swait.ge [sflag:s14], $0x1000  }
0xeb: {  	[sflag:s14] =	ssyncset.done $0x0  }
0xec: {  	[sflag:s14] =	ssyncadd.s32 $0xFFFFF000  }
0xed: {  	[tilespmem:s17], [sflag:$0x1] =	stream.indirect.gather [hbm4b:s4+s16], $0x20, s26, s16, $0xb8;
	[tilespmem:$0x1B700] =	vst v63  }
0xee: {  	_ = 	snop  }
0xef: {  	[tilespmem:s18], [sflag:$0x2] =	stream.indirect.gather [hbm4b:s4+s16], $0x20, s28, s16, $0xb8;
	[tilespmem:$0x1B700] =	vst v63  }
0xf0: {  	_ =	swait.ge [sflag:s19], $0x1000  }
0xf1: {  	[sflag:s19] =	ssyncset.done $0x0  }
0xf2: {  	[sflag:s19] =	ssyncadd.s32 $0xFFFFF000  }
0xf3: {  	[spmem:s2] =	stream.indirect.scatter.add.f32 [tilespmem:s17], [sflag:$0x3], $0x20, s29, s16, $0xb8;
	[tilespmem:$0x1B700] =	vst v63  }
0xf4: {  	_ =	swait.ge [sflag:s14], $0x1000  }
0xf5: {  	[sflag:s14] =	ssyncset.done $0x0  }
0xf6: {  	[sflag:s14] =	ssyncadd.s32 $0xFFFFF000  }
0xf7: {  	_ =	swait.ge [sflag:s20], $0x1000  }
0xf8: {  	[sflag:s20] =	ssyncset.done $0x0  }
0xf9: {  	[sflag:s20] =	ssyncadd.s32 $0xFFFFF000  }
0xfa: {  	[spmem:s2] =	stream.indirect.scatter.add.f32 [tilespmem:s18], [sflag:$0x3], $0x20, s30, s16, $0xb8;
	[tilespmem:$0x1B700] =	vst v63  }
0xfb: {  	_ =	swait.ge [sflag:s14], $0x1000  }
0xfc: {  	[sflag:s14] =	ssyncset.done $0x0  }
0xfd: {  	[sflag:s14] =	ssyncadd.s32 $0xFFFFF000  }
0xfe: {  	[tilespmem:s17], [sflag:$0x1] =	stream.indirect.gather [hbm4b:s4+s16], $0x20, s31, s16, $0xb8;
	[tilespmem:$0x1B700] =	vst v63  }
0xff: {  	_ = 	snop  }
0x100: {  	[tilespmem:s18], [sflag:$0x2] =	stream.indirect.gather [hbm4b:s4+s16], $0x20, s0, s16, $0xb8;
	[tilespmem:$0x1B700] =	vst v63  }
0x101: {  	_ =	swait.ge [sflag:s19], $0x1000  }
0x102: {  	[sflag:s19] =	ssyncset.done $0x0  }
0x103: {  	[sflag:s19] =	ssyncadd.s32 $0xFFFFF000  }
0x104: {  	[spmem:s2] =	stream.indirect.scatter.add.f32 [tilespmem:s17], [sflag:$0x3], $0x20, s1, s16, $0xb8;
	[tilespmem:$0x1B700] =	vst v63  }
0x105: {  	_ =	swait.ge [sflag:s14], $0x1000  }
0x106: {  	[sflag:s14] =	ssyncset.done $0x0  }
0x107: {  	[sflag:s14] =	ssyncadd.s32 $0xFFFFF000  }
0x108: {  	_ =	swait.ge [sflag:s20], $0x1000  }
0x109: {  	[sflag:s20] =	ssyncset.done $0x0  }
0x10a: {  	[sflag:s20] =	ssyncadd.s32 $0xFFFFF000  }
0x10b: {  	[spmem:s2] =	stream.indirect.scatter.add.f32 [tilespmem:s18], [sflag:$0x3], $0x20, s6, s16, $0xb8;
	[tilespmem:$0x1B700] =	vst v63  }
0x10c: {  	_ =	swait.ge [sflag:s14], $0x1000  }
0x10d: {  	[sflag:s14] =	ssyncset.done $0x0  }
0x10e: {  	[sflag:s14] =	ssyncadd.s32 $0xFFFFF000  }
0x10f: {  	s8 =	stileid.u32;
	[bflag:$0x0] =	sbarrier.arrive $0xFFFF  }
0x110: {  	s7 =	sshll.u32 s8, $0x6;
	s9 =	rddreg [dreg:$0x4]  }
0x111: {  	s8 =	sor.u32 $0x1C03, s7;
	s21 =	rddreg [dreg:$0x3]  }
0x112: {  	[dreg:$0x8] =	wrdreg s8;
	s9 =	sshrl.u32 s9, $0x3  }
0x113: {  	[dreg:$0x9] =	wrdreg s9  }
0x114: {  	[hbm:s21], [sflag:s8] =	dma.local [spmem:s9], $0x30E0  }
0x115: {  	_ =	swait.ge [sflag:s14], $0x30E0  }
0x116: {  	[sflag:s14] =	ssyncset.done $0x0  }
0x117: {  	[sflag:s14] =	ssyncadd.s32 $0xFFFFCF20  }
0x118: {  	s21 =	sadd.s32 $0x0, s10;
	s9 =	simm.s32 $0x2800;
	[bflag:$0x0] =	sbarrier.arrive $0xFFFF  }
0x119: {  	[spmem:s21] =	stream.linear.scatter [tilespmem:s9], [sflag:$0x3], $0x700, $0x38;
	[tilespmem:$0x1B700] =	vst v63  }
0x11a: {  	s8 =	simm.s32 $0x1C00;
	_ =	swait.ge [sflag:s14], $0x700  }
.LBB2_8:
0x11b: {  	s7 =	sshra.s32 s8, $0x2;
	[sflag:s14] =	ssyncset.done $0x0;
	p0 =	sne.s32 s8, $0x60400  }
.Ltmp3:
0x11c: {  	s7 =	sadd.s32 s7, s10;
	[sflag:s14] =	ssyncadd.s32 $0xFFFFF900;
	(pc) =	sbr.rel @p0 .LBB2_8-.Ltmp3, $3  }
0x11d: {  	[spmem:s7] =	stream.linear.scatter [tilespmem:s9], [sflag:$0x3], $0x700, $0x38;
	[tilespmem:$0x1B700] =	vst v63  }
0x11e: {  	s8 =	sadd.s32 $0x1C00, s8;
	_ =	sdelay $0x1  }
0x11f: {  	_ =	swait.ge [sflag:s14], $0x700  }
0x120: {  	[sflag:s14] =	ssyncset.done $0x0  }
0x121: {  	[sflag:s14] =	ssyncadd.s32 $0xFFFFF900  }
0x122: {  	s7 =	sadd.s32 $0x0, s12;
	[bflag:$0x0] =	sbarrier.arrive $0xFFFF  }
0x123: {  	[tilespmem:s3], [sflag:$0x3] =	stream.linear.gather [hbm4b:s7+s3], $0x400, $0x38;
	[tilespmem:$0x1B700] =	vst v63  }
0x124: {  	_ =	swait.ge [sflag:s14], $0x400  }
0x125: {  	[sflag:s14] =	ssyncset.done $0x0  }
0x126: {  	s21 =	sadd.s32 $0x0, s11;
	[sflag:s14] =	ssyncadd.s32 $0xFFFFFC00  }
0x127: {  	[tilespmem:s15], [sflag:$0x3] =	stream.linear.gather [hbm4b:s21+s3], $0x400, $0x38;
	[tilespmem:$0x1B700] =	vst v63  }
0x128: {  	_ =	swait.ge [sflag:s14], $0x400  }
0x129: {  	[sflag:s14] =	ssyncset.done $0x0  }
0x12a: {  	[sflag:s14] =	ssyncadd.s32 $0xFFFFFC00  }
0x12b: {  	[tilespmem:s17], [sflag:$0x1] =	stream.indirect.gather [hbm4b:s5+s16], $0x20, s3, s16, $0xb8;
	[tilespmem:$0x1B700] =	vst v63  }
0x12c: {  	_ = 	snop  }
0x12d: {  	[tilespmem:s18], [sflag:$0x2] =	stream.indirect.gather [hbm4b:s5+s16], $0x20, s16, s16, $0xb8;
	[tilespmem:$0x1B700] =	vst v63  }
0x12e: {  	_ =	swait.ge [sflag:s19], $0x1000  }
0x12f: {  	[sflag:s19] =	ssyncset.done $0x0  }
0x130: {  	[sflag:s19] =	ssyncadd.s32 $0xFFFFF000  }
0x131: {  	[spmem:s2] =	stream.indirect.scatter.add.f32 [tilespmem:s17], [sflag:$0x3], $0x20, s15, s16, $0xb8;
	[tilespmem:$0x1B700] =	vst v63  }
0x132: {  	_ =	swait.ge [sflag:s14], $0x1000  }
0x133: {  	[sflag:s14] =	ssyncset.done $0x0  }
0x134: {  	[sflag:s14] =	ssyncadd.s32 $0xFFFFF000  }
0x135: {  	_ =	swait.ge [sflag:s20], $0x1000  }
0x136: {  	[sflag:s20] =	ssyncset.done $0x0  }
0x137: {  	[sflag:s20] =	ssyncadd.s32 $0xFFFFF000  }
0x138: {  	[spmem:s2] =	stream.indirect.scatter.add.f32 [tilespmem:s18], [sflag:$0x3], $0x20, s13, s16, $0xb8;
	[tilespmem:$0x1B700] =	vst v63  }
0x139: {  	_ =	swait.ge [sflag:s14], $0x1000  }
0x13a: {  	[sflag:s14] =	ssyncset.done $0x0  }
0x13b: {  	[sflag:s14] =	ssyncadd.s32 $0xFFFFF000  }
0x13c: {  	[tilespmem:s17], [sflag:$0x1] =	stream.indirect.gather [hbm4b:s5+s16], $0x20, s22, s16, $0xb8;
	[tilespmem:$0x1B700] =	vst v63  }
0x13d: {  	_ = 	snop  }
0x13e: {  	[tilespmem:s18], [sflag:$0x2] =	stream.indirect.gather [hbm4b:s5+s16], $0x20, s23, s16, $0xb8;
	[tilespmem:$0x1B700] =	vst v63  }
0x13f: {  	_ =	swait.ge [sflag:s19], $0x1000  }
0x140: {  	[sflag:s19] =	ssyncset.done $0x0  }
0x141: {  	[sflag:s19] =	ssyncadd.s32 $0xFFFFF000  }
0x142: {  	[spmem:s2] =	stream.indirect.scatter.add.f32 [tilespmem:s17], [sflag:$0x3], $0x20, s24, s16, $0xb8;
	[tilespmem:$0x1B700] =	vst v63  }
0x143: {  	_ =	swait.ge [sflag:s14], $0x1000  }
0x144: {  	[sflag:s14] =	ssyncset.done $0x0  }
0x145: {  	[sflag:s14] =	ssyncadd.s32 $0xFFFFF000  }
0x146: {  	_ =	swait.ge [sflag:s20], $0x1000  }
0x147: {  	[sflag:s20] =	ssyncset.done $0x0  }
0x148: {  	[sflag:s20] =	ssyncadd.s32 $0xFFFFF000  }
0x149: {  	[spmem:s2] =	stream.indirect.scatter.add.f32 [tilespmem:s18], [sflag:$0x3], $0x20, s25, s16, $0xb8;
	[tilespmem:$0x1B700] =	vst v63  }
0x14a: {  	_ =	swait.ge [sflag:s14], $0x1000  }
0x14b: {  	[sflag:s14] =	ssyncset.done $0x0  }
0x14c: {  	[sflag:s14] =	ssyncadd.s32 $0xFFFFF000  }
0x14d: {  	[tilespmem:s17], [sflag:$0x1] =	stream.indirect.gather [hbm4b:s5+s16], $0x20, s26, s16, $0xb8;
	[tilespmem:$0x1B700] =	vst v63  }
0x14e: {  	_ = 	snop  }
0x14f: {  	[tilespmem:s18], [sflag:$0x2] =	stream.indirect.gather [hbm4b:s5+s16], $0x20, s28, s16, $0xb8;
	[tilespmem:$0x1B700] =	vst v63  }
0x150: {  	_ =	swait.ge [sflag:s19], $0x1000  }
0x151: {  	[sflag:s19] =	ssyncset.done $0x0  }
0x152: {  	[sflag:s19] =	ssyncadd.s32 $0xFFFFF000  }
0x153: {  	[spmem:s2] =	stream.indirect.scatter.add.f32 [tilespmem:s17], [sflag:$0x3], $0x20, s29, s16, $0xb8;
	[tilespmem:$0x1B700] =	vst v63  }
0x154: {  	_ =	swait.ge [sflag:s14], $0x1000  }
0x155: {  	[sflag:s14] =	ssyncset.done $0x0  }
0x156: {  	[sflag:s14] =	ssyncadd.s32 $0xFFFFF000  }
0x157: {  	_ =	swait.ge [sflag:s20], $0x1000  }
0x158: {  	[sflag:s20] =	ssyncset.done $0x0  }
0x159: {  	[sflag:s20] =	ssyncadd.s32 $0xFFFFF000  }
0x15a: {  	[spmem:s2] =	stream.indirect.scatter.add.f32 [tilespmem:s18], [sflag:$0x3], $0x20, s30, s16, $0xb8;
	[tilespmem:$0x1B700] =	vst v63  }
0x15b: {  	_ =	swait.ge [sflag:s14], $0x1000  }
0x15c: {  	[sflag:s14] =	ssyncset.done $0x0  }
0x15d: {  	[sflag:s14] =	ssyncadd.s32 $0xFFFFF000  }
0x15e: {  	[tilespmem:s17], [sflag:$0x1] =	stream.indirect.gather [hbm4b:s5+s16], $0x20, s31, s16, $0xb8;
	[tilespmem:$0x1B700] =	vst v63  }
0x15f: {  	_ = 	snop  }
0x160: {  	[tilespmem:s18], [sflag:$0x2] =	stream.indirect.gather [hbm4b:s5+s16], $0x20, s0, s16, $0xb8;
	[tilespmem:$0x1B700] =	vst v63  }
0x161: {  	_ =	swait.ge [sflag:s19], $0x1000  }
0x162: {  	[sflag:s19] =	ssyncset.done $0x0  }
0x163: {  	[sflag:s19] =	ssyncadd.s32 $0xFFFFF000  }
0x164: {  	[spmem:s2] =	stream.indirect.scatter.add.f32 [tilespmem:s17], [sflag:$0x3], $0x20, s1, s16, $0xb8;
	[tilespmem:$0x1B700] =	vst v63  }
0x165: {  	_ =	swait.ge [sflag:s14], $0x1000  }
0x166: {  	[sflag:s14] =	ssyncset.done $0x0  }
0x167: {  	[sflag:s14] =	ssyncadd.s32 $0xFFFFF000  }
0x168: {  	_ =	swait.ge [sflag:s20], $0x1000  }
0x169: {  	[sflag:s20] =	ssyncset.done $0x0  }
0x16a: {  	[sflag:s20] =	ssyncadd.s32 $0xFFFFF000  }
0x16b: {  	[spmem:s2] =	stream.indirect.scatter.add.f32 [tilespmem:s18], [sflag:$0x3], $0x20, s6, s16, $0xb8;
	[tilespmem:$0x1B700] =	vst v63  }
0x16c: {  	_ =	swait.ge [sflag:s14], $0x1000  }
0x16d: {  	s8 =	simm.s32 $0x80;
	s7 =	simm.s32 $0x100;
	[sflag:s14] =	ssyncset.done $0x0  }
.LBB2_10:
0x16e: {  	s13 =	sadd.s32 s8, s12  }
0x16f: {  	[sflag:s14] =	ssyncadd.s32 $0xFFFFF000;
	s21 =	smov.u32 s7;
	s9 =	sadd.s32 $0x80, s7  }
0x170: {  	[tilespmem:s3], [sflag:$0x3] =	stream.linear.gather [hbm4b:s13+s3], $0x400, $0x38;
	[tilespmem:$0x1B700] =	vst v63  }
0x171: {  	p0 =	sne.s32 s7, $0xC00;
	_ =	swait.ge [sflag:s14], $0x400  }
0x172: {  	s7 =	sadd.s32 s8, s11;
	[sflag:s14] =	ssyncset.done $0x0  }
0x173: {  	s8 =	smov.u32 s21;
	s21 =	simm.s32 $0x480;
	[sflag:s14] =	ssyncadd.s32 $0xFFFFFC00  }
0x174: {  	[tilespmem:s15], [sflag:$0x3] =	stream.linear.gather [hbm4b:s7+s3], $0x400, $0x38;
	[tilespmem:$0x1B700] =	vst v63  }
0x175: {  	_ =	swait.ge [sflag:s14], $0x400  }
0x176: {  	[sflag:s14] =	ssyncset.done $0x0  }
0x177: {  	[sflag:s14] =	ssyncadd.s32 $0xFFFFFC00  }
0x178: {  	[tilespmem:s17], [sflag:$0x1] =	stream.indirect.gather [hbm4b:s5+s16], $0x20, s3, s16, $0xb8;
	[tilespmem:$0x1B700] =	vst v63  }
0x179: {  	_ = 	snop  }
0x17a: {  	[tilespmem:s18], [sflag:$0x2] =	stream.indirect.gather [hbm4b:s5+s16], $0x20, s16, s16, $0xb8;
	[tilespmem:$0x1B700] =	vst v63  }
0x17b: {  	_ =	swait.ge [sflag:s19], $0x1000  }
0x17c: {  	[sflag:s19] =	ssyncset.done $0x0  }
0x17d: {  	[sflag:s19] =	ssyncadd.s32 $0xFFFFF000  }
0x17e: {  	[spmem:s2] =	stream.indirect.scatter.add.f32 [tilespmem:s17], [sflag:$0x3], $0x20, s15, s16, $0xb8;
	[tilespmem:$0x1B700] =	vst v63  }
0x17f: {  	_ =	swait.ge [sflag:s14], $0x1000  }
0x180: {  	[sflag:s14] =	ssyncset.done $0x0  }
0x181: {  	[sflag:s14] =	ssyncadd.s32 $0xFFFFF000  }
0x182: {  	_ =	swait.ge [sflag:s20], $0x1000  }
0x183: {  	[sflag:s20] =	ssyncset.done $0x0  }
0x184: {  	[sflag:s20] =	ssyncadd.s32 $0xFFFFF000  }
0x185: {  	[spmem:s2] =	stream.indirect.scatter.add.f32 [tilespmem:s18], [sflag:$0x3], $0x20, s21, s16, $0xb8;
	[tilespmem:$0x1B700] =	vst v63  }
0x186: {  	_ =	swait.ge [sflag:s14], $0x1000  }
0x187: {  	[sflag:s14] =	ssyncset.done $0x0  }
0x188: {  	[sflag:s14] =	ssyncadd.s32 $0xFFFFF000  }
0x189: {  	[tilespmem:s17], [sflag:$0x1] =	stream.indirect.gather [hbm4b:s5+s16], $0x20, s22, s16, $0xb8;
	[tilespmem:$0x1B700] =	vst v63  }
0x18a: {  	_ = 	snop  }
0x18b: {  	[tilespmem:s18], [sflag:$0x2] =	stream.indirect.gather [hbm4b:s5+s16], $0x20, s23, s16, $0xb8;
	[tilespmem:$0x1B700] =	vst v63  }
0x18c: {  	_ =	swait.ge [sflag:s19], $0x1000  }
0x18d: {  	[sflag:s19] =	ssyncset.done $0x0  }
0x18e: {  	[sflag:s19] =	ssyncadd.s32 $0xFFFFF000  }
0x18f: {  	[spmem:s2] =	stream.indirect.scatter.add.f32 [tilespmem:s17], [sflag:$0x3], $0x20, s24, s16, $0xb8;
	[tilespmem:$0x1B700] =	vst v63  }
0x190: {  	_ =	swait.ge [sflag:s14], $0x1000  }
0x191: {  	[sflag:s14] =	ssyncset.done $0x0  }
0x192: {  	[sflag:s14] =	ssyncadd.s32 $0xFFFFF000  }
0x193: {  	_ =	swait.ge [sflag:s20], $0x1000  }
0x194: {  	[sflag:s20] =	ssyncset.done $0x0  }
0x195: {  	[sflag:s20] =	ssyncadd.s32 $0xFFFFF000  }
0x196: {  	[spmem:s2] =	stream.indirect.scatter.add.f32 [tilespmem:s18], [sflag:$0x3], $0x20, s25, s16, $0xb8;
	[tilespmem:$0x1B700] =	vst v63  }
0x197: {  	_ =	swait.ge [sflag:s14], $0x1000  }
0x198: {  	[sflag:s14] =	ssyncset.done $0x0  }
0x199: {  	[sflag:s14] =	ssyncadd.s32 $0xFFFFF000  }
0x19a: {  	[tilespmem:s17], [sflag:$0x1] =	stream.indirect.gather [hbm4b:s5+s16], $0x20, s26, s16, $0xb8;
	[tilespmem:$0x1B700] =	vst v63  }
0x19b: {  	_ = 	snop  }
0x19c: {  	[tilespmem:s18], [sflag:$0x2] =	stream.indirect.gather [hbm4b:s5+s16], $0x20, s28, s16, $0xb8;
	[tilespmem:$0x1B700] =	vst v63  }
0x19d: {  	_ =	swait.ge [sflag:s19], $0x1000  }
0x19e: {  	[sflag:s19] =	ssyncset.done $0x0  }
0x19f: {  	[sflag:s19] =	ssyncadd.s32 $0xFFFFF000  }
0x1a0: {  	[spmem:s2] =	stream.indirect.scatter.add.f32 [tilespmem:s17], [sflag:$0x3], $0x20, s29, s16, $0xb8;
	[tilespmem:$0x1B700] =	vst v63  }
0x1a1: {  	_ =	swait.ge [sflag:s14], $0x1000  }
0x1a2: {  	[sflag:s14] =	ssyncset.done $0x0  }
0x1a3: {  	[sflag:s14] =	ssyncadd.s32 $0xFFFFF000  }
0x1a4: {  	_ =	swait.ge [sflag:s20], $0x1000  }
0x1a5: {  	[sflag:s20] =	ssyncset.done $0x0  }
0x1a6: {  	[sflag:s20] =	ssyncadd.s32 $0xFFFFF000  }
0x1a7: {  	[spmem:s2] =	stream.indirect.scatter.add.f32 [tilespmem:s18], [sflag:$0x3], $0x20, s30, s16, $0xb8;
	[tilespmem:$0x1B700] =	vst v63  }
0x1a8: {  	_ =	swait.ge [sflag:s14], $0x1000  }
0x1a9: {  	[sflag:s14] =	ssyncset.done $0x0  }
0x1aa: {  	[sflag:s14] =	ssyncadd.s32 $0xFFFFF000  }
0x1ab: {  	[tilespmem:s17], [sflag:$0x1] =	stream.indirect.gather [hbm4b:s5+s16], $0x20, s31, s16, $0xb8;
	[tilespmem:$0x1B700] =	vst v63  }
0x1ac: {  	_ = 	snop  }
0x1ad: {  	[tilespmem:s18], [sflag:$0x2] =	stream.indirect.gather [hbm4b:s5+s16], $0x20, s0, s16, $0xb8;
	[tilespmem:$0x1B700] =	vst v63  }
0x1ae: {  	_ =	swait.ge [sflag:s19], $0x1000  }
0x1af: {  	[sflag:s19] =	ssyncset.done $0x0  }
0x1b0: {  	[sflag:s19] =	ssyncadd.s32 $0xFFFFF000  }
0x1b1: {  	[spmem:s2] =	stream.indirect.scatter.add.f32 [tilespmem:s17], [sflag:$0x3], $0x20, s1, s16, $0xb8;
	[tilespmem:$0x1B700] =	vst v63  }
0x1b2: {  	_ =	swait.ge [sflag:s14], $0x1000  }
0x1b3: {  	[sflag:s14] =	ssyncset.done $0x0  }
0x1b4: {  	[sflag:s14] =	ssyncadd.s32 $0xFFFFF000  }
0x1b5: {  	_ =	swait.ge [sflag:s20], $0x1000  }
.Ltmp4:
0x1b6: {  	[sflag:s20] =	ssyncset.done $0x0;
	(pc) =	sbr.rel @p0 .LBB2_10-.Ltmp4, $4  }
0x1b7: {  	[sflag:s20] =	ssyncadd.s32 $0xFFFFF000  }
0x1b8: {  	[spmem:s2] =	stream.indirect.scatter.add.f32 [tilespmem:s18], [sflag:$0x3], $0x20, s6, s16, $0xb8;
	[tilespmem:$0x1B700] =	vst v63  }
0x1b9: {  	_ =	swait.ge [sflag:s14], $0x1000  }
0x1ba: {  	s7 =	smov.u32 s9;
	[sflag:s14] =	ssyncset.done $0x0  }
0x1bb: {  	s7 =	sadd.s32 s8, s12;
	[sflag:s14] =	ssyncadd.s32 $0xFFFFF000  }
0x1bc: {  	[tilespmem:s3], [sflag:$0x3] =	stream.linear.gather [hbm4b:s7+s3], $0x400, $0x38;
	[tilespmem:$0x1B700] =	vst v63  }
0x1bd: {  	_ =	swait.ge [sflag:s14], $0x400  }
0x1be: {  	[sflag:s14] =	ssyncset.done $0x0  }
0x1bf: {  	s13 =	sadd.s32 s8, s11;
	[sflag:s14] =	ssyncadd.s32 $0xFFFFFC00  }
0x1c0: {  	[tilespmem:s15], [sflag:$0x3] =	stream.linear.gather [hbm4b:s13+s3], $0x400, $0x38;
	[tilespmem:$0x1B700] =	vst v63  }
0x1c1: {  	_ =	swait.ge [sflag:s14], $0x400  }
0x1c2: {  	[sflag:s14] =	ssyncset.done $0x0  }
0x1c3: {  	[sflag:s14] =	ssyncadd.s32 $0xFFFFFC00  }
0x1c4: {  	[tilespmem:s17], [sflag:$0x1] =	stream.indirect.gather [hbm4b:s5+s16], $0x20, s3, s16, $0xb8;
	[tilespmem:$0x1B700] =	vst v63  }
0x1c5: {  	_ = 	snop  }
0x1c6: {  	[tilespmem:s18], [sflag:$0x2] =	stream.indirect.gather [hbm4b:s5+s16], $0x20, s16, s16, $0xb8;
	[tilespmem:$0x1B700] =	vst v63  }
0x1c7: {  	_ =	swait.ge [sflag:s19], $0x1000  }
0x1c8: {  	[sflag:s19] =	ssyncset.done $0x0  }
0x1c9: {  	[sflag:s19] =	ssyncadd.s32 $0xFFFFF000  }
0x1ca: {  	[spmem:s2] =	stream.indirect.scatter.add.f32 [tilespmem:s17], [sflag:$0x3], $0x20, s15, s16, $0xb8;
	[tilespmem:$0x1B700] =	vst v63  }
0x1cb: {  	_ =	swait.ge [sflag:s14], $0x1000  }
0x1cc: {  	[sflag:s14] =	ssyncset.done $0x0  }
0x1cd: {  	[sflag:s14] =	ssyncadd.s32 $0xFFFFF000  }
0x1ce: {  	_ =	swait.ge [sflag:s20], $0x1000  }
0x1cf: {  	[sflag:s20] =	ssyncset.done $0x0  }
0x1d0: {  	[sflag:s20] =	ssyncadd.s32 $0xFFFFF000  }
0x1d1: {  	[spmem:s2] =	stream.indirect.scatter.add.f32 [tilespmem:s18], [sflag:$0x3], $0x20, s21, s16, $0xb8;
	[tilespmem:$0x1B700] =	vst v63  }
0x1d2: {  	_ =	swait.ge [sflag:s14], $0x1000  }
0x1d3: {  	[sflag:s14] =	ssyncset.done $0x0  }
0x1d4: {  	[sflag:s14] =	ssyncadd.s32 $0xFFFFF000  }
0x1d5: {  	[tilespmem:s17], [sflag:$0x1] =	stream.indirect.gather [hbm4b:s5+s16], $0x20, s22, s16, $0xb8;
	[tilespmem:$0x1B700] =	vst v63  }
0x1d6: {  	_ = 	snop  }
0x1d7: {  	[tilespmem:s18], [sflag:$0x2] =	stream.indirect.gather [hbm4b:s5+s16], $0x20, s23, s16, $0xb8;
	[tilespmem:$0x1B700] =	vst v63  }
0x1d8: {  	_ =	swait.ge [sflag:s19], $0x1000  }
0x1d9: {  	[sflag:s19] =	ssyncset.done $0x0  }
0x1da: {  	[sflag:s19] =	ssyncadd.s32 $0xFFFFF000  }
0x1db: {  	[spmem:s2] =	stream.indirect.scatter.add.f32 [tilespmem:s17], [sflag:$0x3], $0x20, s24, s16, $0xb8;
	[tilespmem:$0x1B700] =	vst v63  }
0x1dc: {  	_ =	swait.ge [sflag:s14], $0x1000  }
0x1dd: {  	[sflag:s14] =	ssyncset.done $0x0  }
0x1de: {  	[sflag:s14] =	ssyncadd.s32 $0xFFFFF000  }
0x1df: {  	_ =	swait.ge [sflag:s20], $0x1000  }
0x1e0: {  	[sflag:s20] =	ssyncset.done $0x0  }
0x1e1: {  	[sflag:s20] =	ssyncadd.s32 $0xFFFFF000  }
0x1e2: {  	[spmem:s2] =	stream.indirect.scatter.add.f32 [tilespmem:s18], [sflag:$0x3], $0x20, s25, s16, $0xb8;
	[tilespmem:$0x1B700] =	vst v63  }
0x1e3: {  	_ =	swait.ge [sflag:s14], $0x1000  }
0x1e4: {  	[sflag:s14] =	ssyncset.done $0x0  }
0x1e5: {  	[sflag:s14] =	ssyncadd.s32 $0xFFFFF000  }
0x1e6: {  	[tilespmem:s17], [sflag:$0x1] =	stream.indirect.gather [hbm4b:s5+s16], $0x20, s26, s16, $0xb8;
	[tilespmem:$0x1B700] =	vst v63  }
0x1e7: {  	_ = 	snop  }
0x1e8: {  	[tilespmem:s18], [sflag:$0x2] =	stream.indirect.gather [hbm4b:s5+s16], $0x20, s28, s16, $0xb8;
	[tilespmem:$0x1B700] =	vst v63  }
0x1e9: {  	_ =	swait.ge [sflag:s19], $0x1000  }
0x1ea: {  	[sflag:s19] =	ssyncset.done $0x0  }
0x1eb: {  	[sflag:s19] =	ssyncadd.s32 $0xFFFFF000  }
0x1ec: {  	[spmem:s2] =	stream.indirect.scatter.add.f32 [tilespmem:s17], [sflag:$0x3], $0x20, s29, s16, $0xb8;
	[tilespmem:$0x1B700] =	vst v63  }
0x1ed: {  	_ =	swait.ge [sflag:s14], $0x1000  }
0x1ee: {  	[sflag:s14] =	ssyncset.done $0x0  }
0x1ef: {  	[sflag:s14] =	ssyncadd.s32 $0xFFFFF000  }
0x1f0: {  	_ =	swait.ge [sflag:s20], $0x1000  }
0x1f1: {  	[sflag:s20] =	ssyncset.done $0x0  }
0x1f2: {  	[sflag:s20] =	ssyncadd.s32 $0xFFFFF000  }
0x1f3: {  	[spmem:s2] =	stream.indirect.scatter.add.f32 [tilespmem:s18], [sflag:$0x3], $0x20, s30, s16, $0xb8;
	[tilespmem:$0x1B700] =	vst v63  }
0x1f4: {  	_ =	swait.ge [sflag:s14], $0x1000  }
0x1f5: {  	[sflag:s14] =	ssyncset.done $0x0  }
0x1f6: {  	[sflag:s14] =	ssyncadd.s32 $0xFFFFF000  }
0x1f7: {  	[tilespmem:s17], [sflag:$0x1] =	stream.indirect.gather [hbm4b:s5+s16], $0x20, s31, s16, $0xb8;
	[tilespmem:$0x1B700] =	vst v63  }
0x1f8: {  	_ = 	snop  }
0x1f9: {  	[tilespmem:s18], [sflag:$0x2] =	stream.indirect.gather [hbm4b:s5+s16], $0x20, s0, s16, $0xb8;
	[tilespmem:$0x1B700] =	vst v63  }
0x1fa: {  	_ =	swait.ge [sflag:s19], $0x1000  }
0x1fb: {  	[sflag:s19] =	ssyncset.done $0x0  }
0x1fc: {  	[sflag:s19] =	ssyncadd.s32 $0xFFFFF000  }
0x1fd: {  	[spmem:s2] =	stream.indirect.scatter.add.f32 [tilespmem:s17], [sflag:$0x3], $0x20, s1, s16, $0xb8;
	[tilespmem:$0x1B700] =	vst v63  }
0x1fe: {  	_ =	swait.ge [sflag:s14], $0x1000  }
0x1ff: {  	[sflag:s14] =	ssyncset.done $0x0  }
0x200: {  	[sflag:s14] =	ssyncadd.s32 $0xFFFFF000  }
0x201: {  	_ =	swait.ge [sflag:s20], $0x1000  }
0x202: {  	[sflag:s20] =	ssyncset.done $0x0  }
0x203: {  	[sflag:s20] =	ssyncadd.s32 $0xFFFFF000  }
0x204: {  	[spmem:s2] =	stream.indirect.scatter.add.f32 [tilespmem:s18], [sflag:$0x3], $0x20, s6, s16, $0xb8;
	[tilespmem:$0x1B700] =	vst v63  }
0x205: {  	_ =	swait.ge [sflag:s14], $0x1000  }
0x206: {  	[sflag:s14] =	ssyncset.done $0x0  }
0x207: {  	[sflag:s14] =	ssyncadd.s32 $0xFFFFF000  }
0x208: {  	[bflag:$0x0] =	sbarrier.arrive $0xFFFF  }
0x209: {  	s8 =	rddreg [dreg:$0x5]  }
0x20a: {  	s13 =	rddreg [dreg:$0x8]  }
0x20b: {  	s9 =	rddreg [dreg:$0x9]  }
0x20c: {  	[hbm:s8], [sflag:s13] =	dma.local [spmem:s9], $0x30E0  }
0x20d: {  	_ =	swait.ge [sflag:s14], $0x30E0  }
0x20e: {  	s9 =	rddreg [dreg:$0x7]  }
0x20f: {  	s13 =	rddreg [dreg:$0x6];
	s8 =	sadd.s32 $0x1, s9  }
0x210: {  	p0 =	sne.s32 s8, s13  }
.Ltmp5:
0x211: {  	_ = 	snop;
	(pc) =	sbr.rel @p0 .LBB2_1-.Ltmp5, $3  }
0x212: {  	_ =	sdelay $0x1  }
0x213: {  	[sflag:s14] =	ssyncset.done $0x0  }
0x214: {  	[sflag:s14] =	ssyncadd.s32 $0xFFFFCF20;
	s13 =	simm.s32 $0x2800  }
0x215: {  	_ =	sfence.sel $0x180000  }
0x216: {  	[bflag:$0x0] =	sbarrier.arrive $0xFFFF  }
0x217: {  	_ =	strace $0x9000004A  }
0x218: {  	s0 =	stileid.u32;
	[bflag:$0x2] =	sbarrier.arrive $0xFFFF  }
0x219: {  	p0 =	sne.s32 s0, $0x0;
	s0 =	rddreg [dreg:$0x2]  }
0x21a: {  	s0 =	sadd.s32 @!p0 $0x100000, s0  }
0x21b: {  	[sflag:s0] =	ssyncadd.tile.s32 @!p0 $0x1;
	_ =	shalt  }
.Lfunc_end2:
_tile_overlayer_lowered:
.L_overlay_start_2:
0x21c: {  	(tag) =	ssettag $0x2  }
0x21d: {  	s0 =	rddreg [dreg:$0x0];
	s2 =	stileid.u32  }
0x21e: {  	s1 =	rddreg [dreg:$0x1];
	p0 =	sne.s32 s2, $0x0  }
0x21f: {  	s3 =	rddreg [dreg:$0x2];
	[bflag:$0x3] =	sbarrier.arrive $0xFFFF;
	s2 =	simm.s32 @!p0 $0x1C03  }
0x220: {  	[timem:s3], [sflag:s2] =	dma.local @!p0 [hbm:s0], s1  }
0x221: {  	s0 =	simm.s32 @!p0 $0x3  }
0x222: {  	_ =	swait.ge @!p0 [sflag:s0], s1  }
0x223: {  	s1 =	ssub.s32 @!p0 $0x0, s1;
	[sflag:s0] =	ssyncset.done @!p0 $0x0  }
0x224: {  	[sflag:s0] =	ssyncadd.s32 @!p0 s1  }
0x225: {  	[bflag:$0x3] =	sbarrier.arrive $0xFFFF  }
0x226: {  	_ =	shalt  }

// kernel: kernel.14.cloned.1.call-start
scs
__scs_entry_jumppad:
0x0: {  	(pc) =	sbr.rel $0x88, $3  }
0x1: {  	(tag) =	ssettag $0x0;
	lr =	simm.s32 $0x1  }
0x2: {  	[smem:$0x3F98] =	sst lr;
	_ =	strace $0xD0000000  }
0x3: {  	_ = 	snop  }
0x4: {  	_ = 	snop  }
0x5: {  	_ = 	snop  }
0x6: {  	_ = 	snop  }
0x7: {  	_ = 	snop  }
__scs_overlays_trampoline_lowered:
0x8: {  	[smem:$0x3FA7] =	sst s0  }
0x9: {  	[smem:$0x3FA8] =	sst s1  }
0xa: {  	[smem:$0x3FA9] =	sst s2  }
0xb: {  	[smem:$0x3FAA] =	sst s3  }
0xc: {  	[smem:$0x3FAB] =	sst s4  }
0xd: {  	[smem:$0x3FAC] =	sst s5  }
0xe: {  	[smem:$0x3FAD] =	sst s6  }
0xf: {  	[smem:$0x3FAE] =	sst s7  }
0x10: {  	[smem:$0x3FAF] =	sst s8  }
0x11: {  	[smem:$0x3FB0] =	sst s9;
	s0 =	simm.s32 @!p0 $0x0  }
0x12: {  	s1 =	sld [smem:$0x3F96];
	s0 =	simm.s32 @p0 $0x1  }
0x13: {  	[smem:$0x3FB1] =	sst s0;
	s0 =	simm.s32 @!p1 $0x0  }
0x14: {  	s2 =	sld [smem:$0x3F95];
	s0 =	simm.s32 @p1 $0x1  }
0x15: {  	[smem:$0x3FB2] =	sst s0;
	s0 =	simm.s32 @!p2 $0x0  }
0x16: {  	s3 =	sld [smem:$0x3FDB];
	s0 =	simm.s32 @p2 $0x1  }
0x17: {  	s4 =	simm.s32 $0x1BF5;
	[smem:$0x3FB4] =	sst s0  }
0x18: {  	s0 =	sld [smem:$0x3F97];
	_ =	swait.ge [sflag:s4], $0x0  }
0x19: {  	s7 =	sld [smem:$0x3F98]  }
0x1a: {  	s8 =	sadd.s32 $0xFFFFE003, lr  }
0x1b: {  	s9 =	sadd.s32 $0xFFFFFEF7, lr;
	s5 =	simm.s32 $0xFFFFFFFF;
	p2 =	slt.u32 s8, $0xFFFFF086  }
0x1c: {  	p1 =	slt.u32 s9, $0xF7A;
	s5 =	simm.s32 @!p2 $0x0  }
0x1d: {  	s5 =	simm.s32 @p1 $0x1;
	p0 =	seq.s32 s7, s2  }
0x1e: {  	s7 =	smul.u32 @!p0 $0xF7A, s2;
	p2 =	seq.s32 @!p0 s5, $0x0  }
0x1f: {  	s9 =	smul.u32 $0xF7A, s1;
	s8 =	simm.s32 @!p0 $0x1BF5;
	p2 =	por !p2, p0  }
0x20: {  	[sflag:s8] =	ssyncset.s32 @!p0 $0xFFFFF086;
	s6 =	sadd.s32 @!p0 s3, s7;
	s7 =	simm.s32 @!p0 $0x108  }
0x21: {  	s3 =	sadd.s32 s3, s9;
	s6 =	sadd.s32 @!p0 $0x88, s6;
	s7 =	simm.s32 @p2 $0x1082  }
0x22: {  	[simem:s7], [sflag:s8] =	dma.local @!p0 [hbm:s6], $0xF7A  }
0x23: {  	s9 =	sor.u32 $0xD0000000, s2;
	s6 =	simm.s32 $0x108;
	_ =	swait.ge @!p0 [sflag:s8], $0x0  }
0x24: {  	s3 =	sadd.s32 $0x88, s3;
	s6 =	simm.s32 @!p1 $0x1082;
	[sflag:s4] =	ssyncset.s32 $0xFFFFF086  }
0x25: {  	[simem:s6], [sflag:s4] =	dma.local [hbm:s3], $0xF7A  }
0x26: {  	[smem:$0x3F98] =	sst s1;
	(tag) =	ssettag s2;
	_ =	strace s9  }
0x27: {  	s1 =	sld [smem:$0x3FA8]  }
0x28: {  	s2 =	sld [smem:$0x3FA9]  }
0x29: {  	s4 =	sld [smem:$0x3FAB]  }
0x2a: {  	p0 =	seq.s32 s5, $0x0;
	s5 =	sld [smem:$0x3FAC]  }
0x2b: {  	s6 =	sld [smem:$0x3FAD]  }
0x2c: {  	s7 =	sld [smem:$0x3FAE]  }
0x2d: {  	s3 =	simm.s32 $0x108;
	s8 =	sld [smem:$0x3FAF]  }
0x2e: {  	s3 =	simm.s32 @!p0 $0x1082;
	s9 =	sld [smem:$0x3FB0]  }
0x2f: {  	lr =	sadd.s32 s0, s3;
	s0 =	sld [smem:$0x3FA7]  }
0x30: {  	s3 =	sld [smem:$0x3FAA]  }
0x31: {  	[smem:$0x3FB3] =	sst s10  }
0x32: {  	s10 =	sld [smem:$0x3FB1];
	_ =	sdelay $0x3  }
0x33: {  	p0 =	seq.s32 s10, $0x1;
	s10 =	sld [smem:$0x3FB3];
	_ =	sdelay $0x3  }
0x34: {  	[smem:$0x3FB3] =	sst s10  }
0x35: {  	s10 =	sld [smem:$0x3FB2];
	_ =	sdelay $0x3  }
0x36: {  	p1 =	seq.s32 s10, $0x1;
	s10 =	sld [smem:$0x3FB3];
	_ =	sdelay $0x3  }
0x37: {  	[smem:$0x3FB3] =	sst s10  }
0x38: {  	s10 =	sld [smem:$0x3FB4]  }
0x39: {  	_ = 	snop;
	(pc) =	sbr.ind lr, $3  }
0x3a: {  	_ = 	snop  }
0x3b: {  	_ = 	snop  }
0x3c: {  	p2 =	seq.s32 s10, $0x1;
	s10 =	sld [smem:$0x3FB3]  }
0x3d: {  	_ =	shalt  }
0x3e: {  	_ =	shalt  }
0x3f: {  	_ =	shalt  }
0x40: {  	_ =	shalt  }
0x41: {  	_ =	shalt  }
0x42: {  	_ =	shalt  }
0x43: {  	_ =	shalt  }
0x44: {  	_ =	shalt  }
0x45: {  	_ =	shalt  }
0x46: {  	_ =	shalt  }
0x47: {  	_ =	shalt  }
0x48: {  	_ =	shalt  }
0x49: {  	_ =	shalt  }
0x4a: {  	_ =	shalt  }
0x4b: {  	_ =	shalt  }
0x4c: {  	_ =	shalt  }
0x4d: {  	_ =	shalt  }
0x4e: {  	_ =	shalt  }
0x4f: {  	_ =	shalt  }
0x50: {  	_ =	shalt  }
0x51: {  	_ =	shalt  }
0x52: {  	_ =	shalt  }
0x53: {  	_ =	shalt  }
0x54: {  	_ =	shalt  }
0x55: {  	_ =	shalt  }
0x56: {  	_ =	shalt  }
0x57: {  	_ =	shalt  }
0x58: {  	_ =	shalt  }
0x59: {  	_ =	shalt  }
0x5a: {  	_ =	shalt  }
0x5b: {  	_ =	shalt  }
0x5c: {  	_ =	shalt  }
0x5d: {  	_ =	shalt  }
0x5e: {  	_ =	shalt  }
0x5f: {  	_ =	shalt  }
0x60: {  	_ =	shalt  }
0x61: {  	_ =	shalt  }
0x62: {  	_ =	shalt  }
0x63: {  	_ =	shalt  }
0x64: {  	_ =	shalt  }
0x65: {  	_ =	shalt  }
0x66: {  	_ =	shalt  }
0x67: {  	_ =	shalt  }
0x68: {  	_ =	shalt  }
0x69: {  	_ =	shalt  }
0x6a: {  	_ =	shalt  }
0x6b: {  	_ =	shalt  }
0x6c: {  	_ =	shalt  }
0x6d: {  	_ =	shalt  }
0x6e: {  	_ =	shalt  }
0x6f: {  	_ =	shalt  }
0x70: {  	_ =	shalt  }
0x71: {  	_ =	shalt  }
0x72: {  	_ =	shalt  }
0x73: {  	_ =	shalt  }
0x74: {  	_ =	shalt  }
0x75: {  	_ =	shalt  }
0x76: {  	_ =	shalt  }
0x77: {  	_ =	shalt  }
0x78: {  	_ =	shalt  }
0x79: {  	_ =	shalt  }
0x7a: {  	_ =	shalt  }
0x7b: {  	_ =	shalt  }
0x7c: {  	_ =	shalt  }
0x7d: {  	_ =	shalt  }
0x7e: {  	_ =	shalt  }
0x7f: {  	_ =	shalt  }
0x80: {  	_ =	shalt  }
0x81: {  	_ =	shalt  }
0x82: {  	_ =	shalt  }
0x83: {  	_ =	shalt  }
0x84: {  	_ =	shalt  }
0x85: {  	_ =	shalt  }
0x86: {  	_ =	shalt  }
0x87: {  	_ =	shalt  }
.Lfunc_end0:
.L_simem_size_0:
called_computation.2_lowered:
.L_overlay_start_0:
0x88: {  	s2 =	sld [smem:$0x3FD9]  }
0x89: {  	s3 =	sld [smem:$0x3FFE];
	_ =	sdelay $0x1  }
0x8a: {  	s1 =	srdreg.scid  }
0x8b: {  	s0 =	sand.u32 $0x1, s1  }
0x8c: {  	s16 =	sshll.u32 s0, $0xA;
	s2 =	sadd.s32 s3, s2  }
0x8d: {  	s2 =	sadd.s32 s2, s16  }
0x8e: {  	[smem:$0x3FBF] =	sst s2  }
0x8f: {  	_ = 	snop  }
0x90: {  	(tm) =	ssettm $0x1  }
0x91: {  	s17 =	sld [smem:$0x3FFB];
	_ =	sdelay $0x3  }
0x92: {  	_ =	strace s17  }
0x93: {  	s2 =	sld [smem:$0x3FFC];
	_ =	sdelay $0x3  }
0x94: {  	_ =	strace s2  }
0x95: {  	s2 =	sld [smem:$0x3FFD];
	_ =	sdelay $0x3  }
0x96: {  	_ =	strace s2  }
0x97: {  	_ =	strace $0x8FFFFFFF  }
0x98: {  	s18 =	sld [smem:$0x3FDB];
	_ =	sdelay $0x1  }
0x99: {  	s19 =	simm.s32 $_scs_section_size  }
0x9a: {  	s4 =	simm.s32 $_size__tile_overlayer_lowered;
	s5 =	simm.s32 $_tile_overlayer_lowered  }
0x9b: {  	s22 =	simm.s32 $0x1BFF;
	s21 =	sshll.u32 s5, $0x1;
	s2 =	sadd.s32 s19, s18  }
0x9c: {  	s6 =	simm.s32 $0x0;
	s20 =	sshll.u32 s4, $0x1;
	s4 =	sadd.s32 s21, s2  }
0x9d: {  	[timem:s6], [sflag:s22] =	dma.local [hbm:s4], s20  }
0x9e: {  	_ =	swait.ge [sflag:s22], s20  }
0x9f: {  	s3 =	ssub.s32 $0x0, s20;
	[sflag:s22] =	ssyncset.done $0x0  }
0xa0: {  	[sflag:s22] =	ssyncadd.s32 s3;
	_ =	sdelay $0x1  }
0xa1: {  	s23 =	simm.s32 $0x1B8B  }
0xa2: {  	_ =	swait.ge [sflag:s23], $0x1  }
0xa3: {  	[sflag:s23] =	ssyncset.done $0x0  }
0xa4: {  	s25 =	simm.s32 $0x1B8E;
	s24 =	sld [smem:$0x3FFE];
	[sflag:s23] =	ssyncadd.s32 $0xFFFFFFFF  }
0xa5: {  	s26 =	simm.s32 $execute0_lowered;
	[smem:$0x3FD2] =	sst s25  }
0xa6: {  	s4 =	sshll.u32 s26, $0x1;
	_ =	strace $0x8000004C;
	[dreg:$0x1] =	wrdreg $0xFFFFFFFF  }
0xa7: {  	s28 =	simm.s32 $_size_execute0_lowered;
	s2 =	sadd.s32 s2, s4;
	[dreg:$0x0] =	wrdreg $0x0  }
0xa8: {  	s4 =	sshll.u32 s28, $0x1;
	[dreg:$0x2] =	wrdreg s2  }
0xa9: {  	[dreg:$0x3] =	wrdreg s4  }
0xaa: {  	[dreg:$0x4] =	wrdreg $0xC0  }
0xab: {  	_ =	task [dreg:s6], $0x5FFFF  }
0xac: {  	[dreg:$0x1] =	wrdreg $0xFFFFFFFF  }
0xad: {  	[dreg:$0x0] =	wrdreg $0x60  }
0xae: {  	[dreg:$0x2] =	wrdreg s24  }
0xaf: {  	[dreg:$0x3] =	wrdreg $0x2F000  }
0xb0: {  	[dreg:$0x4] =	wrdreg $0x9  }
0xb1: {  	_ =	task.clear_ibuf [dreg:s6], $0x5FFFF;
	_ =	strace $0x9000004C  }
0xb2: {  	s29 =	simm.s32 $0x9;
	_ =	strace $0x8000004E  }
0xb3: {  	_ =	swait.ge [sflag:s29], $0x1  }
0xb4: {  	[sflag:s29] =	ssyncadd.s32 $0xFFFFFFFF  }
0xb5: {  	_ =	strace $0x9000004E  }
0xb6: {  	_ =	sfence  }
0xb7: {  	s30 =	sld [smem:$0x0];
	_ =	sdelay $0x2  }
0xb8: {  	s31 =	sshll.u32 s1, $0xD;
	s1 =	sshrl.u32 s1, $0x2  }
0xb9: {  	s3 =	sand.u32 $0x4000, s31;
	s1 =	sadd.s32 s1, s30  }
0xba: {  	s0 =	sor.u32 s3, s0;
	s1 =	sshll.u32 s1, $0x11  }
0xbb: {  	s0 =	sor.u32 s1, s0  }
0xbc: {  	s0 =	sadd.s32 $0x8F2B, s0  }
0xbd: {  	[sflag:s0] =	ssyncadd.remote.s32 $0x1  }
0xbe: {  	_ =	sfence.sel $0xFFFF  }
0xbf: {  	[dreg:$0x0] =	wrdreg $0xFFFFFFFF;
	(pc) =	sbr.abs _section_cstart, $3  }
0xc0: {  	[dreg:$0x1] =	wrdreg $0xFFFFFFFF  }
0xc1: {  	_ =	task.clear_ibuf [dreg:s6], $0x2FFFF;
	_ =	strace $0x9FFFFFFF  }
0xc2: {  	(tm) =	ssettm $0x7FFFFFFF  }
0xc3: {  	_ =	shalt  }
tec
execute0_lowered:
.L_overlay_start_1:
0x0: {  	(tag) =	ssettag $0x1  }
0x1: {  	s0 =	rddreg [dreg:$0x0]  }
0x2: {  	s1 =	rddreg [dreg:$0x1]  }
0x3: {  	s2 =	srdreg.scid;
	s3 =	simm.s32 $0x0;
	s11 =	stileid.u32  }
0x4: {  	s18 =	simm.s32 $0x3;
	s19 =	simm.s32 $0x400;
	s20 =	simm.s32 $0x80  }
0x5: {  	s21 =	simm.s32 $0x800;
	s22 =	simm.s32 $0x1800;
	s8 =	smul.u32 $0x6400, s11  }
0x6: {  	s28 =	simm.s32 $0x100;
	s2 =	sand.u32 $0x1, s2;
	s10 =	smul.u32 $0x18700, s11  }
0x7: {  	[smem:$0x7FF] =	sst s3;
	s4 =	sadd.s32 $0x58EC00, s0;
	s11 =	smul.u32 $0x62000, s11  }
0x8: {  	s5 =	sadd.s32 $0x55DE00, s0;
	s6 =	sadd.s32 $0x52D000, s0;
	s7 =	smul.u32 $0x64000, s2  }
0x9: {  	_ =	strace $0x8000004D;
	s9 =	smul.u32 $0x187000, s2;
	s2 =	ssub.s32 $0x2, s2  }
0xa: {  	s23 =	sshrl.u32 s2, $0x1;
	s25 =	sadd.s32 s10, s1;
	s8 =	sadd.s32 s8, s7  }
0xb: {  	s7 =	sadd.s32 $0x4FC200, s0;
	s9 =	sadd.s32 s10, s9;
	s2 =	ssub.s32 s2, s23  }
0xc: {  	[dreg:$0x4] =	wrdreg s25;
	s8 =	sshrl.u32 s8, $0x3;
	s9 =	sshrl.u32 s9, $0x3  }
0xd: {  	s31 =	smax.u32 s2, $0x1;
	s8 =	sadd.s32 s8, s0;
	s0 =	sadd.s32 s9, s0  }
0xe: {  	s30 =	sshrl.u32 s11, $0x2;
	[dreg:$0x8] =	wrdreg s31;
	s24 =	sadd.s32 $0x18C800, s0  }
0xf: {  	s14 =	sadd.s32 s30, s1;
	s26 =	sadd.s32 $0x12AC00, s0;
	[dreg:$0x3] =	wrdreg s24  }
0x10: {  	s25 =	simm.s32 $0x2800;
	s29 =	sadd.s32 $0x621600, s0;
	[dreg:$0x5] =	wrdreg s26  }
0x11: {  	s23 =	simm.s32 $0x1;
	s0 =	sadd.s32 $0x5BFA00, s0;
	[dreg:$0x6] =	wrdreg s29  }
0x12: {  	s15 =	sadd.s32 $0x4800, s8;
	s16 =	sadd.s32 $0x111C00, s8;
	[dreg:$0x7] =	wrdreg s0  }
0x13: {  	v0 =	vimm.f32 $0.0e+00;
	s24 =	simm.s32 $0x2;
	s26 =	simm.s32 $0x480;
	s0 =	simm.s32 $0x0  }
.LBB2_1:
0x14: {  	s13 =	simm.s32 $0x2820  }
0x15: {  	[tilespmem:s13+$0xFFFFFFE0] =	vst v0  }
0x16: {  	[tilespmem:s13+$0x10] =	vst v0  }
0x17: {  	s17 =	simm.s32 $0x0;
	[tilespmem:s13+$0x0] =	vst v0  }
.LBB2_2:
0x18: {  	s17 =	sadd.s32 $0x2, s17  }
0x19: {  	[tilespmem:s13+$0xFFFFFFF0] =	vst v0;
	s13 =	sadd.s32 $0x40, s13;
	p0 =	slt.u32 s17, $0x36  }
.Ltmp0:
0x1a: {  	[tilespmem:s13+$0xFFFFFFE0] =	vst v0;
	(pc) =	sbr.rel @p0 .LBB2_2-.Ltmp0, $3  }
0x1b: {  	_ =	sdelay $0x1  }
0x1c: {  	[tilespmem:s13+$0x10] =	vst v0  }
0x1d: {  	[tilespmem:s13+$0x0] =	vst v0  }
0x1e: {  	[dreg:$0x9] =	wrdreg s0;
	[tilespmem:s13+$0xFFFFFFF0] =	vst v0;
	s31 =	sadd.s32 $0x0, s14  }
0x1f: {  	[spmem:s31] =	stream.linear.scatter [tilespmem:s25], [sflag:$0x3], $0x700, $0x38;
	[tilespmem:$0x1B700] =	vst v63  }
0x20: {  	s13 =	simm.s32 $0x1C00;
	_ =	swait.ge [sflag:s18], $0x700  }
.LBB2_4:
0x21: {  	s17 =	sshra.s32 s13, $0x2;
	[sflag:s18] =	ssyncset.done $0x0;
	p0 =	sne.s32 s13, $0x60400  }
.Ltmp1:
0x22: {  	s17 =	sadd.s32 s17, s14;
	[sflag:s18] =	ssyncadd.s32 $0xFFFFF900;
	(pc) =	sbr.rel @p0 .LBB2_4-.Ltmp1, $3  }
0x23: {  	[spmem:s17] =	stream.linear.scatter [tilespmem:s25], [sflag:$0x3], $0x700, $0x38;
	[tilespmem:$0x1B700] =	vst v63  }
0x24: {  	s13 =	sadd.s32 $0x1C00, s13;
	_ =	sdelay $0x1  }
0x25: {  	_ =	swait.ge [sflag:s18], $0x700  }
0x26: {  	[sflag:s18] =	ssyncset.done $0x0  }
0x27: {  	[sflag:s18] =	ssyncadd.s32 $0xFFFFF900  }
0x28: {  	s13 =	sadd.s32 $0x0, s16;
	[bflag:$0x0] =	sbarrier.arrive $0xFFFF  }
0x29: {  	[tilespmem:s3], [sflag:$0x3] =	stream.linear.gather [hbm4b:s13+s3], $0x400, $0x38;
	[tilespmem:$0x1B700] =	vst v63  }
0x2a: {  	_ =	swait.ge [sflag:s18], $0x400  }
0x2b: {  	[sflag:s18] =	ssyncset.done $0x0  }
0x2c: {  	s25 =	sadd.s32 $0x0, s15;
	[sflag:s18] =	ssyncadd.s32 $0xFFFFFC00  }
0x2d: {  	[tilespmem:s19], [sflag:$0x3] =	stream.linear.gather [hbm4b:s25+s3], $0x400, $0x38;
	[tilespmem:$0x1B700] =	vst v63  }
0x2e: {  	_ =	swait.ge [sflag:s18], $0x400  }
0x2f: {  	[sflag:s18] =	ssyncset.done $0x0  }
0x30: {  	[sflag:s18] =	ssyncadd.s32 $0xFFFFFC00  }
0x31: {  	[tilespmem:s21], [sflag:$0x1] =	stream.indirect.gather [hbm4b:s4+s20], $0x20, s3, s20, $0xb8;
	[tilespmem:$0x1B700] =	vst v63  }
0x32: {  	_ = 	snop  }
0x33: {  	[tilespmem:s22], [sflag:$0x2] =	stream.indirect.gather [hbm4b:s4+s20], $0x20, s20, s20, $0xb8;
	[tilespmem:$0x1B700] =	vst v63  }
0x34: {  	_ =	swait.ge [sflag:s23], $0x1000  }
0x35: {  	[sflag:s23] =	ssyncset.done $0x0  }
0x36: {  	[sflag:s23] =	ssyncadd.s32 $0xFFFFF000  }
0x37: {  	[spmem:s1] =	stream.indirect.scatter.add.f32 [tilespmem:s21], [sflag:$0x3], $0x20, s19, s20, $0xb8;
	[tilespmem:$0x1B700] =	vst v63  }
0x38: {  	_ =	swait.ge [sflag:s18], $0x1000  }
0x39: {  	[sflag:s18] =	ssyncset.done $0x0  }
0x3a: {  	[sflag:s18] =	ssyncadd.s32 $0xFFFFF000  }
0x3b: {  	_ =	swait.ge [sflag:s24], $0x1000  }
0x3c: {  	[sflag:s24] =	ssyncset.done $0x0  }
0x3d: {  	[sflag:s24] =	ssyncadd.s32 $0xFFFFF000  }
0x3e: {  	[spmem:s1] =	stream.indirect.scatter.add.f32 [tilespmem:s22], [sflag:$0x3], $0x20, s26, s20, $0xb8;
	[tilespmem:$0x1B700] =	vst v63  }
0x3f: {  	_ =	swait.ge [sflag:s18], $0x1000  }
0x40: {  	[sflag:s18] =	ssyncset.done $0x0  }
0x41: {  	[sflag:s18] =	ssyncadd.s32 $0xFFFFF000  }
0x42: {  	[tilespmem:s21], [sflag:$0x1] =	stream.indirect.gather [hbm4b:s4+s20], $0x20, s28, s20, $0xb8;
	[tilespmem:$0x1B700] =	vst v63  }
0x43: {  	s29 =	simm.s32 $0x180  }
0x44: {  	[tilespmem:s22], [sflag:$0x2] =	stream.indirect.gather [hbm4b:s4+s20], $0x20, s29, s20, $0xb8;
	[tilespmem:$0x1B700] =	vst v63  }
0x45: {  	_ =	swait.ge [sflag:s23], $0x1000  }
0x46: {  	[sflag:s23] =	ssyncset.done $0x0  }
0x47: {  	s30 =	simm.s32 $0x500;
	[sflag:s23] =	ssyncadd.s32 $0xFFFFF000  }
0x48: {  	[spmem:s1] =	stream.indirect.scatter.add.f32 [tilespmem:s21], [sflag:$0x3], $0x20, s30, s20, $0xb8;
	[tilespmem:$0x1B700] =	vst v63  }
0x49: {  	_ =	swait.ge [sflag:s18], $0x1000  }
0x4a: {  	[sflag:s18] =	ssyncset.done $0x0  }
0x4b: {  	[sflag:s18] =	ssyncadd.s32 $0xFFFFF000  }
0x4c: {  	_ =	swait.ge [sflag:s24], $0x1000  }
0x4d: {  	[sflag:s24] =	ssyncset.done $0x0  }
0x4e: {  	s31 =	simm.s32 $0x580;
	[sflag:s24] =	ssyncadd.s32 $0xFFFFF000  }
0x4f: {  	[spmem:s1] =	stream.indirect.scatter.add.f32 [tilespmem:s22], [sflag:$0x3], $0x20, s31, s20, $0xb8;
	[tilespmem:$0x1B700] =	vst v63  }
0x50: {  	_ =	swait.ge [sflag:s18], $0x1000  }
0x51: {  	[sflag:s18] =	ssyncset.done $0x0  }
0x52: {  	s0 =	simm.s32 $0x200;
	[sflag:s18] =	ssyncadd.s32 $0xFFFFF000  }
0x53: {  	[tilespmem:s21], [sflag:$0x1] =	stream.indirect.gather [hbm4b:s4+s20], $0x20, s0, s20, $0xb8;
	[tilespmem:$0x1B700] =	vst v63  }
0x54: {  	s2 =	simm.s32 $0x280  }
0x55: {  	[tilespmem:s22], [sflag:$0x2] =	stream.indirect.gather [hbm4b:s4+s20], $0x20, s2, s20, $0xb8;
	[tilespmem:$0x1B700] =	vst v63  }
0x56: {  	_ =	swait.ge [sflag:s23], $0x1000  }
0x57: {  	[sflag:s23] =	ssyncset.done $0x0  }
0x58: {  	s8 =	simm.s32 $0x600;
	[sflag:s23] =	ssyncadd.s32 $0xFFFFF000  }
0x59: {  	[spmem:s1] =	stream.indirect.scatter.add.f32 [tilespmem:s21], [sflag:$0x3], $0x20, s8, s20, $0xb8;
	[tilespmem:$0x1B700] =	vst v63  }
0x5a: {  	_ =	swait.ge [sflag:s18], $0x1000  }
0x5b: {  	[sflag:s18] =	ssyncset.done $0x0  }
0x5c: {  	[sflag:s18] =	ssyncadd.s32 $0xFFFFF000  }
0x5d: {  	_ =	swait.ge [sflag:s24], $0x1000  }
0x5e: {  	[sflag:s24] =	ssyncset.done $0x0  }
0x5f: {  	s9 =	simm.s32 $0x680;
	[sflag:s24] =	ssyncadd.s32 $0xFFFFF000  }
0x60: {  	[spmem:s1] =	stream.indirect.scatter.add.f32 [tilespmem:s22], [sflag:$0x3], $0x20, s9, s20, $0xb8;
	[tilespmem:$0x1B700] =	vst v63  }
0x61: {  	_ =	swait.ge [sflag:s18], $0x1000  }
0x62: {  	[sflag:s18] =	ssyncset.done $0x0  }
0x63: {  	s10 =	simm.s32 $0x300;
	[sflag:s18] =	ssyncadd.s32 $0xFFFFF000  }
0x64: {  	[tilespmem:s21], [sflag:$0x1] =	stream.indirect.gather [hbm4b:s4+s20], $0x20, s10, s20, $0xb8;
	[tilespmem:$0x1B700] =	vst v63  }
0x65: {  	s11 =	simm.s32 $0x380  }
0x66: {  	[tilespmem:s22], [sflag:$0x2] =	stream.indirect.gather [hbm4b:s4+s20], $0x20, s11, s20, $0xb8;
	[tilespmem:$0x1B700] =	vst v63  }
0x67: {  	_ =	swait.ge [sflag:s23], $0x1000  }
0x68: {  	[sflag:s23] =	ssyncset.done $0x0  }
0x69: {  	s12 =	simm.s32 $0x700;
	[sflag:s23] =	ssyncadd.s32 $0xFFFFF000  }
0x6a: {  	[spmem:s1] =	stream.indirect.scatter.add.f32 [tilespmem:s21], [sflag:$0x3], $0x20, s12, s20, $0xb8;
	[tilespmem:$0x1B700] =	vst v63  }
0x6b: {  	_ =	swait.ge [sflag:s18], $0x1000  }
0x6c: {  	[sflag:s18] =	ssyncset.done $0x0  }
0x6d: {  	[sflag:s18] =	ssyncadd.s32 $0xFFFFF000  }
0x6e: {  	_ =	swait.ge [sflag:s24], $0x1000  }
0x6f: {  	[sflag:s24] =	ssyncset.done $0x0  }
0x70: {  	s28 =	simm.s32 $0x780;
	[sflag:s24] =	ssyncadd.s32 $0xFFFFF000  }
0x71: {  	[spmem:s1] =	stream.indirect.scatter.add.f32 [tilespmem:s22], [sflag:$0x3], $0x20, s28, s20, $0xb8;
	[tilespmem:$0x1B700] =	vst v63  }
0x72: {  	_ =	swait.ge [sflag:s18], $0x1000  }
0x73: {  	s17 =	simm.s32 $0x100;
	s13 =	simm.s32 $0x80;
	[sflag:s18] =	ssyncset.done $0x0  }
.LBB2_6:
0x74: {  	s26 =	sadd.s32 s13, s16  }
0x75: {  	[sflag:s18] =	ssyncadd.s32 $0xFFFFF000;
	s28 =	smov.u32 s17;
	s25 =	sadd.s32 $0x80, s17  }
0x76: {  	[tilespmem:s3], [sflag:$0x3] =	stream.linear.gather [hbm4b:s26+s3], $0x400, $0x38;
	[tilespmem:$0x1B700] =	vst v63  }
0x77: {  	s26 =	simm.s32 $0x480  }
0x78: {  	p0 =	sne.s32 s17, $0xC00;
	_ =	swait.ge [sflag:s18], $0x400  }
0x79: {  	s17 =	sadd.s32 s13, s15;
	[sflag:s18] =	ssyncset.done $0x0  }
0x7a: {  	s13 =	smov.u32 s28;
	s28 =	simm.s32 $0x100;
	[sflag:s18] =	ssyncadd.s32 $0xFFFFFC00  }
0x7b: {  	[tilespmem:s19], [sflag:$0x3] =	stream.linear.gather [hbm4b:s17+s3], $0x400, $0x38;
	[tilespmem:$0x1B700] =	vst v63  }
0x7c: {  	_ =	swait.ge [sflag:s18], $0x400  }
0x7d: {  	[sflag:s18] =	ssyncset.done $0x0  }
0x7e: {  	[sflag:s18] =	ssyncadd.s32 $0xFFFFFC00  }
0x7f: {  	[tilespmem:s21], [sflag:$0x1] =	stream.indirect.gather [hbm4b:s4+s20], $0x20, s3, s20, $0xb8;
	[tilespmem:$0x1B700] =	vst v63  }
0x80: {  	_ = 	snop  }
0x81: {  	[tilespmem:s22], [sflag:$0x2] =	stream.indirect.gather [hbm4b:s4+s20], $0x20, s20, s20, $0xb8;
	[tilespmem:$0x1B700] =	vst v63  }
0x82: {  	_ =	swait.ge [sflag:s23], $0x1000  }
0x83: {  	[sflag:s23] =	ssyncset.done $0x0  }
0x84: {  	[sflag:s23] =	ssyncadd.s32 $0xFFFFF000  }
0x85: {  	[spmem:s1] =	stream.indirect.scatter.add.f32 [tilespmem:s21], [sflag:$0x3], $0x20, s19, s20, $0xb8;
	[tilespmem:$0x1B700] =	vst v63  }
0x86: {  	_ =	swait.ge [sflag:s18], $0x1000  }
0x87: {  	[sflag:s18] =	ssyncset.done $0x0  }
0x88: {  	[sflag:s18] =	ssyncadd.s32 $0xFFFFF000  }
0x89: {  	_ =	swait.ge [sflag:s24], $0x1000  }
0x8a: {  	[sflag:s24] =	ssyncset.done $0x0  }
0x8b: {  	[sflag:s24] =	ssyncadd.s32 $0xFFFFF000  }
0x8c: {  	[spmem:s1] =	stream.indirect.scatter.add.f32 [tilespmem:s22], [sflag:$0x3], $0x20, s26, s20, $0xb8;
	[tilespmem:$0x1B700] =	vst v63  }
0x8d: {  	_ =	swait.ge [sflag:s18], $0x1000  }
0x8e: {  	[sflag:s18] =	ssyncset.done $0x0  }
0x8f: {  	[sflag:s18] =	ssyncadd.s32 $0xFFFFF000  }
0x90: {  	[tilespmem:s21], [sflag:$0x1] =	stream.indirect.gather [hbm4b:s4+s20], $0x20, s28, s20, $0xb8;
	[tilespmem:$0x1B700] =	vst v63  }
0x91: {  	_ = 	snop  }
0x92: {  	[tilespmem:s22], [sflag:$0x2] =	stream.indirect.gather [hbm4b:s4+s20], $0x20, s29, s20, $0xb8;
	[tilespmem:$0x1B700] =	vst v63  }
0x93: {  	_ =	swait.ge [sflag:s23], $0x1000  }
0x94: {  	[sflag:s23] =	ssyncset.done $0x0  }
0x95: {  	[sflag:s23] =	ssyncadd.s32 $0xFFFFF000  }
0x96: {  	[spmem:s1] =	stream.indirect.scatter.add.f32 [tilespmem:s21], [sflag:$0x3], $0x20, s30, s20, $0xb8;
	[tilespmem:$0x1B700] =	vst v63  }
0x97: {  	_ =	swait.ge [sflag:s18], $0x1000  }
0x98: {  	[sflag:s18] =	ssyncset.done $0x0  }
0x99: {  	[sflag:s18] =	ssyncadd.s32 $0xFFFFF000  }
0x9a: {  	_ =	swait.ge [sflag:s24], $0x1000  }
0x9b: {  	[sflag:s24] =	ssyncset.done $0x0  }
0x9c: {  	[sflag:s24] =	ssyncadd.s32 $0xFFFFF000  }
0x9d: {  	[spmem:s1] =	stream.indirect.scatter.add.f32 [tilespmem:s22], [sflag:$0x3], $0x20, s31, s20, $0xb8;
	[tilespmem:$0x1B700] =	vst v63  }
0x9e: {  	_ =	swait.ge [sflag:s18], $0x1000  }
0x9f: {  	[sflag:s18] =	ssyncset.done $0x0  }
0xa0: {  	[sflag:s18] =	ssyncadd.s32 $0xFFFFF000  }
0xa1: {  	[tilespmem:s21], [sflag:$0x1] =	stream.indirect.gather [hbm4b:s4+s20], $0x20, s0, s20, $0xb8;
	[tilespmem:$0x1B700] =	vst v63  }
0xa2: {  	_ = 	snop  }
0xa3: {  	[tilespmem:s22], [sflag:$0x2] =	stream.indirect.gather [hbm4b:s4+s20], $0x20, s2, s20, $0xb8;
	[tilespmem:$0x1B700] =	vst v63  }
0xa4: {  	_ =	swait.ge [sflag:s23], $0x1000  }
0xa5: {  	[sflag:s23] =	ssyncset.done $0x0  }
0xa6: {  	[sflag:s23] =	ssyncadd.s32 $0xFFFFF000  }
0xa7: {  	[spmem:s1] =	stream.indirect.scatter.add.f32 [tilespmem:s21], [sflag:$0x3], $0x20, s8, s20, $0xb8;
	[tilespmem:$0x1B700] =	vst v63  }
0xa8: {  	_ =	swait.ge [sflag:s18], $0x1000  }
0xa9: {  	[sflag:s18] =	ssyncset.done $0x0  }
0xaa: {  	[sflag:s18] =	ssyncadd.s32 $0xFFFFF000  }
0xab: {  	_ =	swait.ge [sflag:s24], $0x1000  }
0xac: {  	[sflag:s24] =	ssyncset.done $0x0  }
0xad: {  	[sflag:s24] =	ssyncadd.s32 $0xFFFFF000  }
0xae: {  	[spmem:s1] =	stream.indirect.scatter.add.f32 [tilespmem:s22], [sflag:$0x3], $0x20, s9, s20, $0xb8;
	[tilespmem:$0x1B700] =	vst v63  }
0xaf: {  	_ =	swait.ge [sflag:s18], $0x1000  }
0xb0: {  	[sflag:s18] =	ssyncset.done $0x0  }
0xb1: {  	[sflag:s18] =	ssyncadd.s32 $0xFFFFF000  }
0xb2: {  	[tilespmem:s21], [sflag:$0x1] =	stream.indirect.gather [hbm4b:s4+s20], $0x20, s10, s20, $0xb8;
	[tilespmem:$0x1B700] =	vst v63  }
0xb3: {  	_ = 	snop  }
0xb4: {  	[tilespmem:s22], [sflag:$0x2] =	stream.indirect.gather [hbm4b:s4+s20], $0x20, s11, s20, $0xb8;
	[tilespmem:$0x1B700] =	vst v63  }
0xb5: {  	_ =	swait.ge [sflag:s23], $0x1000  }
0xb6: {  	[sflag:s23] =	ssyncset.done $0x0  }
0xb7: {  	[sflag:s23] =	ssyncadd.s32 $0xFFFFF000  }
0xb8: {  	[spmem:s1] =	stream.indirect.scatter.add.f32 [tilespmem:s21], [sflag:$0x3], $0x20, s12, s20, $0xb8;
	[tilespmem:$0x1B700] =	vst v63  }
0xb9: {  	_ =	swait.ge [sflag:s18], $0x1000  }
0xba: {  	[sflag:s18] =	ssyncset.done $0x0  }
0xbb: {  	[sflag:s18] =	ssyncadd.s32 $0xFFFFF000  }
0xbc: {  	_ =	swait.ge [sflag:s24], $0x1000  }
.Ltmp2:
0xbd: {  	[sflag:s24] =	ssyncset.done $0x0;
	(pc) =	sbr.rel @p0 .LBB2_6-.Ltmp2, $4  }
0xbe: {  	s17 =	simm.s32 $0x780;
	[sflag:s24] =	ssyncadd.s32 $0xFFFFF000  }
0xbf: {  	[spmem:s1] =	stream.indirect.scatter.add.f32 [tilespmem:s22], [sflag:$0x3], $0x20, s17, s20, $0xb8;
	[tilespmem:$0x1B700] =	vst v63  }
0xc0: {  	_ =	swait.ge [sflag:s18], $0x1000  }
0xc1: {  	s17 =	smov.u32 s25;
	[sflag:s18] =	ssyncset.done $0x0  }
0xc2: {  	s17 =	sadd.s32 s13, s16;
	[sflag:s18] =	ssyncadd.s32 $0xFFFFF000  }
0xc3: {  	[tilespmem:s3], [sflag:$0x3] =	stream.linear.gather [hbm4b:s17+s3], $0x400, $0x38;
	[tilespmem:$0x1B700] =	vst v63  }
0xc4: {  	_ =	swait.ge [sflag:s18], $0x400  }
0xc5: {  	[sflag:s18] =	ssyncset.done $0x0  }
0xc6: {  	s25 =	sadd.s32 s13, s15;
	[sflag:s18] =	ssyncadd.s32 $0xFFFFFC00  }
0xc7: {  	[tilespmem:s19], [sflag:$0x3] =	stream.linear.gather [hbm4b:s25+s3], $0x400, $0x38;
	[tilespmem:$0x1B700] =	vst v63  }
0xc8: {  	_ =	swait.ge [sflag:s18], $0x400  }
0xc9: {  	[sflag:s18] =	ssyncset.done $0x0  }
0xca: {  	[sflag:s18] =	ssyncadd.s32 $0xFFFFFC00  }
0xcb: {  	[tilespmem:s21], [sflag:$0x1] =	stream.indirect.gather [hbm4b:s4+s20], $0x20, s3, s20, $0xb8;
	[tilespmem:$0x1B700] =	vst v63  }
0xcc: {  	_ = 	snop  }
0xcd: {  	[tilespmem:s22], [sflag:$0x2] =	stream.indirect.gather [hbm4b:s4+s20], $0x20, s20, s20, $0xb8;
	[tilespmem:$0x1B700] =	vst v63  }
0xce: {  	_ =	swait.ge [sflag:s23], $0x1000  }
0xcf: {  	[sflag:s23] =	ssyncset.done $0x0  }
0xd0: {  	[sflag:s23] =	ssyncadd.s32 $0xFFFFF000  }
0xd1: {  	[spmem:s1] =	stream.indirect.scatter.add.f32 [tilespmem:s21], [sflag:$0x3], $0x20, s19, s20, $0xb8;
	[tilespmem:$0x1B700] =	vst v63  }
0xd2: {  	_ =	swait.ge [sflag:s18], $0x1000  }
0xd3: {  	[sflag:s18] =	ssyncset.done $0x0  }
0xd4: {  	[sflag:s18] =	ssyncadd.s32 $0xFFFFF000  }
0xd5: {  	_ =	swait.ge [sflag:s24], $0x1000  }
0xd6: {  	[sflag:s24] =	ssyncset.done $0x0  }
0xd7: {  	[sflag:s24] =	ssyncadd.s32 $0xFFFFF000  }
0xd8: {  	[spmem:s1] =	stream.indirect.scatter.add.f32 [tilespmem:s22], [sflag:$0x3], $0x20, s26, s20, $0xb8;
	[tilespmem:$0x1B700] =	vst v63  }
0xd9: {  	_ =	swait.ge [sflag:s18], $0x1000  }
0xda: {  	[sflag:s18] =	ssyncset.done $0x0  }
0xdb: {  	[sflag:s18] =	ssyncadd.s32 $0xFFFFF000  }
0xdc: {  	[tilespmem:s21], [sflag:$0x1] =	stream.indirect.gather [hbm4b:s4+s20], $0x20, s28, s20, $0xb8;
	[tilespmem:$0x1B700] =	vst v63  }
0xdd: {  	_ = 	snop  }
0xde: {  	[tilespmem:s22], [sflag:$0x2] =	stream.indirect.gather [hbm4b:s4+s20], $0x20, s29, s20, $0xb8;
	[tilespmem:$0x1B700] =	vst v63  }
0xdf: {  	_ =	swait.ge [sflag:s23], $0x1000  }
0xe0: {  	[sflag:s23] =	ssyncset.done $0x0  }
0xe1: {  	[sflag:s23] =	ssyncadd.s32 $0xFFFFF000  }
0xe2: {  	[spmem:s1] =	stream.indirect.scatter.add.f32 [tilespmem:s21], [sflag:$0x3], $0x20, s30, s20, $0xb8;
	[tilespmem:$0x1B700] =	vst v63  }
0xe3: {  	_ =	swait.ge [sflag:s18], $0x1000  }
0xe4: {  	[sflag:s18] =	ssyncset.done $0x0  }
0xe5: {  	[sflag:s18] =	ssyncadd.s32 $0xFFFFF000  }
0xe6: {  	_ =	swait.ge [sflag:s24], $0x1000  }
0xe7: {  	[sflag:s24] =	ssyncset.done $0x0  }
0xe8: {  	[sflag:s24] =	ssyncadd.s32 $0xFFFFF000  }
0xe9: {  	[spmem:s1] =	stream.indirect.scatter.add.f32 [tilespmem:s22], [sflag:$0x3], $0x20, s31, s20, $0xb8;
	[tilespmem:$0x1B700] =	vst v63  }
0xea: {  	_ =	swait.ge [sflag:s18], $0x1000  }
0xeb: {  	[sflag:s18] =	ssyncset.done $0x0  }
0xec: {  	[sflag:s18] =	ssyncadd.s32 $0xFFFFF000  }
0xed: {  	[tilespmem:s21], [sflag:$0x1] =	stream.indirect.gather [hbm4b:s4+s20], $0x20, s0, s20, $0xb8;
	[tilespmem:$0x1B700] =	vst v63  }
0xee: {  	_ = 	snop  }
0xef: {  	[tilespmem:s22], [sflag:$0x2] =	stream.indirect.gather [hbm4b:s4+s20], $0x20, s2, s20, $0xb8;
	[tilespmem:$0x1B700] =	vst v63  }
0xf0: {  	_ =	swait.ge [sflag:s23], $0x1000  }
0xf1: {  	[sflag:s23] =	ssyncset.done $0x0  }
0xf2: {  	[sflag:s23] =	ssyncadd.s32 $0xFFFFF000  }
0xf3: {  	[spmem:s1] =	stream.indirect.scatter.add.f32 [tilespmem:s21], [sflag:$0x3], $0x20, s8, s20, $0xb8;
	[tilespmem:$0x1B700] =	vst v63  }
0xf4: {  	_ =	swait.ge [sflag:s18], $0x1000  }
0xf5: {  	[sflag:s18] =	ssyncset.done $0x0  }
0xf6: {  	[sflag:s18] =	ssyncadd.s32 $0xFFFFF000  }
0xf7: {  	_ =	swait.ge [sflag:s24], $0x1000  }
0xf8: {  	[sflag:s24] =	ssyncset.done $0x0  }
0xf9: {  	[sflag:s24] =	ssyncadd.s32 $0xFFFFF000  }
0xfa: {  	[spmem:s1] =	stream.indirect.scatter.add.f32 [tilespmem:s22], [sflag:$0x3], $0x20, s9, s20, $0xb8;
	[tilespmem:$0x1B700] =	vst v63  }
0xfb: {  	_ =	swait.ge [sflag:s18], $0x1000  }
0xfc: {  	[sflag:s18] =	ssyncset.done $0x0  }
0xfd: {  	[sflag:s18] =	ssyncadd.s32 $0xFFFFF000  }
0xfe: {  	[tilespmem:s21], [sflag:$0x1] =	stream.indirect.gather [hbm4b:s4+s20], $0x20, s10, s20, $0xb8;
	[tilespmem:$0x1B700] =	vst v63  }
0xff: {  	_ = 	snop  }
0x100: {  	[tilespmem:s22], [sflag:$0x2] =	stream.indirect.gather [hbm4b:s4+s20], $0x20, s11, s20, $0xb8;
	[tilespmem:$0x1B700] =	vst v63  }
0x101: {  	_ =	swait.ge [sflag:s23], $0x1000  }
0x102: {  	[sflag:s23] =	ssyncset.done $0x0  }
0x103: {  	[sflag:s23] =	ssyncadd.s32 $0xFFFFF000  }
0x104: {  	[spmem:s1] =	stream.indirect.scatter.add.f32 [tilespmem:s21], [sflag:$0x3], $0x20, s12, s20, $0xb8;
	[tilespmem:$0x1B700] =	vst v63  }
0x105: {  	_ =	swait.ge [sflag:s18], $0x1000  }
0x106: {  	[sflag:s18] =	ssyncset.done $0x0  }
0x107: {  	[sflag:s18] =	ssyncadd.s32 $0xFFFFF000  }
0x108: {  	_ =	swait.ge [sflag:s24], $0x1000  }
0x109: {  	[sflag:s24] =	ssyncset.done $0x0  }
0x10a: {  	s11 =	simm.s32 $0x780;
	[sflag:s24] =	ssyncadd.s32 $0xFFFFF000  }
0x10b: {  	[spmem:s1] =	stream.indirect.scatter.add.f32 [tilespmem:s22], [sflag:$0x3], $0x20, s11, s20, $0xb8;
	[tilespmem:$0x1B700] =	vst v63  }
0x10c: {  	_ =	swait.ge [sflag:s18], $0x1000  }
0x10d: {  	[sflag:s18] =	ssyncset.done $0x0  }
0x10e: {  	[sflag:s18] =	ssyncadd.s32 $0xFFFFF000  }
0x10f: {  	s12 =	stileid.u32;
	[bflag:$0x0] =	sbarrier.arrive $0xFFFF  }
0x110: {  	s13 =	sshll.u32 s12, $0x6;
	s25 =	rddreg [dreg:$0x4]  }
0x111: {  	s17 =	sor.u32 $0x1C03, s13;
	s30 =	rddreg [dreg:$0x3]  }
0x112: {  	[dreg:$0xa] =	wrdreg s17;
	s29 =	sshrl.u32 s25, $0x3  }
0x113: {  	[dreg:$0xb] =	wrdreg s29  }
0x114: {  	[hbm:s30], [sflag:s17] =	dma.local [spmem:s29], $0x30E0  }
0x115: {  	_ =	swait.ge [sflag:s18], $0x30E0  }
0x116: {  	[sflag:s18] =	ssyncset.done $0x0  }
0x117: {  	[sflag:s18] =	ssyncadd.s32 $0xFFFFCF20  }
0x118: {  	s31 =	sadd.s32 $0x0, s14;
	s25 =	simm.s32 $0x2800;
	[bflag:$0x0] =	sbarrier.arrive $0xFFFF  }
0x119: {  	[spmem:s31] =	stream.linear.scatter [tilespmem:s25], [sflag:$0x3], $0x700, $0x38;
	[tilespmem:$0x1B700] =	vst v63  }
0x11a: {  	s13 =	simm.s32 $0x1C00;
	_ =	swait.ge [sflag:s18], $0x700  }
.LBB2_8:
0x11b: {  	s17 =	sshra.s32 s13, $0x2;
	[sflag:s18] =	ssyncset.done $0x0;
	p0 =	sne.s32 s13, $0x60400  }
.Ltmp3:
0x11c: {  	s17 =	sadd.s32 s17, s14;
	[sflag:s18] =	ssyncadd.s32 $0xFFFFF900;
	(pc) =	sbr.rel @p0 .LBB2_8-.Ltmp3, $3  }
0x11d: {  	[spmem:s17] =	stream.linear.scatter [tilespmem:s25], [sflag:$0x3], $0x700, $0x38;
	[tilespmem:$0x1B700] =	vst v63  }
0x11e: {  	s13 =	sadd.s32 $0x1C00, s13;
	_ =	sdelay $0x1  }
0x11f: {  	_ =	swait.ge [sflag:s18], $0x700  }
0x120: {  	[sflag:s18] =	ssyncset.done $0x0  }
0x121: {  	[sflag:s18] =	ssyncadd.s32 $0xFFFFF900  }
0x122: {  	s13 =	sadd.s32 $0x0, s16;
	[bflag:$0x0] =	sbarrier.arrive $0xFFFF  }
0x123: {  	[tilespmem:s3], [sflag:$0x3] =	stream.linear.gather [hbm4b:s13+s3], $0x400, $0x38;
	[tilespmem:$0x1B700] =	vst v63  }
0x124: {  	_ =	swait.ge [sflag:s18], $0x400  }
0x125: {  	[sflag:s18] =	ssyncset.done $0x0  }
0x126: {  	s25 =	sadd.s32 $0x0, s15;
	[sflag:s18] =	ssyncadd.s32 $0xFFFFFC00  }
0x127: {  	[tilespmem:s19], [sflag:$0x3] =	stream.linear.gather [hbm4b:s25+s3], $0x400, $0x38;
	[tilespmem:$0x1B700] =	vst v63  }
0x128: {  	_ =	swait.ge [sflag:s18], $0x400  }
0x129: {  	[sflag:s18] =	ssyncset.done $0x0  }
0x12a: {  	[sflag:s18] =	ssyncadd.s32 $0xFFFFFC00  }
0x12b: {  	[tilespmem:s21], [sflag:$0x1] =	stream.indirect.gather [hbm4b:s5+s20], $0x20, s3, s20, $0xb8;
	[tilespmem:$0x1B700] =	vst v63  }
0x12c: {  	_ = 	snop  }
0x12d: {  	[tilespmem:s22], [sflag:$0x2] =	stream.indirect.gather [hbm4b:s5+s20], $0x20, s20, s20, $0xb8;
	[tilespmem:$0x1B700] =	vst v63  }
0x12e: {  	_ =	swait.ge [sflag:s23], $0x1000  }
0x12f: {  	[sflag:s23] =	ssyncset.done $0x0  }
0x130: {  	[sflag:s23] =	ssyncadd.s32 $0xFFFFF000  }
0x131: {  	[spmem:s1] =	stream.indirect.scatter.add.f32 [tilespmem:s21], [sflag:$0x3], $0x20, s19, s20, $0xb8;
	[tilespmem:$0x1B700] =	vst v63  }
0x132: {  	_ =	swait.ge [sflag:s18], $0x1000  }
0x133: {  	[sflag:s18] =	ssyncset.done $0x0  }
0x134: {  	[sflag:s18] =	ssyncadd.s32 $0xFFFFF000  }
0x135: {  	_ =	swait.ge [sflag:s24], $0x1000  }
0x136: {  	[sflag:s24] =	ssyncset.done $0x0  }
0x137: {  	[sflag:s24] =	ssyncadd.s32 $0xFFFFF000  }
0x138: {  	[spmem:s1] =	stream.indirect.scatter.add.f32 [tilespmem:s22], [sflag:$0x3], $0x20, s26, s20, $0xb8;
	[tilespmem:$0x1B700] =	vst v63  }
0x139: {  	_ =	swait.ge [sflag:s18], $0x1000  }
0x13a: {  	[sflag:s18] =	ssyncset.done $0x0  }
0x13b: {  	[sflag:s18] =	ssyncadd.s32 $0xFFFFF000  }
0x13c: {  	[tilespmem:s21], [sflag:$0x1] =	stream.indirect.gather [hbm4b:s5+s20], $0x20, s28, s20, $0xb8;
	[tilespmem:$0x1B700] =	vst v63  }
0x13d: {  	s29 =	simm.s32 $0x180  }
0x13e: {  	[tilespmem:s22], [sflag:$0x2] =	stream.indirect.gather [hbm4b:s5+s20], $0x20, s29, s20, $0xb8;
	[tilespmem:$0x1B700] =	vst v63  }
0x13f: {  	_ =	swait.ge [sflag:s23], $0x1000  }
0x140: {  	[sflag:s23] =	ssyncset.done $0x0  }
0x141: {  	s30 =	simm.s32 $0x500;
	[sflag:s23] =	ssyncadd.s32 $0xFFFFF000  }
0x142: {  	[spmem:s1] =	stream.indirect.scatter.add.f32 [tilespmem:s21], [sflag:$0x3], $0x20, s30, s20, $0xb8;
	[tilespmem:$0x1B700] =	vst v63  }
0x143: {  	_ =	swait.ge [sflag:s18], $0x1000  }
0x144: {  	[sflag:s18] =	ssyncset.done $0x0  }
0x145: {  	[sflag:s18] =	ssyncadd.s32 $0xFFFFF000  }
0x146: {  	_ =	swait.ge [sflag:s24], $0x1000  }
0x147: {  	[sflag:s24] =	ssyncset.done $0x0  }
0x148: {  	s31 =	simm.s32 $0x580;
	[sflag:s24] =	ssyncadd.s32 $0xFFFFF000  }
0x149: {  	[spmem:s1] =	stream.indirect.scatter.add.f32 [tilespmem:s22], [sflag:$0x3], $0x20, s31, s20, $0xb8;
	[tilespmem:$0x1B700] =	vst v63  }
0x14a: {  	_ =	swait.ge [sflag:s18], $0x1000  }
0x14b: {  	[sflag:s18] =	ssyncset.done $0x0  }
0x14c: {  	s0 =	simm.s32 $0x200;
	[sflag:s18] =	ssyncadd.s32 $0xFFFFF000  }
0x14d: {  	[tilespmem:s21], [sflag:$0x1] =	stream.indirect.gather [hbm4b:s5+s20], $0x20, s0, s20, $0xb8;
	[tilespmem:$0x1B700] =	vst v63  }
0x14e: {  	s2 =	simm.s32 $0x280  }
0x14f: {  	[tilespmem:s22], [sflag:$0x2] =	stream.indirect.gather [hbm4b:s5+s20], $0x20, s2, s20, $0xb8;
	[tilespmem:$0x1B700] =	vst v63  }
0x150: {  	_ =	swait.ge [sflag:s23], $0x1000  }
0x151: {  	[sflag:s23] =	ssyncset.done $0x0  }
0x152: {  	s8 =	simm.s32 $0x600;
	[sflag:s23] =	ssyncadd.s32 $0xFFFFF000  }
0x153: {  	[spmem:s1] =	stream.indirect.scatter.add.f32 [tilespmem:s21], [sflag:$0x3], $0x20, s8, s20, $0xb8;
	[tilespmem:$0x1B700] =	vst v63  }
0x154: {  	_ =	swait.ge [sflag:s18], $0x1000  }
0x155: {  	[sflag:s18] =	ssyncset.done $0x0  }
0x156: {  	[sflag:s18] =	ssyncadd.s32 $0xFFFFF000  }
0x157: {  	_ =	swait.ge [sflag:s24], $0x1000  }
0x158: {  	[sflag:s24] =	ssyncset.done $0x0  }
0x159: {  	s9 =	simm.s32 $0x680;
	[sflag:s24] =	ssyncadd.s32 $0xFFFFF000  }
0x15a: {  	[spmem:s1] =	stream.indirect.scatter.add.f32 [tilespmem:s22], [sflag:$0x3], $0x20, s9, s20, $0xb8;
	[tilespmem:$0x1B700] =	vst v63  }
0x15b: {  	_ =	swait.ge [sflag:s18], $0x1000  }
0x15c: {  	[sflag:s18] =	ssyncset.done $0x0  }
0x15d: {  	s10 =	simm.s32 $0x300;
	[sflag:s18] =	ssyncadd.s32 $0xFFFFF000  }
0x15e: {  	[tilespmem:s21], [sflag:$0x1] =	stream.indirect.gather [hbm4b:s5+s20], $0x20, s10, s20, $0xb8;
	[tilespmem:$0x1B700] =	vst v63  }
0x15f: {  	s11 =	simm.s32 $0x380  }
0x160: {  	[tilespmem:s22], [sflag:$0x2] =	stream.indirect.gather [hbm4b:s5+s20], $0x20, s11, s20, $0xb8;
	[tilespmem:$0x1B700] =	vst v63  }
0x161: {  	_ =	swait.ge [sflag:s23], $0x1000  }
0x162: {  	[sflag:s23] =	ssyncset.done $0x0  }
0x163: {  	s12 =	simm.s32 $0x700;
	[sflag:s23] =	ssyncadd.s32 $0xFFFFF000  }
0x164: {  	[spmem:s1] =	stream.indirect.scatter.add.f32 [tilespmem:s21], [sflag:$0x3], $0x20, s12, s20, $0xb8;
	[tilespmem:$0x1B700] =	vst v63  }
0x165: {  	_ =	swait.ge [sflag:s18], $0x1000  }
0x166: {  	[sflag:s18] =	ssyncset.done $0x0  }
0x167: {  	[sflag:s18] =	ssyncadd.s32 $0xFFFFF000  }
0x168: {  	_ =	swait.ge [sflag:s24], $0x1000  }
0x169: {  	[sflag:s24] =	ssyncset.done $0x0  }
0x16a: {  	s28 =	simm.s32 $0x780;
	[sflag:s24] =	ssyncadd.s32 $0xFFFFF000  }
0x16b: {  	[spmem:s1] =	stream.indirect.scatter.add.f32 [tilespmem:s22], [sflag:$0x3], $0x20, s28, s20, $0xb8;
	[tilespmem:$0x1B700] =	vst v63  }
0x16c: {  	_ =	swait.ge [sflag:s18], $0x1000  }
0x16d: {  	s13 =	simm.s32 $0x80;
	s25 =	simm.s32 $0x100;
	[sflag:s18] =	ssyncset.done $0x0  }
.LBB2_10:
0x16e: {  	s26 =	sadd.s32 s13, s16  }
0x16f: {  	[sflag:s18] =	ssyncadd.s32 $0xFFFFF000;
	s28 =	smov.u32 s25;
	s17 =	sadd.s32 $0x80, s25  }
0x170: {  	[tilespmem:s3], [sflag:$0x3] =	stream.linear.gather [hbm4b:s26+s3], $0x400, $0x38;
	[tilespmem:$0x1B700] =	vst v63  }
0x171: {  	s26 =	simm.s32 $0x480  }
0x172: {  	p0 =	sne.s32 s25, $0xC00;
	_ =	swait.ge [sflag:s18], $0x400  }
0x173: {  	s25 =	sadd.s32 s13, s15;
	[sflag:s18] =	ssyncset.done $0x0  }
0x174: {  	s13 =	smov.u32 s28;
	s28 =	simm.s32 $0x100;
	[sflag:s18] =	ssyncadd.s32 $0xFFFFFC00  }
0x175: {  	[tilespmem:s19], [sflag:$0x3] =	stream.linear.gather [hbm4b:s25+s3], $0x400, $0x38;
	[tilespmem:$0x1B700] =	vst v63  }
0x176: {  	_ =	swait.ge [sflag:s18], $0x400  }
0x177: {  	[sflag:s18] =	ssyncset.done $0x0  }
0x178: {  	[sflag:s18] =	ssyncadd.s32 $0xFFFFFC00  }
0x179: {  	[tilespmem:s21], [sflag:$0x1] =	stream.indirect.gather [hbm4b:s5+s20], $0x20, s3, s20, $0xb8;
	[tilespmem:$0x1B700] =	vst v63  }
0x17a: {  	_ = 	snop  }
0x17b: {  	[tilespmem:s22], [sflag:$0x2] =	stream.indirect.gather [hbm4b:s5+s20], $0x20, s20, s20, $0xb8;
	[tilespmem:$0x1B700] =	vst v63  }
0x17c: {  	_ =	swait.ge [sflag:s23], $0x1000  }
0x17d: {  	[sflag:s23] =	ssyncset.done $0x0  }
0x17e: {  	[sflag:s23] =	ssyncadd.s32 $0xFFFFF000  }
0x17f: {  	[spmem:s1] =	stream.indirect.scatter.add.f32 [tilespmem:s21], [sflag:$0x3], $0x20, s19, s20, $0xb8;
	[tilespmem:$0x1B700] =	vst v63  }
0x180: {  	_ =	swait.ge [sflag:s18], $0x1000  }
0x181: {  	[sflag:s18] =	ssyncset.done $0x0  }
0x182: {  	[sflag:s18] =	ssyncadd.s32 $0xFFFFF000  }
0x183: {  	_ =	swait.ge [sflag:s24], $0x1000  }
0x184: {  	[sflag:s24] =	ssyncset.done $0x0  }
0x185: {  	[sflag:s24] =	ssyncadd.s32 $0xFFFFF000  }
0x186: {  	[spmem:s1] =	stream.indirect.scatter.add.f32 [tilespmem:s22], [sflag:$0x3], $0x20, s26, s20, $0xb8;
	[tilespmem:$0x1B700] =	vst v63  }
0x187: {  	_ =	swait.ge [sflag:s18], $0x1000  }
0x188: {  	[sflag:s18] =	ssyncset.done $0x0  }
0x189: {  	[sflag:s18] =	ssyncadd.s32 $0xFFFFF000  }
0x18a: {  	[tilespmem:s21], [sflag:$0x1] =	stream.indirect.gather [hbm4b:s5+s20], $0x20, s28, s20, $0xb8;
	[tilespmem:$0x1B700] =	vst v63  }
0x18b: {  	_ = 	snop  }
0x18c: {  	[tilespmem:s22], [sflag:$0x2] =	stream.indirect.gather [hbm4b:s5+s20], $0x20, s29, s20, $0xb8;
	[tilespmem:$0x1B700] =	vst v63  }
0x18d: {  	_ =	swait.ge [sflag:s23], $0x1000  }
0x18e: {  	[sflag:s23] =	ssyncset.done $0x0  }
0x18f: {  	[sflag:s23] =	ssyncadd.s32 $0xFFFFF000  }
0x190: {  	[spmem:s1] =	stream.indirect.scatter.add.f32 [tilespmem:s21], [sflag:$0x3], $0x20, s30, s20, $0xb8;
	[tilespmem:$0x1B700] =	vst v63  }
0x191: {  	_ =	swait.ge [sflag:s18], $0x1000  }
0x192: {  	[sflag:s18] =	ssyncset.done $0x0  }
0x193: {  	[sflag:s18] =	ssyncadd.s32 $0xFFFFF000  }
0x194: {  	_ =	swait.ge [sflag:s24], $0x1000  }
0x195: {  	[sflag:s24] =	ssyncset.done $0x0  }
0x196: {  	[sflag:s24] =	ssyncadd.s32 $0xFFFFF000  }
0x197: {  	[spmem:s1] =	stream.indirect.scatter.add.f32 [tilespmem:s22], [sflag:$0x3], $0x20, s31, s20, $0xb8;
	[tilespmem:$0x1B700] =	vst v63  }
0x198: {  	_ =	swait.ge [sflag:s18], $0x1000  }
0x199: {  	[sflag:s18] =	ssyncset.done $0x0  }
0x19a: {  	[sflag:s18] =	ssyncadd.s32 $0xFFFFF000  }
0x19b: {  	[tilespmem:s21], [sflag:$0x1] =	stream.indirect.gather [hbm4b:s5+s20], $0x20, s0, s20, $0xb8;
	[tilespmem:$0x1B700] =	vst v63  }
0x19c: {  	_ = 	snop  }
0x19d: {  	[tilespmem:s22], [sflag:$0x2] =	stream.indirect.gather [hbm4b:s5+s20], $0x20, s2, s20, $0xb8;
	[tilespmem:$0x1B700] =	vst v63  }
0x19e: {  	_ =	swait.ge [sflag:s23], $0x1000  }
0x19f: {  	[sflag:s23] =	ssyncset.done $0x0  }
0x1a0: {  	[sflag:s23] =	ssyncadd.s32 $0xFFFFF000  }
0x1a1: {  	[spmem:s1] =	stream.indirect.scatter.add.f32 [tilespmem:s21], [sflag:$0x3], $0x20, s8, s20, $0xb8;
	[tilespmem:$0x1B700] =	vst v63  }
0x1a2: {  	_ =	swait.ge [sflag:s18], $0x1000  }
0x1a3: {  	[sflag:s18] =	ssyncset.done $0x0  }
0x1a4: {  	[sflag:s18] =	ssyncadd.s32 $0xFFFFF000  }
0x1a5: {  	_ =	swait.ge [sflag:s24], $0x1000  }
0x1a6: {  	[sflag:s24] =	ssyncset.done $0x0  }
0x1a7: {  	[sflag:s24] =	ssyncadd.s32 $0xFFFFF000  }
0x1a8: {  	[spmem:s1] =	stream.indirect.scatter.add.f32 [tilespmem:s22], [sflag:$0x3], $0x20, s9, s20, $0xb8;
	[tilespmem:$0x1B700] =	vst v63  }
0x1a9: {  	_ =	swait.ge [sflag:s18], $0x1000  }
0x1aa: {  	[sflag:s18] =	ssyncset.done $0x0  }
0x1ab: {  	[sflag:s18] =	ssyncadd.s32 $0xFFFFF000  }
0x1ac: {  	[tilespmem:s21], [sflag:$0x1] =	stream.indirect.gather [hbm4b:s5+s20], $0x20, s10, s20, $0xb8;
	[tilespmem:$0x1B700] =	vst v63  }
0x1ad: {  	_ = 	snop  }
0x1ae: {  	[tilespmem:s22], [sflag:$0x2] =	stream.indirect.gather [hbm4b:s5+s20], $0x20, s11, s20, $0xb8;
	[tilespmem:$0x1B700] =	vst v63  }
0x1af: {  	_ =	swait.ge [sflag:s23], $0x1000  }
0x1b0: {  	[sflag:s23] =	ssyncset.done $0x0  }
0x1b1: {  	[sflag:s23] =	ssyncadd.s32 $0xFFFFF000  }
0x1b2: {  	[spmem:s1] =	stream.indirect.scatter.add.f32 [tilespmem:s21], [sflag:$0x3], $0x20, s12, s20, $0xb8;
	[tilespmem:$0x1B700] =	vst v63  }
0x1b3: {  	_ =	swait.ge [sflag:s18], $0x1000  }
0x1b4: {  	[sflag:s18] =	ssyncset.done $0x0  }
0x1b5: {  	[sflag:s18] =	ssyncadd.s32 $0xFFFFF000  }
0x1b6: {  	_ =	swait.ge [sflag:s24], $0x1000  }
.Ltmp4:
0x1b7: {  	[sflag:s24] =	ssyncset.done $0x0;
	(pc) =	sbr.rel @p0 .LBB2_10-.Ltmp4, $4  }
0x1b8: {  	s25 =	simm.s32 $0x780;
	[sflag:s24] =	ssyncadd.s32 $0xFFFFF000  }
0x1b9: {  	[spmem:s1] =	stream.indirect.scatter.add.f32 [tilespmem:s22], [sflag:$0x3], $0x20, s25, s20, $0xb8;
	[tilespmem:$0x1B700] =	vst v63  }
0x1ba: {  	_ =	swait.ge [sflag:s18], $0x1000  }
0x1bb: {  	s25 =	smov.u32 s17;
	[sflag:s18] =	ssyncset.done $0x0  }
0x1bc: {  	s17 =	sadd.s32 s13, s16;
	[sflag:s18] =	ssyncadd.s32 $0xFFFFF000  }
0x1bd: {  	[tilespmem:s3], [sflag:$0x3] =	stream.linear.gather [hbm4b:s17+s3], $0x400, $0x38;
	[tilespmem:$0x1B700] =	vst v63  }
0x1be: {  	_ =	swait.ge [sflag:s18], $0x400  }
0x1bf: {  	[sflag:s18] =	ssyncset.done $0x0  }
0x1c0: {  	s25 =	sadd.s32 s13, s15;
	[sflag:s18] =	ssyncadd.s32 $0xFFFFFC00  }
0x1c1: {  	[tilespmem:s19], [sflag:$0x3] =	stream.linear.gather [hbm4b:s25+s3], $0x400, $0x38;
	[tilespmem:$0x1B700] =	vst v63  }
0x1c2: {  	_ =	swait.ge [sflag:s18], $0x400  }
0x1c3: {  	[sflag:s18] =	ssyncset.done $0x0  }
0x1c4: {  	[sflag:s18] =	ssyncadd.s32 $0xFFFFFC00  }
0x1c5: {  	[tilespmem:s21], [sflag:$0x1] =	stream.indirect.gather [hbm4b:s5+s20], $0x20, s3, s20, $0xb8;
	[tilespmem:$0x1B700] =	vst v63  }
0x1c6: {  	_ = 	snop  }
0x1c7: {  	[tilespmem:s22], [sflag:$0x2] =	stream.indirect.gather [hbm4b:s5+s20], $0x20, s20, s20, $0xb8;
	[tilespmem:$0x1B700] =	vst v63  }
0x1c8: {  	_ =	swait.ge [sflag:s23], $0x1000  }
0x1c9: {  	[sflag:s23] =	ssyncset.done $0x0  }
0x1ca: {  	[sflag:s23] =	ssyncadd.s32 $0xFFFFF000  }
0x1cb: {  	[spmem:s1] =	stream.indirect.scatter.add.f32 [tilespmem:s21], [sflag:$0x3], $0x20, s19, s20, $0xb8;
	[tilespmem:$0x1B700] =	vst v63  }
0x1cc: {  	_ =	swait.ge [sflag:s18], $0x1000  }
0x1cd: {  	[sflag:s18] =	ssyncset.done $0x0  }
0x1ce: {  	[sflag:s18] =	ssyncadd.s32 $0xFFFFF000  }
0x1cf: {  	_ =	swait.ge [sflag:s24], $0x1000  }
0x1d0: {  	[sflag:s24] =	ssyncset.done $0x0  }
0x1d1: {  	[sflag:s24] =	ssyncadd.s32 $0xFFFFF000  }
0x1d2: {  	[spmem:s1] =	stream.indirect.scatter.add.f32 [tilespmem:s22], [sflag:$0x3], $0x20, s26, s20, $0xb8;
	[tilespmem:$0x1B700] =	vst v63  }
0x1d3: {  	_ =	swait.ge [sflag:s18], $0x1000  }
0x1d4: {  	[sflag:s18] =	ssyncset.done $0x0  }
0x1d5: {  	[sflag:s18] =	ssyncadd.s32 $0xFFFFF000  }
0x1d6: {  	[tilespmem:s21], [sflag:$0x1] =	stream.indirect.gather [hbm4b:s5+s20], $0x20, s28, s20, $0xb8;
	[tilespmem:$0x1B700] =	vst v63  }
0x1d7: {  	_ = 	snop  }
0x1d8: {  	[tilespmem:s22], [sflag:$0x2] =	stream.indirect.gather [hbm4b:s5+s20], $0x20, s29, s20, $0xb8;
	[tilespmem:$0x1B700] =	vst v63  }
0x1d9: {  	_ =	swait.ge [sflag:s23], $0x1000  }
0x1da: {  	[sflag:s23] =	ssyncset.done $0x0  }
0x1db: {  	[sflag:s23] =	ssyncadd.s32 $0xFFFFF000  }
0x1dc: {  	[spmem:s1] =	stream.indirect.scatter.add.f32 [tilespmem:s21], [sflag:$0x3], $0x20, s30, s20, $0xb8;
	[tilespmem:$0x1B700] =	vst v63  }
0x1dd: {  	_ =	swait.ge [sflag:s18], $0x1000  }
0x1de: {  	[sflag:s18] =	ssyncset.done $0x0  }
0x1df: {  	[sflag:s18] =	ssyncadd.s32 $0xFFFFF000  }
0x1e0: {  	_ =	swait.ge [sflag:s24], $0x1000  }
0x1e1: {  	[sflag:s24] =	ssyncset.done $0x0  }
0x1e2: {  	[sflag:s24] =	ssyncadd.s32 $0xFFFFF000  }
0x1e3: {  	[spmem:s1] =	stream.indirect.scatter.add.f32 [tilespmem:s22], [sflag:$0x3], $0x20, s31, s20, $0xb8;
	[tilespmem:$0x1B700] =	vst v63  }
0x1e4: {  	_ =	swait.ge [sflag:s18], $0x1000  }
0x1e5: {  	[sflag:s18] =	ssyncset.done $0x0  }
0x1e6: {  	[sflag:s18] =	ssyncadd.s32 $0xFFFFF000  }
0x1e7: {  	[tilespmem:s21], [sflag:$0x1] =	stream.indirect.gather [hbm4b:s5+s20], $0x20, s0, s20, $0xb8;
	[tilespmem:$0x1B700] =	vst v63  }
0x1e8: {  	_ = 	snop  }
0x1e9: {  	[tilespmem:s22], [sflag:$0x2] =	stream.indirect.gather [hbm4b:s5+s20], $0x20, s2, s20, $0xb8;
	[tilespmem:$0x1B700] =	vst v63  }
0x1ea: {  	_ =	swait.ge [sflag:s23], $0x1000  }
0x1eb: {  	[sflag:s23] =	ssyncset.done $0x0  }
0x1ec: {  	[sflag:s23] =	ssyncadd.s32 $0xFFFFF000  }
0x1ed: {  	[spmem:s1] =	stream.indirect.scatter.add.f32 [tilespmem:s21], [sflag:$0x3], $0x20, s8, s20, $0xb8;
	[tilespmem:$0x1B700] =	vst v63  }
0x1ee: {  	_ =	swait.ge [sflag:s18], $0x1000  }
0x1ef: {  	[sflag:s18] =	ssyncset.done $0x0  }
0x1f0: {  	[sflag:s18] =	ssyncadd.s32 $0xFFFFF000  }
0x1f1: {  	_ =	swait.ge [sflag:s24], $0x1000  }
0x1f2: {  	[sflag:s24] =	ssyncset.done $0x0  }
0x1f3: {  	[sflag:s24] =	ssyncadd.s32 $0xFFFFF000  }
0x1f4: {  	[spmem:s1] =	stream.indirect.scatter.add.f32 [tilespmem:s22], [sflag:$0x3], $0x20, s9, s20, $0xb8;
	[tilespmem:$0x1B700] =	vst v63  }
0x1f5: {  	_ =	swait.ge [sflag:s18], $0x1000  }
0x1f6: {  	[sflag:s18] =	ssyncset.done $0x0  }
0x1f7: {  	[sflag:s18] =	ssyncadd.s32 $0xFFFFF000  }
0x1f8: {  	[tilespmem:s21], [sflag:$0x1] =	stream.indirect.gather [hbm4b:s5+s20], $0x20, s10, s20, $0xb8;
	[tilespmem:$0x1B700] =	vst v63  }
0x1f9: {  	_ = 	snop  }
0x1fa: {  	[tilespmem:s22], [sflag:$0x2] =	stream.indirect.gather [hbm4b:s5+s20], $0x20, s11, s20, $0xb8;
	[tilespmem:$0x1B700] =	vst v63  }
0x1fb: {  	_ =	swait.ge [sflag:s23], $0x1000  }
0x1fc: {  	[sflag:s23] =	ssyncset.done $0x0  }
0x1fd: {  	[sflag:s23] =	ssyncadd.s32 $0xFFFFF000  }
0x1fe: {  	[spmem:s1] =	stream.indirect.scatter.add.f32 [tilespmem:s21], [sflag:$0x3], $0x20, s12, s20, $0xb8;
	[tilespmem:$0x1B700] =	vst v63  }
0x1ff: {  	_ =	swait.ge [sflag:s18], $0x1000  }
0x200: {  	[sflag:s18] =	ssyncset.done $0x0  }
0x201: {  	[sflag:s18] =	ssyncadd.s32 $0xFFFFF000  }
0x202: {  	_ =	swait.ge [sflag:s24], $0x1000  }
0x203: {  	[sflag:s24] =	ssyncset.done $0x0  }
0x204: {  	s17 =	simm.s32 $0x780;
	[sflag:s24] =	ssyncadd.s32 $0xFFFFF000  }
0x205: {  	[spmem:s1] =	stream.indirect.scatter.add.f32 [tilespmem:s22], [sflag:$0x3], $0x20, s17, s20, $0xb8;
	[tilespmem:$0x1B700] =	vst v63  }
0x206: {  	_ =	swait.ge [sflag:s18], $0x1000  }
0x207: {  	[sflag:s18] =	ssyncset.done $0x0  }
0x208: {  	[sflag:s18] =	ssyncadd.s32 $0xFFFFF000  }
0x209: {  	[bflag:$0x0] =	sbarrier.arrive $0xFFFF  }
0x20a: {  	s25 =	rddreg [dreg:$0x5]  }
0x20b: {  	s29 =	rddreg [dreg:$0xa]  }
0x20c: {  	s30 =	rddreg [dreg:$0xb]  }
0x20d: {  	[hbm:s25], [sflag:s29] =	dma.local [spmem:s30], $0x30E0  }
0x20e: {  	_ =	swait.ge [sflag:s18], $0x30E0  }
0x20f: {  	[sflag:s18] =	ssyncset.done $0x0  }
0x210: {  	[sflag:s18] =	ssyncadd.s32 $0xFFFFCF20  }
0x211: {  	s31 =	sadd.s32 $0x0, s14;
	s25 =	simm.s32 $0x2800;
	[bflag:$0x0] =	sbarrier.arrive $0xFFFF  }
0x212: {  	[spmem:s31] =	stream.linear.scatter [tilespmem:s25], [sflag:$0x3], $0x700, $0x38;
	[tilespmem:$0x1B700] =	vst v63  }
0x213: {  	s13 =	simm.s32 $0x1C00;
	_ =	swait.ge [sflag:s18], $0x700  }
.LBB2_12:
0x214: {  	s17 =	sshra.s32 s13, $0x2;
	[sflag:s18] =	ssyncset.done $0x0;
	p0 =	sne.s32 s13, $0x60400  }
.Ltmp5:
0x215: {  	s17 =	sadd.s32 s17, s14;
	[sflag:s18] =	ssyncadd.s32 $0xFFFFF900;
	(pc) =	sbr.rel @p0 .LBB2_12-.Ltmp5, $3  }
0x216: {  	[spmem:s17] =	stream.linear.scatter [tilespmem:s25], [sflag:$0x3], $0x700, $0x38;
	[tilespmem:$0x1B700] =	vst v63  }
0x217: {  	s13 =	sadd.s32 $0x1C00, s13;
	_ =	sdelay $0x1  }
0x218: {  	_ =	swait.ge [sflag:s18], $0x700  }
0x219: {  	[sflag:s18] =	ssyncset.done $0x0  }
0x21a: {  	[sflag:s18] =	ssyncadd.s32 $0xFFFFF900  }
0x21b: {  	s13 =	sadd.s32 $0x0, s16;
	[bflag:$0x0] =	sbarrier.arrive $0xFFFF  }
0x21c: {  	[tilespmem:s3], [sflag:$0x3] =	stream.linear.gather [hbm4b:s13+s3], $0x400, $0x38;
	[tilespmem:$0x1B700] =	vst v63  }
0x21d: {  	_ =	swait.ge [sflag:s18], $0x400  }
0x21e: {  	[sflag:s18] =	ssyncset.done $0x0  }
0x21f: {  	s25 =	sadd.s32 $0x0, s15;
	[sflag:s18] =	ssyncadd.s32 $0xFFFFFC00  }
0x220: {  	[tilespmem:s19], [sflag:$0x3] =	stream.linear.gather [hbm4b:s25+s3], $0x400, $0x38;
	[tilespmem:$0x1B700] =	vst v63  }
0x221: {  	_ =	swait.ge [sflag:s18], $0x400  }
0x222: {  	[sflag:s18] =	ssyncset.done $0x0  }
0x223: {  	[sflag:s18] =	ssyncadd.s32 $0xFFFFFC00  }
0x224: {  	[tilespmem:s21], [sflag:$0x1] =	stream.indirect.gather [hbm4b:s6+s20], $0x20, s3, s20, $0xb8;
	[tilespmem:$0x1B700] =	vst v63  }
0x225: {  	_ = 	snop  }
0x226: {  	[tilespmem:s22], [sflag:$0x2] =	stream.indirect.gather [hbm4b:s6+s20], $0x20, s20, s20, $0xb8;
	[tilespmem:$0x1B700] =	vst v63  }
0x227: {  	_ =	swait.ge [sflag:s23], $0x1000  }
0x228: {  	[sflag:s23] =	ssyncset.done $0x0  }
0x229: {  	[sflag:s23] =	ssyncadd.s32 $0xFFFFF000  }
0x22a: {  	[spmem:s1] =	stream.indirect.scatter.add.f32 [tilespmem:s21], [sflag:$0x3], $0x20, s19, s20, $0xb8;
	[tilespmem:$0x1B700] =	vst v63  }
0x22b: {  	_ =	swait.ge [sflag:s18], $0x1000  }
0x22c: {  	[sflag:s18] =	ssyncset.done $0x0  }
0x22d: {  	[sflag:s18] =	ssyncadd.s32 $0xFFFFF000  }
0x22e: {  	_ =	swait.ge [sflag:s24], $0x1000  }
0x22f: {  	[sflag:s24] =	ssyncset.done $0x0  }
0x230: {  	[sflag:s24] =	ssyncadd.s32 $0xFFFFF000  }
0x231: {  	[spmem:s1] =	stream.indirect.scatter.add.f32 [tilespmem:s22], [sflag:$0x3], $0x20, s26, s20, $0xb8;
	[tilespmem:$0x1B700] =	vst v63  }
0x232: {  	_ =	swait.ge [sflag:s18], $0x1000  }
0x233: {  	[sflag:s18] =	ssyncset.done $0x0  }
0x234: {  	[sflag:s18] =	ssyncadd.s32 $0xFFFFF000  }
0x235: {  	[tilespmem:s21], [sflag:$0x1] =	stream.indirect.gather [hbm4b:s6+s20], $0x20, s28, s20, $0xb8;
	[tilespmem:$0x1B700] =	vst v63  }
0x236: {  	s29 =	simm.s32 $0x180  }
0x237: {  	[tilespmem:s22], [sflag:$0x2] =	stream.indirect.gather [hbm4b:s6+s20], $0x20, s29, s20, $0xb8;
	[tilespmem:$0x1B700] =	vst v63  }
0x238: {  	_ =	swait.ge [sflag:s23], $0x1000  }
0x239: {  	[sflag:s23] =	ssyncset.done $0x0  }
0x23a: {  	s30 =	simm.s32 $0x500;
	[sflag:s23] =	ssyncadd.s32 $0xFFFFF000  }
0x23b: {  	[spmem:s1] =	stream.indirect.scatter.add.f32 [tilespmem:s21], [sflag:$0x3], $0x20, s30, s20, $0xb8;
	[tilespmem:$0x1B700] =	vst v63  }
0x23c: {  	_ =	swait.ge [sflag:s18], $0x1000  }
0x23d: {  	[sflag:s18] =	ssyncset.done $0x0  }
0x23e: {  	[sflag:s18] =	ssyncadd.s32 $0xFFFFF000  }
0x23f: {  	_ =	swait.ge [sflag:s24], $0x1000  }
0x240: {  	[sflag:s24] =	ssyncset.done $0x0  }
0x241: {  	s31 =	simm.s32 $0x580;
	[sflag:s24] =	ssyncadd.s32 $0xFFFFF000  }
0x242: {  	[spmem:s1] =	stream.indirect.scatter.add.f32 [tilespmem:s22], [sflag:$0x3], $0x20, s31, s20, $0xb8;
	[tilespmem:$0x1B700] =	vst v63  }
0x243: {  	_ =	swait.ge [sflag:s18], $0x1000  }
0x244: {  	[sflag:s18] =	ssyncset.done $0x0  }
0x245: {  	s0 =	simm.s32 $0x200;
	[sflag:s18] =	ssyncadd.s32 $0xFFFFF000  }
0x246: {  	[tilespmem:s21], [sflag:$0x1] =	stream.indirect.gather [hbm4b:s6+s20], $0x20, s0, s20, $0xb8;
	[tilespmem:$0x1B700] =	vst v63  }
0x247: {  	s2 =	simm.s32 $0x280  }
0x248: {  	[tilespmem:s22], [sflag:$0x2] =	stream.indirect.gather [hbm4b:s6+s20], $0x20, s2, s20, $0xb8;
	[tilespmem:$0x1B700] =	vst v63  }
0x249: {  	_ =	swait.ge [sflag:s23], $0x1000  }
0x24a: {  	[sflag:s23] =	ssyncset.done $0x0  }
0x24b: {  	s8 =	simm.s32 $0x600;
	[sflag:s23] =	ssyncadd.s32 $0xFFFFF000  }
0x24c: {  	[spmem:s1] =	stream.indirect.scatter.add.f32 [tilespmem:s21], [sflag:$0x3], $0x20, s8, s20, $0xb8;
	[tilespmem:$0x1B700] =	vst v63  }
0x24d: {  	_ =	swait.ge [sflag:s18], $0x1000  }
0x24e: {  	[sflag:s18] =	ssyncset.done $0x0  }
0x24f: {  	[sflag:s18] =	ssyncadd.s32 $0xFFFFF000  }
0x250: {  	_ =	swait.ge [sflag:s24], $0x1000  }
0x251: {  	[sflag:s24] =	ssyncset.done $0x0  }
0x252: {  	s9 =	simm.s32 $0x680;
	[sflag:s24] =	ssyncadd.s32 $0xFFFFF000  }
0x253: {  	[spmem:s1] =	stream.indirect.scatter.add.f32 [tilespmem:s22], [sflag:$0x3], $0x20, s9, s20, $0xb8;
	[tilespmem:$0x1B700] =	vst v63  }
0x254: {  	_ =	swait.ge [sflag:s18], $0x1000  }
0x255: {  	[sflag:s18] =	ssyncset.done $0x0  }
0x256: {  	s10 =	simm.s32 $0x300;
	[sflag:s18] =	ssyncadd.s32 $0xFFFFF000  }
0x257: {  	[tilespmem:s21], [sflag:$0x1] =	stream.indirect.gather [hbm4b:s6+s20], $0x20, s10, s20, $0xb8;
	[tilespmem:$0x1B700] =	vst v63  }
0x258: {  	s11 =	simm.s32 $0x380  }
0x259: {  	[tilespmem:s22], [sflag:$0x2] =	stream.indirect.gather [hbm4b:s6+s20], $0x20, s11, s20, $0xb8;
	[tilespmem:$0x1B700] =	vst v63  }
0x25a: {  	_ =	swait.ge [sflag:s23], $0x1000  }
0x25b: {  	[sflag:s23] =	ssyncset.done $0x0  }
0x25c: {  	s12 =	simm.s32 $0x700;
	[sflag:s23] =	ssyncadd.s32 $0xFFFFF000  }
0x25d: {  	[spmem:s1] =	stream.indirect.scatter.add.f32 [tilespmem:s21], [sflag:$0x3], $0x20, s12, s20, $0xb8;
	[tilespmem:$0x1B700] =	vst v63  }
0x25e: {  	_ =	swait.ge [sflag:s18], $0x1000  }
0x25f: {  	[sflag:s18] =	ssyncset.done $0x0  }
0x260: {  	[sflag:s18] =	ssyncadd.s32 $0xFFFFF000  }
0x261: {  	_ =	swait.ge [sflag:s24], $0x1000  }
0x262: {  	[sflag:s24] =	ssyncset.done $0x0  }
0x263: {  	s28 =	simm.s32 $0x780;
	[sflag:s24] =	ssyncadd.s32 $0xFFFFF000  }
0x264: {  	[spmem:s1] =	stream.indirect.scatter.add.f32 [tilespmem:s22], [sflag:$0x3], $0x20, s28, s20, $0xb8;
	[tilespmem:$0x1B700] =	vst v63  }
0x265: {  	_ =	swait.ge [sflag:s18], $0x1000  }
0x266: {  	s13 =	simm.s32 $0x80;
	s25 =	simm.s32 $0x100;
	[sflag:s18] =	ssyncset.done $0x0  }
.LBB2_14:
0x267: {  	s26 =	sadd.s32 s13, s16  }
0x268: {  	[sflag:s18] =	ssyncadd.s32 $0xFFFFF000;
	s28 =	smov.u32 s25;
	s17 =	sadd.s32 $0x80, s25  }
0x269: {  	[tilespmem:s3], [sflag:$0x3] =	stream.linear.gather [hbm4b:s26+s3], $0x400, $0x38;
	[tilespmem:$0x1B700] =	vst v63  }
0x26a: {  	s26 =	simm.s32 $0x480  }
0x26b: {  	p0 =	sne.s32 s25, $0xC00;
	_ =	swait.ge [sflag:s18], $0x400  }
0x26c: {  	s25 =	sadd.s32 s13, s15;
	[sflag:s18] =	ssyncset.done $0x0  }
0x26d: {  	s13 =	smov.u32 s28;
	s28 =	simm.s32 $0x100;
	[sflag:s18] =	ssyncadd.s32 $0xFFFFFC00  }
0x26e: {  	[tilespmem:s19], [sflag:$0x3] =	stream.linear.gather [hbm4b:s25+s3], $0x400, $0x38;
	[tilespmem:$0x1B700] =	vst v63  }
0x26f: {  	_ =	swait.ge [sflag:s18], $0x400  }
0x270: {  	[sflag:s18] =	ssyncset.done $0x0  }
0x271: {  	[sflag:s18] =	ssyncadd.s32 $0xFFFFFC00  }
0x272: {  	[tilespmem:s21], [sflag:$0x1] =	stream.indirect.gather [hbm4b:s6+s20], $0x20, s3, s20, $0xb8;
	[tilespmem:$0x1B700] =	vst v63  }
0x273: {  	_ = 	snop  }
0x274: {  	[tilespmem:s22], [sflag:$0x2] =	stream.indirect.gather [hbm4b:s6+s20], $0x20, s20, s20, $0xb8;
	[tilespmem:$0x1B700] =	vst v63  }
0x275: {  	_ =	swait.ge [sflag:s23], $0x1000  }
0x276: {  	[sflag:s23] =	ssyncset.done $0x0  }
0x277: {  	[sflag:s23] =	ssyncadd.s32 $0xFFFFF000  }
0x278: {  	[spmem:s1] =	stream.indirect.scatter.add.f32 [tilespmem:s21], [sflag:$0x3], $0x20, s19, s20, $0xb8;
	[tilespmem:$0x1B700] =	vst v63  }
0x279: {  	_ =	swait.ge [sflag:s18], $0x1000  }
0x27a: {  	[sflag:s18] =	ssyncset.done $0x0  }
0x27b: {  	[sflag:s18] =	ssyncadd.s32 $0xFFFFF000  }
0x27c: {  	_ =	swait.ge [sflag:s24], $0x1000  }
0x27d: {  	[sflag:s24] =	ssyncset.done $0x0  }
0x27e: {  	[sflag:s24] =	ssyncadd.s32 $0xFFFFF000  }
0x27f: {  	[spmem:s1] =	stream.indirect.scatter.add.f32 [tilespmem:s22], [sflag:$0x3], $0x20, s26, s20, $0xb8;
	[tilespmem:$0x1B700] =	vst v63  }
0x280: {  	_ =	swait.ge [sflag:s18], $0x1000  }
0x281: {  	[sflag:s18] =	ssyncset.done $0x0  }
0x282: {  	[sflag:s18] =	ssyncadd.s32 $0xFFFFF000  }
0x283: {  	[tilespmem:s21], [sflag:$0x1] =	stream.indirect.gather [hbm4b:s6+s20], $0x20, s28, s20, $0xb8;
	[tilespmem:$0x1B700] =	vst v63  }
0x284: {  	_ = 	snop  }
0x285: {  	[tilespmem:s22], [sflag:$0x2] =	stream.indirect.gather [hbm4b:s6+s20], $0x20, s29, s20, $0xb8;
	[tilespmem:$0x1B700] =	vst v63  }
0x286: {  	_ =	swait.ge [sflag:s23], $0x1000  }
0x287: {  	[sflag:s23] =	ssyncset.done $0x0  }
0x288: {  	[sflag:s23] =	ssyncadd.s32 $0xFFFFF000  }
0x289: {  	[spmem:s1] =	stream.indirect.scatter.add.f32 [tilespmem:s21], [sflag:$0x3], $0x20, s30, s20, $0xb8;
	[tilespmem:$0x1B700] =	vst v63  }
0x28a: {  	_ =	swait.ge [sflag:s18], $0x1000  }
0x28b: {  	[sflag:s18] =	ssyncset.done $0x0  }
0x28c: {  	[sflag:s18] =	ssyncadd.s32 $0xFFFFF000  }
0x28d: {  	_ =	swait.ge [sflag:s24], $0x1000  }
0x28e: {  	[sflag:s24] =	ssyncset.done $0x0  }
0x28f: {  	[sflag:s24] =	ssyncadd.s32 $0xFFFFF000  }
0x290: {  	[spmem:s1] =	stream.indirect.scatter.add.f32 [tilespmem:s22], [sflag:$0x3], $0x20, s31, s20, $0xb8;
	[tilespmem:$0x1B700] =	vst v63  }
0x291: {  	_ =	swait.ge [sflag:s18], $0x1000  }
0x292: {  	[sflag:s18] =	ssyncset.done $0x0  }
0x293: {  	[sflag:s18] =	ssyncadd.s32 $0xFFFFF000  }
0x294: {  	[tilespmem:s21], [sflag:$0x1] =	stream.indirect.gather [hbm4b:s6+s20], $0x20, s0, s20, $0xb8;
	[tilespmem:$0x1B700] =	vst v63  }
0x295: {  	_ = 	snop  }
0x296: {  	[tilespmem:s22], [sflag:$0x2] =	stream.indirect.gather [hbm4b:s6+s20], $0x20, s2, s20, $0xb8;
	[tilespmem:$0x1B700] =	vst v63  }
0x297: {  	_ =	swait.ge [sflag:s23], $0x1000  }
0x298: {  	[sflag:s23] =	ssyncset.done $0x0  }
0x299: {  	[sflag:s23] =	ssyncadd.s32 $0xFFFFF000  }
0x29a: {  	[spmem:s1] =	stream.indirect.scatter.add.f32 [tilespmem:s21], [sflag:$0x3], $0x20, s8, s20, $0xb8;
	[tilespmem:$0x1B700] =	vst v63  }
0x29b: {  	_ =	swait.ge [sflag:s18], $0x1000  }
0x29c: {  	[sflag:s18] =	ssyncset.done $0x0  }
0x29d: {  	[sflag:s18] =	ssyncadd.s32 $0xFFFFF000  }
0x29e: {  	_ =	swait.ge [sflag:s24], $0x1000  }
0x29f: {  	[sflag:s24] =	ssyncset.done $0x0  }
0x2a0: {  	[sflag:s24] =	ssyncadd.s32 $0xFFFFF000  }
0x2a1: {  	[spmem:s1] =	stream.indirect.scatter.add.f32 [tilespmem:s22], [sflag:$0x3], $0x20, s9, s20, $0xb8;
	[tilespmem:$0x1B700] =	vst v63  }
0x2a2: {  	_ =	swait.ge [sflag:s18], $0x1000  }
0x2a3: {  	[sflag:s18] =	ssyncset.done $0x0  }
0x2a4: {  	[sflag:s18] =	ssyncadd.s32 $0xFFFFF000  }
0x2a5: {  	[tilespmem:s21], [sflag:$0x1] =	stream.indirect.gather [hbm4b:s6+s20], $0x20, s10, s20, $0xb8;
	[tilespmem:$0x1B700] =	vst v63  }
0x2a6: {  	_ = 	snop  }
0x2a7: {  	[tilespmem:s22], [sflag:$0x2] =	stream.indirect.gather [hbm4b:s6+s20], $0x20, s11, s20, $0xb8;
	[tilespmem:$0x1B700] =	vst v63  }
0x2a8: {  	_ =	swait.ge [sflag:s23], $0x1000  }
0x2a9: {  	[sflag:s23] =	ssyncset.done $0x0  }
0x2aa: {  	[sflag:s23] =	ssyncadd.s32 $0xFFFFF000  }
0x2ab: {  	[spmem:s1] =	stream.indirect.scatter.add.f32 [tilespmem:s21], [sflag:$0x3], $0x20, s12, s20, $0xb8;
	[tilespmem:$0x1B700] =	vst v63  }
0x2ac: {  	_ =	swait.ge [sflag:s18], $0x1000  }
0x2ad: {  	[sflag:s18] =	ssyncset.done $0x0  }
0x2ae: {  	[sflag:s18] =	ssyncadd.s32 $0xFFFFF000  }
0x2af: {  	_ =	swait.ge [sflag:s24], $0x1000  }
.Ltmp6:
0x2b0: {  	[sflag:s24] =	ssyncset.done $0x0;
	(pc) =	sbr.rel @p0 .LBB2_14-.Ltmp6, $4  }
0x2b1: {  	s25 =	simm.s32 $0x780;
	[sflag:s24] =	ssyncadd.s32 $0xFFFFF000  }
0x2b2: {  	[spmem:s1] =	stream.indirect.scatter.add.f32 [tilespmem:s22], [sflag:$0x3], $0x20, s25, s20, $0xb8;
	[tilespmem:$0x1B700] =	vst v63  }
0x2b3: {  	_ =	swait.ge [sflag:s18], $0x1000  }
0x2b4: {  	s25 =	smov.u32 s17;
	[sflag:s18] =	ssyncset.done $0x0  }
0x2b5: {  	s17 =	sadd.s32 s13, s16;
	[sflag:s18] =	ssyncadd.s32 $0xFFFFF000  }
0x2b6: {  	[tilespmem:s3], [sflag:$0x3] =	stream.linear.gather [hbm4b:s17+s3], $0x400, $0x38;
	[tilespmem:$0x1B700] =	vst v63  }
0x2b7: {  	_ =	swait.ge [sflag:s18], $0x400  }
0x2b8: {  	[sflag:s18] =	ssyncset.done $0x0  }
0x2b9: {  	s25 =	sadd.s32 s13, s15;
	[sflag:s18] =	ssyncadd.s32 $0xFFFFFC00  }
0x2ba: {  	[tilespmem:s19], [sflag:$0x3] =	stream.linear.gather [hbm4b:s25+s3], $0x400, $0x38;
	[tilespmem:$0x1B700] =	vst v63  }
0x2bb: {  	_ =	swait.ge [sflag:s18], $0x400  }
0x2bc: {  	[sflag:s18] =	ssyncset.done $0x0  }
0x2bd: {  	[sflag:s18] =	ssyncadd.s32 $0xFFFFFC00  }
0x2be: {  	[tilespmem:s21], [sflag:$0x1] =	stream.indirect.gather [hbm4b:s6+s20], $0x20, s3, s20, $0xb8;
	[tilespmem:$0x1B700] =	vst v63  }
0x2bf: {  	_ = 	snop  }
0x2c0: {  	[tilespmem:s22], [sflag:$0x2] =	stream.indirect.gather [hbm4b:s6+s20], $0x20, s20, s20, $0xb8;
	[tilespmem:$0x1B700] =	vst v63  }
0x2c1: {  	_ =	swait.ge [sflag:s23], $0x1000  }
0x2c2: {  	[sflag:s23] =	ssyncset.done $0x0  }
0x2c3: {  	[sflag:s23] =	ssyncadd.s32 $0xFFFFF000  }
0x2c4: {  	[spmem:s1] =	stream.indirect.scatter.add.f32 [tilespmem:s21], [sflag:$0x3], $0x20, s19, s20, $0xb8;
	[tilespmem:$0x1B700] =	vst v63  }
0x2c5: {  	_ =	swait.ge [sflag:s18], $0x1000  }
0x2c6: {  	[sflag:s18] =	ssyncset.done $0x0  }
0x2c7: {  	[sflag:s18] =	ssyncadd.s32 $0xFFFFF000  }
0x2c8: {  	_ =	swait.ge [sflag:s24], $0x1000  }
0x2c9: {  	[sflag:s24] =	ssyncset.done $0x0  }
0x2ca: {  	[sflag:s24] =	ssyncadd.s32 $0xFFFFF000  }
0x2cb: {  	[spmem:s1] =	stream.indirect.scatter.add.f32 [tilespmem:s22], [sflag:$0x3], $0x20, s26, s20, $0xb8;
	[tilespmem:$0x1B700] =	vst v63  }
0x2cc: {  	_ =	swait.ge [sflag:s18], $0x1000  }
0x2cd: {  	[sflag:s18] =	ssyncset.done $0x0  }
0x2ce: {  	[sflag:s18] =	ssyncadd.s32 $0xFFFFF000  }
0x2cf: {  	[tilespmem:s21], [sflag:$0x1] =	stream.indirect.gather [hbm4b:s6+s20], $0x20, s28, s20, $0xb8;
	[tilespmem:$0x1B700] =	vst v63  }
0x2d0: {  	_ = 	snop  }
0x2d1: {  	[tilespmem:s22], [sflag:$0x2] =	stream.indirect.gather [hbm4b:s6+s20], $0x20, s29, s20, $0xb8;
	[tilespmem:$0x1B700] =	vst v63  }
0x2d2: {  	_ =	swait.ge [sflag:s23], $0x1000  }
0x2d3: {  	[sflag:s23] =	ssyncset.done $0x0  }
0x2d4: {  	[sflag:s23] =	ssyncadd.s32 $0xFFFFF000  }
0x2d5: {  	[spmem:s1] =	stream.indirect.scatter.add.f32 [tilespmem:s21], [sflag:$0x3], $0x20, s30, s20, $0xb8;
	[tilespmem:$0x1B700] =	vst v63  }
0x2d6: {  	_ =	swait.ge [sflag:s18], $0x1000  }
0x2d7: {  	[sflag:s18] =	ssyncset.done $0x0  }
0x2d8: {  	[sflag:s18] =	ssyncadd.s32 $0xFFFFF000  }
0x2d9: {  	_ =	swait.ge [sflag:s24], $0x1000  }
0x2da: {  	[sflag:s24] =	ssyncset.done $0x0  }
0x2db: {  	[sflag:s24] =	ssyncadd.s32 $0xFFFFF000  }
0x2dc: {  	[spmem:s1] =	stream.indirect.scatter.add.f32 [tilespmem:s22], [sflag:$0x3], $0x20, s31, s20, $0xb8;
	[tilespmem:$0x1B700] =	vst v63  }
0x2dd: {  	_ =	swait.ge [sflag:s18], $0x1000  }
0x2de: {  	[sflag:s18] =	ssyncset.done $0x0  }
0x2df: {  	[sflag:s18] =	ssyncadd.s32 $0xFFFFF000  }
0x2e0: {  	[tilespmem:s21], [sflag:$0x1] =	stream.indirect.gather [hbm4b:s6+s20], $0x20, s0, s20, $0xb8;
	[tilespmem:$0x1B700] =	vst v63  }
0x2e1: {  	_ = 	snop  }
0x2e2: {  	[tilespmem:s22], [sflag:$0x2] =	stream.indirect.gather [hbm4b:s6+s20], $0x20, s2, s20, $0xb8;
	[tilespmem:$0x1B700] =	vst v63  }
0x2e3: {  	_ =	swait.ge [sflag:s23], $0x1000  }
0x2e4: {  	[sflag:s23] =	ssyncset.done $0x0  }
0x2e5: {  	[sflag:s23] =	ssyncadd.s32 $0xFFFFF000  }
0x2e6: {  	[spmem:s1] =	stream.indirect.scatter.add.f32 [tilespmem:s21], [sflag:$0x3], $0x20, s8, s20, $0xb8;
	[tilespmem:$0x1B700] =	vst v63  }
0x2e7: {  	_ =	swait.ge [sflag:s18], $0x1000  }
0x2e8: {  	[sflag:s18] =	ssyncset.done $0x0  }
0x2e9: {  	[sflag:s18] =	ssyncadd.s32 $0xFFFFF000  }
0x2ea: {  	_ =	swait.ge [sflag:s24], $0x1000  }
0x2eb: {  	[sflag:s24] =	ssyncset.done $0x0  }
0x2ec: {  	[sflag:s24] =	ssyncadd.s32 $0xFFFFF000  }
0x2ed: {  	[spmem:s1] =	stream.indirect.scatter.add.f32 [tilespmem:s22], [sflag:$0x3], $0x20, s9, s20, $0xb8;
	[tilespmem:$0x1B700] =	vst v63  }
0x2ee: {  	_ =	swait.ge [sflag:s18], $0x1000  }
0x2ef: {  	[sflag:s18] =	ssyncset.done $0x0  }
0x2f0: {  	[sflag:s18] =	ssyncadd.s32 $0xFFFFF000  }
0x2f1: {  	[tilespmem:s21], [sflag:$0x1] =	stream.indirect.gather [hbm4b:s6+s20], $0x20, s10, s20, $0xb8;
	[tilespmem:$0x1B700] =	vst v63  }
0x2f2: {  	_ = 	snop  }
0x2f3: {  	[tilespmem:s22], [sflag:$0x2] =	stream.indirect.gather [hbm4b:s6+s20], $0x20, s11, s20, $0xb8;
	[tilespmem:$0x1B700] =	vst v63  }
0x2f4: {  	_ =	swait.ge [sflag:s23], $0x1000  }
0x2f5: {  	[sflag:s23] =	ssyncset.done $0x0  }
0x2f6: {  	[sflag:s23] =	ssyncadd.s32 $0xFFFFF000  }
0x2f7: {  	[spmem:s1] =	stream.indirect.scatter.add.f32 [tilespmem:s21], [sflag:$0x3], $0x20, s12, s20, $0xb8;
	[tilespmem:$0x1B700] =	vst v63  }
0x2f8: {  	_ =	swait.ge [sflag:s18], $0x1000  }
0x2f9: {  	[sflag:s18] =	ssyncset.done $0x0  }
0x2fa: {  	[sflag:s18] =	ssyncadd.s32 $0xFFFFF000  }
0x2fb: {  	_ =	swait.ge [sflag:s24], $0x1000  }
0x2fc: {  	[sflag:s24] =	ssyncset.done $0x0  }
0x2fd: {  	s17 =	simm.s32 $0x780;
	[sflag:s24] =	ssyncadd.s32 $0xFFFFF000  }
0x2fe: {  	[spmem:s1] =	stream.indirect.scatter.add.f32 [tilespmem:s22], [sflag:$0x3], $0x20, s17, s20, $0xb8;
	[tilespmem:$0x1B700] =	vst v63  }
0x2ff: {  	_ =	swait.ge [sflag:s18], $0x1000  }
0x300: {  	[sflag:s18] =	ssyncset.done $0x0  }
0x301: {  	[sflag:s18] =	ssyncadd.s32 $0xFFFFF000  }
0x302: {  	[bflag:$0x0] =	sbarrier.arrive $0xFFFF  }
0x303: {  	s25 =	rddreg [dreg:$0x6]  }
0x304: {  	s29 =	rddreg [dreg:$0xa]  }
0x305: {  	s30 =	rddreg [dreg:$0xb]  }
0x306: {  	[hbm:s25], [sflag:s29] =	dma.local [spmem:s30], $0x30E0  }
0x307: {  	_ =	swait.ge [sflag:s18], $0x30E0  }
0x308: {  	[sflag:s18] =	ssyncset.done $0x0  }
0x309: {  	[sflag:s18] =	ssyncadd.s32 $0xFFFFCF20  }
0x30a: {  	s31 =	sadd.s32 $0x0, s14;
	s25 =	simm.s32 $0x2800;
	[bflag:$0x0] =	sbarrier.arrive $0xFFFF  }
0x30b: {  	[spmem:s31] =	stream.linear.scatter [tilespmem:s25], [sflag:$0x3], $0x700, $0x38;
	[tilespmem:$0x1B700] =	vst v63  }
0x30c: {  	s13 =	simm.s32 $0x1C00;
	_ =	swait.ge [sflag:s18], $0x700  }
.LBB2_16:
0x30d: {  	s17 =	sshra.s32 s13, $0x2;
	[sflag:s18] =	ssyncset.done $0x0;
	p0 =	sne.s32 s13, $0x60400  }
.Ltmp7:
0x30e: {  	s17 =	sadd.s32 s17, s14;
	[sflag:s18] =	ssyncadd.s32 $0xFFFFF900;
	(pc) =	sbr.rel @p0 .LBB2_16-.Ltmp7, $3  }
0x30f: {  	[spmem:s17] =	stream.linear.scatter [tilespmem:s25], [sflag:$0x3], $0x700, $0x38;
	[tilespmem:$0x1B700] =	vst v63  }
0x310: {  	s13 =	sadd.s32 $0x1C00, s13;
	_ =	sdelay $0x1  }
0x311: {  	_ =	swait.ge [sflag:s18], $0x700  }
0x312: {  	[sflag:s18] =	ssyncset.done $0x0  }
0x313: {  	[sflag:s18] =	ssyncadd.s32 $0xFFFFF900  }
0x314: {  	s13 =	sadd.s32 $0x0, s16;
	[bflag:$0x0] =	sbarrier.arrive $0xFFFF  }
0x315: {  	[tilespmem:s3], [sflag:$0x3] =	stream.linear.gather [hbm4b:s13+s3], $0x400, $0x38;
	[tilespmem:$0x1B700] =	vst v63  }
0x316: {  	_ =	swait.ge [sflag:s18], $0x400  }
0x317: {  	[sflag:s18] =	ssyncset.done $0x0  }
0x318: {  	s25 =	sadd.s32 $0x0, s15;
	[sflag:s18] =	ssyncadd.s32 $0xFFFFFC00  }
0x319: {  	[tilespmem:s19], [sflag:$0x3] =	stream.linear.gather [hbm4b:s25+s3], $0x400, $0x38;
	[tilespmem:$0x1B700] =	vst v63  }
0x31a: {  	_ =	swait.ge [sflag:s18], $0x400  }
0x31b: {  	[sflag:s18] =	ssyncset.done $0x0  }
0x31c: {  	[sflag:s18] =	ssyncadd.s32 $0xFFFFFC00  }
0x31d: {  	[tilespmem:s21], [sflag:$0x1] =	stream.indirect.gather [hbm4b:s7+s20], $0x20, s3, s20, $0xb8;
	[tilespmem:$0x1B700] =	vst v63  }
0x31e: {  	_ = 	snop  }
0x31f: {  	[tilespmem:s22], [sflag:$0x2] =	stream.indirect.gather [hbm4b:s7+s20], $0x20, s20, s20, $0xb8;
	[tilespmem:$0x1B700] =	vst v63  }
0x320: {  	_ =	swait.ge [sflag:s23], $0x1000  }
0x321: {  	[sflag:s23] =	ssyncset.done $0x0  }
0x322: {  	[sflag:s23] =	ssyncadd.s32 $0xFFFFF000  }
0x323: {  	[spmem:s1] =	stream.indirect.scatter.add.f32 [tilespmem:s21], [sflag:$0x3], $0x20, s19, s20, $0xb8;
	[tilespmem:$0x1B700] =	vst v63  }
0x324: {  	_ =	swait.ge [sflag:s18], $0x1000  }
0x325: {  	[sflag:s18] =	ssyncset.done $0x0  }
0x326: {  	[sflag:s18] =	ssyncadd.s32 $0xFFFFF000  }
0x327: {  	_ =	swait.ge [sflag:s24], $0x1000  }
0x328: {  	[sflag:s24] =	ssyncset.done $0x0  }
0x329: {  	[sflag:s24] =	ssyncadd.s32 $0xFFFFF000  }
0x32a: {  	[spmem:s1] =	stream.indirect.scatter.add.f32 [tilespmem:s22], [sflag:$0x3], $0x20, s26, s20, $0xb8;
	[tilespmem:$0x1B700] =	vst v63  }
0x32b: {  	_ =	swait.ge [sflag:s18], $0x1000  }
0x32c: {  	[sflag:s18] =	ssyncset.done $0x0  }
0x32d: {  	[sflag:s18] =	ssyncadd.s32 $0xFFFFF000  }
0x32e: {  	[tilespmem:s21], [sflag:$0x1] =	stream.indirect.gather [hbm4b:s7+s20], $0x20, s28, s20, $0xb8;
	[tilespmem:$0x1B700] =	vst v63  }
0x32f: {  	s29 =	simm.s32 $0x180  }
0x330: {  	[tilespmem:s22], [sflag:$0x2] =	stream.indirect.gather [hbm4b:s7+s20], $0x20, s29, s20, $0xb8;
	[tilespmem:$0x1B700] =	vst v63  }
0x331: {  	_ =	swait.ge [sflag:s23], $0x1000  }
0x332: {  	[sflag:s23] =	ssyncset.done $0x0  }
0x333: {  	s30 =	simm.s32 $0x500;
	[sflag:s23] =	ssyncadd.s32 $0xFFFFF000  }
0x334: {  	[spmem:s1] =	stream.indirect.scatter.add.f32 [tilespmem:s21], [sflag:$0x3], $0x20, s30, s20, $0xb8;
	[tilespmem:$0x1B700] =	vst v63  }
0x335: {  	_ =	swait.ge [sflag:s18], $0x1000  }
0x336: {  	[sflag:s18] =	ssyncset.done $0x0  }
0x337: {  	[sflag:s18] =	ssyncadd.s32 $0xFFFFF000  }
0x338: {  	_ =	swait.ge [sflag:s24], $0x1000  }
0x339: {  	[sflag:s24] =	ssyncset.done $0x0  }
0x33a: {  	s31 =	simm.s32 $0x580;
	[sflag:s24] =	ssyncadd.s32 $0xFFFFF000  }
0x33b: {  	[spmem:s1] =	stream.indirect.scatter.add.f32 [tilespmem:s22], [sflag:$0x3], $0x20, s31, s20, $0xb8;
	[tilespmem:$0x1B700] =	vst v63  }
0x33c: {  	_ =	swait.ge [sflag:s18], $0x1000  }
0x33d: {  	[sflag:s18] =	ssyncset.done $0x0  }
0x33e: {  	s0 =	simm.s32 $0x200;
	[sflag:s18] =	ssyncadd.s32 $0xFFFFF000  }
0x33f: {  	[tilespmem:s21], [sflag:$0x1] =	stream.indirect.gather [hbm4b:s7+s20], $0x20, s0, s20, $0xb8;
	[tilespmem:$0x1B700] =	vst v63  }
0x340: {  	s2 =	simm.s32 $0x280  }
0x341: {  	[tilespmem:s22], [sflag:$0x2] =	stream.indirect.gather [hbm4b:s7+s20], $0x20, s2, s20, $0xb8;
	[tilespmem:$0x1B700] =	vst v63  }
0x342: {  	_ =	swait.ge [sflag:s23], $0x1000  }
0x343: {  	[sflag:s23] =	ssyncset.done $0x0  }
0x344: {  	s8 =	simm.s32 $0x600;
	[sflag:s23] =	ssyncadd.s32 $0xFFFFF000  }
0x345: {  	[spmem:s1] =	stream.indirect.scatter.add.f32 [tilespmem:s21], [sflag:$0x3], $0x20, s8, s20, $0xb8;
	[tilespmem:$0x1B700] =	vst v63  }
0x346: {  	_ =	swait.ge [sflag:s18], $0x1000  }
0x347: {  	[sflag:s18] =	ssyncset.done $0x0  }
0x348: {  	[sflag:s18] =	ssyncadd.s32 $0xFFFFF000  }
0x349: {  	_ =	swait.ge [sflag:s24], $0x1000  }
0x34a: {  	[sflag:s24] =	ssyncset.done $0x0  }
0x34b: {  	s9 =	simm.s32 $0x680;
	[sflag:s24] =	ssyncadd.s32 $0xFFFFF000  }
0x34c: {  	[spmem:s1] =	stream.indirect.scatter.add.f32 [tilespmem:s22], [sflag:$0x3], $0x20, s9, s20, $0xb8;
	[tilespmem:$0x1B700] =	vst v63  }
0x34d: {  	_ =	swait.ge [sflag:s18], $0x1000  }
0x34e: {  	[sflag:s18] =	ssyncset.done $0x0  }
0x34f: {  	s10 =	simm.s32 $0x300;
	[sflag:s18] =	ssyncadd.s32 $0xFFFFF000  }
0x350: {  	[tilespmem:s21], [sflag:$0x1] =	stream.indirect.gather [hbm4b:s7+s20], $0x20, s10, s20, $0xb8;
	[tilespmem:$0x1B700] =	vst v63  }
0x351: {  	s11 =	simm.s32 $0x380  }
0x352: {  	[tilespmem:s22], [sflag:$0x2] =	stream.indirect.gather [hbm4b:s7+s20], $0x20, s11, s20, $0xb8;
	[tilespmem:$0x1B700] =	vst v63  }
0x353: {  	_ =	swait.ge [sflag:s23], $0x1000  }
0x354: {  	[sflag:s23] =	ssyncset.done $0x0  }
0x355: {  	s12 =	simm.s32 $0x700;
	[sflag:s23] =	ssyncadd.s32 $0xFFFFF000  }
0x356: {  	[spmem:s1] =	stream.indirect.scatter.add.f32 [tilespmem:s21], [sflag:$0x3], $0x20, s12, s20, $0xb8;
	[tilespmem:$0x1B700] =	vst v63  }
0x357: {  	_ =	swait.ge [sflag:s18], $0x1000  }
0x358: {  	[sflag:s18] =	ssyncset.done $0x0  }
0x359: {  	[sflag:s18] =	ssyncadd.s32 $0xFFFFF000  }
0x35a: {  	_ =	swait.ge [sflag:s24], $0x1000  }
0x35b: {  	[sflag:s24] =	ssyncset.done $0x0  }
0x35c: {  	s28 =	simm.s32 $0x780;
	[sflag:s24] =	ssyncadd.s32 $0xFFFFF000  }
0x35d: {  	[spmem:s1] =	stream.indirect.scatter.add.f32 [tilespmem:s22], [sflag:$0x3], $0x20, s28, s20, $0xb8;
	[tilespmem:$0x1B700] =	vst v63  }
0x35e: {  	_ =	swait.ge [sflag:s18], $0x1000  }
0x35f: {  	s13 =	simm.s32 $0x80;
	s25 =	simm.s32 $0x100;
	[sflag:s18] =	ssyncset.done $0x0  }
.LBB2_18:
0x360: {  	s26 =	sadd.s32 s13, s16  }
0x361: {  	[sflag:s18] =	ssyncadd.s32 $0xFFFFF000;
	s28 =	smov.u32 s25;
	s17 =	sadd.s32 $0x80, s25  }
0x362: {  	[tilespmem:s3], [sflag:$0x3] =	stream.linear.gather [hbm4b:s26+s3], $0x400, $0x38;
	[tilespmem:$0x1B700] =	vst v63  }
0x363: {  	s26 =	simm.s32 $0x480  }
0x364: {  	p0 =	sne.s32 s25, $0xC00;
	_ =	swait.ge [sflag:s18], $0x400  }
0x365: {  	s25 =	sadd.s32 s13, s15;
	[sflag:s18] =	ssyncset.done $0x0  }
0x366: {  	s13 =	smov.u32 s28;
	s28 =	simm.s32 $0x100;
	[sflag:s18] =	ssyncadd.s32 $0xFFFFFC00  }
0x367: {  	[tilespmem:s19], [sflag:$0x3] =	stream.linear.gather [hbm4b:s25+s3], $0x400, $0x38;
	[tilespmem:$0x1B700] =	vst v63  }
0x368: {  	_ =	swait.ge [sflag:s18], $0x400  }
0x369: {  	[sflag:s18] =	ssyncset.done $0x0  }
0x36a: {  	[sflag:s18] =	ssyncadd.s32 $0xFFFFFC00  }
0x36b: {  	[tilespmem:s21], [sflag:$0x1] =	stream.indirect.gather [hbm4b:s7+s20], $0x20, s3, s20, $0xb8;
	[tilespmem:$0x1B700] =	vst v63  }
0x36c: {  	_ = 	snop  }
0x36d: {  	[tilespmem:s22], [sflag:$0x2] =	stream.indirect.gather [hbm4b:s7+s20], $0x20, s20, s20, $0xb8;
	[tilespmem:$0x1B700] =	vst v63  }
0x36e: {  	_ =	swait.ge [sflag:s23], $0x1000  }
0x36f: {  	[sflag:s23] =	ssyncset.done $0x0  }
0x370: {  	[sflag:s23] =	ssyncadd.s32 $0xFFFFF000  }
0x371: {  	[spmem:s1] =	stream.indirect.scatter.add.f32 [tilespmem:s21], [sflag:$0x3], $0x20, s19, s20, $0xb8;
	[tilespmem:$0x1B700] =	vst v63  }
0x372: {  	_ =	swait.ge [sflag:s18], $0x1000  }
0x373: {  	[sflag:s18] =	ssyncset.done $0x0  }
0x374: {  	[sflag:s18] =	ssyncadd.s32 $0xFFFFF000  }
0x375: {  	_ =	swait.ge [sflag:s24], $0x1000  }
0x376: {  	[sflag:s24] =	ssyncset.done $0x0  }
0x377: {  	[sflag:s24] =	ssyncadd.s32 $0xFFFFF000  }
0x378: {  	[spmem:s1] =	stream.indirect.scatter.add.f32 [tilespmem:s22], [sflag:$0x3], $0x20, s26, s20, $0xb8;
	[tilespmem:$0x1B700] =	vst v63  }
0x379: {  	_ =	swait.ge [sflag:s18], $0x1000  }
0x37a: {  	[sflag:s18] =	ssyncset.done $0x0  }
0x37b: {  	[sflag:s18] =	ssyncadd.s32 $0xFFFFF000  }
0x37c: {  	[tilespmem:s21], [sflag:$0x1] =	stream.indirect.gather [hbm4b:s7+s20], $0x20, s28, s20, $0xb8;
	[tilespmem:$0x1B700] =	vst v63  }
0x37d: {  	_ = 	snop  }
0x37e: {  	[tilespmem:s22], [sflag:$0x2] =	stream.indirect.gather [hbm4b:s7+s20], $0x20, s29, s20, $0xb8;
	[tilespmem:$0x1B700] =	vst v63  }
0x37f: {  	_ =	swait.ge [sflag:s23], $0x1000  }
0x380: {  	[sflag:s23] =	ssyncset.done $0x0  }
0x381: {  	[sflag:s23] =	ssyncadd.s32 $0xFFFFF000  }
0x382: {  	[spmem:s1] =	stream.indirect.scatter.add.f32 [tilespmem:s21], [sflag:$0x3], $0x20, s30, s20, $0xb8;
	[tilespmem:$0x1B700] =	vst v63  }
0x383: {  	_ =	swait.ge [sflag:s18], $0x1000  }
0x384: {  	[sflag:s18] =	ssyncset.done $0x0  }
0x385: {  	[sflag:s18] =	ssyncadd.s32 $0xFFFFF000  }
0x386: {  	_ =	swait.ge [sflag:s24], $0x1000  }
0x387: {  	[sflag:s24] =	ssyncset.done $0x0  }
0x388: {  	[sflag:s24] =	ssyncadd.s32 $0xFFFFF000  }
0x389: {  	[spmem:s1] =	stream.indirect.scatter.add.f32 [tilespmem:s22], [sflag:$0x3], $0x20, s31, s20, $0xb8;
	[tilespmem:$0x1B700] =	vst v63  }
0x38a: {  	_ =	swait.ge [sflag:s18], $0x1000  }
0x38b: {  	[sflag:s18] =	ssyncset.done $0x0  }
0x38c: {  	[sflag:s18] =	ssyncadd.s32 $0xFFFFF000  }
0x38d: {  	[tilespmem:s21], [sflag:$0x1] =	stream.indirect.gather [hbm4b:s7+s20], $0x20, s0, s20, $0xb8;
	[tilespmem:$0x1B700] =	vst v63  }
0x38e: {  	_ = 	snop  }
0x38f: {  	[tilespmem:s22], [sflag:$0x2] =	stream.indirect.gather [hbm4b:s7+s20], $0x20, s2, s20, $0xb8;
	[tilespmem:$0x1B700] =	vst v63  }
0x390: {  	_ =	swait.ge [sflag:s23], $0x1000  }
0x391: {  	[sflag:s23] =	ssyncset.done $0x0  }
0x392: {  	[sflag:s23] =	ssyncadd.s32 $0xFFFFF000  }
0x393: {  	[spmem:s1] =	stream.indirect.scatter.add.f32 [tilespmem:s21], [sflag:$0x3], $0x20, s8, s20, $0xb8;
	[tilespmem:$0x1B700] =	vst v63  }
0x394: {  	_ =	swait.ge [sflag:s18], $0x1000  }
0x395: {  	[sflag:s18] =	ssyncset.done $0x0  }
0x396: {  	[sflag:s18] =	ssyncadd.s32 $0xFFFFF000  }
0x397: {  	_ =	swait.ge [sflag:s24], $0x1000  }
0x398: {  	[sflag:s24] =	ssyncset.done $0x0  }
0x399: {  	[sflag:s24] =	ssyncadd.s32 $0xFFFFF000  }
0x39a: {  	[spmem:s1] =	stream.indirect.scatter.add.f32 [tilespmem:s22], [sflag:$0x3], $0x20, s9, s20, $0xb8;
	[tilespmem:$0x1B700] =	vst v63  }
0x39b: {  	_ =	swait.ge [sflag:s18], $0x1000  }
0x39c: {  	[sflag:s18] =	ssyncset.done $0x0  }
0x39d: {  	[sflag:s18] =	ssyncadd.s32 $0xFFFFF000  }
0x39e: {  	[tilespmem:s21], [sflag:$0x1] =	stream.indirect.gather [hbm4b:s7+s20], $0x20, s10, s20, $0xb8;
	[tilespmem:$0x1B700] =	vst v63  }
0x39f: {  	_ = 	snop  }
0x3a0: {  	[tilespmem:s22], [sflag:$0x2] =	stream.indirect.gather [hbm4b:s7+s20], $0x20, s11, s20, $0xb8;
	[tilespmem:$0x1B700] =	vst v63  }
0x3a1: {  	_ =	swait.ge [sflag:s23], $0x1000  }
0x3a2: {  	[sflag:s23] =	ssyncset.done $0x0  }
0x3a3: {  	[sflag:s23] =	ssyncadd.s32 $0xFFFFF000  }
0x3a4: {  	[spmem:s1] =	stream.indirect.scatter.add.f32 [tilespmem:s21], [sflag:$0x3], $0x20, s12, s20, $0xb8;
	[tilespmem:$0x1B700] =	vst v63  }
0x3a5: {  	_ =	swait.ge [sflag:s18], $0x1000  }
0x3a6: {  	[sflag:s18] =	ssyncset.done $0x0  }
0x3a7: {  	[sflag:s18] =	ssyncadd.s32 $0xFFFFF000  }
0x3a8: {  	_ =	swait.ge [sflag:s24], $0x1000  }
.Ltmp8:
0x3a9: {  	[sflag:s24] =	ssyncset.done $0x0;
	(pc) =	sbr.rel @p0 .LBB2_18-.Ltmp8, $4  }
0x3aa: {  	s25 =	simm.s32 $0x780;
	[sflag:s24] =	ssyncadd.s32 $0xFFFFF000  }
0x3ab: {  	[spmem:s1] =	stream.indirect.scatter.add.f32 [tilespmem:s22], [sflag:$0x3], $0x20, s25, s20, $0xb8;
	[tilespmem:$0x1B700] =	vst v63  }
0x3ac: {  	_ =	swait.ge [sflag:s18], $0x1000  }
0x3ad: {  	s25 =	smov.u32 s17;
	[sflag:s18] =	ssyncset.done $0x0  }
0x3ae: {  	s17 =	sadd.s32 s13, s16;
	[sflag:s18] =	ssyncadd.s32 $0xFFFFF000  }
0x3af: {  	[tilespmem:s3], [sflag:$0x3] =	stream.linear.gather [hbm4b:s17+s3], $0x400, $0x38;
	[tilespmem:$0x1B700] =	vst v63  }
0x3b0: {  	_ =	swait.ge [sflag:s18], $0x400  }
0x3b1: {  	[sflag:s18] =	ssyncset.done $0x0  }
0x3b2: {  	s25 =	sadd.s32 s13, s15;
	[sflag:s18] =	ssyncadd.s32 $0xFFFFFC00  }
0x3b3: {  	[tilespmem:s19], [sflag:$0x3] =	stream.linear.gather [hbm4b:s25+s3], $0x400, $0x38;
	[tilespmem:$0x1B700] =	vst v63  }
0x3b4: {  	_ =	swait.ge [sflag:s18], $0x400  }
0x3b5: {  	[sflag:s18] =	ssyncset.done $0x0  }
0x3b6: {  	[sflag:s18] =	ssyncadd.s32 $0xFFFFFC00  }
0x3b7: {  	[tilespmem:s21], [sflag:$0x1] =	stream.indirect.gather [hbm4b:s7+s20], $0x20, s3, s20, $0xb8;
	[tilespmem:$0x1B700] =	vst v63  }
0x3b8: {  	_ = 	snop  }
0x3b9: {  	[tilespmem:s22], [sflag:$0x2] =	stream.indirect.gather [hbm4b:s7+s20], $0x20, s20, s20, $0xb8;
	[tilespmem:$0x1B700] =	vst v63  }
0x3ba: {  	_ =	swait.ge [sflag:s23], $0x1000  }
0x3bb: {  	[sflag:s23] =	ssyncset.done $0x0  }
0x3bc: {  	[sflag:s23] =	ssyncadd.s32 $0xFFFFF000  }
0x3bd: {  	[spmem:s1] =	stream.indirect.scatter.add.f32 [tilespmem:s21], [sflag:$0x3], $0x20, s19, s20, $0xb8;
	[tilespmem:$0x1B700] =	vst v63  }
0x3be: {  	_ =	swait.ge [sflag:s18], $0x1000  }
0x3bf: {  	[sflag:s18] =	ssyncset.done $0x0  }
0x3c0: {  	[sflag:s18] =	ssyncadd.s32 $0xFFFFF000  }
0x3c1: {  	_ =	swait.ge [sflag:s24], $0x1000  }
0x3c2: {  	[sflag:s24] =	ssyncset.done $0x0  }
0x3c3: {  	[sflag:s24] =	ssyncadd.s32 $0xFFFFF000  }
0x3c4: {  	[spmem:s1] =	stream.indirect.scatter.add.f32 [tilespmem:s22], [sflag:$0x3], $0x20, s26, s20, $0xb8;
	[tilespmem:$0x1B700] =	vst v63  }
0x3c5: {  	_ =	swait.ge [sflag:s18], $0x1000  }
0x3c6: {  	[sflag:s18] =	ssyncset.done $0x0  }
0x3c7: {  	[sflag:s18] =	ssyncadd.s32 $0xFFFFF000  }
0x3c8: {  	[tilespmem:s21], [sflag:$0x1] =	stream.indirect.gather [hbm4b:s7+s20], $0x20, s28, s20, $0xb8;
	[tilespmem:$0x1B700] =	vst v63  }
0x3c9: {  	_ = 	snop  }
0x3ca: {  	[tilespmem:s22], [sflag:$0x2] =	stream.indirect.gather [hbm4b:s7+s20], $0x20, s29, s20, $0xb8;
	[tilespmem:$0x1B700] =	vst v63  }
0x3cb: {  	_ =	swait.ge [sflag:s23], $0x1000  }
0x3cc: {  	[sflag:s23] =	ssyncset.done $0x0  }
0x3cd: {  	[sflag:s23] =	ssyncadd.s32 $0xFFFFF000  }
0x3ce: {  	[spmem:s1] =	stream.indirect.scatter.add.f32 [tilespmem:s21], [sflag:$0x3], $0x20, s30, s20, $0xb8;
	[tilespmem:$0x1B700] =	vst v63  }
0x3cf: {  	_ =	swait.ge [sflag:s18], $0x1000  }
0x3d0: {  	[sflag:s18] =	ssyncset.done $0x0  }
0x3d1: {  	[sflag:s18] =	ssyncadd.s32 $0xFFFFF000  }
0x3d2: {  	_ =	swait.ge [sflag:s24], $0x1000  }
0x3d3: {  	[sflag:s24] =	ssyncset.done $0x0  }
0x3d4: {  	[sflag:s24] =	ssyncadd.s32 $0xFFFFF000  }
0x3d5: {  	[spmem:s1] =	stream.indirect.scatter.add.f32 [tilespmem:s22], [sflag:$0x3], $0x20, s31, s20, $0xb8;
	[tilespmem:$0x1B700] =	vst v63  }
0x3d6: {  	_ =	swait.ge [sflag:s18], $0x1000  }
0x3d7: {  	[sflag:s18] =	ssyncset.done $0x0  }
0x3d8: {  	[sflag:s18] =	ssyncadd.s32 $0xFFFFF000  }
0x3d9: {  	[tilespmem:s21], [sflag:$0x1] =	stream.indirect.gather [hbm4b:s7+s20], $0x20, s0, s20, $0xb8;
	[tilespmem:$0x1B700] =	vst v63  }
0x3da: {  	_ = 	snop  }
0x3db: {  	[tilespmem:s22], [sflag:$0x2] =	stream.indirect.gather [hbm4b:s7+s20], $0x20, s2, s20, $0xb8;
	[tilespmem:$0x1B700] =	vst v63  }
0x3dc: {  	_ =	swait.ge [sflag:s23], $0x1000  }
0x3dd: {  	[sflag:s23] =	ssyncset.done $0x0  }
0x3de: {  	[sflag:s23] =	ssyncadd.s32 $0xFFFFF000  }
0x3df: {  	[spmem:s1] =	stream.indirect.scatter.add.f32 [tilespmem:s21], [sflag:$0x3], $0x20, s8, s20, $0xb8;
	[tilespmem:$0x1B700] =	vst v63  }
0x3e0: {  	_ =	swait.ge [sflag:s18], $0x1000  }
0x3e1: {  	[sflag:s18] =	ssyncset.done $0x0  }
0x3e2: {  	[sflag:s18] =	ssyncadd.s32 $0xFFFFF000  }
0x3e3: {  	_ =	swait.ge [sflag:s24], $0x1000  }
0x3e4: {  	[sflag:s24] =	ssyncset.done $0x0  }
0x3e5: {  	[sflag:s24] =	ssyncadd.s32 $0xFFFFF000  }
0x3e6: {  	[spmem:s1] =	stream.indirect.scatter.add.f32 [tilespmem:s22], [sflag:$0x3], $0x20, s9, s20, $0xb8;
	[tilespmem:$0x1B700] =	vst v63  }
0x3e7: {  	_ =	swait.ge [sflag:s18], $0x1000  }
0x3e8: {  	[sflag:s18] =	ssyncset.done $0x0  }
0x3e9: {  	[sflag:s18] =	ssyncadd.s32 $0xFFFFF000  }
0x3ea: {  	[tilespmem:s21], [sflag:$0x1] =	stream.indirect.gather [hbm4b:s7+s20], $0x20, s10, s20, $0xb8;
	[tilespmem:$0x1B700] =	vst v63  }
0x3eb: {  	_ = 	snop  }
0x3ec: {  	[tilespmem:s22], [sflag:$0x2] =	stream.indirect.gather [hbm4b:s7+s20], $0x20, s11, s20, $0xb8;
	[tilespmem:$0x1B700] =	vst v63  }
0x3ed: {  	_ =	swait.ge [sflag:s23], $0x1000  }
0x3ee: {  	[sflag:s23] =	ssyncset.done $0x0  }
0x3ef: {  	[sflag:s23] =	ssyncadd.s32 $0xFFFFF000  }
0x3f0: {  	[spmem:s1] =	stream.indirect.scatter.add.f32 [tilespmem:s21], [sflag:$0x3], $0x20, s12, s20, $0xb8;
	[tilespmem:$0x1B700] =	vst v63  }
0x3f1: {  	_ =	swait.ge [sflag:s18], $0x1000  }
0x3f2: {  	[sflag:s18] =	ssyncset.done $0x0  }
0x3f3: {  	[sflag:s18] =	ssyncadd.s32 $0xFFFFF000  }
0x3f4: {  	_ =	swait.ge [sflag:s24], $0x1000  }
0x3f5: {  	[sflag:s24] =	ssyncset.done $0x0  }
0x3f6: {  	s13 =	simm.s32 $0x780;
	[sflag:s24] =	ssyncadd.s32 $0xFFFFF000  }
0x3f7: {  	[spmem:s1] =	stream.indirect.scatter.add.f32 [tilespmem:s22], [sflag:$0x3], $0x20, s13, s20, $0xb8;
	[tilespmem:$0x1B700] =	vst v63  }
0x3f8: {  	_ =	swait.ge [sflag:s18], $0x1000  }
0x3f9: {  	[sflag:s18] =	ssyncset.done $0x0  }
0x3fa: {  	[sflag:s18] =	ssyncadd.s32 $0xFFFFF000  }
0x3fb: {  	[bflag:$0x0] =	sbarrier.arrive $0xFFFF  }
0x3fc: {  	s17 =	rddreg [dreg:$0x7]  }
0x3fd: {  	s25 =	rddreg [dreg:$0xa]  }
0x3fe: {  	s29 =	rddreg [dreg:$0xb]  }
0x3ff: {  	[hbm:s17], [sflag:s25] =	dma.local [spmem:s29], $0x30E0  }
0x400: {  	_ =	swait.ge [sflag:s18], $0x30E0  }
0x401: {  	s30 =	rddreg [dreg:$0x9]  }
0x402: {  	s31 =	rddreg [dreg:$0x8];
	s0 =	sadd.s32 $0x1, s30  }
0x403: {  	p0 =	sne.s32 s0, s31  }
.Ltmp9:
0x404: {  	_ = 	snop;
	(pc) =	sbr.rel @p0 .LBB2_1-.Ltmp9, $3  }
0x405: {  	_ =	sdelay $0x1  }
0x406: {  	[sflag:s18] =	ssyncset.done $0x0  }
0x407: {  	s25 =	simm.s32 $0x2800;
	[sflag:s18] =	ssyncadd.s32 $0xFFFFCF20  }
0x408: {  	_ =	sfence.sel $0x180000  }
0x409: {  	[bflag:$0x0] =	sbarrier.arrive $0xFFFF  }
0x40a: {  	_ =	strace $0x9000004D  }
0x40b: {  	s0 =	stileid.u32;
	[bflag:$0x2] =	sbarrier.arrive $0xFFFF  }
0x40c: {  	p0 =	sne.s32 s0, $0x0;
	s0 =	rddreg [dreg:$0x2]  }
0x40d: {  	s0 =	sadd.s32 @!p0 $0x100000, s0  }
0x40e: {  	[sflag:s0] =	ssyncadd.tile.s32 @!p0 $0x1;
	_ =	shalt  }
.Lfunc_end2:
_tile_overlayer_lowered:
.L_overlay_start_2:
0x40f: {  	(tag) =	ssettag $0x2  }
0x410: {  	s0 =	rddreg [dreg:$0x0];
	s2 =	stileid.u32  }
0x411: {  	s1 =	rddreg [dreg:$0x1];
	p0 =	sne.s32 s2, $0x0  }
0x412: {  	s3 =	rddreg [dreg:$0x2];
	[bflag:$0x3] =	sbarrier.arrive $0xFFFF;
	s2 =	simm.s32 @!p0 $0x1C03  }
0x413: {  	[timem:s3], [sflag:s2] =	dma.local @!p0 [hbm:s0], s1  }
0x414: {  	s0 =	simm.s32 @!p0 $0x3  }
0x415: {  	_ =	swait.ge @!p0 [sflag:s0], s1  }
0x416: {  	s1 =	ssub.s32 @!p0 $0x0, s1;
	[sflag:s0] =	ssyncset.done @!p0 $0x0  }
0x417: {  	[sflag:s0] =	ssyncadd.s32 @!p0 s1  }
0x418: {  	[bflag:$0x3] =	sbarrier.arrive $0xFFFF  }
0x419: {  	_ =	shalt  }

// kernel: kernel.8.cloned.1.call-start
scs
__scs_entry_jumppad:
0x0: {  	(pc) =	sbr.rel $0x88, $3  }
0x1: {  	(tag) =	ssettag $0x0;
	lr =	simm.s32 $0x1  }
0x2: {  	[smem:$0x3F98] =	sst lr;
	_ =	strace $0xD0000000  }
0x3: {  	_ = 	snop  }
0x4: {  	_ = 	snop  }
0x5: {  	_ = 	snop  }
0x6: {  	_ = 	snop  }
0x7: {  	_ = 	snop  }
__scs_overlays_trampoline_lowered:
0x8: {  	[smem:$0x3FA7] =	sst s0  }
0x9: {  	[smem:$0x3FA8] =	sst s1  }
0xa: {  	[smem:$0x3FA9] =	sst s2  }
0xb: {  	[smem:$0x3FAA] =	sst s3  }
0xc: {  	[smem:$0x3FAB] =	sst s4  }
0xd: {  	[smem:$0x3FAC] =	sst s5  }
0xe: {  	[smem:$0x3FAD] =	sst s6  }
0xf: {  	[smem:$0x3FAE] =	sst s7  }
0x10: {  	[smem:$0x3FAF] =	sst s8  }
0x11: {  	[smem:$0x3FB0] =	sst s9;
	s0 =	simm.s32 @!p0 $0x0  }
0x12: {  	s1 =	sld [smem:$0x3F96];
	s0 =	simm.s32 @p0 $0x1  }
0x13: {  	[smem:$0x3FB1] =	sst s0;
	s0 =	simm.s32 @!p1 $0x0  }
0x14: {  	s2 =	sld [smem:$0x3F95];
	s0 =	simm.s32 @p1 $0x1  }
0x15: {  	[smem:$0x3FB2] =	sst s0;
	s0 =	simm.s32 @!p2 $0x0  }
0x16: {  	s3 =	sld [smem:$0x3FDB];
	s0 =	simm.s32 @p2 $0x1  }
0x17: {  	s4 =	simm.s32 $0x1BF5;
	[smem:$0x3FB4] =	sst s0  }
0x18: {  	s0 =	sld [smem:$0x3F97];
	_ =	swait.ge [sflag:s4], $0x0  }
0x19: {  	s7 =	sld [smem:$0x3F98]  }
0x1a: {  	s8 =	sadd.s32 $0xFFFFE003, lr  }
0x1b: {  	s9 =	sadd.s32 $0xFFFFFEF7, lr;
	s5 =	simm.s32 $0xFFFFFFFF;
	p2 =	slt.u32 s8, $0xFFFFF086  }
0x1c: {  	p1 =	slt.u32 s9, $0xF7A;
	s5 =	simm.s32 @!p2 $0x0  }
0x1d: {  	s5 =	simm.s32 @p1 $0x1;
	p0 =	seq.s32 s7, s2  }
0x1e: {  	s7 =	smul.u32 @!p0 $0xF7A, s2;
	p2 =	seq.s32 @!p0 s5, $0x0  }
0x1f: {  	s9 =	smul.u32 $0xF7A, s1;
	s8 =	simm.s32 @!p0 $0x1BF5;
	p2 =	por !p2, p0  }
0x20: {  	[sflag:s8] =	ssyncset.s32 @!p0 $0xFFFFF086;
	s6 =	sadd.s32 @!p0 s3, s7;
	s7 =	simm.s32 @!p0 $0x108  }
0x21: {  	s3 =	sadd.s32 s3, s9;
	s6 =	sadd.s32 @!p0 $0x88, s6;
	s7 =	simm.s32 @p2 $0x1082  }
0x22: {  	[simem:s7], [sflag:s8] =	dma.local @!p0 [hbm:s6], $0xF7A  }
0x23: {  	s9 =	sor.u32 $0xD0000000, s2;
	s6 =	simm.s32 $0x108;
	_ =	swait.ge @!p0 [sflag:s8], $0x0  }
0x24: {  	s3 =	sadd.s32 $0x88, s3;
	s6 =	simm.s32 @!p1 $0x1082;
	[sflag:s4] =	ssyncset.s32 $0xFFFFF086  }
0x25: {  	[simem:s6], [sflag:s4] =	dma.local [hbm:s3], $0xF7A  }
0x26: {  	[smem:$0x3F98] =	sst s1;
	(tag) =	ssettag s2;
	_ =	strace s9  }
0x27: {  	s1 =	sld [smem:$0x3FA8]  }
0x28: {  	s2 =	sld [smem:$0x3FA9]  }
0x29: {  	s4 =	sld [smem:$0x3FAB]  }
0x2a: {  	p0 =	seq.s32 s5, $0x0;
	s5 =	sld [smem:$0x3FAC]  }
0x2b: {  	s6 =	sld [smem:$0x3FAD]  }
0x2c: {  	s7 =	sld [smem:$0x3FAE]  }
0x2d: {  	s3 =	simm.s32 $0x108;
	s8 =	sld [smem:$0x3FAF]  }
0x2e: {  	s3 =	simm.s32 @!p0 $0x1082;
	s9 =	sld [smem:$0x3FB0]  }
0x2f: {  	lr =	sadd.s32 s0, s3;
	s0 =	sld [smem:$0x3FA7]  }
0x30: {  	s3 =	sld [smem:$0x3FAA]  }
0x31: {  	[smem:$0x3FB3] =	sst s10  }
0x32: {  	s10 =	sld [smem:$0x3FB1];
	_ =	sdelay $0x3  }
0x33: {  	p0 =	seq.s32 s10, $0x1;
	s10 =	sld [smem:$0x3FB3];
	_ =	sdelay $0x3  }
0x34: {  	[smem:$0x3FB3] =	sst s10  }
0x35: {  	s10 =	sld [smem:$0x3FB2];
	_ =	sdelay $0x3  }
0x36: {  	p1 =	seq.s32 s10, $0x1;
	s10 =	sld [smem:$0x3FB3];
	_ =	sdelay $0x3  }
0x37: {  	[smem:$0x3FB3] =	sst s10  }
0x38: {  	s10 =	sld [smem:$0x3FB4]  }
0x39: {  	_ = 	snop;
	(pc) =	sbr.ind lr, $3  }
0x3a: {  	_ = 	snop  }
0x3b: {  	_ = 	snop  }
0x3c: {  	p2 =	seq.s32 s10, $0x1;
	s10 =	sld [smem:$0x3FB3]  }
0x3d: {  	_ =	shalt  }
0x3e: {  	_ =	shalt  }
0x3f: {  	_ =	shalt  }
0x40: {  	_ =	shalt  }
0x41: {  	_ =	shalt  }
0x42: {  	_ =	shalt  }
0x43: {  	_ =	shalt  }
0x44: {  	_ =	shalt  }
0x45: {  	_ =	shalt  }
0x46: {  	_ =	shalt  }
0x47: {  	_ =	shalt  }
0x48: {  	_ =	shalt  }
0x49: {  	_ =	shalt  }
0x4a: {  	_ =	shalt  }
0x4b: {  	_ =	shalt  }
0x4c: {  	_ =	shalt  }
0x4d: {  	_ =	shalt  }
0x4e: {  	_ =	shalt  }
0x4f: {  	_ =	shalt  }
0x50: {  	_ =	shalt  }
0x51: {  	_ =	shalt  }
0x52: {  	_ =	shalt  }
0x53: {  	_ =	shalt  }
0x54: {  	_ =	shalt  }
0x55: {  	_ =	shalt  }
0x56: {  	_ =	shalt  }
0x57: {  	_ =	shalt  }
0x58: {  	_ =	shalt  }
0x59: {  	_ =	shalt  }
0x5a: {  	_ =	shalt  }
0x5b: {  	_ =	shalt  }
0x5c: {  	_ =	shalt  }
0x5d: {  	_ =	shalt  }
0x5e: {  	_ =	shalt  }
0x5f: {  	_ =	shalt  }
0x60: {  	_ =	shalt  }
0x61: {  	_ =	shalt  }
0x62: {  	_ =	shalt  }
0x63: {  	_ =	shalt  }
0x64: {  	_ =	shalt  }
0x65: {  	_ =	shalt  }
0x66: {  	_ =	shalt  }
0x67: {  	_ =	shalt  }
0x68: {  	_ =	shalt  }
0x69: {  	_ =	shalt  }
0x6a: {  	_ =	shalt  }
0x6b: {  	_ =	shalt  }
0x6c: {  	_ =	shalt  }
0x6d: {  	_ =	shalt  }
0x6e: {  	_ =	shalt  }
0x6f: {  	_ =	shalt  }
0x70: {  	_ =	shalt  }
0x71: {  	_ =	shalt  }
0x72: {  	_ =	shalt  }
0x73: {  	_ =	shalt  }
0x74: {  	_ =	shalt  }
0x75: {  	_ =	shalt  }
0x76: {  	_ =	shalt  }
0x77: {  	_ =	shalt  }
0x78: {  	_ =	shalt  }
0x79: {  	_ =	shalt  }
0x7a: {  	_ =	shalt  }
0x7b: {  	_ =	shalt  }
0x7c: {  	_ =	shalt  }
0x7d: {  	_ =	shalt  }
0x7e: {  	_ =	shalt  }
0x7f: {  	_ =	shalt  }
0x80: {  	_ =	shalt  }
0x81: {  	_ =	shalt  }
0x82: {  	_ =	shalt  }
0x83: {  	_ =	shalt  }
0x84: {  	_ =	shalt  }
0x85: {  	_ =	shalt  }
0x86: {  	_ =	shalt  }
0x87: {  	_ =	shalt  }
.Lfunc_end0:
.L_simem_size_0:
called_computation_lowered:
.L_overlay_start_0:
0x88: {  	s2 =	sld [smem:$0x3FD9]  }
0x89: {  	s3 =	sld [smem:$0x3FFE];
	_ =	sdelay $0x1  }
0x8a: {  	s1 =	srdreg.scid  }
0x8b: {  	s0 =	sand.u32 $0x1, s1  }
0x8c: {  	s16 =	sshll.u32 s0, $0xA;
	s2 =	sadd.s32 s3, s2  }
0x8d: {  	s2 =	sadd.s32 s2, s16  }
0x8e: {  	[smem:$0x3FBF] =	sst s2  }
0x8f: {  	_ = 	snop  }
0x90: {  	(tm) =	ssettm $0x1  }
0x91: {  	s17 =	sld [smem:$0x3FFB];
	_ =	sdelay $0x3  }
0x92: {  	_ =	strace s17  }
0x93: {  	s2 =	sld [smem:$0x3FFC];
	_ =	sdelay $0x3  }
0x94: {  	_ =	strace s2  }
0x95: {  	s2 =	sld [smem:$0x3FFD];
	_ =	sdelay $0x3  }
0x96: {  	_ =	strace s2  }
0x97: {  	_ =	strace $0x8FFFFFFF  }
0x98: {  	s18 =	sld [smem:$0x3FDB];
	_ =	sdelay $0x1  }
0x99: {  	s19 =	simm.s32 $_scs_section_size  }
0x9a: {  	s4 =	simm.s32 $_size__tile_overlayer_lowered;
	s5 =	simm.s32 $_tile_overlayer_lowered  }
0x9b: {  	s22 =	simm.s32 $0x1BFF;
	s21 =	sshll.u32 s5, $0x1;
	s2 =	sadd.s32 s19, s18  }
0x9c: {  	s6 =	simm.s32 $0x0;
	s20 =	sshll.u32 s4, $0x1;
	s4 =	sadd.s32 s21, s2  }
0x9d: {  	[timem:s6], [sflag:s22] =	dma.local [hbm:s4], s20  }
0x9e: {  	_ =	swait.ge [sflag:s22], s20  }
0x9f: {  	s3 =	ssub.s32 $0x0, s20;
	[sflag:s22] =	ssyncset.done $0x0  }
0xa0: {  	[sflag:s22] =	ssyncadd.s32 s3;
	_ =	sdelay $0x1  }
0xa1: {  	s23 =	simm.s32 $0x1B8B  }
0xa2: {  	_ =	swait.ge [sflag:s23], $0x1  }
0xa3: {  	[sflag:s23] =	ssyncset.done $0x0  }
0xa4: {  	s25 =	simm.s32 $0x1B8E;
	s24 =	sld [smem:$0x3FFE];
	[sflag:s23] =	ssyncadd.s32 $0xFFFFFFFF  }
0xa5: {  	s26 =	simm.s32 $execute0_lowered;
	[smem:$0x3FD2] =	sst s25  }
0xa6: {  	s4 =	sshll.u32 s26, $0x1;
	_ =	strace $0x80000046;
	[dreg:$0x1] =	wrdreg $0xFFFFFFFF  }
0xa7: {  	s28 =	simm.s32 $_size_execute0_lowered;
	s2 =	sadd.s32 s2, s4;
	[dreg:$0x0] =	wrdreg $0x0  }
0xa8: {  	s4 =	sshll.u32 s28, $0x1;
	[dreg:$0x2] =	wrdreg s2  }
0xa9: {  	[dreg:$0x3] =	wrdreg s4  }
0xaa: {  	[dreg:$0x4] =	wrdreg $0xC0  }
0xab: {  	_ =	task [dreg:s6], $0x5FFFF  }
0xac: {  	[dreg:$0x1] =	wrdreg $0xFFFFFFFF  }
0xad: {  	[dreg:$0x0] =	wrdreg $0x60  }
0xae: {  	[dreg:$0x2] =	wrdreg s24  }
0xaf: {  	[dreg:$0x3] =	wrdreg $0xF800  }
0xb0: {  	[dreg:$0x4] =	wrdreg $0x9  }
0xb1: {  	_ =	task.clear_ibuf [dreg:s6], $0x5FFFF;
	_ =	strace $0x90000046  }
0xb2: {  	s29 =	simm.s32 $0x9;
	_ =	strace $0x80000048  }
0xb3: {  	_ =	swait.ge [sflag:s29], $0x1  }
0xb4: {  	[sflag:s29] =	ssyncadd.s32 $0xFFFFFFFF  }
0xb5: {  	_ =	strace $0x90000048  }
0xb6: {  	_ =	sfence  }
0xb7: {  	s30 =	sld [smem:$0x0];
	_ =	sdelay $0x2  }
0xb8: {  	s31 =	sshll.u32 s1, $0xD;
	s1 =	sshrl.u32 s1, $0x2  }
0xb9: {  	s3 =	sand.u32 $0x4000, s31;
	s1 =	sadd.s32 s1, s30  }
0xba: {  	s0 =	sor.u32 s3, s0;
	s1 =	sshll.u32 s1, $0x11  }
0xbb: {  	s0 =	sor.u32 s1, s0  }
0xbc: {  	s0 =	sadd.s32 $0x8F2B, s0  }
0xbd: {  	[sflag:s0] =	ssyncadd.remote.s32 $0x1  }
0xbe: {  	_ =	sfence.sel $0xFFFF  }
0xbf: {  	[dreg:$0x0] =	wrdreg $0xFFFFFFFF;
	(pc) =	sbr.abs _section_cstart, $3  }
0xc0: {  	[dreg:$0x1] =	wrdreg $0xFFFFFFFF  }
0xc1: {  	_ =	task.clear_ibuf [dreg:s6], $0x2FFFF;
	_ =	strace $0x9FFFFFFF  }
0xc2: {  	(tm) =	ssettm $0x7FFFFFFF  }
0xc3: {  	_ =	shalt  }
tec
execute0_lowered:
.L_overlay_start_1:
0x0: {  	(tag) =	ssettag $0x1  }
0x1: {  	s4 =	rddreg [dreg:$0x0]  }
0x2: {  	s2 =	rddreg [dreg:$0x1]  }
0x3: {  	s0 =	srdreg.scid;
	s1 =	rddreg [dreg:$0x2];
	s3 =	simm.s32 $0x0  }
0x4: {  	s12 =	simm.s32 $0x100;
	s13 =	simm.s32 $0x180;
	s5 =	sand.u32 $0x1, s0  }
0x5: {  	s14 =	simm.s32 $0x200;
	s0 =	stileid.u32;
	s6 =	smul.u32 $0x64000, s5  }
0x6: {  	s15 =	simm.s32 $0x280;
	s16 =	simm.s32 $0x300;
	s7 =	smul.u32 $0x6400, s0  }
0x7: {  	s17 =	simm.s32 $0x380;
	s19 =	simm.s32 $0x0;
	s8 =	smul.u32 $0xC3800, s5  }
0x8: {  	[smem:$0x7FF] =	sst s3;
	s9 =	smul.u32 $0xC380, s0;
	s5 =	ssub.s32 $0x2, s5  }
0x9: {  	_ =	strace $0x80000047;
	s10 =	smul.u32 $0x31000, s0;
	s30 =	sshrl.u32 s5, $0x1  }
0xa: {  	s6 =	sadd.s32 s7, s6;
	s29 =	sadd.s32 s9, s8;
	s5 =	ssub.s32 s5, s30  }
0xb: {  	s18 =	sadd.s32 s9, s2;
	s31 =	sshrl.u32 s10, $0x2;
	s8 =	simm.s32 $0xC00  }
0xc: {  	s9 =	simm.s32 $0x1;
	s10 =	simm.s32 $0x80;
	s6 =	sshrl.u32 s6, $0x3  }
0xd: {  	s7 =	sshrl.u32 s29, $0x3;
	s5 =	smax.u32 s5, $0x1;
	s18 =	sshrl.u32 s18, $0x3  }
0xe: {  	s11 =	sadd.s32 s6, s4;
	s4 =	sadd.s32 s7, s4;
	s6 =	sadd.s32 s31, s2  }
0xf: {  	v0 =	vimm.f32 $1.000000000e+00;
	v1 =	vimm.f32 $0.0e+00;
	s4 =	sadd.s32 $0x1D800, s4;
	s7 =	sadd.s32 $0x4800, s11;
	s11 =	simm.s32 $0x400  }
.LBB2_1:
0x10: {  	s20 =	simm.s32 $0x410  }
0x11: {  	s21 =	simm.s32 $0x0;
	[tilespmem:s20+$0xFFFFFFF0] =	vst v0  }
.LBB2_2:
0x12: {  	s21 =	sadd.s32 $0x2, s21  }
0x13: {  	p0 =	slt.u32 s21, $0x7E  }
.Ltmp0:
0x14: {  	_ = 	snop;
	(pc) =	sbr.rel @p0 .LBB2_2-.Ltmp0, $3  }
0x15: {  	_ =	sdelay $0x1  }
0x16: {  	[tilespmem:s20+$0x0] =	vst v0;
	s20 =	sadd.s32 $0x20, s20  }
0x17: {  	[tilespmem:s20+$0xFFFFFFF0] =	vst v0  }
0x18: {  	[tilespmem:s20+$0x0] =	vst v0  }
0x19: {  	[tilespmem:$0xC00] =	vst v1  }
0x1a: {  	[tilespmem:$0xC10] =	vst v1  }
0x1b: {  	[tilespmem:$0xC20] =	vst v1  }
0x1c: {  	[tilespmem:$0xC30] =	vst v1  }
0x1d: {  	[tilespmem:$0xC40] =	vst v1  }
0x1e: {  	[tilespmem:$0xC50] =	vst v1  }
0x1f: {  	[tilespmem:$0xC60] =	vst v1  }
0x20: {  	[tilespmem:$0xC70] =	vst v1  }
0x21: {  	[tilespmem:$0xC80] =	vst v1  }
0x22: {  	[tilespmem:$0xC90] =	vst v1  }
0x23: {  	[tilespmem:$0xCA0] =	vst v1  }
0x24: {  	[tilespmem:$0xCB0] =	vst v1  }
0x25: {  	[tilespmem:$0xCC0] =	vst v1  }
0x26: {  	[tilespmem:$0xCD0] =	vst v1  }
0x27: {  	[tilespmem:$0xCE0] =	vst v1  }
0x28: {  	[tilespmem:$0xCF0] =	vst v1  }
0x29: {  	[tilespmem:$0xD00] =	vst v1  }
0x2a: {  	[tilespmem:$0xD10] =	vst v1  }
0x2b: {  	[tilespmem:$0xD20] =	vst v1  }
0x2c: {  	[tilespmem:$0xD30] =	vst v1  }
0x2d: {  	[tilespmem:$0xD40] =	vst v1  }
0x2e: {  	[tilespmem:$0xD50] =	vst v1  }
0x2f: {  	[tilespmem:$0xD60] =	vst v1  }
0x30: {  	[tilespmem:$0xD70] =	vst v1  }
0x31: {  	[tilespmem:$0xD80] =	vst v1  }
0x32: {  	[tilespmem:$0xD90] =	vst v1  }
0x33: {  	[tilespmem:$0xDA0] =	vst v1  }
0x34: {  	[tilespmem:$0xDB0] =	vst v1  }
0x35: {  	[tilespmem:$0xDC0] =	vst v1  }
0x36: {  	[tilespmem:$0xDD0] =	vst v1  }
0x37: {  	[tilespmem:$0xDE0] =	vst v1  }
0x38: {  	[tilespmem:$0xDF0] =	vst v1  }
0x39: {  	[tilespmem:$0xE00] =	vst v1  }
0x3a: {  	[tilespmem:$0xE10] =	vst v1  }
0x3b: {  	[tilespmem:$0xE20] =	vst v1  }
0x3c: {  	[tilespmem:$0xE30] =	vst v1  }
0x3d: {  	[tilespmem:$0xE40] =	vst v1  }
0x3e: {  	[tilespmem:$0xE50] =	vst v1  }
0x3f: {  	[tilespmem:$0xE60] =	vst v1  }
0x40: {  	[tilespmem:$0xE70] =	vst v1  }
0x41: {  	[tilespmem:$0xE80] =	vst v1  }
0x42: {  	[tilespmem:$0xE90] =	vst v1  }
0x43: {  	[tilespmem:$0xEA0] =	vst v1  }
0x44: {  	[tilespmem:$0xEB0] =	vst v1  }
0x45: {  	[tilespmem:$0xEC0] =	vst v1  }
0x46: {  	[tilespmem:$0xED0] =	vst v1  }
0x47: {  	[tilespmem:$0xEE0] =	vst v1  }
0x48: {  	[tilespmem:$0xEF0] =	vst v1  }
0x49: {  	[tilespmem:$0xF00] =	vst v1  }
0x4a: {  	[tilespmem:$0xF10] =	vst v1  }
0x4b: {  	[tilespmem:$0xF20] =	vst v1  }
0x4c: {  	[tilespmem:$0xF30] =	vst v1  }
0x4d: {  	[tilespmem:$0xF40] =	vst v1  }
0x4e: {  	[tilespmem:$0xF50] =	vst v1  }
0x4f: {  	[tilespmem:$0xF60] =	vst v1  }
0x50: {  	s31 =	sadd.s32 $0x0, s6;
	[tilespmem:$0xF70] =	vst v1  }
0x51: {  	[spmem:s31] =	stream.linear.scatter [tilespmem:s8], [sflag:$0x1], $0x380, $0x38;
	[tilespmem:$0xD380] =	vst v63  }
0x52: {  	s20 =	simm.s32 $0xE00;
	_ =	swait.ge [sflag:s9], $0x380  }
.LBB2_4:
0x53: {  	s21 =	sshra.s32 s20, $0x2;
	[sflag:s9] =	ssyncset.done $0x0;
	p0 =	sne.s32 s20, $0x30200  }
.Ltmp1:
0x54: {  	s21 =	sadd.s32 s21, s6;
	[sflag:s9] =	ssyncadd.s32 $0xFFFFFC80;
	(pc) =	sbr.rel @p0 .LBB2_4-.Ltmp1, $3  }
0x55: {  	[spmem:s21] =	stream.linear.scatter [tilespmem:s8], [sflag:$0x1], $0x380, $0x38;
	[tilespmem:$0xD380] =	vst v63  }
0x56: {  	s20 =	sadd.s32 $0xE00, s20;
	_ =	sdelay $0x1  }
0x57: {  	_ =	swait.ge [sflag:s9], $0x380  }
0x58: {  	[sflag:s9] =	ssyncset.done $0x0  }
0x59: {  	[sflag:s9] =	ssyncadd.s32 $0xFFFFFC80  }
0x5a: {  	s20 =	sadd.s32 $0x0, s7;
	[bflag:$0x0] =	sbarrier.arrive $0xFFFF  }
0x5b: {  	[tilespmem:s3], [sflag:$0x1] =	stream.linear.gather [hbm4b:s20+s3], $0x400, $0x38;
	[tilespmem:$0xD380] =	vst v63  }
0x5c: {  	_ =	swait.ge [sflag:s9], $0x400  }
0x5d: {  	[sflag:s9] =	ssyncset.done $0x0  }
0x5e: {  	[sflag:s9] =	ssyncadd.s32 $0xFFFFFC00  }
0x5f: {  	[spmem:s2] =	stream.indirect.scatter.add.f32 [tilespmem:s11], [sflag:$0x1], $0x10, s3, s10, $0xb8;
	[tilespmem:$0xD380] =	vst v63  }
0x60: {  	_ =	swait.ge [sflag:s9], $0x800  }
0x61: {  	[sflag:s9] =	ssyncset.done $0x0  }
0x62: {  	[sflag:s9] =	ssyncadd.s32 $0xFFFFF800  }
0x63: {  	[spmem:s2] =	stream.indirect.scatter.add.f32 [tilespmem:s11], [sflag:$0x1], $0x10, s10, s10, $0xb8;
	[tilespmem:$0xD380] =	vst v63  }
0x64: {  	_ =	swait.ge [sflag:s9], $0x800  }
0x65: {  	[sflag:s9] =	ssyncset.done $0x0  }
0x66: {  	[sflag:s9] =	ssyncadd.s32 $0xFFFFF800  }
0x67: {  	[spmem:s2] =	stream.indirect.scatter.add.f32 [tilespmem:s11], [sflag:$0x1], $0x10, s12, s10, $0xb8;
	[tilespmem:$0xD380] =	vst v63  }
0x68: {  	_ =	swait.ge [sflag:s9], $0x800  }
0x69: {  	[sflag:s9] =	ssyncset.done $0x0  }
0x6a: {  	[sflag:s9] =	ssyncadd.s32 $0xFFFFF800  }
0x6b: {  	[spmem:s2] =	stream.indirect.scatter.add.f32 [tilespmem:s11], [sflag:$0x1], $0x10, s13, s10, $0xb8;
	[tilespmem:$0xD380] =	vst v63  }
0x6c: {  	_ =	swait.ge [sflag:s9], $0x800  }
0x6d: {  	[sflag:s9] =	ssyncset.done $0x0  }
0x6e: {  	[sflag:s9] =	ssyncadd.s32 $0xFFFFF800  }
0x6f: {  	[spmem:s2] =	stream.indirect.scatter.add.f32 [tilespmem:s11], [sflag:$0x1], $0x10, s14, s10, $0xb8;
	[tilespmem:$0xD380] =	vst v63  }
0x70: {  	_ =	swait.ge [sflag:s9], $0x800  }
0x71: {  	[sflag:s9] =	ssyncset.done $0x0  }
0x72: {  	[sflag:s9] =	ssyncadd.s32 $0xFFFFF800  }
0x73: {  	[spmem:s2] =	stream.indirect.scatter.add.f32 [tilespmem:s11], [sflag:$0x1], $0x10, s15, s10, $0xb8;
	[tilespmem:$0xD380] =	vst v63  }
0x74: {  	_ =	swait.ge [sflag:s9], $0x800  }
0x75: {  	[sflag:s9] =	ssyncset.done $0x0  }
0x76: {  	[sflag:s9] =	ssyncadd.s32 $0xFFFFF800  }
0x77: {  	[spmem:s2] =	stream.indirect.scatter.add.f32 [tilespmem:s11], [sflag:$0x1], $0x10, s16, s10, $0xb8;
	[tilespmem:$0xD380] =	vst v63  }
0x78: {  	_ =	swait.ge [sflag:s9], $0x800  }
0x79: {  	[sflag:s9] =	ssyncset.done $0x0  }
0x7a: {  	[sflag:s9] =	ssyncadd.s32 $0xFFFFF800  }
0x7b: {  	[spmem:s2] =	stream.indirect.scatter.add.f32 [tilespmem:s11], [sflag:$0x1], $0x10, s17, s10, $0xb8;
	[tilespmem:$0xD380] =	vst v63  }
0x7c: {  	_ =	swait.ge [sflag:s9], $0x800  }
0x7d: {  	s22 =	simm.s32 $0x100;
	s20 =	simm.s32 $0x80;
	[sflag:s9] =	ssyncset.done $0x0  }
.LBB2_6:
0x7e: {  	s23 =	sadd.s32 s20, s7  }
0x7f: {  	[sflag:s9] =	ssyncadd.s32 $0xFFFFF800;
	s20 =	smov.u32 s22;
	s21 =	sadd.s32 $0x80, s22  }
0x80: {  	[tilespmem:s3], [sflag:$0x1] =	stream.linear.gather [hbm4b:s23+s3], $0x400, $0x38;
	[tilespmem:$0xD380] =	vst v63  }
0x81: {  	p0 =	sne.s32 s22, $0xC00;
	_ =	swait.ge [sflag:s9], $0x400  }
0x82: {  	[sflag:s9] =	ssyncset.done $0x0  }
0x83: {  	[sflag:s9] =	ssyncadd.s32 $0xFFFFFC00  }
0x84: {  	[spmem:s2] =	stream.indirect.scatter.add.f32 [tilespmem:s11], [sflag:$0x1], $0x10, s3, s10, $0xb8;
	[tilespmem:$0xD380] =	vst v63  }
0x85: {  	_ =	swait.ge [sflag:s9], $0x800  }
0x86: {  	[sflag:s9] =	ssyncset.done $0x0  }
0x87: {  	[sflag:s9] =	ssyncadd.s32 $0xFFFFF800  }
0x88: {  	[spmem:s2] =	stream.indirect.scatter.add.f32 [tilespmem:s11], [sflag:$0x1], $0x10, s10, s10, $0xb8;
	[tilespmem:$0xD380] =	vst v63  }
0x89: {  	_ =	swait.ge [sflag:s9], $0x800  }
0x8a: {  	[sflag:s9] =	ssyncset.done $0x0  }
0x8b: {  	[sflag:s9] =	ssyncadd.s32 $0xFFFFF800  }
0x8c: {  	[spmem:s2] =	stream.indirect.scatter.add.f32 [tilespmem:s11], [sflag:$0x1], $0x10, s12, s10, $0xb8;
	[tilespmem:$0xD380] =	vst v63  }
0x8d: {  	_ =	swait.ge [sflag:s9], $0x800  }
0x8e: {  	[sflag:s9] =	ssyncset.done $0x0  }
0x8f: {  	[sflag:s9] =	ssyncadd.s32 $0xFFFFF800  }
0x90: {  	[spmem:s2] =	stream.indirect.scatter.add.f32 [tilespmem:s11], [sflag:$0x1], $0x10, s13, s10, $0xb8;
	[tilespmem:$0xD380] =	vst v63  }
0x91: {  	_ =	swait.ge [sflag:s9], $0x800  }
0x92: {  	[sflag:s9] =	ssyncset.done $0x0  }
0x93: {  	[sflag:s9] =	ssyncadd.s32 $0xFFFFF800  }
0x94: {  	[spmem:s2] =	stream.indirect.scatter.add.f32 [tilespmem:s11], [sflag:$0x1], $0x10, s14, s10, $0xb8;
	[tilespmem:$0xD380] =	vst v63  }
0x95: {  	_ =	swait.ge [sflag:s9], $0x800  }
0x96: {  	[sflag:s9] =	ssyncset.done $0x0  }
0x97: {  	[sflag:s9] =	ssyncadd.s32 $0xFFFFF800  }
0x98: {  	[spmem:s2] =	stream.indirect.scatter.add.f32 [tilespmem:s11], [sflag:$0x1], $0x10, s15, s10, $0xb8;
	[tilespmem:$0xD380] =	vst v63  }
0x99: {  	_ =	swait.ge [sflag:s9], $0x800  }
0x9a: {  	[sflag:s9] =	ssyncset.done $0x0  }
0x9b: {  	[sflag:s9] =	ssyncadd.s32 $0xFFFFF800  }
0x9c: {  	[spmem:s2] =	stream.indirect.scatter.add.f32 [tilespmem:s11], [sflag:$0x1], $0x10, s16, s10, $0xb8;
	[tilespmem:$0xD380] =	vst v63  }
0x9d: {  	_ =	swait.ge [sflag:s9], $0x800  }
.Ltmp2:
0x9e: {  	[sflag:s9] =	ssyncset.done $0x0;
	(pc) =	sbr.rel @p0 .LBB2_6-.Ltmp2, $4  }
0x9f: {  	[sflag:s9] =	ssyncadd.s32 $0xFFFFF800  }
0xa0: {  	[spmem:s2] =	stream.indirect.scatter.add.f32 [tilespmem:s11], [sflag:$0x1], $0x10, s17, s10, $0xb8;
	[tilespmem:$0xD380] =	vst v63  }
0xa1: {  	_ =	swait.ge [sflag:s9], $0x800  }
0xa2: {  	s22 =	smov.u32 s21;
	[sflag:s9] =	ssyncset.done $0x0  }
0xa3: {  	s20 =	sadd.s32 s20, s7;
	[sflag:s9] =	ssyncadd.s32 $0xFFFFF800  }
0xa4: {  	[tilespmem:s3], [sflag:$0x1] =	stream.linear.gather [hbm4b:s20+s3], $0x400, $0x38;
	[tilespmem:$0xD380] =	vst v63  }
0xa5: {  	_ =	swait.ge [sflag:s9], $0x400  }
0xa6: {  	[sflag:s9] =	ssyncset.done $0x0  }
0xa7: {  	[sflag:s9] =	ssyncadd.s32 $0xFFFFFC00  }
0xa8: {  	[spmem:s2] =	stream.indirect.scatter.add.f32 [tilespmem:s11], [sflag:$0x1], $0x10, s3, s10, $0xb8;
	[tilespmem:$0xD380] =	vst v63  }
0xa9: {  	_ =	swait.ge [sflag:s9], $0x800  }
0xaa: {  	[sflag:s9] =	ssyncset.done $0x0  }
0xab: {  	[sflag:s9] =	ssyncadd.s32 $0xFFFFF800  }
0xac: {  	[spmem:s2] =	stream.indirect.scatter.add.f32 [tilespmem:s11], [sflag:$0x1], $0x10, s10, s10, $0xb8;
	[tilespmem:$0xD380] =	vst v63  }
0xad: {  	_ =	swait.ge [sflag:s9], $0x800  }
0xae: {  	[sflag:s9] =	ssyncset.done $0x0  }
0xaf: {  	[sflag:s9] =	ssyncadd.s32 $0xFFFFF800  }
0xb0: {  	[spmem:s2] =	stream.indirect.scatter.add.f32 [tilespmem:s11], [sflag:$0x1], $0x10, s12, s10, $0xb8;
	[tilespmem:$0xD380] =	vst v63  }
0xb1: {  	_ =	swait.ge [sflag:s9], $0x800  }
0xb2: {  	[sflag:s9] =	ssyncset.done $0x0  }
0xb3: {  	[sflag:s9] =	ssyncadd.s32 $0xFFFFF800  }
0xb4: {  	[spmem:s2] =	stream.indirect.scatter.add.f32 [tilespmem:s11], [sflag:$0x1], $0x10, s13, s10, $0xb8;
	[tilespmem:$0xD380] =	vst v63  }
0xb5: {  	_ =	swait.ge [sflag:s9], $0x800  }
0xb6: {  	[sflag:s9] =	ssyncset.done $0x0  }
0xb7: {  	[sflag:s9] =	ssyncadd.s32 $0xFFFFF800  }
0xb8: {  	[spmem:s2] =	stream.indirect.scatter.add.f32 [tilespmem:s11], [sflag:$0x1], $0x10, s14, s10, $0xb8;
	[tilespmem:$0xD380] =	vst v63  }
0xb9: {  	_ =	swait.ge [sflag:s9], $0x800  }
0xba: {  	[sflag:s9] =	ssyncset.done $0x0  }
0xbb: {  	[sflag:s9] =	ssyncadd.s32 $0xFFFFF800  }
0xbc: {  	[spmem:s2] =	stream.indirect.scatter.add.f32 [tilespmem:s11], [sflag:$0x1], $0x10, s15, s10, $0xb8;
	[tilespmem:$0xD380] =	vst v63  }
0xbd: {  	_ =	swait.ge [sflag:s9], $0x800  }
0xbe: {  	[sflag:s9] =	ssyncset.done $0x0  }
0xbf: {  	[sflag:s9] =	ssyncadd.s32 $0xFFFFF800  }
0xc0: {  	[spmem:s2] =	stream.indirect.scatter.add.f32 [tilespmem:s11], [sflag:$0x1], $0x10, s16, s10, $0xb8;
	[tilespmem:$0xD380] =	vst v63  }
0xc1: {  	_ =	swait.ge [sflag:s9], $0x800  }
0xc2: {  	[sflag:s9] =	ssyncset.done $0x0  }
0xc3: {  	[sflag:s9] =	ssyncadd.s32 $0xFFFFF800  }
0xc4: {  	[spmem:s2] =	stream.indirect.scatter.add.f32 [tilespmem:s11], [sflag:$0x1], $0x10, s17, s10, $0xb8;
	[tilespmem:$0xD380] =	vst v63  }
0xc5: {  	_ =	swait.ge [sflag:s9], $0x800  }
0xc6: {  	s19 =	sadd.s32 $0x1, s19;
	[sflag:s9] =	ssyncset.done $0x0  }
0xc7: {  	s31 =	sshll.u32 s0, $0x6;
	p0 =	sne.s32 s19, s5;
	[sflag:s9] =	ssyncadd.s32 $0xFFFFF800  }
.Ltmp3:
0xc8: {  	s20 =	sor.u32 $0x1C01, s31;
	[bflag:$0x0] =	sbarrier.arrive $0xFFFF;
	(pc) =	sbr.rel @p0 .LBB2_1-.Ltmp3, $4  }
0xc9: {  	[hbm:s4], [sflag:s20] =	dma.local [spmem:s18], $0x1870  }
0xca: {  	_ =	swait.ge [sflag:s9], $0x1870  }
0xcb: {  	[sflag:s9] =	ssyncset.done $0x0  }
0xcc: {  	[sflag:s9] =	ssyncadd.s32 $0xFFFFE790  }
0xcd: {  	_ =	sfence.sel $0x180000  }
0xce: {  	[bflag:$0x0] =	sbarrier.arrive $0xFFFF  }
0xcf: {  	p0 =	sne.s32 s0, $0x0;
	_ =	strace $0x90000047  }
0xd0: {  	s0 =	sadd.s32 @!p0 $0x100000, s1;
	[bflag:$0x2] =	sbarrier.arrive $0xFFFF  }
0xd1: {  	[sflag:s0] =	ssyncadd.tile.s32 @!p0 $0x1;
	_ =	shalt  }
.Lfunc_end2:
_tile_overlayer_lowered:
.L_overlay_start_2:
0xd2: {  	(tag) =	ssettag $0x2  }
0xd3: {  	s0 =	rddreg [dreg:$0x0];
	s2 =	stileid.u32  }
0xd4: {  	s1 =	rddreg [dreg:$0x1];
	p0 =	sne.s32 s2, $0x0  }
0xd5: {  	s3 =	rddreg [dreg:$0x2];
	[bflag:$0x3] =	sbarrier.arrive $0xFFFF;
	s2 =	simm.s32 @!p0 $0x1C01  }
0xd6: {  	[timem:s3], [sflag:s2] =	dma.local @!p0 [hbm:s0], s1  }
0xd7: {  	s0 =	simm.s32 @!p0 $0x1  }
0xd8: {  	_ =	swait.ge @!p0 [sflag:s0], s1  }
0xd9: {  	s1 =	ssub.s32 @!p0 $0x0, s1;
	[sflag:s0] =	ssyncset.done @!p0 $0x0  }
0xda: {  	[sflag:s0] =	ssyncadd.s32 @!p0 s1  }
0xdb: {  	[bflag:$0x3] =	sbarrier.arrive $0xFFFF  }
0xdc: {  	_ =	shalt  }

</sc_bundles>
